<compile_context>
chip_gen: v7x
topology: tpu7x:2x2x1
jax: 0.10.2.dev20260603
libtpu: 0.0.44.dev20260713+nightly
codegen_flags: <defaults>
</compile_context>

<pallas_src>
import functools

import jax
import jax.numpy as jnp
from jax import lax
from jax.experimental import pallas as pl
from jax.experimental.pallas import tpu as pltpu
from jax.experimental.pallas import tpu_sc as plsc

N = 10000
E = 320000
D = 128
H = 64
NC = 2
NS = 16
NP = 10240
BT = 2000
G = N // BT
EP = E // NS
C = 80
NCHUNK = EP // C
RP = NP // NS


K = 5
KC = K * C
NG = NCHUNK // K
RC = RP // C


def _make_sc_body(first):

  def body(xtab, src2d, dst2d, *rest):
    if first:
      mean_out, inv_out, srcb, dstb, rows_v, ones_v, cntb, ivb, drainb, \
          agg_sh, cnt_sh, gsem, ssem, osem, isem = rest
    else:
      inv_in, mean_out, srcb, dstb, rows_v, ones_v, cntb, ivb, drainb, \
          agg_sh, cnt_sh, gsem, ssem, osem, isem = rest
    c = lax.axis_index("c")
    s = lax.axis_index("s")
    row0 = s * RP

    z16 = jnp.zeros((16,), jnp.float32)
    o16 = jnp.ones((16,), jnp.float32)

    def zrow(i, carry):
      for k in range(H // 16):
        rows_v[0, i, pl.ds(k * 16, 16)] = z16
      return carry
    lax.fori_loop(0, C, zrow, 0)
    for k in range(C // 16):
      cntb[0, pl.ds(k * 16, 16)] = z16
      ones_v[pl.ds(k * 16, 16)] = o16
    for r in range(RC):
      pltpu.async_copy(rows_v.at[0, pl.ds(0, C)],
                       agg_sh.at[pl.ds(row0 + r * C, C)], gsem)
      if first:
        pltpu.async_copy(cntb.at[0], cnt_sh.at[pl.ds(row0 + r * C, C)],
                         osem)
    pltpu.make_async_copy(xtab.at[pl.ds(0, KC)], rows_v.at[0], gsem).wait()
    pltpu.make_async_copy(xtab.at[pl.ds(0, RC * C - KC)],
                          rows_v.at[0, pl.ds(0, RC * C - KC)], gsem).wait()
    if first:
      for r in range(RC):
        pltpu.make_async_copy(inv_out.at[pl.ds(0, C)], cntb.at[0],
                              osem).wait()

    plsc.subcore_barrier()

    def load_idx(g, p):
      d1 = pltpu.async_copy(src2d.at[s, pl.ds(g * K, K)], srcb.at[p], isem)
      d2 = pltpu.async_copy(dst2d.at[s, pl.ds(g * K, K)], dstb.at[p], isem)
      return d1, d2

    def fire(rs, isl):
      for k in range(K):
        pltpu.async_copy(xtab.at[srcb.at[isl, k]],
                         rows_v.at[rs, pl.ds(k * C, C)], gsem)

    def xform(p):
      def tbody(k, carry):
        for j in range(C // 16):
          v = srcb[p, k, pl.ds(j * 16, 16)]
          srcb[p, k, pl.ds(j * 16, 16)] = v + v + c
        return carry
      lax.fori_loop(0, K, tbody, 0)

    d1, d2 = load_idx(0, 0)
    d1.wait()
    d2.wait()
    xform(0)
    d3, d4 = load_idx(1, 1)
    fire(0, 0)
    d3.wait()
    d4.wait()
    xform(1)
    fire(1, 1)

    def gbody(g, carry):
      r = lax.rem(g, 3)
      rn = lax.rem(g + 2, 3)
      ic = lax.rem(g, 4)
      inx = lax.rem(g + 2, 4)

      @pl.when(g + 2 < NG)
      def _():
        load_idx(g + 2, inx)

      pltpu.make_async_copy(xtab.at[pl.ds(0, KC)], rows_v.at[r],
                            gsem).wait()
      for k in range(K):
        pltpu.async_copy(rows_v.at[r, pl.ds(k * C, C)],
                         agg_sh.at[dstb.at[ic, k]], ssem, add=True)
        if first:
          pltpu.async_copy(ones_v, cnt_sh.at[dstb.at[ic, k]], osem,
                           add=True)

      @pl.when(g > 0)
      def _():
        pltpu.make_async_copy(xtab.at[pl.ds(0, KC)], rows_v.at[rn],
                              ssem).wait()
        if first:
          pltpu.make_async_copy(inv_out.at[pl.ds(0, KC)], drainb,
                                osem).wait()

      @pl.when(g + 2 < NG)
      def _():
        pltpu.make_async_copy(src2d.at[s, pl.ds(0, K)], srcb.at[inx],
                              isem).wait()
        pltpu.make_async_copy(dst2d.at[s, pl.ds(0, K)], dstb.at[inx],
                              isem).wait()
        xform(inx)
        fire(rn, inx)
      return carry
    lax.fori_loop(0, NG, gbody, 0)

    pltpu.make_async_copy(xtab.at[pl.ds(0, KC)],
                          rows_v.at[lax.rem(NG - 1, 3)], ssem).wait()
    if first:
      pltpu.make_async_copy(inv_out.at[pl.ds(0, KC)], drainb,
                            osem).wait()
    plsc.subcore_barrier()

    def issue_in(r, p):
      pltpu.async_copy(agg_sh.at[pl.ds(row0 + r * C, C)],
                       rows_v.at[p, pl.ds(0, C)], gsem)
      if first:
        pltpu.async_copy(cnt_sh.at[pl.ds(row0 + r * C, C)], cntb.at[p],
                         gsem)
      else:
        pltpu.async_copy(inv_in.at[pl.ds(row0 + r * C, C)],
                         ivb.at[p, pl.ds(0, C)], isem)

    issue_in(0, 0)

    def sbody(r, carry):
      p = lax.rem(r, 2)
      q = 1 - p
      base = row0 + r * C
      pltpu.make_async_copy(xtab.at[pl.ds(0, C)],
                            rows_v.at[p, pl.ds(0, C)], gsem).wait()
      if first:
        pltpu.make_async_copy(inv_out.at[pl.ds(0, C)], cntb.at[p],
                              gsem).wait()
      else:
        pltpu.make_async_copy(inv_in.at[pl.ds(0, C)],
                              ivb.at[p, pl.ds(0, C)], isem).wait()

      @pl.when(r > 0)
      def _():
        pltpu.make_async_copy(xtab.at[pl.ds(0, C)],
                              rows_v.at[q, pl.ds(0, C)], ssem).wait()

      @pl.when(r + 1 < RC)
      def _():
        issue_in(r + 1, q)

      if first:
        for k in range(C // 16):
          ivb[p, pl.ds(k * 16, 16)] = 1.0 / jnp.maximum(
              cntb[p, pl.ds(k * 16, 16)], 1.0)

        @pl.when(c == 0)
        def _():
          pltpu.sync_copy(ivb.at[p, pl.ds(0, C)],
                          inv_out.at[pl.ds(base, C)])

      def srow(i, carry2):
        iv = ivb[p, pl.ds(i, 16)][0]
        for k in range(H // 16):
          rows_v[p, i, pl.ds(k * 16, 16)] = (
              rows_v[p, i, pl.ds(k * 16, 16)] * iv)
        return carry2
      lax.fori_loop(0, C, srow, 0)
      pltpu.async_copy(rows_v.at[p, pl.ds(0, C)],
                       mean_out.at[c, pl.ds(base, C)], ssem)
      return carry
    lax.fori_loop(0, RC, sbody, 0)

    pltpu.make_async_copy(xtab.at[pl.ds(0, C)],
                          rows_v.at[lax.rem(RC - 1, 2), pl.ds(0, C)],
                          ssem).wait()

  return body


def _make_sc_kernel(first):
  if first:
    out_type = [jax.ShapeDtypeStruct((NC, NP, H), jnp.float32),
                jax.ShapeDtypeStruct((NP,), jnp.float32)]
  else:
    out_type = jax.ShapeDtypeStruct((NC, NP, H), jnp.float32)
  return pl.kernel(
      _make_sc_body(first),
      out_type=out_type,
      mesh=plsc.VectorSubcoreMesh(
          core_axis_name="c", subcore_axis_name="s",
          num_cores=NC, num_subcores=NS),
      scratch_types=[
          pltpu.VMEM((4, K, C), jnp.int32),
          pltpu.VMEM((4, K, C), jnp.int32),
          pltpu.VMEM((3, KC, H), jnp.float32),
          pltpu.VMEM((C,), jnp.float32),
          pltpu.VMEM((2, C), jnp.float32),
          pltpu.VMEM((2, C + 16), jnp.float32),
          pltpu.VMEM((KC,), jnp.float32),
          pltpu.VMEM_SHARED((NP, H), jnp.float32),
          pltpu.VMEM_SHARED((NP,), jnp.float32),
          pltpu.SemaphoreType.DMA,
          pltpu.SemaphoreType.DMA,
          pltpu.SemaphoreType.DMA,
          pltpu.SemaphoreType.DMA,
      ],
      compiler_params=pltpu.CompilerParams(use_tc_tiling_on_sc=False),
  )


_sc_agg_first = _make_sc_kernel(True)
_sc_agg_next = _make_sc_kernel(False)


def _layer_norm_silu(h, g, be):
  mu = jnp.mean(h, axis=-1, keepdims=True)
  d = h - mu
  var = jnp.mean(d * d, axis=-1, keepdims=True)
  hn = d * lax.rsqrt(var + 1e-5) * g + be
  return hn * jax.nn.sigmoid(hn)


def _stage1_body(meanp_ref, x_ref, Wl_ref, Wr_ref, b_ref, g_ref, be_ref,
                 out_ref):
  mean = jnp.concatenate([meanp_ref[0], meanp_ref[1]], axis=-1)
  h = (jnp.dot(mean, Wl_ref[...], preferred_element_type=jnp.float32)
       + jnp.dot(x_ref[...], Wr_ref[...], preferred_element_type=jnp.float32)
       + b_ref[...])
  sil = _layer_norm_silu(h, g_ref[...], be_ref[...])
  out_ref[:, 0, :] = sil[:, :H]
  out_ref[:, 1, :] = sil[:, H:]


def _stage2_body(meanp_ref, hp_ref, Wl_ref, Wr_ref, b_ref, g_ref, be_ref,
                 Wm1_ref, bm1_ref, Wm2_ref, bm2_ref, out_ref):
  mean = jnp.concatenate([meanp_ref[0], meanp_ref[1]], axis=-1)
  hprev = jnp.concatenate([hp_ref[:, 0, :], hp_ref[:, 1, :]], axis=-1)
  h = (jnp.dot(mean, Wl_ref[...], preferred_element_type=jnp.float32)
       + jnp.dot(hprev, Wr_ref[...], preferred_element_type=jnp.float32)
       + b_ref[...])
  sil = _layer_norm_silu(h, g_ref[...], be_ref[...])
  m = jnp.maximum(
      jnp.dot(sil, Wm1_ref[...], preferred_element_type=jnp.float32)
      + bm1_ref[...], 0.0)
  out_ref[...] = (jnp.dot(m, Wm2_ref[...], preferred_element_type=jnp.float32)
                  + bm2_ref[...])


_half_spec = pl.BlockSpec((NC, BT, H), lambda i: (0, i, 0))
_full_spec = pl.BlockSpec((BT, D), lambda i: (i, 0))
_w_spec = pl.BlockSpec((D, D), lambda i: (0, 0))
_v_spec = pl.BlockSpec((1, D), lambda i: (0, 0))
_w2_spec = pl.BlockSpec((D, 1), lambda i: (0, 0))
_v2_spec = pl.BlockSpec((1, 1), lambda i: (0, 0))
_hp_spec = pl.BlockSpec((BT, 2, H), lambda i: (i, 0, 0))

_stage1 = pl.pallas_call(
    _stage1_body,
    grid=(G,),
    in_specs=[_half_spec, _full_spec, _w_spec, _w_spec,
              _v_spec, _v_spec, _v_spec],
    out_specs=_hp_spec,
    out_shape=jax.ShapeDtypeStruct((N, 2, H), jnp.float32),
)

_stage2 = pl.pallas_call(
    _stage2_body,
    grid=(G,),
    in_specs=[_half_spec, _hp_spec, _w_spec, _w_spec,
              _v_spec, _v_spec, _v_spec,
              _w_spec, _v_spec, _w2_spec, _v2_spec],
    out_specs=pl.BlockSpec((BT, 1), lambda i: (i, 0)),
    out_shape=jax.ShapeDtypeStruct((N, 1), jnp.float32),
)


@jax.jit
def kernel(x, edge_index, Wl0, Wr0, b0, g0, be0, Wl1, Wr1, b1, g1, be1,
           Wm1, bm1, Wm2, bm2):
  ei = edge_index.astype(jnp.int32)
  src2d = ei[0].reshape(NS, NCHUNK, C)
  dst2d = ei[1].reshape(NS, NCHUNK, C)

  meanp0, inv = _sc_agg_first(x.reshape(2 * N, H), src2d, dst2d)
  hp = _stage1(meanp0, x, Wl0, Wr0,
               b0.reshape(1, D), g0.reshape(1, D), be0.reshape(1, D))
  meanp1 = _sc_agg_next(hp.reshape(2 * N, H), src2d, dst2d, inv)
  return _stage2(meanp1, hp, Wl1, Wr1,
                 b1.reshape(1, D), g1.reshape(1, D), be1.reshape(1, D),
                 Wm1, bm1.reshape(1, D), Wm2, bm2.reshape(1, 1))

# --- scband reference (transcript-rebuilt; emitter-appended) ---
"""Pipeline reference for scband-graph-sagenet-46737834115195 (READ-ONLY COPY).

The authoritative reference and input builder live on the scoring server;
editing this copy changes nothing except your own understanding.
"""

import jax, jax.numpy as jnp
import numpy as np

N_NODES = 10000
N_EDGES = 320000
D_IN = 128
D_HID = 128
D_MLP = 128


def _init(key, shape, fan_in):
    return jax.random.normal(key, shape, dtype=jnp.float32) * (1.0 / np.sqrt(fan_in))


def setup_inputs(seed: int = 0) -> dict:
    key = jax.random.key(seed)
    ks = jax.random.split(key, 16)
    x = jax.random.normal(ks[0], (N_NODES, D_IN), dtype=jnp.float32)
    edge_index = jax.random.randint(ks[1], (2, N_EDGES), 0, N_NODES, dtype=jnp.int64)
    # SAGEConv layer 0 (in=128 -> hid=128): lin_l (neighbor), lin_r (root), bias
    Wl0 = _init(ks[2], (D_IN, D_HID), D_IN)
    Wr0 = _init(ks[3], (D_IN, D_HID), D_IN)
    b0 = jnp.zeros((D_HID,), dtype=jnp.float32)
    g0 = jnp.ones((D_HID,), dtype=jnp.float32)
    be0 = jnp.zeros((D_HID,), dtype=jnp.float32)
    # SAGEConv layer 1 (hid -> hid)
    Wl1 = _init(ks[4], (D_HID, D_HID), D_HID)
    Wr1 = _init(ks[5], (D_HID, D_HID), D_HID)
    b1 = jnp.zeros((D_HID,), dtype=jnp.float32)
    g1 = jnp.ones((D_HID,), dtype=jnp.float32)
    be1 = jnp.zeros((D_HID,), dtype=jnp.float32)
    # MLP regressor: hid -> mlp_hidden -> 1
    Wm1 = _init(ks[6], (D_HID, D_MLP), D_HID)
    bm1 = jnp.zeros((D_MLP,), dtype=jnp.float32)
    Wm2 = _init(ks[7], (D_MLP, 1), D_MLP)
    bm2 = jnp.zeros((1,), dtype=jnp.float32)
    return {
        "x": x, "edge_index": edge_index,
        "Wl0": Wl0, "Wr0": Wr0, "b0": b0, "g0": g0, "be0": be0,
        "Wl1": Wl1, "Wr1": Wr1, "b1": b1, "g1": g1, "be1": be1,
        "Wm1": Wm1, "bm1": bm1, "Wm2": Wm2, "bm2": bm2,
    }


def _sage_conv(x, edge_index, Wl, Wr, b):
    # PyG SAGEConv with mean aggregation:
    # out_i = lin_l(mean_{j in N(i)} x_j) + lin_r(x_i) + bias
    src = edge_index[0]
    dst = edge_index[1]
    n = x.shape[0]
    msg = jnp.take(x, src, axis=0)
    agg = jax.ops.segment_sum(msg, dst, num_segments=n)
    cnt = jax.ops.segment_sum(jnp.ones((src.shape[0],), dtype=x.dtype), dst, num_segments=n)
    mean = agg / jnp.clip(cnt, 1.0)[:, None]
    return mean @ Wl + x @ Wr + b


def _layer_norm(x, gamma, beta, eps=1e-5):
    mu = jnp.mean(x, axis=-1, keepdims=True)
    var = jnp.mean((x - mu) ** 2, axis=-1, keepdims=True)
    return (x - mu) / jnp.sqrt(var + eps) * gamma + beta


def _silu(x):
    return x * jax.nn.sigmoid(x)


def reference(x, edge_index, Wl0, Wr0, b0, g0, be0, Wl1, Wr1, b1, g1, be1, Wm1, bm1, Wm2, bm2):
    # layer 0
    h = _sage_conv(x, edge_index, Wl0, Wr0, b0)
    h = _layer_norm(h, g0, be0)
    h = _silu(h)
    # dropout inactive in eval mode
    # layer 1
    h = _sage_conv(h, edge_index, Wl1, Wr1, b1)
    h = _layer_norm(h, g1, be1)
    h = _silu(h)
    # MLP regressor
    h = jax.nn.relu(h @ Wm1 + bm1)
    out = h @ Wm2 + bm2
    return out

if __name__ == "__main__":
    import jax
    _d = setup_inputs()
    print(jax.jit(kernel)(*tuple(_d.values())))

</pallas_src>

<mosaic_0001>
#map = affine_map<(d0, d1) -> (0, 0)>
#map1 = affine_map<(d0, d1) -> (0, 0, 0)>
#map2 = affine_map<(d0, d1) -> (0)>
module attributes {stable_mosaic.version = 14 : i64} {
  func.func @body(%arg0: i32, %arg1: i32, %arg2: memref<20000x64xf32, #tpu.memory_space<hbm>>, %arg3: memref<16x250x80xi32, #tpu.memory_space<hbm>>, %arg4: memref<16x250x80xi32, #tpu.memory_space<hbm>>, %arg5: memref<10240xf32, #tpu.memory_space<hbm>>, %arg6: memref<2x10240x64xf32, #tpu.memory_space<hbm>>, %arg7: memref<4x5x80xi32, #tpu.memory_space<vmem>>, %arg8: memref<4x5x80xi32, #tpu.memory_space<vmem>>, %arg9: memref<3x400x64xf32, #tpu.memory_space<vmem>>, %arg10: memref<80xf32, #tpu.memory_space<vmem>>, %arg11: memref<2x80xf32, #tpu.memory_space<vmem>>, %arg12: memref<2x96xf32, #tpu.memory_space<vmem>>, %arg13: memref<400xf32, #tpu.memory_space<vmem>>, %arg14: memref<10240x64xf32, #tpu.memory_space<vmem_shared>>, %arg15: memref<10240xf32, #tpu.memory_space<vmem_shared>>, %arg16: memref<!tpu.dma_semaphore, #tpu.memory_space<semaphore_mem>>, %arg17: memref<!tpu.dma_semaphore, #tpu.memory_space<semaphore_mem>>, %arg18: memref<!tpu.dma_semaphore, #tpu.memory_space<semaphore_mem>>, %arg19: memref<!tpu.dma_semaphore, #tpu.memory_space<semaphore_mem>>) attributes {dimension_semantics = [#tpu.dimension_semantics<core_parallel>, #tpu.dimension_semantics<subcore_parallel>], iteration_bounds = array<i64: 2, 16>, scalar_prefetch = 0 : i64, scratch_operands = 13 : i64, tpu.core_type = #tpu.core_type<sc_vector_subcore>, window_params = [{transform_indices = #map}, {transform_indices = #map1}, {transform_indices = #map1}, {transform_indices = #map2}, {transform_indices = #map1}]} {
    %mul3A = arith.constant 640 : i32
    %mul3A_0 = arith.muli %arg1, %mul3A : i32
    %broadcast_in_dim3A = arith.constant 0.000000e+00 : f32
    %broadcast_in_dim3A_1 = vector.broadcast %broadcast_in_dim3A : f32 to vector<16xf32>
    %broadcast_in_dim3A_2 = arith.constant 1.000000e+00 : f32
    %broadcast_in_dim3A_3 = vector.broadcast %broadcast_in_dim3A_2 : f32 to vector<16xf32>
    %scan3A = arith.constant 0 : i32
    %scan3A_4 = arith.constant 0 : i32
    %scan3A_5 = arith.constant 80 : i32
    %scan3A_6 = arith.addi %scan3A_4, %scan3A_5 : i32
    %scan3A_7 = arith.constant 1 : i32
    scf.for %scan3A_555 = %scan3A_4 to %scan3A_6 step %scan3A_7  : i32 {
      %swap3A_556 = arith.constant 0 : i32
      %swap3A_557 = arith.index_cast %swap3A_556 : i32 to index
      %swap3A_558 = arith.index_cast %scan3A_555 : i32 to index
      %swap3A_559 = arith.constant 0 : index
      %swap3A_560 = tpu.vector_load %arg9[%swap3A_557, %swap3A_558, %swap3A_559] {strides = array<i32>} : memref<3x400x64xf32, #tpu.memory_space<vmem>>, vector<1x1x16xf32>,
      %swap3A_561 = vector.shape_cast %swap3A_560 : vector<1x1x16xf32> to vector<16xf32>
      %swap3A_562 = vector.shape_cast %broadcast_in_dim3A_1 : vector<16xf32> to vector<1x1x16xf32>
      tpu.vector_store %arg9[%swap3A_557, %swap3A_558, %swap3A_559], %swap3A_562 {strides = array<i32>} : memref<3x400x64xf32, #tpu.memory_space<vmem>>, vector<1x1x16xf32>,
      %swap3A_563 = arith.constant 0 : i32
      %swap3A_564 = arith.index_cast %swap3A_563 : i32 to index
      %swap3A_565 = arith.index_cast %scan3A_555 : i32 to index
      %swap3A_566 = arith.constant 16 : index
      %swap3A_567 = tpu.vector_load %arg9[%swap3A_564, %swap3A_565, %swap3A_566] {strides = array<i32>} : memref<3x400x64xf32, #tpu.memory_space<vmem>>, vector<1x1x16xf32>,
      %swap3A_568 = vector.shape_cast %swap3A_567 : vector<1x1x16xf32> to vector<16xf32>
      %swap3A_569 = vector.shape_cast %broadcast_in_dim3A_1 : vector<16xf32> to vector<1x1x16xf32>
      tpu.vector_store %arg9[%swap3A_564, %swap3A_565, %swap3A_566], %swap3A_569 {strides = array<i32>} : memref<3x400x64xf32, #tpu.memory_space<vmem>>, vector<1x1x16xf32>,
      %swap3A_570 = arith.constant 0 : i32
      %swap3A_571 = arith.index_cast %swap3A_570 : i32 to index
      %swap3A_572 = arith.index_cast %scan3A_555 : i32 to index
      %swap3A_573 = arith.constant 32 : index
      %swap3A_574 = tpu.vector_load %arg9[%swap3A_571, %swap3A_572, %swap3A_573] {strides = array<i32>} : memref<3x400x64xf32, #tpu.memory_space<vmem>>, vector<1x1x16xf32>,
      %swap3A_575 = vector.shape_cast %swap3A_574 : vector<1x1x16xf32> to vector<16xf32>
      %swap3A_576 = vector.shape_cast %broadcast_in_dim3A_1 : vector<16xf32> to vector<1x1x16xf32>
      tpu.vector_store %arg9[%swap3A_571, %swap3A_572, %swap3A_573], %swap3A_576 {strides = array<i32>} : memref<3x400x64xf32, #tpu.memory_space<vmem>>, vector<1x1x16xf32>,
      %swap3A_577 = arith.constant 0 : i32
      %swap3A_578 = arith.index_cast %swap3A_577 : i32 to index
      %swap3A_579 = arith.index_cast %scan3A_555 : i32 to index
      %swap3A_580 = arith.constant 48 : index
      %swap3A_581 = tpu.vector_load %arg9[%swap3A_578, %swap3A_579, %swap3A_580] {strides = array<i32>} : memref<3x400x64xf32, #tpu.memory_space<vmem>>, vector<1x1x16xf32>,
      %swap3A_582 = vector.shape_cast %swap3A_581 : vector<1x1x16xf32> to vector<16xf32>
      %swap3A_583 = vector.shape_cast %broadcast_in_dim3A_1 : vector<16xf32> to vector<1x1x16xf32>
      tpu.vector_store %arg9[%swap3A_578, %swap3A_579, %swap3A_580], %swap3A_583 {strides = array<i32>} : memref<3x400x64xf32, #tpu.memory_space<vmem>>, vector<1x1x16xf32>,
    }
    %scan3A_8 = arith.constant 80 : i32
    %swap3A = arith.constant 0 : i32
    %swap3A_9 = arith.index_cast %swap3A : i32 to index
    %swap3A_10 = arith.constant 0 : index
    %swap3A_11 = tpu.vector_load %arg11[%swap3A_9, %swap3A_10] {strides = array<i32>} : memref<2x80xf32, #tpu.memory_space<vmem>>, vector<1x16xf32>,
    %swap3A_12 = vector.shape_cast %swap3A_11 : vector<1x16xf32> to vector<16xf32>
    %swap3A_13 = vector.shape_cast %broadcast_in_dim3A_1 : vector<16xf32> to vector<1x16xf32>
    tpu.vector_store %arg11[%swap3A_9, %swap3A_10], %swap3A_13 {strides = array<i32>} : memref<2x80xf32, #tpu.memory_space<vmem>>, vector<1x16xf32>,
    %swap3A_14 = arith.constant 0 : index
    %swap3A_15 = tpu.vector_load %arg10[%swap3A_14] {strides = array<i32>} : memref<80xf32, #tpu.memory_space<vmem>>, vector<16xf32>,
    %swap3A_16 = vector.shape_cast %swap3A_15 : vector<16xf32> to vector<16xf32>
    %swap3A_17 = vector.shape_cast %broadcast_in_dim3A_3 : vector<16xf32> to vector<16xf32>
    tpu.vector_store %arg10[%swap3A_14], %swap3A_17 {strides = array<i32>} : memref<80xf32, #tpu.memory_space<vmem>>, vector<16xf32>,
    %swap3A_18 = arith.constant 0 : i32
    %swap3A_19 = arith.index_cast %swap3A_18 : i32 to index
    %swap3A_20 = arith.constant 16 : index
    %swap3A_21 = tpu.vector_load %arg11[%swap3A_19, %swap3A_20] {strides = array<i32>} : memref<2x80xf32, #tpu.memory_space<vmem>>, vector<1x16xf32>,
    %swap3A_22 = vector.shape_cast %swap3A_21 : vector<1x16xf32> to vector<16xf32>
    %swap3A_23 = vector.shape_cast %broadcast_in_dim3A_1 : vector<16xf32> to vector<1x16xf32>
    tpu.vector_store %arg11[%swap3A_19, %swap3A_20], %swap3A_23 {strides = array<i32>} : memref<2x80xf32, #tpu.memory_space<vmem>>, vector<1x16xf32>,
    %swap3A_24 = arith.constant 16 : index
    %swap3A_25 = tpu.vector_load %arg10[%swap3A_24] {strides = array<i32>} : memref<80xf32, #tpu.memory_space<vmem>>, vector<16xf32>,
    %swap3A_26 = vector.shape_cast %swap3A_25 : vector<16xf32> to vector<16xf32>
    %swap3A_27 = vector.shape_cast %broadcast_in_dim3A_3 : vector<16xf32> to vector<16xf32>
    tpu.vector_store %arg10[%swap3A_24], %swap3A_27 {strides = array<i32>} : memref<80xf32, #tpu.memory_space<vmem>>, vector<16xf32>,
    %swap3A_28 = arith.constant 0 : i32
    %swap3A_29 = arith.index_cast %swap3A_28 : i32 to index
    %swap3A_30 = arith.constant 32 : index
    %swap3A_31 = tpu.vector_load %arg11[%swap3A_29, %swap3A_30] {strides = array<i32>} : memref<2x80xf32, #tpu.memory_space<vmem>>, vector<1x16xf32>,
    %swap3A_32 = vector.shape_cast %swap3A_31 : vector<1x16xf32> to vector<16xf32>
    %swap3A_33 = vector.shape_cast %broadcast_in_dim3A_1 : vector<16xf32> to vector<1x16xf32>
    tpu.vector_store %arg11[%swap3A_29, %swap3A_30], %swap3A_33 {strides = array<i32>} : memref<2x80xf32, #tpu.memory_space<vmem>>, vector<1x16xf32>,
    %swap3A_34 = arith.constant 32 : index
    %swap3A_35 = tpu.vector_load %arg10[%swap3A_34] {strides = array<i32>} : memref<80xf32, #tpu.memory_space<vmem>>, vector<16xf32>,
    %swap3A_36 = vector.shape_cast %swap3A_35 : vector<16xf32> to vector<16xf32>
    %swap3A_37 = vector.shape_cast %broadcast_in_dim3A_3 : vector<16xf32> to vector<16xf32>
    tpu.vector_store %arg10[%swap3A_34], %swap3A_37 {strides = array<i32>} : memref<80xf32, #tpu.memory_space<vmem>>, vector<16xf32>,
    %swap3A_38 = arith.constant 0 : i32
    %swap3A_39 = arith.index_cast %swap3A_38 : i32 to index
    %swap3A_40 = arith.constant 48 : index
    %swap3A_41 = tpu.vector_load %arg11[%swap3A_39, %swap3A_40] {strides = array<i32>} : memref<2x80xf32, #tpu.memory_space<vmem>>, vector<1x16xf32>,
    %swap3A_42 = vector.shape_cast %swap3A_41 : vector<1x16xf32> to vector<16xf32>
    %swap3A_43 = vector.shape_cast %broadcast_in_dim3A_1 : vector<16xf32> to vector<1x16xf32>
    tpu.vector_store %arg11[%swap3A_39, %swap3A_40], %swap3A_43 {strides = array<i32>} : memref<2x80xf32, #tpu.memory_space<vmem>>, vector<1x16xf32>,
    %swap3A_44 = arith.constant 48 : index
    %swap3A_45 = tpu.vector_load %arg10[%swap3A_44] {strides = array<i32>} : memref<80xf32, #tpu.memory_space<vmem>>, vector<16xf32>,
    %swap3A_46 = vector.shape_cast %swap3A_45 : vector<16xf32> to vector<16xf32>
    %swap3A_47 = vector.shape_cast %broadcast_in_dim3A_3 : vector<16xf32> to vector<16xf32>
    tpu.vector_store %arg10[%swap3A_44], %swap3A_47 {strides = array<i32>} : memref<80xf32, #tpu.memory_space<vmem>>, vector<16xf32>,
    %swap3A_48 = arith.constant 0 : i32
    %swap3A_49 = arith.index_cast %swap3A_48 : i32 to index
    %swap3A_50 = arith.constant 64 : index
    %swap3A_51 = tpu.vector_load %arg11[%swap3A_49, %swap3A_50] {strides = array<i32>} : memref<2x80xf32, #tpu.memory_space<vmem>>, vector<1x16xf32>,
    %swap3A_52 = vector.shape_cast %swap3A_51 : vector<1x16xf32> to vector<16xf32>
    %swap3A_53 = vector.shape_cast %broadcast_in_dim3A_1 : vector<16xf32> to vector<1x16xf32>
    tpu.vector_store %arg11[%swap3A_49, %swap3A_50], %swap3A_53 {strides = array<i32>} : memref<2x80xf32, #tpu.memory_space<vmem>>, vector<1x16xf32>,
    %swap3A_54 = arith.constant 64 : index
    %swap3A_55 = tpu.vector_load %arg10[%swap3A_54] {strides = array<i32>} : memref<80xf32, #tpu.memory_space<vmem>>, vector<16xf32>,
    %swap3A_56 = vector.shape_cast %swap3A_55 : vector<16xf32> to vector<16xf32>
    %swap3A_57 = vector.shape_cast %broadcast_in_dim3A_3 : vector<16xf32> to vector<16xf32>
    tpu.vector_store %arg10[%swap3A_54], %swap3A_57 {strides = array<i32>} : memref<80xf32, #tpu.memory_space<vmem>>, vector<16xf32>,
    %add3A = arith.constant 0 : i32
    %add3A_58 = arith.addi %mul3A_0, %add3A : i32
    %dma_start3A = arith.constant 0 : i32
    %dma_start3A_59 = arith.constant 0 : i32
    %dma_start3A_60 = arith.constant 0 : i32
    %dma_start3A_61 = tpu.memref_slice %arg9[%dma_start3A, %dma_start3A_59, %dma_start3A_60] : memref<3x400x64xf32, #tpu.memory_space<vmem>> -> memref<1x80x64xf32, #tpu.memory_space<vmem>>
    %dma_start3A_62 = tpu.memref_squeeze %dma_start3A_61 : memref<1x80x64xf32, #tpu.memory_space<vmem>> -> memref<80x64xf32, #tpu.memory_space<vmem>>
    %dma_start3A_63 = arith.constant 0 : i32
    %dma_start3A_64 = tpu.memref_slice %arg14[%add3A_58, %dma_start3A_63] : memref<10240x64xf32, #tpu.memory_space<vmem_shared>> -> memref<80x64xf32, #tpu.memory_space<vmem_shared>>
    %dma_start3A_65 = arith.constant 0 : i32
    %dma_start3A_66 = tpu.memref_slice %arg14[%add3A_58, %dma_start3A_65] : memref<10240x64xf32, #tpu.memory_space<vmem_shared>> -> memref<80x64xf32, #tpu.memory_space<vmem_shared>>
    %dma_start3A_67 = arith.constant 0 : i32
    %dma_start3A_68 = arith.constant 0 : i32
    %dma_start3A_69 = tpu.memref_slice %arg9[%dma_start3A, %dma_start3A_67, %dma_start3A_68] : memref<3x400x64xf32, #tpu.memory_space<vmem>> -> memref<1x80x64xf32, #tpu.memory_space<vmem>>
    %dma_start3A_70 = tpu.memref_squeeze %dma_start3A_69 : memref<1x80x64xf32, #tpu.memory_space<vmem>> -> memref<80x64xf32, #tpu.memory_space<vmem>>
    tpu.enqueue_dma source(%dma_start3A_70 : memref<80x64xf32, #tpu.memory_space<vmem>>) target(%dma_start3A_66 : memref<80x64xf32, #tpu.memory_space<vmem_shared>>) target_semaphore(%arg16 : memref<!tpu.dma_semaphore, #tpu.memory_space<semaphore_mem>>)
    %add3A_71 = arith.constant 80 : i32
    %add3A_72 = arith.addi %mul3A_0, %add3A_71 : i32
    %dma_start3A_73 = arith.constant 0 : i32
    %dma_start3A_74 = arith.constant 0 : i32
    %dma_start3A_75 = arith.constant 0 : i32
    %dma_start3A_76 = tpu.memref_slice %arg9[%dma_start3A_73, %dma_start3A_74, %dma_start3A_75] : memref<3x400x64xf32, #tpu.memory_space<vmem>> -> memref<1x80x64xf32, #tpu.memory_space<vmem>>
    %dma_start3A_77 = tpu.memref_squeeze %dma_start3A_76 : memref<1x80x64xf32, #tpu.memory_space<vmem>> -> memref<80x64xf32, #tpu.memory_space<vmem>>
    %dma_start3A_78 = arith.constant 0 : i32
    %dma_start3A_79 = tpu.memref_slice %arg14[%add3A_72, %dma_start3A_78] : memref<10240x64xf32, #tpu.memory_space<vmem_shared>> -> memref<80x64xf32, #tpu.memory_space<vmem_shared>>
    %dma_start3A_80 = arith.constant 0 : i32
    %dma_start3A_81 = tpu.memref_slice %arg14[%add3A_72, %dma_start3A_80] : memref<10240x64xf32, #tpu.memory_space<vmem_shared>> -> memref<80x64xf32, #tpu.memory_space<vmem_shared>>
    %dma_start3A_82 = arith.constant 0 : i32
    %dma_start3A_83 = arith.constant 0 : i32
    %dma_start3A_84 = tpu.memref_slice %arg9[%dma_start3A_73, %dma_start3A_82, %dma_start3A_83] : memref<3x400x64xf32, #tpu.memory_space<vmem>> -> memref<1x80x64xf32, #tpu.memory_space<vmem>>
    %dma_start3A_85 = tpu.memref_squeeze %dma_start3A_84 : memref<1x80x64xf32, #tpu.memory_space<vmem>> -> memref<80x64xf32, #tpu.memory_space<vmem>>
    tpu.enqueue_dma source(%dma_start3A_85 : memref<80x64xf32, #tpu.memory_space<vmem>>) target(%dma_start3A_81 : memref<80x64xf32, #tpu.memory_space<vmem_shared>>) target_semaphore(%arg16 : memref<!tpu.dma_semaphore, #tpu.memory_space<semaphore_mem>>)
    %add3A_86 = arith.constant 160 : i32
    %add3A_87 = arith.addi %mul3A_0, %add3A_86 : i32
    %dma_start3A_88 = arith.constant 0 : i32
    %dma_start3A_89 = arith.constant 0 : i32
    %dma_start3A_90 = arith.constant 0 : i32
    %dma_start3A_91 = tpu.memref_slice %arg9[%dma_start3A_88, %dma_start3A_89, %dma_start3A_90] : memref<3x400x64xf32, #tpu.memory_space<vmem>> -> memref<1x80x64xf32, #tpu.memory_space<vmem>>
    %dma_start3A_92 = tpu.memref_squeeze %dma_start3A_91 : memref<1x80x64xf32, #tpu.memory_space<vmem>> -> memref<80x64xf32, #tpu.memory_space<vmem>>
    %dma_start3A_93 = arith.constant 0 : i32
    %dma_start3A_94 = tpu.memref_slice %arg14[%add3A_87, %dma_start3A_93] : memref<10240x64xf32, #tpu.memory_space<vmem_shared>> -> memref<80x64xf32, #tpu.memory_space<vmem_shared>>
    %dma_start3A_95 = arith.constant 0 : i32
    %dma_start3A_96 = tpu.memref_slice %arg14[%add3A_87, %dma_start3A_95] : memref<10240x64xf32, #tpu.memory_space<vmem_shared>> -> memref<80x64xf32, #tpu.memory_space<vmem_shared>>
    %dma_start3A_97 = arith.constant 0 : i32
    %dma_start3A_98 = arith.constant 0 : i32
    %dma_start3A_99 = tpu.memref_slice %arg9[%dma_start3A_88, %dma_start3A_97, %dma_start3A_98] : memref<3x400x64xf32, #tpu.memory_space<vmem>> -> memref<1x80x64xf32, #tpu.memory_space<vmem>>
    %dma_start3A_100 = tpu.memref_squeeze %dma_start3A_99 : memref<1x80x64xf32, #tpu.memory_space<vmem>> -> memref<80x64xf32, #tpu.memory_space<vmem>>
    tpu.enqueue_dma source(%dma_start3A_100 : memref<80x64xf32, #tpu.memory_space<vmem>>) target(%dma_start3A_96 : memref<80x64xf32, #tpu.memory_space<vmem_shared>>) target_semaphore(%arg16 : memref<!tpu.dma_semaphore, #tpu.memory_space<semaphore_mem>>)
    %add3A_101 = arith.constant 240 : i32
    %add3A_102 = arith.addi %mul3A_0, %add3A_101 : i32
    %dma_start3A_103 = arith.constant 0 : i32
    %dma_start3A_104 = arith.constant 0 : i32
    %dma_start3A_105 = arith.constant 0 : i32
    %dma_start3A_106 = tpu.memref_slice %arg9[%dma_start3A_103, %dma_start3A_104, %dma_start3A_105] : memref<3x400x64xf32, #tpu.memory_space<vmem>> -> memref<1x80x64xf32, #tpu.memory_space<vmem>>
    %dma_start3A_107 = tpu.memref_squeeze %dma_start3A_106 : memref<1x80x64xf32, #tpu.memory_space<vmem>> -> memref<80x64xf32, #tpu.memory_space<vmem>>
    %dma_start3A_108 = arith.constant 0 : i32
    %dma_start3A_109 = tpu.memref_slice %arg14[%add3A_102, %dma_start3A_108] : memref<10240x64xf32, #tpu.memory_space<vmem_shared>> -> memref<80x64xf32, #tpu.memory_space<vmem_shared>>
    %dma_start3A_110 = arith.constant 0 : i32
    %dma_start3A_111 = tpu.memref_slice %arg14[%add3A_102, %dma_start3A_110] : memref<10240x64xf32, #tpu.memory_space<vmem_shared>> -> memref<80x64xf32, #tpu.memory_space<vmem_shared>>
    %dma_start3A_112 = arith.constant 0 : i32
    %dma_start3A_113 = arith.constant 0 : i32
    %dma_start3A_114 = tpu.memref_slice %arg9[%dma_start3A_103, %dma_start3A_112, %dma_start3A_113] : memref<3x400x64xf32, #tpu.memory_space<vmem>> -> memref<1x80x64xf32, #tpu.memory_space<vmem>>
    %dma_start3A_115 = tpu.memref_squeeze %dma_start3A_114 : memref<1x80x64xf32, #tpu.memory_space<vmem>> -> memref<80x64xf32, #tpu.memory_space<vmem>>
    tpu.enqueue_dma source(%dma_start3A_115 : memref<80x64xf32, #tpu.memory_space<vmem>>) target(%dma_start3A_111 : memref<80x64xf32, #tpu.memory_space<vmem_shared>>) target_semaphore(%arg16 : memref<!tpu.dma_semaphore, #tpu.memory_space<semaphore_mem>>)
    %add3A_116 = arith.constant 320 : i32
    %add3A_117 = arith.addi %mul3A_0, %add3A_116 : i32
    %dma_start3A_118 = arith.constant 0 : i32
    %dma_start3A_119 = arith.constant 0 : i32
    %dma_start3A_120 = arith.constant 0 : i32
    %dma_start3A_121 = tpu.memref_slice %arg9[%dma_start3A_118, %dma_start3A_119, %dma_start3A_120] : memref<3x400x64xf32, #tpu.memory_space<vmem>> -> memref<1x80x64xf32, #tpu.memory_space<vmem>>
    %dma_start3A_122 = tpu.memref_squeeze %dma_start3A_121 : memref<1x80x64xf32, #tpu.memory_space<vmem>> -> memref<80x64xf32, #tpu.memory_space<vmem>>
    %dma_start3A_123 = arith.constant 0 : i32
    %dma_start3A_124 = tpu.memref_slice %arg14[%add3A_117, %dma_start3A_123] : memref<10240x64xf32, #tpu.memory_space<vmem_shared>> -> memref<80x64xf32, #tpu.memory_space<vmem_shared>>
    %dma_start3A_125 = arith.constant 0 : i32
    %dma_start3A_126 = tpu.memref_slice %arg14[%add3A_117, %dma_start3A_125] : memref<10240x64xf32, #tpu.memory_space<vmem_shared>> -> memref<80x64xf32, #tpu.memory_space<vmem_shared>>
    %dma_start3A_127 = arith.constant 0 : i32
    %dma_start3A_128 = arith.constant 0 : i32
    %dma_start3A_129 = tpu.memref_slice %arg9[%dma_start3A_118, %dma_start3A_127, %dma_start3A_128] : memref<3x400x64xf32, #tpu.memory_space<vmem>> -> memref<1x80x64xf32, #tpu.memory_space<vmem>>
    %dma_start3A_130 = tpu.memref_squeeze %dma_start3A_129 : memref<1x80x64xf32, #tpu.memory_space<vmem>> -> memref<80x64xf32, #tpu.memory_space<vmem>>
    tpu.enqueue_dma source(%dma_start3A_130 : memref<80x64xf32, #tpu.memory_space<vmem>>) target(%dma_start3A_126 : memref<80x64xf32, #tpu.memory_space<vmem_shared>>) target_semaphore(%arg16 : memref<!tpu.dma_semaphore, #tpu.memory_space<semaphore_mem>>)
    %add3A_131 = arith.constant 400 : i32
    %add3A_132 = arith.addi %mul3A_0, %add3A_131 : i32
    %dma_start3A_133 = arith.constant 0 : i32
    %dma_start3A_134 = arith.constant 0 : i32
    %dma_start3A_135 = arith.constant 0 : i32
    %dma_start3A_136 = tpu.memref_slice %arg9[%dma_start3A_133, %dma_start3A_134, %dma_start3A_135] : memref<3x400x64xf32, #tpu.memory_space<vmem>> -> memref<1x80x64xf32, #tpu.memory_space<vmem>>
    %dma_start3A_137 = tpu.memref_squeeze %dma_start3A_136 : memref<1x80x64xf32, #tpu.memory_space<vmem>> -> memref<80x64xf32, #tpu.memory_space<vmem>>
    %dma_start3A_138 = arith.constant 0 : i32
    %dma_start3A_139 = tpu.memref_slice %arg14[%add3A_132, %dma_start3A_138] : memref<10240x64xf32, #tpu.memory_space<vmem_shared>> -> memref<80x64xf32, #tpu.memory_space<vmem_shared>>
    %dma_start3A_140 = arith.constant 0 : i32
    %dma_start3A_141 = tpu.memref_slice %arg14[%add3A_132, %dma_start3A_140] : memref<10240x64xf32, #tpu.memory_space<vmem_shared>> -> memref<80x64xf32, #tpu.memory_space<vmem_shared>>
    %dma_start3A_142 = arith.constant 0 : i32
    %dma_start3A_143 = arith.constant 0 : i32
    %dma_start3A_144 = tpu.memref_slice %arg9[%dma_start3A_133, %dma_start3A_142, %dma_start3A_143] : memref<3x400x64xf32, #tpu.memory_space<vmem>> -> memref<1x80x64xf32, #tpu.memory_space<vmem>>
    %dma_start3A_145 = tpu.memref_squeeze %dma_start3A_144 : memref<1x80x64xf32, #tpu.memory_space<vmem>> -> memref<80x64xf32, #tpu.memory_space<vmem>>
    tpu.enqueue_dma source(%dma_start3A_145 : memref<80x64xf32, #tpu.memory_space<vmem>>) target(%dma_start3A_141 : memref<80x64xf32, #tpu.memory_space<vmem_shared>>) target_semaphore(%arg16 : memref<!tpu.dma_semaphore, #tpu.memory_space<semaphore_mem>>)
    %add3A_146 = arith.constant 480 : i32
    %add3A_147 = arith.addi %mul3A_0, %add3A_146 : i32
    %dma_start3A_148 = arith.constant 0 : i32
    %dma_start3A_149 = arith.constant 0 : i32
    %dma_start3A_150 = arith.constant 0 : i32
    %dma_start3A_151 = tpu.memref_slice %arg9[%dma_start3A_148, %dma_start3A_149, %dma_start3A_150] : memref<3x400x64xf32, #tpu.memory_space<vmem>> -> memref<1x80x64xf32, #tpu.memory_space<vmem>>
    %dma_start3A_152 = tpu.memref_squeeze %dma_start3A_151 : memref<1x80x64xf32, #tpu.memory_space<vmem>> -> memref<80x64xf32, #tpu.memory_space<vmem>>
    %dma_start3A_153 = arith.constant 0 : i32
    %dma_start3A_154 = tpu.memref_slice %arg14[%add3A_147, %dma_start3A_153] : memref<10240x64xf32, #tpu.memory_space<vmem_shared>> -> memref<80x64xf32, #tpu.memory_space<vmem_shared>>
    %dma_start3A_155 = arith.constant 0 : i32
    %dma_start3A_156 = tpu.memref_slice %arg14[%add3A_147, %dma_start3A_155] : memref<10240x64xf32, #tpu.memory_space<vmem_shared>> -> memref<80x64xf32, #tpu.memory_space<vmem_shared>>
    %dma_start3A_157 = arith.constant 0 : i32
    %dma_start3A_158 = arith.constant 0 : i32
    %dma_start3A_159 = tpu.memref_slice %arg9[%dma_start3A_148, %dma_start3A_157, %dma_start3A_158] : memref<3x400x64xf32, #tpu.memory_space<vmem>> -> memref<1x80x64xf32, #tpu.memory_space<vmem>>
    %dma_start3A_160 = tpu.memref_squeeze %dma_start3A_159 : memref<1x80x64xf32, #tpu.memory_space<vmem>> -> memref<80x64xf32, #tpu.memory_space<vmem>>
    tpu.enqueue_dma source(%dma_start3A_160 : memref<80x64xf32, #tpu.memory_space<vmem>>) target(%dma_start3A_156 : memref<80x64xf32, #tpu.memory_space<vmem_shared>>) target_semaphore(%arg16 : memref<!tpu.dma_semaphore, #tpu.memory_space<semaphore_mem>>)
    %add3A_161 = arith.constant 560 : i32
    %add3A_162 = arith.addi %mul3A_0, %add3A_161 : i32
    %dma_start3A_163 = arith.constant 0 : i32
    %dma_start3A_164 = arith.constant 0 : i32
    %dma_start3A_165 = arith.constant 0 : i32
    %dma_start3A_166 = tpu.memref_slice %arg9[%dma_start3A_163, %dma_start3A_164, %dma_start3A_165] : memref<3x400x64xf32, #tpu.memory_space<vmem>> -> memref<1x80x64xf32, #tpu.memory_space<vmem>>
    %dma_start3A_167 = tpu.memref_squeeze %dma_start3A_166 : memref<1x80x64xf32, #tpu.memory_space<vmem>> -> memref<80x64xf32, #tpu.memory_space<vmem>>
    %dma_start3A_168 = arith.constant 0 : i32
    %dma_start3A_169 = tpu.memref_slice %arg14[%add3A_162, %dma_start3A_168] : memref<10240x64xf32, #tpu.memory_space<vmem_shared>> -> memref<80x64xf32, #tpu.memory_space<vmem_shared>>
    %dma_start3A_170 = arith.constant 0 : i32
    %dma_start3A_171 = tpu.memref_slice %arg14[%add3A_162, %dma_start3A_170] : memref<10240x64xf32, #tpu.memory_space<vmem_shared>> -> memref<80x64xf32, #tpu.memory_space<vmem_shared>>
    %dma_start3A_172 = arith.constant 0 : i32
    %dma_start3A_173 = arith.constant 0 : i32
    %dma_start3A_174 = tpu.memref_slice %arg9[%dma_start3A_163, %dma_start3A_172, %dma_start3A_173] : memref<3x400x64xf32, #tpu.memory_space<vmem>> -> memref<1x80x64xf32, #tpu.memory_space<vmem>>
    %dma_start3A_175 = tpu.memref_squeeze %dma_start3A_174 : memref<1x80x64xf32, #tpu.memory_space<vmem>> -> memref<80x64xf32, #tpu.memory_space<vmem>>
    tpu.enqueue_dma source(%dma_start3A_175 : memref<80x64xf32, #tpu.memory_space<vmem>>) target(%dma_start3A_171 : memref<80x64xf32, #tpu.memory_space<vmem_shared>>) target_semaphore(%arg16 : memref<!tpu.dma_semaphore, #tpu.memory_space<semaphore_mem>>)
    %dma_wait3A = arith.constant 0 : i32
    %dma_wait3A_176 = arith.constant 0 : i32
    %dma_wait3A_177 = arith.constant 0 : i32
    %dma_wait3A_178 = tpu.memref_slice %arg9[%dma_wait3A, %dma_wait3A_176, %dma_wait3A_177] : memref<3x400x64xf32, #tpu.memory_space<vmem>> -> memref<1x400x64xf32, #tpu.memory_space<vmem>>
    %dma_wait3A_179 = tpu.memref_squeeze %dma_wait3A_178 : memref<1x400x64xf32, #tpu.memory_space<vmem>> -> memref<400x64xf32, #tpu.memory_space<vmem>>
    %dma_wait3A_180 = arith.constant 0 : i32
    %dma_wait3A_181 = arith.constant 0 : i32
    %dma_wait3A_182 = tpu.memref_slice %arg2[%dma_wait3A_180, %dma_wait3A_181] : memref<20000x64xf32, #tpu.memory_space<hbm>> -> memref<400x64xf32, #tpu.memory_space<hbm>>
    %dma_wait3A_183 = arith.constant 0 : i32
    %dma_wait3A_184 = arith.constant 0 : i32
    %dma_wait3A_185 = tpu.memref_slice %arg9[%dma_wait3A, %dma_wait3A_183, %dma_wait3A_184] : memref<3x400x64xf32, #tpu.memory_space<vmem>> -> memref<1x400x64xf32, #tpu.memory_space<vmem>>
    %dma_wait3A_186 = tpu.memref_squeeze %dma_wait3A_185 : memref<1x400x64xf32, #tpu.memory_space<vmem>> -> memref<400x64xf32, #tpu.memory_space<vmem>>
    %dma_wait3A_187 = arith.constant 0 : i32
    %dma_wait3A_188 = arith.constant 0 : i32
    %dma_wait3A_189 = tpu.memref_slice %arg2[%dma_wait3A_187, %dma_wait3A_188] : memref<20000x64xf32, #tpu.memory_space<hbm>> -> memref<400x64xf32, #tpu.memory_space<hbm>>
    tpu.wait_dma2 semaphore(%arg16 : memref<!tpu.dma_semaphore, #tpu.memory_space<semaphore_mem>>) src(%dma_wait3A_189 : memref<400x64xf32, #tpu.memory_space<hbm>>) dst(%dma_wait3A_186 : memref<400x64xf32, #tpu.memory_space<vmem>>)
    %dma_wait3A_190 = arith.constant 0 : i32
    %dma_wait3A_191 = arith.constant 0 : i32
    %dma_wait3A_192 = arith.constant 0 : i32
    %dma_wait3A_193 = tpu.memref_slice %arg9[%dma_wait3A_190, %dma_wait3A_191, %dma_wait3A_192] : memref<3x400x64xf32, #tpu.memory_space<vmem>> -> memref<1x240x64xf32, #tpu.memory_space<vmem>>
    %dma_wait3A_194 = tpu.memref_squeeze %dma_wait3A_193 : memref<1x240x64xf32, #tpu.memory_space<vmem>> -> memref<240x64xf32, #tpu.memory_space<vmem>>
    %dma_wait3A_195 = arith.constant 0 : i32
    %dma_wait3A_196 = arith.constant 0 : i32
    %dma_wait3A_197 = tpu.memref_slice %arg2[%dma_wait3A_195, %dma_wait3A_196] : memref<20000x64xf32, #tpu.memory_space<hbm>> -> memref<240x64xf32, #tpu.memory_space<hbm>>
    %dma_wait3A_198 = arith.constant 0 : i32
    %dma_wait3A_199 = arith.constant 0 : i32
    %dma_wait3A_200 = tpu.memref_slice %arg9[%dma_wait3A_190, %dma_wait3A_198, %dma_wait3A_199] : memref<3x400x64xf32, #tpu.memory_space<vmem>> -> memref<1x240x64xf32, #tpu.memory_space<vmem>>
    %dma_wait3A_201 = tpu.memref_squeeze %dma_wait3A_200 : memref<1x240x64xf32, #tpu.memory_space<vmem>> -> memref<240x64xf32, #tpu.memory_space<vmem>>
    %dma_wait3A_202 = arith.constant 0 : i32
    %dma_wait3A_203 = arith.constant 0 : i32
    %dma_wait3A_204 = tpu.memref_slice %arg2[%dma_wait3A_202, %dma_wait3A_203] : memref<20000x64xf32, #tpu.memory_space<hbm>> -> memref<240x64xf32, #tpu.memory_space<hbm>>
    tpu.wait_dma2 semaphore(%arg16 : memref<!tpu.dma_semaphore, #tpu.memory_space<semaphore_mem>>) src(%dma_wait3A_204 : memref<240x64xf32, #tpu.memory_space<hbm>>) dst(%dma_wait3A_201 : memref<240x64xf32, #tpu.memory_space<vmem>>)
    %barrier3A = arith.constant 0 : index
    tpu.barrier barrier_id(%barrier3A)
    %dma_start3A_205 = arith.constant 0 : i32
    %dma_start3A_206 = arith.constant 0 : i32
    %dma_start3A_207 = arith.constant 0 : i32
    %dma_start3A_208 = tpu.memref_slice %arg7[%dma_start3A_205, %dma_start3A_206, %dma_start3A_207] : memref<4x5x80xi32, #tpu.memory_space<vmem>> -> memref<1x5x80xi32, #tpu.memory_space<vmem>>
    %dma_start3A_209 = tpu.memref_squeeze %dma_start3A_208 : memref<1x5x80xi32, #tpu.memory_space<vmem>> -> memref<5x80xi32, #tpu.memory_space<vmem>>
    %dma_start3A_210 = arith.constant 0 : i32
    %dma_start3A_211 = arith.constant 0 : i32
    %dma_start3A_212 = tpu.memref_slice %arg3[%arg1, %dma_start3A_210, %dma_start3A_211] : memref<16x250x80xi32, #tpu.memory_space<hbm>> -> memref<1x5x80xi32, #tpu.memory_space<hbm>>
    %dma_start3A_213 = tpu.memref_squeeze %dma_start3A_212 : memref<1x5x80xi32, #tpu.memory_space<hbm>> -> memref<5x80xi32, #tpu.memory_space<hbm>>
    %dma_start3A_214 = arith.constant 0 : i32
    %dma_start3A_215 = arith.constant 0 : i32
    %dma_start3A_216 = tpu.memref_slice %arg7[%dma_start3A_205, %dma_start3A_214, %dma_start3A_215] : memref<4x5x80xi32, #tpu.memory_space<vmem>> -> memref<1x5x80xi32, #tpu.memory_space<vmem>>
    %dma_start3A_217 = tpu.memref_squeeze %dma_start3A_216 : memref<1x5x80xi32, #tpu.memory_space<vmem>> -> memref<5x80xi32, #tpu.memory_space<vmem>>
    %dma_start3A_218 = arith.constant 0 : i32
    %dma_start3A_219 = arith.constant 0 : i32
    %dma_start3A_220 = tpu.memref_slice %arg3[%arg1, %dma_start3A_218, %dma_start3A_219] : memref<16x250x80xi32, #tpu.memory_space<hbm>> -> memref<1x5x80xi32, #tpu.memory_space<hbm>>
    %dma_start3A_221 = tpu.memref_squeeze %dma_start3A_220 : memref<1x5x80xi32, #tpu.memory_space<hbm>> -> memref<5x80xi32, #tpu.memory_space<hbm>>
    tpu.enqueue_dma source(%dma_start3A_221 : memref<5x80xi32, #tpu.memory_space<hbm>>) target(%dma_start3A_217 : memref<5x80xi32, #tpu.memory_space<vmem>>) target_semaphore(%arg19 : memref<!tpu.dma_semaphore, #tpu.memory_space<semaphore_mem>>)
    %dma_start3A_222 = arith.constant 0 : i32
    %dma_start3A_223 = arith.constant 0 : i32
    %dma_start3A_224 = arith.constant 0 : i32
    %dma_start3A_225 = tpu.memref_slice %arg8[%dma_start3A_222, %dma_start3A_223, %dma_start3A_224] : memref<4x5x80xi32, #tpu.memory_space<vmem>> -> memref<1x5x80xi32, #tpu.memory_space<vmem>>
    %dma_start3A_226 = tpu.memref_squeeze %dma_start3A_225 : memref<1x5x80xi32, #tpu.memory_space<vmem>> -> memref<5x80xi32, #tpu.memory_space<vmem>>
    %dma_start3A_227 = arith.constant 0 : i32
    %dma_start3A_228 = arith.constant 0 : i32
    %dma_start3A_229 = tpu.memref_slice %arg4[%arg1, %dma_start3A_227, %dma_start3A_228] : memref<16x250x80xi32, #tpu.memory_space<hbm>> -> memref<1x5x80xi32, #tpu.memory_space<hbm>>
    %dma_start3A_230 = tpu.memref_squeeze %dma_start3A_229 : memref<1x5x80xi32, #tpu.memory_space<hbm>> -> memref<5x80xi32, #tpu.memory_space<hbm>>
    %dma_start3A_231 = arith.constant 0 : i32
    %dma_start3A_232 = arith.constant 0 : i32
    %dma_start3A_233 = tpu.memref_slice %arg8[%dma_start3A_222, %dma_start3A_231, %dma_start3A_232] : memref<4x5x80xi32, #tpu.memory_space<vmem>> -> memref<1x5x80xi32, #tpu.memory_space<vmem>>
    %dma_start3A_234 = tpu.memref_squeeze %dma_start3A_233 : memref<1x5x80xi32, #tpu.memory_space<vmem>> -> memref<5x80xi32, #tpu.memory_space<vmem>>
    %dma_start3A_235 = arith.constant 0 : i32
    %dma_start3A_236 = arith.constant 0 : i32
    %dma_start3A_237 = tpu.memref_slice %arg4[%arg1, %dma_start3A_235, %dma_start3A_236] : memref<16x250x80xi32, #tpu.memory_space<hbm>> -> memref<1x5x80xi32, #tpu.memory_space<hbm>>
    %dma_start3A_238 = tpu.memref_squeeze %dma_start3A_237 : memref<1x5x80xi32, #tpu.memory_space<hbm>> -> memref<5x80xi32, #tpu.memory_space<hbm>>
    tpu.enqueue_dma source(%dma_start3A_238 : memref<5x80xi32, #tpu.memory_space<hbm>>) target(%dma_start3A_234 : memref<5x80xi32, #tpu.memory_space<vmem>>) target_semaphore(%arg19 : memref<!tpu.dma_semaphore, #tpu.memory_space<semaphore_mem>>)
    %dma_wait3A_239 = arith.constant 0 : i32
    %dma_wait3A_240 = arith.constant 0 : i32
    %dma_wait3A_241 = arith.constant 0 : i32
    %dma_wait3A_242 = tpu.memref_slice %arg7[%dma_wait3A_239, %dma_wait3A_240, %dma_wait3A_241] : memref<4x5x80xi32, #tpu.memory_space<vmem>> -> memref<1x5x80xi32, #tpu.memory_space<vmem>>
    %dma_wait3A_243 = tpu.memref_squeeze %dma_wait3A_242 : memref<1x5x80xi32, #tpu.memory_space<vmem>> -> memref<5x80xi32, #tpu.memory_space<vmem>>
    %dma_wait3A_244 = arith.constant 0 : i32
    %dma_wait3A_245 = arith.constant 0 : i32
    %dma_wait3A_246 = tpu.memref_slice %arg3[%arg1, %dma_wait3A_244, %dma_wait3A_245] : memref<16x250x80xi32, #tpu.memory_space<hbm>> -> memref<1x5x80xi32, #tpu.memory_space<hbm>>
    %dma_wait3A_247 = tpu.memref_squeeze %dma_wait3A_246 : memref<1x5x80xi32, #tpu.memory_space<hbm>> -> memref<5x80xi32, #tpu.memory_space<hbm>>
    %dma_wait3A_248 = arith.constant 0 : i32
    %dma_wait3A_249 = arith.constant 0 : i32
    %dma_wait3A_250 = tpu.memref_slice %arg7[%dma_wait3A_239, %dma_wait3A_248, %dma_wait3A_249] : memref<4x5x80xi32, #tpu.memory_space<vmem>> -> memref<1x5x80xi32, #tpu.memory_space<vmem>>
    %dma_wait3A_251 = tpu.memref_squeeze %dma_wait3A_250 : memref<1x5x80xi32, #tpu.memory_space<vmem>> -> memref<5x80xi32, #tpu.memory_space<vmem>>
    %dma_wait3A_252 = arith.constant 0 : i32
    %dma_wait3A_253 = arith.constant 0 : i32
    %dma_wait3A_254 = tpu.memref_slice %arg3[%arg1, %dma_wait3A_252, %dma_wait3A_253] : memref<16x250x80xi32, #tpu.memory_space<hbm>> -> memref<1x5x80xi32, #tpu.memory_space<hbm>>
    %dma_wait3A_255 = tpu.memref_squeeze %dma_wait3A_254 : memref<1x5x80xi32, #tpu.memory_space<hbm>> -> memref<5x80xi32, #tpu.memory_space<hbm>>
    tpu.wait_dma2 semaphore(%arg19 : memref<!tpu.dma_semaphore, #tpu.memory_space<semaphore_mem>>) src(%dma_wait3A_255 : memref<5x80xi32, #tpu.memory_space<hbm>>) dst(%dma_wait3A_251 : memref<5x80xi32, #tpu.memory_space<vmem>>)
    %dma_wait3A_256 = arith.constant 0 : i32
    %dma_wait3A_257 = arith.constant 0 : i32
    %dma_wait3A_258 = arith.constant 0 : i32
    %dma_wait3A_259 = tpu.memref_slice %arg8[%dma_wait3A_256, %dma_wait3A_257, %dma_wait3A_258] : memref<4x5x80xi32, #tpu.memory_space<vmem>> -> memref<1x5x80xi32, #tpu.memory_space<vmem>>
    %dma_wait3A_260 = tpu.memref_squeeze %dma_wait3A_259 : memref<1x5x80xi32, #tpu.memory_space<vmem>> -> memref<5x80xi32, #tpu.memory_space<vmem>>
    %dma_wait3A_261 = arith.constant 0 : i32
    %dma_wait3A_262 = arith.constant 0 : i32
    %dma_wait3A_263 = tpu.memref_slice %arg4[%arg1, %dma_wait3A_261, %dma_wait3A_262] : memref<16x250x80xi32, #tpu.memory_space<hbm>> -> memref<1x5x80xi32, #tpu.memory_space<hbm>>
    %dma_wait3A_264 = tpu.memref_squeeze %dma_wait3A_263 : memref<1x5x80xi32, #tpu.memory_space<hbm>> -> memref<5x80xi32, #tpu.memory_space<hbm>>
    %dma_wait3A_265 = arith.constant 0 : i32
    %dma_wait3A_266 = arith.constant 0 : i32
    %dma_wait3A_267 = tpu.memref_slice %arg8[%dma_wait3A_256, %dma_wait3A_265, %dma_wait3A_266] : memref<4x5x80xi32, #tpu.memory_space<vmem>> -> memref<1x5x80xi32, #tpu.memory_space<vmem>>
    %dma_wait3A_268 = tpu.memref_squeeze %dma_wait3A_267 : memref<1x5x80xi32, #tpu.memory_space<vmem>> -> memref<5x80xi32, #tpu.memory_space<vmem>>
    %dma_wait3A_269 = arith.constant 0 : i32
    %dma_wait3A_270 = arith.constant 0 : i32
    %dma_wait3A_271 = tpu.memref_slice %arg4[%arg1, %dma_wait3A_269, %dma_wait3A_270] : memref<16x250x80xi32, #tpu.memory_space<hbm>> -> memref<1x5x80xi32, #tpu.memory_space<hbm>>
    %dma_wait3A_272 = tpu.memref_squeeze %dma_wait3A_271 : memref<1x5x80xi32, #tpu.memory_space<hbm>> -> memref<5x80xi32, #tpu.memory_space<hbm>>
    tpu.wait_dma2 semaphore(%arg19 : memref<!tpu.dma_semaphore, #tpu.memory_space<semaphore_mem>>) src(%dma_wait3A_272 : memref<5x80xi32, #tpu.memory_space<hbm>>) dst(%dma_wait3A_268 : memref<5x80xi32, #tpu.memory_space<vmem>>)
    %scan3A_273 = arith.constant 0 : i32
    %scan3A_274 = arith.constant 0 : i32
    %scan3A_275 = arith.constant 5 : i32
    %scan3A_276 = arith.addi %scan3A_274, %scan3A_275 : i32
    %scan3A_277 = arith.constant 1 : i32
    scf.for %scan3A_555 = %scan3A_274 to %scan3A_276 step %scan3A_277  : i32 {
      %get3A = arith.constant 0 : i32
      %get3A_556 = arith.index_cast %get3A : i32 to index
      %get3A_557 = arith.index_cast %scan3A_555 : i32 to index
      %get3A_558 = arith.constant 0 : index
      %get3A_559 = tpu.vector_load %arg7[%get3A_556, %get3A_557, %get3A_558] {strides = array<i32>} : memref<4x5x80xi32, #tpu.memory_space<vmem>>, vector<1x1x16xi32>,
      %get3A_560 = vector.shape_cast %get3A_559 : vector<1x1x16xi32> to vector<16xi32>
      %add3A_561 = arith.addi %get3A_560, %get3A_560 : vector<16xi32>
      %add3A_562 = vector.broadcast %arg0 : i32 to vector<16xi32>
      %add3A_563 = arith.addi %add3A_561, %add3A_562 : vector<16xi32>
      %swap3A_564 = arith.constant 0 : i32
      %swap3A_565 = arith.index_cast %swap3A_564 : i32 to index
      %swap3A_566 = arith.index_cast %scan3A_555 : i32 to index
      %swap3A_567 = arith.constant 0 : index
      %swap3A_568 = tpu.vector_load %arg7[%swap3A_565, %swap3A_566, %swap3A_567] {strides = array<i32>} : memref<4x5x80xi32, #tpu.memory_space<vmem>>, vector<1x1x16xi32>,
      %swap3A_569 = vector.shape_cast %swap3A_568 : vector<1x1x16xi32> to vector<16xi32>
      %swap3A_570 = vector.shape_cast %add3A_563 : vector<16xi32> to vector<1x1x16xi32>
      tpu.vector_store %arg7[%swap3A_565, %swap3A_566, %swap3A_567], %swap3A_570 {strides = array<i32>} : memref<4x5x80xi32, #tpu.memory_space<vmem>>, vector<1x1x16xi32>,
      %get3A_571 = arith.constant 0 : i32
      %get3A_572 = arith.index_cast %get3A_571 : i32 to index
      %get3A_573 = arith.index_cast %scan3A_555 : i32 to index
      %get3A_574 = arith.constant 16 : index
      %get3A_575 = tpu.vector_load %arg7[%get3A_572, %get3A_573, %get3A_574] {strides = array<i32>} : memref<4x5x80xi32, #tpu.memory_space<vmem>>, vector<1x1x16xi32>,
      %get3A_576 = vector.shape_cast %get3A_575 : vector<1x1x16xi32> to vector<16xi32>
      %add3A_577 = arith.addi %get3A_576, %get3A_576 : vector<16xi32>
      %add3A_578 = vector.broadcast %arg0 : i32 to vector<16xi32>
      %add3A_579 = arith.addi %add3A_577, %add3A_578 : vector<16xi32>
      %swap3A_580 = arith.constant 0 : i32
      %swap3A_581 = arith.index_cast %swap3A_580 : i32 to index
      %swap3A_582 = arith.index_cast %scan3A_555 : i32 to index
      %swap3A_583 = arith.constant 16 : index
      %swap3A_584 = tpu.vector_load %arg7[%swap3A_581, %swap3A_582, %swap3A_583] {strides = array<i32>} : memref<4x5x80xi32, #tpu.memory_space<vmem>>, vector<1x1x16xi32>,
      %swap3A_585 = vector.shape_cast %swap3A_584 : vector<1x1x16xi32> to vector<16xi32>
      %swap3A_586 = vector.shape_cast %add3A_579 : vector<16xi32> to vector<1x1x16xi32>
      tpu.vector_store %arg7[%swap3A_581, %swap3A_582, %swap3A_583], %swap3A_586 {strides = array<i32>} : memref<4x5x80xi32, #tpu.memory_space<vmem>>, vector<1x1x16xi32>,
      %get3A_587 = arith.constant 0 : i32
      %get3A_588 = arith.index_cast %get3A_587 : i32 to index
      %get3A_589 = arith.index_cast %scan3A_555 : i32 to index
      %get3A_590 = arith.constant 32 : index
      %get3A_591 = tpu.vector_load %arg7[%get3A_588, %get3A_589, %get3A_590] {strides = array<i32>} : memref<4x5x80xi32, #tpu.memory_space<vmem>>, vector<1x1x16xi32>,
      %get3A_592 = vector.shape_cast %get3A_591 : vector<1x1x16xi32> to vector<16xi32>
      %add3A_593 = arith.addi %get3A_592, %get3A_592 : vector<16xi32>
      %add3A_594 = vector.broadcast %arg0 : i32 to vector<16xi32>
      %add3A_595 = arith.addi %add3A_593, %add3A_594 : vector<16xi32>
      %swap3A_596 = arith.constant 0 : i32
      %swap3A_597 = arith.index_cast %swap3A_596 : i32 to index
      %swap3A_598 = arith.index_cast %scan3A_555 : i32 to index
      %swap3A_599 = arith.constant 32 : index
      %swap3A_600 = tpu.vector_load %arg7[%swap3A_597, %swap3A_598, %swap3A_599] {strides = array<i32>} : memref<4x5x80xi32, #tpu.memory_space<vmem>>, vector<1x1x16xi32>,
      %swap3A_601 = vector.shape_cast %swap3A_600 : vector<1x1x16xi32> to vector<16xi32>
      %swap3A_602 = vector.shape_cast %add3A_595 : vector<16xi32> to vector<1x1x16xi32>
      tpu.vector_store %arg7[%swap3A_597, %swap3A_598, %swap3A_599], %swap3A_602 {strides = array<i32>} : memref<4x5x80xi32, #tpu.memory_space<vmem>>, vector<1x1x16xi32>,
      %get3A_603 = arith.constant 0 : i32
      %get3A_604 = arith.index_cast %get3A_603 : i32 to index
      %get3A_605 = arith.index_cast %scan3A_555 : i32 to index
      %get3A_606 = arith.constant 48 : index
      %get3A_607 = tpu.vector_load %arg7[%get3A_604, %get3A_605, %get3A_606] {strides = array<i32>} : memref<4x5x80xi32, #tpu.memory_space<vmem>>, vector<1x1x16xi32>,
      %get3A_608 = vector.shape_cast %get3A_607 : vector<1x1x16xi32> to vector<16xi32>
      %add3A_609 = arith.addi %get3A_608, %get3A_608 : vector<16xi32>
      %add3A_610 = vector.broadcast %arg0 : i32 to vector<16xi32>
      %add3A_611 = arith.addi %add3A_609, %add3A_610 : vector<16xi32>
      %swap3A_612 = arith.constant 0 : i32
      %swap3A_613 = arith.index_cast %swap3A_612 : i32 to index
      %swap3A_614 = arith.index_cast %scan3A_555 : i32 to index
      %swap3A_615 = arith.constant 48 : index
      %swap3A_616 = tpu.vector_load %arg7[%swap3A_613, %swap3A_614, %swap3A_615] {strides = array<i32>} : memref<4x5x80xi32, #tpu.memory_space<vmem>>, vector<1x1x16xi32>,
      %swap3A_617 = vector.shape_cast %swap3A_616 : vector<1x1x16xi32> to vector<16xi32>
      %swap3A_618 = vector.shape_cast %add3A_611 : vector<16xi32> to vector<1x1x16xi32>
      tpu.vector_store %arg7[%swap3A_613, %swap3A_614, %swap3A_615], %swap3A_618 {strides = array<i32>} : memref<4x5x80xi32, #tpu.memory_space<vmem>>, vector<1x1x16xi32>,
      %get3A_619 = arith.constant 0 : i32
      %get3A_620 = arith.index_cast %get3A_619 : i32 to index
      %get3A_621 = arith.index_cast %scan3A_555 : i32 to index
      %get3A_622 = arith.constant 64 : index
      %get3A_623 = tpu.vector_load %arg7[%get3A_620, %get3A_621, %get3A_622] {strides = array<i32>} : memref<4x5x80xi32, #tpu.memory_space<vmem>>, vector<1x1x16xi32>,
      %get3A_624 = vector.shape_cast %get3A_623 : vector<1x1x16xi32> to vector<16xi32>
      %add3A_625 = arith.addi %get3A_624, %get3A_624 : vector<16xi32>
      %add3A_626 = vector.broadcast %arg0 : i32 to vector<16xi32>
      %add3A_627 = arith.addi %add3A_625, %add3A_626 : vector<16xi32>
      %swap3A_628 = arith.constant 0 : i32
      %swap3A_629 = arith.index_cast %swap3A_628 : i32 to index
      %swap3A_630 = arith.index_cast %scan3A_555 : i32 to index
      %swap3A_631 = arith.constant 64 : index
      %swap3A_632 = tpu.vector_load %arg7[%swap3A_629, %swap3A_630, %swap3A_631] {strides = array<i32>} : memref<4x5x80xi32, #tpu.memory_space<vmem>>, vector<1x1x16xi32>,
      %swap3A_633 = vector.shape_cast %swap3A_632 : vector<1x1x16xi32> to vector<16xi32>
      %swap3A_634 = vector.shape_cast %add3A_627 : vector<16xi32> to vector<1x1x16xi32>
      tpu.vector_store %arg7[%swap3A_629, %swap3A_630, %swap3A_631], %swap3A_634 {strides = array<i32>} : memref<4x5x80xi32, #tpu.memory_space<vmem>>, vector<1x1x16xi32>,
    }
    %scan3A_278 = arith.constant 5 : i32
    %dma_start3A_279 = arith.constant 1 : i32
    %dma_start3A_280 = arith.constant 0 : i32
    %dma_start3A_281 = arith.constant 0 : i32
    %dma_start3A_282 = tpu.memref_slice %arg7[%dma_start3A_279, %dma_start3A_280, %dma_start3A_281] : memref<4x5x80xi32, #tpu.memory_space<vmem>> -> memref<1x5x80xi32, #tpu.memory_space<vmem>>
    %dma_start3A_283 = tpu.memref_squeeze %dma_start3A_282 : memref<1x5x80xi32, #tpu.memory_space<vmem>> -> memref<5x80xi32, #tpu.memory_space<vmem>>
    %dma_start3A_284 = arith.constant 5 : i32
    %dma_start3A_285 = arith.constant 0 : i32
    %dma_start3A_286 = tpu.memref_slice %arg3[%arg1, %dma_start3A_284, %dma_start3A_285] : memref<16x250x80xi32, #tpu.memory_space<hbm>> -> memref<1x5x80xi32, #tpu.memory_space<hbm>>
    %dma_start3A_287 = tpu.memref_squeeze %dma_start3A_286 : memref<1x5x80xi32, #tpu.memory_space<hbm>> -> memref<5x80xi32, #tpu.memory_space<hbm>>
    %dma_start3A_288 = arith.constant 0 : i32
    %dma_start3A_289 = arith.constant 0 : i32
    %dma_start3A_290 = tpu.memref_slice %arg7[%dma_start3A_279, %dma_start3A_288, %dma_start3A_289] : memref<4x5x80xi32, #tpu.memory_space<vmem>> -> memref<1x5x80xi32, #tpu.memory_space<vmem>>
    %dma_start3A_291 = tpu.memref_squeeze %dma_start3A_290 : memref<1x5x80xi32, #tpu.memory_space<vmem>> -> memref<5x80xi32, #tpu.memory_space<vmem>>
    %dma_start3A_292 = arith.constant 5 : i32
    %dma_start3A_293 = arith.constant 0 : i32
    %dma_start3A_294 = tpu.memref_slice %arg3[%arg1, %dma_start3A_292, %dma_start3A_293] : memref<16x250x80xi32, #tpu.memory_space<hbm>> -> memref<1x5x80xi32, #tpu.memory_space<hbm>>
    %dma_start3A_295 = tpu.memref_squeeze %dma_start3A_294 : memref<1x5x80xi32, #tpu.memory_space<hbm>> -> memref<5x80xi32, #tpu.memory_space<hbm>>
    tpu.enqueue_dma source(%dma_start3A_295 : memref<5x80xi32, #tpu.memory_space<hbm>>) target(%dma_start3A_291 : memref<5x80xi32, #tpu.memory_space<vmem>>) target_semaphore(%arg19 : memref<!tpu.dma_semaphore, #tpu.memory_space<semaphore_mem>>)
    %dma_start3A_296 = arith.constant 1 : i32
    %dma_start3A_297 = arith.constant 0 : i32
    %dma_start3A_298 = arith.constant 0 : i32
    %dma_start3A_299 = tpu.memref_slice %arg8[%dma_start3A_296, %dma_start3A_297, %dma_start3A_298] : memref<4x5x80xi32, #tpu.memory_space<vmem>> -> memref<1x5x80xi32, #tpu.memory_space<vmem>>
    %dma_start3A_300 = tpu.memref_squeeze %dma_start3A_299 : memref<1x5x80xi32, #tpu.memory_space<vmem>> -> memref<5x80xi32, #tpu.memory_space<vmem>>
    %dma_start3A_301 = arith.constant 5 : i32
    %dma_start3A_302 = arith.constant 0 : i32
    %dma_start3A_303 = tpu.memref_slice %arg4[%arg1, %dma_start3A_301, %dma_start3A_302] : memref<16x250x80xi32, #tpu.memory_space<hbm>> -> memref<1x5x80xi32, #tpu.memory_space<hbm>>
    %dma_start3A_304 = tpu.memref_squeeze %dma_start3A_303 : memref<1x5x80xi32, #tpu.memory_space<hbm>> -> memref<5x80xi32, #tpu.memory_space<hbm>>
    %dma_start3A_305 = arith.constant 0 : i32
    %dma_start3A_306 = arith.constant 0 : i32
    %dma_start3A_307 = tpu.memref_slice %arg8[%dma_start3A_296, %dma_start3A_305, %dma_start3A_306] : memref<4x5x80xi32, #tpu.memory_space<vmem>> -> memref<1x5x80xi32, #tpu.memory_space<vmem>>
    %dma_start3A_308 = tpu.memref_squeeze %dma_start3A_307 : memref<1x5x80xi32, #tpu.memory_space<vmem>> -> memref<5x80xi32, #tpu.memory_space<vmem>>
    %dma_start3A_309 = arith.constant 5 : i32
    %dma_start3A_310 = arith.constant 0 : i32
    %dma_start3A_311 = tpu.memref_slice %arg4[%arg1, %dma_start3A_309, %dma_start3A_310] : memref<16x250x80xi32, #tpu.memory_space<hbm>> -> memref<1x5x80xi32, #tpu.memory_space<hbm>>
    %dma_start3A_312 = tpu.memref_squeeze %dma_start3A_311 : memref<1x5x80xi32, #tpu.memory_space<hbm>> -> memref<5x80xi32, #tpu.memory_space<hbm>>
    tpu.enqueue_dma source(%dma_start3A_312 : memref<5x80xi32, #tpu.memory_space<hbm>>) target(%dma_start3A_308 : memref<5x80xi32, #tpu.memory_space<vmem>>) target_semaphore(%arg19 : memref<!tpu.dma_semaphore, #tpu.memory_space<semaphore_mem>>)
    %dma_start3A_313 = arith.constant 0 : i32
    %dma_start3A_314 = arith.constant 0 : i32
    %dma_start3A_315 = arith.constant 0 : i32
    %dma_start3A_316 = arith.constant 0 : i32
    %dma_start3A_317 = arith.constant 0 : i32
    %dma_start3A_318 = tpu.memref_slice %arg9[%dma_start3A_315, %dma_start3A_316, %dma_start3A_317] : memref<3x400x64xf32, #tpu.memory_space<vmem>> -> memref<1x80x64xf32, #tpu.memory_space<vmem>>
    %dma_start3A_319 = tpu.memref_squeeze %dma_start3A_318 : memref<1x80x64xf32, #tpu.memory_space<vmem>> -> memref<80x64xf32, #tpu.memory_space<vmem>>
    %dma_start3A_320 = arith.constant 0 : i32
    %dma_start3A_321 = tpu.memref_slice %arg7[%dma_start3A_313, %dma_start3A_314, %dma_start3A_320] : memref<4x5x80xi32, #tpu.memory_space<vmem>> -> memref<1x1x80xi32, #tpu.memory_space<vmem>>
    %dma_start3A_322 = tpu.memref_squeeze %dma_start3A_321 : memref<1x1x80xi32, #tpu.memory_space<vmem>> -> memref<80xi32, #tpu.memory_space<vmem>>
    %dma_start3A_323 = arith.constant 0 : i32
    %dma_start3A_324 = arith.constant 0 : i32
    %dma_start3A_325 = tpu.memref_slice %arg2[%dma_start3A_323, %dma_start3A_324] : memref<20000x64xf32, #tpu.memory_space<hbm>> -> memref<20000x64xf32, #tpu.memory_space<hbm>>
    tpu.enqueue_indirect_dma source(%dma_start3A_325 : memref<20000x64xf32, #tpu.memory_space<hbm>>) target(%dma_start3A_319 : memref<80x64xf32, #tpu.memory_space<vmem>>) offsets(%dma_start3A_322 : memref<80xi32, #tpu.memory_space<vmem>>) semaphore(%arg16 : memref<!tpu.dma_semaphore, #tpu.memory_space<semaphore_mem>>)
    %dma_start3A_326 = arith.constant 0 : i32
    %dma_start3A_327 = arith.constant 1 : i32
    %dma_start3A_328 = arith.constant 0 : i32
    %dma_start3A_329 = arith.constant 80 : i32
    %dma_start3A_330 = arith.constant 0 : i32
    %dma_start3A_331 = tpu.memref_slice %arg9[%dma_start3A_328, %dma_start3A_329, %dma_start3A_330] : memref<3x400x64xf32, #tpu.memory_space<vmem>> -> memref<1x80x64xf32, #tpu.memory_space<vmem>>
    %dma_start3A_332 = tpu.memref_squeeze %dma_start3A_331 : memref<1x80x64xf32, #tpu.memory_space<vmem>> -> memref<80x64xf32, #tpu.memory_space<vmem>>
    %dma_start3A_333 = arith.constant 0 : i32
    %dma_start3A_334 = tpu.memref_slice %arg7[%dma_start3A_326, %dma_start3A_327, %dma_start3A_333] : memref<4x5x80xi32, #tpu.memory_space<vmem>> -> memref<1x1x80xi32, #tpu.memory_space<vmem>>
    %dma_start3A_335 = tpu.memref_squeeze %dma_start3A_334 : memref<1x1x80xi32, #tpu.memory_space<vmem>> -> memref<80xi32, #tpu.memory_space<vmem>>
    %dma_start3A_336 = arith.constant 0 : i32
    %dma_start3A_337 = arith.constant 0 : i32
    %dma_start3A_338 = tpu.memref_slice %arg2[%dma_start3A_336, %dma_start3A_337] : memref<20000x64xf32, #tpu.memory_space<hbm>> -> memref<20000x64xf32, #tpu.memory_space<hbm>>
    tpu.enqueue_indirect_dma source(%dma_start3A_338 : memref<20000x64xf32, #tpu.memory_space<hbm>>) target(%dma_start3A_332 : memref<80x64xf32, #tpu.memory_space<vmem>>) offsets(%dma_start3A_335 : memref<80xi32, #tpu.memory_space<vmem>>) semaphore(%arg16 : memref<!tpu.dma_semaphore, #tpu.memory_space<semaphore_mem>>)
    %dma_start3A_339 = arith.constant 0 : i32
    %dma_start3A_340 = arith.constant 2 : i32
    %dma_start3A_341 = arith.constant 0 : i32
    %dma_start3A_342 = arith.constant 160 : i32
    %dma_start3A_343 = arith.constant 0 : i32
    %dma_start3A_344 = tpu.memref_slice %arg9[%dma_start3A_341, %dma_start3A_342, %dma_start3A_343] : memref<3x400x64xf32, #tpu.memory_space<vmem>> -> memref<1x80x64xf32, #tpu.memory_space<vmem>>
    %dma_start3A_345 = tpu.memref_squeeze %dma_start3A_344 : memref<1x80x64xf32, #tpu.memory_space<vmem>> -> memref<80x64xf32, #tpu.memory_space<vmem>>
    %dma_start3A_346 = arith.constant 0 : i32
    %dma_start3A_347 = tpu.memref_slice %arg7[%dma_start3A_339, %dma_start3A_340, %dma_start3A_346] : memref<4x5x80xi32, #tpu.memory_space<vmem>> -> memref<1x1x80xi32, #tpu.memory_space<vmem>>
    %dma_start3A_348 = tpu.memref_squeeze %dma_start3A_347 : memref<1x1x80xi32, #tpu.memory_space<vmem>> -> memref<80xi32, #tpu.memory_space<vmem>>
    %dma_start3A_349 = arith.constant 0 : i32
    %dma_start3A_350 = arith.constant 0 : i32
    %dma_start3A_351 = tpu.memref_slice %arg2[%dma_start3A_349, %dma_start3A_350] : memref<20000x64xf32, #tpu.memory_space<hbm>> -> memref<20000x64xf32, #tpu.memory_space<hbm>>
    tpu.enqueue_indirect_dma source(%dma_start3A_351 : memref<20000x64xf32, #tpu.memory_space<hbm>>) target(%dma_start3A_345 : memref<80x64xf32, #tpu.memory_space<vmem>>) offsets(%dma_start3A_348 : memref<80xi32, #tpu.memory_space<vmem>>) semaphore(%arg16 : memref<!tpu.dma_semaphore, #tpu.memory_space<semaphore_mem>>)
    %dma_start3A_352 = arith.constant 0 : i32
    %dma_start3A_353 = arith.constant 3 : i32
    %dma_start3A_354 = arith.constant 0 : i32
    %dma_start3A_355 = arith.constant 240 : i32
    %dma_start3A_356 = arith.constant 0 : i32
    %dma_start3A_357 = tpu.memref_slice %arg9[%dma_start3A_354, %dma_start3A_355, %dma_start3A_356] : memref<3x400x64xf32, #tpu.memory_space<vmem>> -> memref<1x80x64xf32, #tpu.memory_space<vmem>>
    %dma_start3A_358 = tpu.memref_squeeze %dma_start3A_357 : memref<1x80x64xf32, #tpu.memory_space<vmem>> -> memref<80x64xf32, #tpu.memory_space<vmem>>
    %dma_start3A_359 = arith.constant 0 : i32
    %dma_start3A_360 = tpu.memref_slice %arg7[%dma_start3A_352, %dma_start3A_353, %dma_start3A_359] : memref<4x5x80xi32, #tpu.memory_space<vmem>> -> memref<1x1x80xi32, #tpu.memory_space<vmem>>
    %dma_start3A_361 = tpu.memref_squeeze %dma_start3A_360 : memref<1x1x80xi32, #tpu.memory_space<vmem>> -> memref<80xi32, #tpu.memory_space<vmem>>
    %dma_start3A_362 = arith.constant 0 : i32
    %dma_start3A_363 = arith.constant 0 : i32
    %dma_start3A_364 = tpu.memref_slice %arg2[%dma_start3A_362, %dma_start3A_363] : memref<20000x64xf32, #tpu.memory_space<hbm>> -> memref<20000x64xf32, #tpu.memory_space<hbm>>
    tpu.enqueue_indirect_dma source(%dma_start3A_364 : memref<20000x64xf32, #tpu.memory_space<hbm>>) target(%dma_start3A_358 : memref<80x64xf32, #tpu.memory_space<vmem>>) offsets(%dma_start3A_361 : memref<80xi32, #tpu.memory_space<vmem>>) semaphore(%arg16 : memref<!tpu.dma_semaphore, #tpu.memory_space<semaphore_mem>>)
    %dma_start3A_365 = arith.constant 0 : i32
    %dma_start3A_366 = arith.constant 4 : i32
    %dma_start3A_367 = arith.constant 0 : i32
    %dma_start3A_368 = arith.constant 320 : i32
    %dma_start3A_369 = arith.constant 0 : i32
    %dma_start3A_370 = tpu.memref_slice %arg9[%dma_start3A_367, %dma_start3A_368, %dma_start3A_369] : memref<3x400x64xf32, #tpu.memory_space<vmem>> -> memref<1x80x64xf32, #tpu.memory_space<vmem>>
    %dma_start3A_371 = tpu.memref_squeeze %dma_start3A_370 : memref<1x80x64xf32, #tpu.memory_space<vmem>> -> memref<80x64xf32, #tpu.memory_space<vmem>>
    %dma_start3A_372 = arith.constant 0 : i32
    %dma_start3A_373 = tpu.memref_slice %arg7[%dma_start3A_365, %dma_start3A_366, %dma_start3A_372] : memref<4x5x80xi32, #tpu.memory_space<vmem>> -> memref<1x1x80xi32, #tpu.memory_space<vmem>>
    %dma_start3A_374 = tpu.memref_squeeze %dma_start3A_373 : memref<1x1x80xi32, #tpu.memory_space<vmem>> -> memref<80xi32, #tpu.memory_space<vmem>>
    %dma_start3A_375 = arith.constant 0 : i32
    %dma_start3A_376 = arith.constant 0 : i32
    %dma_start3A_377 = tpu.memref_slice %arg2[%dma_start3A_375, %dma_start3A_376] : memref<20000x64xf32, #tpu.memory_space<hbm>> -> memref<20000x64xf32, #tpu.memory_space<hbm>>
    tpu.enqueue_indirect_dma source(%dma_start3A_377 : memref<20000x64xf32, #tpu.memory_space<hbm>>) target(%dma_start3A_371 : memref<80x64xf32, #tpu.memory_space<vmem>>) offsets(%dma_start3A_374 : memref<80xi32, #tpu.memory_space<vmem>>) semaphore(%arg16 : memref<!tpu.dma_semaphore, #tpu.memory_space<semaphore_mem>>)
    %dma_wait3A_378 = arith.constant 1 : i32
    %dma_wait3A_379 = arith.constant 0 : i32
    %dma_wait3A_380 = arith.constant 0 : i32
    %dma_wait3A_381 = tpu.memref_slice %arg7[%dma_wait3A_378, %dma_wait3A_379, %dma_wait3A_380] : memref<4x5x80xi32, #tpu.memory_space<vmem>> -> memref<1x5x80xi32, #tpu.memory_space<vmem>>
    %dma_wait3A_382 = tpu.memref_squeeze %dma_wait3A_381 : memref<1x5x80xi32, #tpu.memory_space<vmem>> -> memref<5x80xi32, #tpu.memory_space<vmem>>
    %dma_wait3A_383 = arith.constant 5 : i32
    %dma_wait3A_384 = arith.constant 0 : i32
    %dma_wait3A_385 = tpu.memref_slice %arg3[%arg1, %dma_wait3A_383, %dma_wait3A_384] : memref<16x250x80xi32, #tpu.memory_space<hbm>> -> memref<1x5x80xi32, #tpu.memory_space<hbm>>
    %dma_wait3A_386 = tpu.memref_squeeze %dma_wait3A_385 : memref<1x5x80xi32, #tpu.memory_space<hbm>> -> memref<5x80xi32, #tpu.memory_space<hbm>>
    %dma_wait3A_387 = arith.constant 0 : i32
    %dma_wait3A_388 = arith.constant 0 : i32
    %dma_wait3A_389 = tpu.memref_slice %arg7[%dma_wait3A_378, %dma_wait3A_387, %dma_wait3A_388] : memref<4x5x80xi32, #tpu.memory_space<vmem>> -> memref<1x5x80xi32, #tpu.memory_space<vmem>>
    %dma_wait3A_390 = tpu.memref_squeeze %dma_wait3A_389 : memref<1x5x80xi32, #tpu.memory_space<vmem>> -> memref<5x80xi32, #tpu.memory_space<vmem>>
    %dma_wait3A_391 = arith.constant 5 : i32
    %dma_wait3A_392 = arith.constant 0 : i32
    %dma_wait3A_393 = tpu.memref_slice %arg3[%arg1, %dma_wait3A_391, %dma_wait3A_392] : memref<16x250x80xi32, #tpu.memory_space<hbm>> -> memref<1x5x80xi32, #tpu.memory_space<hbm>>
    %dma_wait3A_394 = tpu.memref_squeeze %dma_wait3A_393 : memref<1x5x80xi32, #tpu.memory_space<hbm>> -> memref<5x80xi32, #tpu.memory_space<hbm>>
    tpu.wait_dma2 semaphore(%arg19 : memref<!tpu.dma_semaphore, #tpu.memory_space<semaphore_mem>>) src(%dma_wait3A_394 : memref<5x80xi32, #tpu.memory_space<hbm>>) dst(%dma_wait3A_390 : memref<5x80xi32, #tpu.memory_space<vmem>>)
    %dma_wait3A_395 = arith.constant 1 : i32
    %dma_wait3A_396 = arith.constant 0 : i32
    %dma_wait3A_397 = arith.constant 0 : i32
    %dma_wait3A_398 = tpu.memref_slice %arg8[%dma_wait3A_395, %dma_wait3A_396, %dma_wait3A_397] : memref<4x5x80xi32, #tpu.memory_space<vmem>> -> memref<1x5x80xi32, #tpu.memory_space<vmem>>
    %dma_wait3A_399 = tpu.memref_squeeze %dma_wait3A_398 : memref<1x5x80xi32, #tpu.memory_space<vmem>> -> memref<5x80xi32, #tpu.memory_space<vmem>>
    %dma_wait3A_400 = arith.constant 5 : i32
    %dma_wait3A_401 = arith.constant 0 : i32
    %dma_wait3A_402 = tpu.memref_slice %arg4[%arg1, %dma_wait3A_400, %dma_wait3A_401] : memref<16x250x80xi32, #tpu.memory_space<hbm>> -> memref<1x5x80xi32, #tpu.memory_space<hbm>>
    %dma_wait3A_403 = tpu.memref_squeeze %dma_wait3A_402 : memref<1x5x80xi32, #tpu.memory_space<hbm>> -> memref<5x80xi32, #tpu.memory_space<hbm>>
    %dma_wait3A_404 = arith.constant 0 : i32
    %dma_wait3A_405 = arith.constant 0 : i32
    %dma_wait3A_406 = tpu.memref_slice %arg8[%dma_wait3A_395, %dma_wait3A_404, %dma_wait3A_405] : memref<4x5x80xi32, #tpu.memory_space<vmem>> -> memref<1x5x80xi32, #tpu.memory_space<vmem>>
    %dma_wait3A_407 = tpu.memref_squeeze %dma_wait3A_406 : memref<1x5x80xi32, #tpu.memory_space<vmem>> -> memref<5x80xi32, #tpu.memory_space<vmem>>
    %dma_wait3A_408 = arith.constant 5 : i32
    %dma_wait3A_409 = arith.constant 0 : i32
    %dma_wait3A_410 = tpu.memref_slice %arg4[%arg1, %dma_wait3A_408, %dma_wait3A_409] : memref<16x250x80xi32, #tpu.memory_space<hbm>> -> memref<1x5x80xi32, #tpu.memory_space<hbm>>
    %dma_wait3A_411 = tpu.memref_squeeze %dma_wait3A_410 : memref<1x5x80xi32, #tpu.memory_space<hbm>> -> memref<5x80xi32, #tpu.memory_space<hbm>>
    tpu.wait_dma2 semaphore(%arg19 : memref<!tpu.dma_semaphore, #tpu.memory_space<semaphore_mem>>) src(%dma_wait3A_411 : memref<5x80xi32, #tpu.memory_space<hbm>>) dst(%dma_wait3A_407 : memref<5x80xi32, #tpu.memory_space<vmem>>)
    %scan3A_412 = arith.constant 0 : i32
    %scan3A_413 = arith.constant 0 : i32
    %scan3A_414 = arith.constant 5 : i32
    %scan3A_415 = arith.addi %scan3A_413, %scan3A_414 : i32
    %scan3A_416 = arith.constant 1 : i32
    scf.for %scan3A_555 = %scan3A_413 to %scan3A_415 step %scan3A_416  : i32 {
      %get3A = arith.constant 1 : i32
      %get3A_556 = arith.index_cast %get3A : i32 to index
      %get3A_557 = arith.index_cast %scan3A_555 : i32 to index
      %get3A_558 = arith.constant 0 : index
      %get3A_559 = tpu.vector_load %arg7[%get3A_556, %get3A_557, %get3A_558] {strides = array<i32>} : memref<4x5x80xi32, #tpu.memory_space<vmem>>, vector<1x1x16xi32>,
      %get3A_560 = vector.shape_cast %get3A_559 : vector<1x1x16xi32> to vector<16xi32>
      %add3A_561 = arith.addi %get3A_560, %get3A_560 : vector<16xi32>
      %add3A_562 = vector.broadcast %arg0 : i32 to vector<16xi32>
      %add3A_563 = arith.addi %add3A_561, %add3A_562 : vector<16xi32>
      %swap3A_564 = arith.constant 1 : i32
      %swap3A_565 = arith.index_cast %swap3A_564 : i32 to index
      %swap3A_566 = arith.index_cast %scan3A_555 : i32 to index
      %swap3A_567 = arith.constant 0 : index
      %swap3A_568 = tpu.vector_load %arg7[%swap3A_565, %swap3A_566, %swap3A_567] {strides = array<i32>} : memref<4x5x80xi32, #tpu.memory_space<vmem>>, vector<1x1x16xi32>,
      %swap3A_569 = vector.shape_cast %swap3A_568 : vector<1x1x16xi32> to vector<16xi32>
      %swap3A_570 = vector.shape_cast %add3A_563 : vector<16xi32> to vector<1x1x16xi32>
      tpu.vector_store %arg7[%swap3A_565, %swap3A_566, %swap3A_567], %swap3A_570 {strides = array<i32>} : memref<4x5x80xi32, #tpu.memory_space<vmem>>, vector<1x1x16xi32>,
      %get3A_571 = arith.constant 1 : i32
      %get3A_572 = arith.index_cast %get3A_571 : i32 to index
      %get3A_573 = arith.index_cast %scan3A_555 : i32 to index
      %get3A_574 = arith.constant 16 : index
      %get3A_575 = tpu.vector_load %arg7[%get3A_572, %get3A_573, %get3A_574] {strides = array<i32>} : memref<4x5x80xi32, #tpu.memory_space<vmem>>, vector<1x1x16xi32>,
      %get3A_576 = vector.shape_cast %get3A_575 : vector<1x1x16xi32> to vector<16xi32>
      %add3A_577 = arith.addi %get3A_576, %get3A_576 : vector<16xi32>
      %add3A_578 = vector.broadcast %arg0 : i32 to vector<16xi32>
      %add3A_579 = arith.addi %add3A_577, %add3A_578 : vector<16xi32>
      %swap3A_580 = arith.constant 1 : i32
      %swap3A_581 = arith.index_cast %swap3A_580 : i32 to index
      %swap3A_582 = arith.index_cast %scan3A_555 : i32 to index
      %swap3A_583 = arith.constant 16 : index
      %swap3A_584 = tpu.vector_load %arg7[%swap3A_581, %swap3A_582, %swap3A_583] {strides = array<i32>} : memref<4x5x80xi32, #tpu.memory_space<vmem>>, vector<1x1x16xi32>,
      %swap3A_585 = vector.shape_cast %swap3A_584 : vector<1x1x16xi32> to vector<16xi32>
      %swap3A_586 = vector.shape_cast %add3A_579 : vector<16xi32> to vector<1x1x16xi32>
      tpu.vector_store %arg7[%swap3A_581, %swap3A_582, %swap3A_583], %swap3A_586 {strides = array<i32>} : memref<4x5x80xi32, #tpu.memory_space<vmem>>, vector<1x1x16xi32>,
      %get3A_587 = arith.constant 1 : i32
      %get3A_588 = arith.index_cast %get3A_587 : i32 to index
      %get3A_589 = arith.index_cast %scan3A_555 : i32 to index
      %get3A_590 = arith.constant 32 : index
      %get3A_591 = tpu.vector_load %arg7[%get3A_588, %get3A_589, %get3A_590] {strides = array<i32>} : memref<4x5x80xi32, #tpu.memory_space<vmem>>, vector<1x1x16xi32>,
      %get3A_592 = vector.shape_cast %get3A_591 : vector<1x1x16xi32> to vector<16xi32>
      %add3A_593 = arith.addi %get3A_592, %get3A_592 : vector<16xi32>
      %add3A_594 = vector.broadcast %arg0 : i32 to vector<16xi32>
      %add3A_595 = arith.addi %add3A_593, %add3A_594 : vector<16xi32>
      %swap3A_596 = arith.constant 1 : i32
      %swap3A_597 = arith.index_cast %swap3A_596 : i32 to index
      %swap3A_598 = arith.index_cast %scan3A_555 : i32 to index
      %swap3A_599 = arith.constant 32 : index
      %swap3A_600 = tpu.vector_load %arg7[%swap3A_597, %swap3A_598, %swap3A_599] {strides = array<i32>} : memref<4x5x80xi32, #tpu.memory_space<vmem>>, vector<1x1x16xi32>,
      %swap3A_601 = vector.shape_cast %swap3A_600 : vector<1x1x16xi32> to vector<16xi32>
      %swap3A_602 = vector.shape_cast %add3A_595 : vector<16xi32> to vector<1x1x16xi32>
      tpu.vector_store %arg7[%swap3A_597, %swap3A_598, %swap3A_599], %swap3A_602 {strides = array<i32>} : memref<4x5x80xi32, #tpu.memory_space<vmem>>, vector<1x1x16xi32>,
      %get3A_603 = arith.constant 1 : i32
      %get3A_604 = arith.index_cast %get3A_603 : i32 to index
      %get3A_605 = arith.index_cast %scan3A_555 : i32 to index
      %get3A_606 = arith.constant 48 : index
      %get3A_607 = tpu.vector_load %arg7[%get3A_604, %get3A_605, %get3A_606] {strides = array<i32>} : memref<4x5x80xi32, #tpu.memory_space<vmem>>, vector<1x1x16xi32>,
      %get3A_608 = vector.shape_cast %get3A_607 : vector<1x1x16xi32> to vector<16xi32>
      %add3A_609 = arith.addi %get3A_608, %get3A_608 : vector<16xi32>
      %add3A_610 = vector.broadcast %arg0 : i32 to vector<16xi32>
      %add3A_611 = arith.addi %add3A_609, %add3A_610 : vector<16xi32>
      %swap3A_612 = arith.constant 1 : i32
      %swap3A_613 = arith.index_cast %swap3A_612 : i32 to index
      %swap3A_614 = arith.index_cast %scan3A_555 : i32 to index
      %swap3A_615 = arith.constant 48 : index
      %swap3A_616 = tpu.vector_load %arg7[%swap3A_613, %swap3A_614, %swap3A_615] {strides = array<i32>} : memref<4x5x80xi32, #tpu.memory_space<vmem>>, vector<1x1x16xi32>,
      %swap3A_617 = vector.shape_cast %swap3A_616 : vector<1x1x16xi32> to vector<16xi32>
      %swap3A_618 = vector.shape_cast %add3A_611 : vector<16xi32> to vector<1x1x16xi32>
      tpu.vector_store %arg7[%swap3A_613, %swap3A_614, %swap3A_615], %swap3A_618 {strides = array<i32>} : memref<4x5x80xi32, #tpu.memory_space<vmem>>, vector<1x1x16xi32>,
      %get3A_619 = arith.constant 1 : i32
      %get3A_620 = arith.index_cast %get3A_619 : i32 to index
      %get3A_621 = arith.index_cast %scan3A_555 : i32 to index
      %get3A_622 = arith.constant 64 : index
      %get3A_623 = tpu.vector_load %arg7[%get3A_620, %get3A_621, %get3A_622] {strides = array<i32>} : memref<4x5x80xi32, #tpu.memory_space<vmem>>, vector<1x1x16xi32>,
      %get3A_624 = vector.shape_cast %get3A_623 : vector<1x1x16xi32> to vector<16xi32>
      %add3A_625 = arith.addi %get3A_624, %get3A_624 : vector<16xi32>
      %add3A_626 = vector.broadcast %arg0 : i32 to vector<16xi32>
      %add3A_627 = arith.addi %add3A_625, %add3A_626 : vector<16xi32>
      %swap3A_628 = arith.constant 1 : i32
      %swap3A_629 = arith.index_cast %swap3A_628 : i32 to index
      %swap3A_630 = arith.index_cast %scan3A_555 : i32 to index
      %swap3A_631 = arith.constant 64 : index
      %swap3A_632 = tpu.vector_load %arg7[%swap3A_629, %swap3A_630, %swap3A_631] {strides = array<i32>} : memref<4x5x80xi32, #tpu.memory_space<vmem>>, vector<1x1x16xi32>,
      %swap3A_633 = vector.shape_cast %swap3A_632 : vector<1x1x16xi32> to vector<16xi32>
      %swap3A_634 = vector.shape_cast %add3A_627 : vector<16xi32> to vector<1x1x16xi32>
      tpu.vector_store %arg7[%swap3A_629, %swap3A_630, %swap3A_631], %swap3A_634 {strides = array<i32>} : memref<4x5x80xi32, #tpu.memory_space<vmem>>, vector<1x1x16xi32>,
    }
    %scan3A_417 = arith.constant 5 : i32
    %dma_start3A_418 = arith.constant 1 : i32
    %dma_start3A_419 = arith.constant 0 : i32
    %dma_start3A_420 = arith.constant 1 : i32
    %dma_start3A_421 = arith.constant 0 : i32
    %dma_start3A_422 = arith.constant 0 : i32
    %dma_start3A_423 = tpu.memref_slice %arg9[%dma_start3A_420, %dma_start3A_421, %dma_start3A_422] : memref<3x400x64xf32, #tpu.memory_space<vmem>> -> memref<1x80x64xf32, #tpu.memory_space<vmem>>
    %dma_start3A_424 = tpu.memref_squeeze %dma_start3A_423 : memref<1x80x64xf32, #tpu.memory_space<vmem>> -> memref<80x64xf32, #tpu.memory_space<vmem>>
    %dma_start3A_425 = arith.constant 0 : i32
    %dma_start3A_426 = tpu.memref_slice %arg7[%dma_start3A_418, %dma_start3A_419, %dma_start3A_425] : memref<4x5x80xi32, #tpu.memory_space<vmem>> -> memref<1x1x80xi32, #tpu.memory_space<vmem>>
    %dma_start3A_427 = tpu.memref_squeeze %dma_start3A_426 : memref<1x1x80xi32, #tpu.memory_space<vmem>> -> memref<80xi32, #tpu.memory_space<vmem>>
    %dma_start3A_428 = arith.constant 0 : i32
    %dma_start3A_429 = arith.constant 0 : i32
    %dma_start3A_430 = tpu.memref_slice %arg2[%dma_start3A_428, %dma_start3A_429] : memref<20000x64xf32, #tpu.memory_space<hbm>> -> memref<20000x64xf32, #tpu.memory_space<hbm>>
    tpu.enqueue_indirect_dma source(%dma_start3A_430 : memref<20000x64xf32, #tpu.memory_space<hbm>>) target(%dma_start3A_424 : memref<80x64xf32, #tpu.memory_space<vmem>>) offsets(%dma_start3A_427 : memref<80xi32, #tpu.memory_space<vmem>>) semaphore(%arg16 : memref<!tpu.dma_semaphore, #tpu.memory_space<semaphore_mem>>)
    %dma_start3A_431 = arith.constant 1 : i32
    %dma_start3A_432 = arith.constant 1 : i32
    %dma_start3A_433 = arith.constant 1 : i32
    %dma_start3A_434 = arith.constant 80 : i32
    %dma_start3A_435 = arith.constant 0 : i32
    %dma_start3A_436 = tpu.memref_slice %arg9[%dma_start3A_433, %dma_start3A_434, %dma_start3A_435] : memref<3x400x64xf32, #tpu.memory_space<vmem>> -> memref<1x80x64xf32, #tpu.memory_space<vmem>>
    %dma_start3A_437 = tpu.memref_squeeze %dma_start3A_436 : memref<1x80x64xf32, #tpu.memory_space<vmem>> -> memref<80x64xf32, #tpu.memory_space<vmem>>
    %dma_start3A_438 = arith.constant 0 : i32
    %dma_start3A_439 = tpu.memref_slice %arg7[%dma_start3A_431, %dma_start3A_432, %dma_start3A_438] : memref<4x5x80xi32, #tpu.memory_space<vmem>> -> memref<1x1x80xi32, #tpu.memory_space<vmem>>
    %dma_start3A_440 = tpu.memref_squeeze %dma_start3A_439 : memref<1x1x80xi32, #tpu.memory_space<vmem>> -> memref<80xi32, #tpu.memory_space<vmem>>
    %dma_start3A_441 = arith.constant 0 : i32
    %dma_start3A_442 = arith.constant 0 : i32
    %dma_start3A_443 = tpu.memref_slice %arg2[%dma_start3A_441, %dma_start3A_442] : memref<20000x64xf32, #tpu.memory_space<hbm>> -> memref<20000x64xf32, #tpu.memory_space<hbm>>
    tpu.enqueue_indirect_dma source(%dma_start3A_443 : memref<20000x64xf32, #tpu.memory_space<hbm>>) target(%dma_start3A_437 : memref<80x64xf32, #tpu.memory_space<vmem>>) offsets(%dma_start3A_440 : memref<80xi32, #tpu.memory_space<vmem>>) semaphore(%arg16 : memref<!tpu.dma_semaphore, #tpu.memory_space<semaphore_mem>>)
    %dma_start3A_444 = arith.constant 1 : i32
    %dma_start3A_445 = arith.constant 2 : i32
    %dma_start3A_446 = arith.constant 1 : i32
    %dma_start3A_447 = arith.constant 160 : i32
    %dma_start3A_448 = arith.constant 0 : i32
    %dma_start3A_449 = tpu.memref_slice %arg9[%dma_start3A_446, %dma_start3A_447, %dma_start3A_448] : memref<3x400x64xf32, #tpu.memory_space<vmem>> -> memref<1x80x64xf32, #tpu.memory_space<vmem>>
    %dma_start3A_450 = tpu.memref_squeeze %dma_start3A_449 : memref<1x80x64xf32, #tpu.memory_space<vmem>> -> memref<80x64xf32, #tpu.memory_space<vmem>>
    %dma_start3A_451 = arith.constant 0 : i32
    %dma_start3A_452 = tpu.memref_slice %arg7[%dma_start3A_444, %dma_start3A_445, %dma_start3A_451] : memref<4x5x80xi32, #tpu.memory_space<vmem>> -> memref<1x1x80xi32, #tpu.memory_space<vmem>>
    %dma_start3A_453 = tpu.memref_squeeze %dma_start3A_452 : memref<1x1x80xi32, #tpu.memory_space<vmem>> -> memref<80xi32, #tpu.memory_space<vmem>>
    %dma_start3A_454 = arith.constant 0 : i32
    %dma_start3A_455 = arith.constant 0 : i32
    %dma_start3A_456 = tpu.memref_slice %arg2[%dma_start3A_454, %dma_start3A_455] : memref<20000x64xf32, #tpu.memory_space<hbm>> -> memref<20000x64xf32, #tpu.memory_space<hbm>>
    tpu.enqueue_indirect_dma source(%dma_start3A_456 : memref<20000x64xf32, #tpu.memory_space<hbm>>) target(%dma_start3A_450 : memref<80x64xf32, #tpu.memory_space<vmem>>) offsets(%dma_start3A_453 : memref<80xi32, #tpu.memory_space<vmem>>) semaphore(%arg16 : memref<!tpu.dma_semaphore, #tpu.memory_space<semaphore_mem>>)
    %dma_start3A_457 = arith.constant 1 : i32
    %dma_start3A_458 = arith.constant 3 : i32
    %dma_start3A_459 = arith.constant 1 : i32
    %dma_start3A_460 = arith.constant 240 : i32
    %dma_start3A_461 = arith.constant 0 : i32
    %dma_start3A_462 = tpu.memref_slice %arg9[%dma_start3A_459, %dma_start3A_460, %dma_start3A_461] : memref<3x400x64xf32, #tpu.memory_space<vmem>> -> memref<1x80x64xf32, #tpu.memory_space<vmem>>
    %dma_start3A_463 = tpu.memref_squeeze %dma_start3A_462 : memref<1x80x64xf32, #tpu.memory_space<vmem>> -> memref<80x64xf32, #tpu.memory_space<vmem>>
    %dma_start3A_464 = arith.constant 0 : i32
    %dma_start3A_465 = tpu.memref_slice %arg7[%dma_start3A_457, %dma_start3A_458, %dma_start3A_464] : memref<4x5x80xi32, #tpu.memory_space<vmem>> -> memref<1x1x80xi32, #tpu.memory_space<vmem>>
    %dma_start3A_466 = tpu.memref_squeeze %dma_start3A_465 : memref<1x1x80xi32, #tpu.memory_space<vmem>> -> memref<80xi32, #tpu.memory_space<vmem>>
    %dma_start3A_467 = arith.constant 0 : i32
    %dma_start3A_468 = arith.constant 0 : i32
    %dma_start3A_469 = tpu.memref_slice %arg2[%dma_start3A_467, %dma_start3A_468] : memref<20000x64xf32, #tpu.memory_space<hbm>> -> memref<20000x64xf32, #tpu.memory_space<hbm>>
    tpu.enqueue_indirect_dma source(%dma_start3A_469 : memref<20000x64xf32, #tpu.memory_space<hbm>>) target(%dma_start3A_463 : memref<80x64xf32, #tpu.memory_space<vmem>>) offsets(%dma_start3A_466 : memref<80xi32, #tpu.memory_space<vmem>>) semaphore(%arg16 : memref<!tpu.dma_semaphore, #tpu.memory_space<semaphore_mem>>)
    %dma_start3A_470 = arith.constant 1 : i32
    %dma_start3A_471 = arith.constant 4 : i32
    %dma_start3A_472 = arith.constant 1 : i32
    %dma_start3A_473 = arith.constant 320 : i32
    %dma_start3A_474 = arith.constant 0 : i32
    %dma_start3A_475 = tpu.memref_slice %arg9[%dma_start3A_472, %dma_start3A_473, %dma_start3A_474] : memref<3x400x64xf32, #tpu.memory_space<vmem>> -> memref<1x80x64xf32, #tpu.memory_space<vmem>>
    %dma_start3A_476 = tpu.memref_squeeze %dma_start3A_475 : memref<1x80x64xf32, #tpu.memory_space<vmem>> -> memref<80x64xf32, #tpu.memory_space<vmem>>
    %dma_start3A_477 = arith.constant 0 : i32
    %dma_start3A_478 = tpu.memref_slice %arg7[%dma_start3A_470, %dma_start3A_471, %dma_start3A_477] : memref<4x5x80xi32, #tpu.memory_space<vmem>> -> memref<1x1x80xi32, #tpu.memory_space<vmem>>
    %dma_start3A_479 = tpu.memref_squeeze %dma_start3A_478 : memref<1x1x80xi32, #tpu.memory_space<vmem>> -> memref<80xi32, #tpu.memory_space<vmem>>
    %dma_start3A_480 = arith.constant 0 : i32
    %dma_start3A_481 = arith.constant 0 : i32
    %dma_start3A_482 = tpu.memref_slice %arg2[%dma_start3A_480, %dma_start3A_481] : memref<20000x64xf32, #tpu.memory_space<hbm>> -> memref<20000x64xf32, #tpu.memory_space<hbm>>
    tpu.enqueue_indirect_dma source(%dma_start3A_482 : memref<20000x64xf32, #tpu.memory_space<hbm>>) target(%dma_start3A_476 : memref<80x64xf32, #tpu.memory_space<vmem>>) offsets(%dma_start3A_479 : memref<80xi32, #tpu.memory_space<vmem>>) semaphore(%arg16 : memref<!tpu.dma_semaphore, #tpu.memory_space<semaphore_mem>>)
    %scan3A_483 = arith.constant 0 : i32
    %scan3A_484 = arith.constant 0 : i32
    %scan3A_485 = arith.constant 50 : i32
    %scan3A_486 = arith.addi %scan3A_484, %scan3A_485 : i32
    %scan3A_487 = arith.constant 1 : i32
    scf.for %scan3A_555 = %scan3A_484 to %scan3A_486 step %scan3A_487  : i32 {
      %rem3A_556 = arith.constant 3 : i32
      %rem3A_557 = arith.remsi %scan3A_555, %rem3A_556 : i32
      %add3A_558 = arith.constant 2 : i32
      %add3A_559 = arith.addi %scan3A_555, %add3A_558 : i32
      %rem3A_560 = arith.constant 3 : i32
      %rem3A_561 = arith.remsi %add3A_559, %rem3A_560 : i32
      %rem3A_562 = arith.constant 4 : i32
      %rem3A_563 = arith.remsi %scan3A_555, %rem3A_562 : i32
      %add3A_564 = arith.constant 2 : i32
      %add3A_565 = arith.addi %scan3A_555, %add3A_564 : i32
      %rem3A_566 = arith.constant 4 : i32
      %rem3A_567 = arith.remsi %add3A_565, %rem3A_566 : i32
      %add3A_568 = arith.constant 2 : i32
      %add3A_569 = arith.addi %scan3A_555, %add3A_568 : i32
      %lt3A = arith.constant 50 : i32
      %lt3A_570 = arith.cmpi slt, %add3A_569, %lt3A : i32
      %convert_element_type3A = arith.extui %lt3A_570 : i1 to i32
      %cond3A = arith.constant 0 : i32
      %cond3A_571 = arith.cmpi ne, %convert_element_type3A, %cond3A : i32
      scf.if %cond3A_571 {
        %add3A_652 = arith.constant 2 : i32
        %add3A_653 = arith.addi %scan3A_555, %add3A_652 : i32
        %mul3A_654 = arith.constant 5 : i32
        %mul3A_655 = arith.muli %add3A_653, %mul3A_654 : i32
        %dma_start3A_656 = arith.constant 0 : i32
        %dma_start3A_657 = arith.constant 0 : i32
        %dma_start3A_658 = tpu.memref_slice %arg7[%rem3A_567, %dma_start3A_656, %dma_start3A_657] : memref<4x5x80xi32, #tpu.memory_space<vmem>> -> memref<1x5x80xi32, #tpu.memory_space<vmem>>
        %dma_start3A_659 = tpu.memref_squeeze %dma_start3A_658 : memref<1x5x80xi32, #tpu.memory_space<vmem>> -> memref<5x80xi32, #tpu.memory_space<vmem>>
        %dma_start3A_660 = arith.constant 0 : i32
        %dma_start3A_661 = tpu.memref_slice %arg3[%arg1, %mul3A_655, %dma_start3A_660] : memref<16x250x80xi32, #tpu.memory_space<hbm>> -> memref<1x5x80xi32, #tpu.memory_space<hbm>>
        %dma_start3A_662 = tpu.memref_squeeze %dma_start3A_661 : memref<1x5x80xi32, #tpu.memory_space<hbm>> -> memref<5x80xi32, #tpu.memory_space<hbm>>
        %dma_start3A_663 = arith.constant 0 : i32
        %dma_start3A_664 = arith.constant 0 : i32
        %dma_start3A_665 = tpu.memref_slice %arg7[%rem3A_567, %dma_start3A_663, %dma_start3A_664] : memref<4x5x80xi32, #tpu.memory_space<vmem>> -> memref<1x5x80xi32, #tpu.memory_space<vmem>>
        %dma_start3A_666 = tpu.memref_squeeze %dma_start3A_665 : memref<1x5x80xi32, #tpu.memory_space<vmem>> -> memref<5x80xi32, #tpu.memory_space<vmem>>
        %dma_start3A_667 = arith.constant 0 : i32
        %dma_start3A_668 = tpu.memref_slice %arg3[%arg1, %mul3A_655, %dma_start3A_667] : memref<16x250x80xi32, #tpu.memory_space<hbm>> -> memref<1x5x80xi32, #tpu.memory_space<hbm>>
        %dma_start3A_669 = tpu.memref_squeeze %dma_start3A_668 : memref<1x5x80xi32, #tpu.memory_space<hbm>> -> memref<5x80xi32, #tpu.memory_space<hbm>>
        tpu.enqueue_dma source(%dma_start3A_669 : memref<5x80xi32, #tpu.memory_space<hbm>>) target(%dma_start3A_666 : memref<5x80xi32, #tpu.memory_space<vmem>>) target_semaphore(%arg19 : memref<!tpu.dma_semaphore, #tpu.memory_space<semaphore_mem>>)
        %mul3A_670 = arith.constant 5 : i32
        %mul3A_671 = arith.muli %add3A_653, %mul3A_670 : i32
        %dma_start3A_672 = arith.constant 0 : i32
        %dma_start3A_673 = arith.constant 0 : i32
        %dma_start3A_674 = tpu.memref_slice %arg8[%rem3A_567, %dma_start3A_672, %dma_start3A_673] : memref<4x5x80xi32, #tpu.memory_space<vmem>> -> memref<1x5x80xi32, #tpu.memory_space<vmem>>
        %dma_start3A_675 = tpu.memref_squeeze %dma_start3A_674 : memref<1x5x80xi32, #tpu.memory_space<vmem>> -> memref<5x80xi32, #tpu.memory_space<vmem>>
        %dma_start3A_676 = arith.constant 0 : i32
        %dma_start3A_677 = tpu.memref_slice %arg4[%arg1, %mul3A_671, %dma_start3A_676] : memref<16x250x80xi32, #tpu.memory_space<hbm>> -> memref<1x5x80xi32, #tpu.memory_space<hbm>>
        %dma_start3A_678 = tpu.memref_squeeze %dma_start3A_677 : memref<1x5x80xi32, #tpu.memory_space<hbm>> -> memref<5x80xi32, #tpu.memory_space<hbm>>
        %dma_start3A_679 = arith.constant 0 : i32
        %dma_start3A_680 = arith.constant 0 : i32
        %dma_start3A_681 = tpu.memref_slice %arg8[%rem3A_567, %dma_start3A_679, %dma_start3A_680] : memref<4x5x80xi32, #tpu.memory_space<vmem>> -> memref<1x5x80xi32, #tpu.memory_space<vmem>>
        %dma_start3A_682 = tpu.memref_squeeze %dma_start3A_681 : memref<1x5x80xi32, #tpu.memory_space<vmem>> -> memref<5x80xi32, #tpu.memory_space<vmem>>
        %dma_start3A_683 = arith.constant 0 : i32
        %dma_start3A_684 = tpu.memref_slice %arg4[%arg1, %mul3A_671, %dma_start3A_683] : memref<16x250x80xi32, #tpu.memory_space<hbm>> -> memref<1x5x80xi32, #tpu.memory_space<hbm>>
        %dma_start3A_685 = tpu.memref_squeeze %dma_start3A_684 : memref<1x5x80xi32, #tpu.memory_space<hbm>> -> memref<5x80xi32, #tpu.memory_space<hbm>>
        tpu.enqueue_dma source(%dma_start3A_685 : memref<5x80xi32, #tpu.memory_space<hbm>>) target(%dma_start3A_682 : memref<5x80xi32, #tpu.memory_space<vmem>>) target_semaphore(%arg19 : memref<!tpu.dma_semaphore, #tpu.memory_space<semaphore_mem>>)
      } else {
      }
      %dma_wait3A_572 = arith.constant 0 : i32
      %dma_wait3A_573 = arith.constant 0 : i32
      %dma_wait3A_574 = tpu.memref_slice %arg9[%rem3A_557, %dma_wait3A_572, %dma_wait3A_573] : memref<3x400x64xf32, #tpu.memory_space<vmem>> -> memref<1x400x64xf32, #tpu.memory_space<vmem>>
      %dma_wait3A_575 = tpu.memref_squeeze %dma_wait3A_574 : memref<1x400x64xf32, #tpu.memory_space<vmem>> -> memref<400x64xf32, #tpu.memory_space<vmem>>
      %dma_wait3A_576 = arith.constant 0 : i32
      %dma_wait3A_577 = arith.constant 0 : i32
      %dma_wait3A_578 = tpu.memref_slice %arg2[%dma_wait3A_576, %dma_wait3A_577] : memref<20000x64xf32, #tpu.memory_space<hbm>> -> memref<400x64xf32, #tpu.memory_space<hbm>>
      %dma_wait3A_579 = arith.constant 0 : i32
      %dma_wait3A_580 = arith.constant 0 : i32
      %dma_wait3A_581 = tpu.memref_slice %arg9[%rem3A_557, %dma_wait3A_579, %dma_wait3A_580] : memref<3x400x64xf32, #tpu.memory_space<vmem>> -> memref<1x400x64xf32, #tpu.memory_space<vmem>>
      %dma_wait3A_582 = tpu.memref_squeeze %dma_wait3A_581 : memref<1x400x64xf32, #tpu.memory_space<vmem>> -> memref<400x64xf32, #tpu.memory_space<vmem>>
      %dma_wait3A_583 = arith.constant 0 : i32
      %dma_wait3A_584 = arith.constant 0 : i32
      %dma_wait3A_585 = tpu.memref_slice %arg2[%dma_wait3A_583, %dma_wait3A_584] : memref<20000x64xf32, #tpu.memory_space<hbm>> -> memref<400x64xf32, #tpu.memory_space<hbm>>
      tpu.wait_dma2 semaphore(%arg16 : memref<!tpu.dma_semaphore, #tpu.memory_space<semaphore_mem>>) src(%dma_wait3A_585 : memref<400x64xf32, #tpu.memory_space<hbm>>) dst(%dma_wait3A_582 : memref<400x64xf32, #tpu.memory_space<vmem>>)
      %dma_start3A_586 = arith.constant 0 : i32
      %dma_start3A_587 = arith.constant 0 : i32
      %dma_start3A_588 = arith.constant 0 : i32
      %dma_start3A_589 = tpu.memref_slice %arg9[%rem3A_557, %dma_start3A_587, %dma_start3A_588] : memref<3x400x64xf32, #tpu.memory_space<vmem>> -> memref<1x80x64xf32, #tpu.memory_space<vmem>>
      %dma_start3A_590 = tpu.memref_squeeze %dma_start3A_589 : memref<1x80x64xf32, #tpu.memory_space<vmem>> -> memref<80x64xf32, #tpu.memory_space<vmem>>
      %dma_start3A_591 = arith.constant 0 : i32
      %dma_start3A_592 = tpu.memref_slice %arg8[%rem3A_563, %dma_start3A_586, %dma_start3A_591] : memref<4x5x80xi32, #tpu.memory_space<vmem>> -> memref<1x1x80xi32, #tpu.memory_space<vmem>>
      %dma_start3A_593 = tpu.memref_squeeze %dma_start3A_592 : memref<1x1x80xi32, #tpu.memory_space<vmem>> -> memref<80xi32, #tpu.memory_space<vmem>>
      %dma_start3A_594 = arith.constant 0 : i32
      %dma_start3A_595 = arith.constant 0 : i32
      %dma_start3A_596 = tpu.memref_slice %arg14[%dma_start3A_594, %dma_start3A_595] : memref<10240x64xf32, #tpu.memory_space<vmem_shared>> -> memref<10240x64xf32, #tpu.memory_space<vmem_shared>>
      tpu.enqueue_indirect_dma source(%dma_start3A_590 : memref<80x64xf32, #tpu.memory_space<vmem>>) target(%dma_start3A_596 : memref<10240x64xf32, #tpu.memory_space<vmem_shared>>) offsets(%dma_start3A_593 : memref<80xi32, #tpu.memory_space<vmem>>) semaphore(%arg17 : memref<!tpu.dma_semaphore, #tpu.memory_space<semaphore_mem>>) {add = true}
      %dma_start3A_597 = arith.constant 1 : i32
      %dma_start3A_598 = arith.constant 80 : i32
      %dma_start3A_599 = arith.constant 0 : i32
      %dma_start3A_600 = tpu.memref_slice %arg9[%rem3A_557, %dma_start3A_598, %dma_start3A_599] : memref<3x400x64xf32, #tpu.memory_space<vmem>> -> memref<1x80x64xf32, #tpu.memory_space<vmem>>
      %dma_start3A_601 = tpu.memref_squeeze %dma_start3A_600 : memref<1x80x64xf32, #tpu.memory_space<vmem>> -> memref<80x64xf32, #tpu.memory_space<vmem>>
      %dma_start3A_602 = arith.constant 0 : i32
      %dma_start3A_603 = tpu.memref_slice %arg8[%rem3A_563, %dma_start3A_597, %dma_start3A_602] : memref<4x5x80xi32, #tpu.memory_space<vmem>> -> memref<1x1x80xi32, #tpu.memory_space<vmem>>
      %dma_start3A_604 = tpu.memref_squeeze %dma_start3A_603 : memref<1x1x80xi32, #tpu.memory_space<vmem>> -> memref<80xi32, #tpu.memory_space<vmem>>
      %dma_start3A_605 = arith.constant 0 : i32
      %dma_start3A_606 = arith.constant 0 : i32
      %dma_start3A_607 = tpu.memref_slice %arg14[%dma_start3A_605, %dma_start3A_606] : memref<10240x64xf32, #tpu.memory_space<vmem_shared>> -> memref<10240x64xf32, #tpu.memory_space<vmem_shared>>
      tpu.enqueue_indirect_dma source(%dma_start3A_601 : memref<80x64xf32, #tpu.memory_space<vmem>>) target(%dma_start3A_607 : memref<10240x64xf32, #tpu.memory_space<vmem_shared>>) offsets(%dma_start3A_604 : memref<80xi32, #tpu.memory_space<vmem>>) semaphore(%arg17 : memref<!tpu.dma_semaphore, #tpu.memory_space<semaphore_mem>>) {add = true}
      %dma_start3A_608 = arith.constant 2 : i32
      %dma_start3A_609 = arith.constant 160 : i32
      %dma_start3A_610 = arith.constant 0 : i32
      %dma_start3A_611 = tpu.memref_slice %arg9[%rem3A_557, %dma_start3A_609, %dma_start3A_610] : memref<3x400x64xf32, #tpu.memory_space<vmem>> -> memref<1x80x64xf32, #tpu.memory_space<vmem>>
      %dma_start3A_612 = tpu.memref_squeeze %dma_start3A_611 : memref<1x80x64xf32, #tpu.memory_space<vmem>> -> memref<80x64xf32, #tpu.memory_space<vmem>>
      %dma_start3A_613 = arith.constant 0 : i32
      %dma_start3A_614 = tpu.memref_slice %arg8[%rem3A_563, %dma_start3A_608, %dma_start3A_613] : memref<4x5x80xi32, #tpu.memory_space<vmem>> -> memref<1x1x80xi32, #tpu.memory_space<vmem>>
      %dma_start3A_615 = tpu.memref_squeeze %dma_start3A_614 : memref<1x1x80xi32, #tpu.memory_space<vmem>> -> memref<80xi32, #tpu.memory_space<vmem>>
      %dma_start3A_616 = arith.constant 0 : i32
      %dma_start3A_617 = arith.constant 0 : i32
      %dma_start3A_618 = tpu.memref_slice %arg14[%dma_start3A_616, %dma_start3A_617] : memref<10240x64xf32, #tpu.memory_space<vmem_shared>> -> memref<10240x64xf32, #tpu.memory_space<vmem_shared>>
      tpu.enqueue_indirect_dma source(%dma_start3A_612 : memref<80x64xf32, #tpu.memory_space<vmem>>) target(%dma_start3A_618 : memref<10240x64xf32, #tpu.memory_space<vmem_shared>>) offsets(%dma_start3A_615 : memref<80xi32, #tpu.memory_space<vmem>>) semaphore(%arg17 : memref<!tpu.dma_semaphore, #tpu.memory_space<semaphore_mem>>) {add = true}
      %dma_start3A_619 = arith.constant 3 : i32
      %dma_start3A_620 = arith.constant 240 : i32
      %dma_start3A_621 = arith.constant 0 : i32
      %dma_start3A_622 = tpu.memref_slice %arg9[%rem3A_557, %dma_start3A_620, %dma_start3A_621] : memref<3x400x64xf32, #tpu.memory_space<vmem>> -> memref<1x80x64xf32, #tpu.memory_space<vmem>>
      %dma_start3A_623 = tpu.memref_squeeze %dma_start3A_622 : memref<1x80x64xf32, #tpu.memory_space<vmem>> -> memref<80x64xf32, #tpu.memory_space<vmem>>
      %dma_start3A_624 = arith.constant 0 : i32
      %dma_start3A_625 = tpu.memref_slice %arg8[%rem3A_563, %dma_start3A_619, %dma_start3A_624] : memref<4x5x80xi32, #tpu.memory_space<vmem>> -> memref<1x1x80xi32, #tpu.memory_space<vmem>>
      %dma_start3A_626 = tpu.memref_squeeze %dma_start3A_625 : memref<1x1x80xi32, #tpu.memory_space<vmem>> -> memref<80xi32, #tpu.memory_space<vmem>>
      %dma_start3A_627 = arith.constant 0 : i32
      %dma_start3A_628 = arith.constant 0 : i32
      %dma_start3A_629 = tpu.memref_slice %arg14[%dma_start3A_627, %dma_start3A_628] : memref<10240x64xf32, #tpu.memory_space<vmem_shared>> -> memref<10240x64xf32, #tpu.memory_space<vmem_shared>>
      tpu.enqueue_indirect_dma source(%dma_start3A_623 : memref<80x64xf32, #tpu.memory_space<vmem>>) target(%dma_start3A_629 : memref<10240x64xf32, #tpu.memory_space<vmem_shared>>) offsets(%dma_start3A_626 : memref<80xi32, #tpu.memory_space<vmem>>) semaphore(%arg17 : memref<!tpu.dma_semaphore, #tpu.memory_space<semaphore_mem>>) {add = true}
      %dma_start3A_630 = arith.constant 4 : i32
      %dma_start3A_631 = arith.constant 320 : i32
      %dma_start3A_632 = arith.constant 0 : i32
      %dma_start3A_633 = tpu.memref_slice %arg9[%rem3A_557, %dma_start3A_631, %dma_start3A_632] : memref<3x400x64xf32, #tpu.memory_space<vmem>> -> memref<1x80x64xf32, #tpu.memory_space<vmem>>
      %dma_start3A_634 = tpu.memref_squeeze %dma_start3A_633 : memref<1x80x64xf32, #tpu.memory_space<vmem>> -> memref<80x64xf32, #tpu.memory_space<vmem>>
      %dma_start3A_635 = arith.constant 0 : i32
      %dma_start3A_636 = tpu.memref_slice %arg8[%rem3A_563, %dma_start3A_630, %dma_start3A_635] : memref<4x5x80xi32, #tpu.memory_space<vmem>> -> memref<1x1x80xi32, #tpu.memory_space<vmem>>
      %dma_start3A_637 = tpu.memref_squeeze %dma_start3A_636 : memref<1x1x80xi32, #tpu.memory_space<vmem>> -> memref<80xi32, #tpu.memory_space<vmem>>
      %dma_start3A_638 = arith.constant 0 : i32
      %dma_start3A_639 = arith.constant 0 : i32
      %dma_start3A_640 = tpu.memref_slice %arg14[%dma_start3A_638, %dma_start3A_639] : memref<10240x64xf32, #tpu.memory_space<vmem_shared>> -> memref<10240x64xf32, #tpu.memory_space<vmem_shared>>
      tpu.enqueue_indirect_dma source(%dma_start3A_634 : memref<80x64xf32, #tpu.memory_space<vmem>>) target(%dma_start3A_640 : memref<10240x64xf32, #tpu.memory_space<vmem_shared>>) offsets(%dma_start3A_637 : memref<80xi32, #tpu.memory_space<vmem>>) semaphore(%arg17 : memref<!tpu.dma_semaphore, #tpu.memory_space<semaphore_mem>>) {add = true}
      %gt3A = arith.constant 0 : i32
      %gt3A_641 = arith.cmpi sgt, %scan3A_555, %gt3A : i32
      %convert_element_type3A_642 = arith.extui %gt3A_641 : i1 to i32
      %cond3A_643 = arith.constant 0 : i32
      %cond3A_644 = arith.cmpi ne, %convert_element_type3A_642, %cond3A_643 : i32
      scf.if %cond3A_644 {
        %dma_wait3A_652 = arith.constant 0 : i32
        %dma_wait3A_653 = arith.constant 0 : i32
        %dma_wait3A_654 = tpu.memref_slice %arg9[%rem3A_561, %dma_wait3A_652, %dma_wait3A_653] : memref<3x400x64xf32, #tpu.memory_space<vmem>> -> memref<1x400x64xf32, #tpu.memory_space<vmem>>
        %dma_wait3A_655 = tpu.memref_squeeze %dma_wait3A_654 : memref<1x400x64xf32, #tpu.memory_space<vmem>> -> memref<400x64xf32, #tpu.memory_space<vmem>>
        %dma_wait3A_656 = arith.constant 0 : i32
        %dma_wait3A_657 = arith.constant 0 : i32
        %dma_wait3A_658 = tpu.memref_slice %arg2[%dma_wait3A_656, %dma_wait3A_657] : memref<20000x64xf32, #tpu.memory_space<hbm>> -> memref<400x64xf32, #tpu.memory_space<hbm>>
        %dma_wait3A_659 = arith.constant 0 : i32
        %dma_wait3A_660 = arith.constant 0 : i32
        %dma_wait3A_661 = tpu.memref_slice %arg9[%rem3A_561, %dma_wait3A_659, %dma_wait3A_660] : memref<3x400x64xf32, #tpu.memory_space<vmem>> -> memref<1x400x64xf32, #tpu.memory_space<vmem>>
        %dma_wait3A_662 = tpu.memref_squeeze %dma_wait3A_661 : memref<1x400x64xf32, #tpu.memory_space<vmem>> -> memref<400x64xf32, #tpu.memory_space<vmem>>
        %dma_wait3A_663 = arith.constant 0 : i32
        %dma_wait3A_664 = arith.constant 0 : i32
        %dma_wait3A_665 = tpu.memref_slice %arg2[%dma_wait3A_663, %dma_wait3A_664] : memref<20000x64xf32, #tpu.memory_space<hbm>> -> memref<400x64xf32, #tpu.memory_space<hbm>>
        tpu.wait_dma2 semaphore(%arg17 : memref<!tpu.dma_semaphore, #tpu.memory_space<semaphore_mem>>) src(%dma_wait3A_665 : memref<400x64xf32, #tpu.memory_space<hbm>>) dst(%dma_wait3A_662 : memref<400x64xf32, #tpu.memory_space<vmem>>)
      } else {
      }
      %add3A_645 = arith.constant 2 : i32
      %add3A_646 = arith.addi %scan3A_555, %add3A_645 : i32
      %lt3A_647 = arith.constant 50 : i32
      %lt3A_648 = arith.cmpi slt, %add3A_646, %lt3A_647 : i32
      %convert_element_type3A_649 = arith.extui %lt3A_648 : i1 to i32
      %cond3A_650 = arith.constant 0 : i32
      %cond3A_651 = arith.cmpi ne, %convert_element_type3A_649, %cond3A_650 : i32
      scf.if %cond3A_651 {
        %dma_wait3A_652 = arith.constant 0 : i32
        %dma_wait3A_653 = arith.constant 0 : i32
        %dma_wait3A_654 = tpu.memref_slice %arg7[%rem3A_567, %dma_wait3A_652, %dma_wait3A_653] : memref<4x5x80xi32, #tpu.memory_space<vmem>> -> memref<1x5x80xi32, #tpu.memory_space<vmem>>
        %dma_wait3A_655 = tpu.memref_squeeze %dma_wait3A_654 : memref<1x5x80xi32, #tpu.memory_space<vmem>> -> memref<5x80xi32, #tpu.memory_space<vmem>>
        %dma_wait3A_656 = arith.constant 0 : i32
        %dma_wait3A_657 = arith.constant 0 : i32
        %dma_wait3A_658 = tpu.memref_slice %arg3[%arg1, %dma_wait3A_656, %dma_wait3A_657] : memref<16x250x80xi32, #tpu.memory_space<hbm>> -> memref<1x5x80xi32, #tpu.memory_space<hbm>>
        %dma_wait3A_659 = tpu.memref_squeeze %dma_wait3A_658 : memref<1x5x80xi32, #tpu.memory_space<hbm>> -> memref<5x80xi32, #tpu.memory_space<hbm>>
        %dma_wait3A_660 = arith.constant 0 : i32
        %dma_wait3A_661 = arith.constant 0 : i32
        %dma_wait3A_662 = tpu.memref_slice %arg7[%rem3A_567, %dma_wait3A_660, %dma_wait3A_661] : memref<4x5x80xi32, #tpu.memory_space<vmem>> -> memref<1x5x80xi32, #tpu.memory_space<vmem>>
        %dma_wait3A_663 = tpu.memref_squeeze %dma_wait3A_662 : memref<1x5x80xi32, #tpu.memory_space<vmem>> -> memref<5x80xi32, #tpu.memory_space<vmem>>
        %dma_wait3A_664 = arith.constant 0 : i32
        %dma_wait3A_665 = arith.constant 0 : i32
        %dma_wait3A_666 = tpu.memref_slice %arg3[%arg1, %dma_wait3A_664, %dma_wait3A_665] : memref<16x250x80xi32, #tpu.memory_space<hbm>> -> memref<1x5x80xi32, #tpu.memory_space<hbm>>
        %dma_wait3A_667 = tpu.memref_squeeze %dma_wait3A_666 : memref<1x5x80xi32, #tpu.memory_space<hbm>> -> memref<5x80xi32, #tpu.memory_space<hbm>>
        tpu.wait_dma2 semaphore(%arg19 : memref<!tpu.dma_semaphore, #tpu.memory_space<semaphore_mem>>) src(%dma_wait3A_667 : memref<5x80xi32, #tpu.memory_space<hbm>>) dst(%dma_wait3A_663 : memref<5x80xi32, #tpu.memory_space<vmem>>)
        %dma_wait3A_668 = arith.constant 0 : i32
        %dma_wait3A_669 = arith.constant 0 : i32
        %dma_wait3A_670 = tpu.memref_slice %arg8[%rem3A_567, %dma_wait3A_668, %dma_wait3A_669] : memref<4x5x80xi32, #tpu.memory_space<vmem>> -> memref<1x5x80xi32, #tpu.memory_space<vmem>>
        %dma_wait3A_671 = tpu.memref_squeeze %dma_wait3A_670 : memref<1x5x80xi32, #tpu.memory_space<vmem>> -> memref<5x80xi32, #tpu.memory_space<vmem>>
        %dma_wait3A_672 = arith.constant 0 : i32
        %dma_wait3A_673 = arith.constant 0 : i32
        %dma_wait3A_674 = tpu.memref_slice %arg4[%arg1, %dma_wait3A_672, %dma_wait3A_673] : memref<16x250x80xi32, #tpu.memory_space<hbm>> -> memref<1x5x80xi32, #tpu.memory_space<hbm>>
        %dma_wait3A_675 = tpu.memref_squeeze %dma_wait3A_674 : memref<1x5x80xi32, #tpu.memory_space<hbm>> -> memref<5x80xi32, #tpu.memory_space<hbm>>
        %dma_wait3A_676 = arith.constant 0 : i32
        %dma_wait3A_677 = arith.constant 0 : i32
        %dma_wait3A_678 = tpu.memref_slice %arg8[%rem3A_567, %dma_wait3A_676, %dma_wait3A_677] : memref<4x5x80xi32, #tpu.memory_space<vmem>> -> memref<1x5x80xi32, #tpu.memory_space<vmem>>
        %dma_wait3A_679 = tpu.memref_squeeze %dma_wait3A_678 : memref<1x5x80xi32, #tpu.memory_space<vmem>> -> memref<5x80xi32, #tpu.memory_space<vmem>>
        %dma_wait3A_680 = arith.constant 0 : i32
        %dma_wait3A_681 = arith.constant 0 : i32
        %dma_wait3A_682 = tpu.memref_slice %arg4[%arg1, %dma_wait3A_680, %dma_wait3A_681] : memref<16x250x80xi32, #tpu.memory_space<hbm>> -> memref<1x5x80xi32, #tpu.memory_space<hbm>>
        %dma_wait3A_683 = tpu.memref_squeeze %dma_wait3A_682 : memref<1x5x80xi32, #tpu.memory_space<hbm>> -> memref<5x80xi32, #tpu.memory_space<hbm>>
        tpu.wait_dma2 semaphore(%arg19 : memref<!tpu.dma_semaphore, #tpu.memory_space<semaphore_mem>>) src(%dma_wait3A_683 : memref<5x80xi32, #tpu.memory_space<hbm>>) dst(%dma_wait3A_679 : memref<5x80xi32, #tpu.memory_space<vmem>>)
        %scan3A_684 = arith.constant 0 : i32
        %scan3A_685 = arith.constant 0 : i32
        %scan3A_686 = arith.constant 5 : i32
        %scan3A_687 = arith.addi %scan3A_685, %scan3A_686 : i32
        %scan3A_688 = arith.constant 1 : i32
        scf.for %scan3A_745 = %scan3A_685 to %scan3A_687 step %scan3A_688  : i32 {
          %get3A = arith.index_cast %rem3A_567 : i32 to index
          %get3A_746 = arith.index_cast %scan3A_745 : i32 to index
          %get3A_747 = arith.constant 0 : index
          %get3A_748 = tpu.vector_load %arg7[%get3A, %get3A_746, %get3A_747] {strides = array<i32>} : memref<4x5x80xi32, #tpu.memory_space<vmem>>, vector<1x1x16xi32>,
          %get3A_749 = vector.shape_cast %get3A_748 : vector<1x1x16xi32> to vector<16xi32>
          %add3A_750 = arith.addi %get3A_749, %get3A_749 : vector<16xi32>
          %add3A_751 = vector.broadcast %arg0 : i32 to vector<16xi32>
          %add3A_752 = arith.addi %add3A_750, %add3A_751 : vector<16xi32>
          %swap3A_753 = arith.index_cast %rem3A_567 : i32 to index
          %swap3A_754 = arith.index_cast %scan3A_745 : i32 to index
          %swap3A_755 = arith.constant 0 : index
          %swap3A_756 = tpu.vector_load %arg7[%swap3A_753, %swap3A_754, %swap3A_755] {strides = array<i32>} : memref<4x5x80xi32, #tpu.memory_space<vmem>>, vector<1x1x16xi32>,
          %swap3A_757 = vector.shape_cast %swap3A_756 : vector<1x1x16xi32> to vector<16xi32>
          %swap3A_758 = vector.shape_cast %add3A_752 : vector<16xi32> to vector<1x1x16xi32>
          tpu.vector_store %arg7[%swap3A_753, %swap3A_754, %swap3A_755], %swap3A_758 {strides = array<i32>} : memref<4x5x80xi32, #tpu.memory_space<vmem>>, vector<1x1x16xi32>,
          %get3A_759 = arith.index_cast %rem3A_567 : i32 to index
          %get3A_760 = arith.index_cast %scan3A_745 : i32 to index
          %get3A_761 = arith.constant 16 : index
          %get3A_762 = tpu.vector_load %arg7[%get3A_759, %get3A_760, %get3A_761] {strides = array<i32>} : memref<4x5x80xi32, #tpu.memory_space<vmem>>, vector<1x1x16xi32>,
          %get3A_763 = vector.shape_cast %get3A_762 : vector<1x1x16xi32> to vector<16xi32>
          %add3A_764 = arith.addi %get3A_763, %get3A_763 : vector<16xi32>
          %add3A_765 = vector.broadcast %arg0 : i32 to vector<16xi32>
          %add3A_766 = arith.addi %add3A_764, %add3A_765 : vector<16xi32>
          %swap3A_767 = arith.index_cast %rem3A_567 : i32 to index
          %swap3A_768 = arith.index_cast %scan3A_745 : i32 to index
          %swap3A_769 = arith.constant 16 : index
          %swap3A_770 = tpu.vector_load %arg7[%swap3A_767, %swap3A_768, %swap3A_769] {strides = array<i32>} : memref<4x5x80xi32, #tpu.memory_space<vmem>>, vector<1x1x16xi32>,
          %swap3A_771 = vector.shape_cast %swap3A_770 : vector<1x1x16xi32> to vector<16xi32>
          %swap3A_772 = vector.shape_cast %add3A_766 : vector<16xi32> to vector<1x1x16xi32>
          tpu.vector_store %arg7[%swap3A_767, %swap3A_768, %swap3A_769], %swap3A_772 {strides = array<i32>} : memref<4x5x80xi32, #tpu.memory_space<vmem>>, vector<1x1x16xi32>,
          %get3A_773 = arith.index_cast %rem3A_567 : i32 to index
          %get3A_774 = arith.index_cast %scan3A_745 : i32 to index
          %get3A_775 = arith.constant 32 : index
          %get3A_776 = tpu.vector_load %arg7[%get3A_773, %get3A_774, %get3A_775] {strides = array<i32>} : memref<4x5x80xi32, #tpu.memory_space<vmem>>, vector<1x1x16xi32>,
          %get3A_777 = vector.shape_cast %get3A_776 : vector<1x1x16xi32> to vector<16xi32>
          %add3A_778 = arith.addi %get3A_777, %get3A_777 : vector<16xi32>
          %add3A_779 = vector.broadcast %arg0 : i32 to vector<16xi32>
          %add3A_780 = arith.addi %add3A_778, %add3A_779 : vector<16xi32>
          %swap3A_781 = arith.index_cast %rem3A_567 : i32 to index
          %swap3A_782 = arith.index_cast %scan3A_745 : i32 to index
          %swap3A_783 = arith.constant 32 : index
          %swap3A_784 = tpu.vector_load %arg7[%swap3A_781, %swap3A_782, %swap3A_783] {strides = array<i32>} : memref<4x5x80xi32, #tpu.memory_space<vmem>>, vector<1x1x16xi32>,
          %swap3A_785 = vector.shape_cast %swap3A_784 : vector<1x1x16xi32> to vector<16xi32>
          %swap3A_786 = vector.shape_cast %add3A_780 : vector<16xi32> to vector<1x1x16xi32>
          tpu.vector_store %arg7[%swap3A_781, %swap3A_782, %swap3A_783], %swap3A_786 {strides = array<i32>} : memref<4x5x80xi32, #tpu.memory_space<vmem>>, vector<1x1x16xi32>,
          %get3A_787 = arith.index_cast %rem3A_567 : i32 to index
          %get3A_788 = arith.index_cast %scan3A_745 : i32 to index
          %get3A_789 = arith.constant 48 : index
          %get3A_790 = tpu.vector_load %arg7[%get3A_787, %get3A_788, %get3A_789] {strides = array<i32>} : memref<4x5x80xi32, #tpu.memory_space<vmem>>, vector<1x1x16xi32>,
          %get3A_791 = vector.shape_cast %get3A_790 : vector<1x1x16xi32> to vector<16xi32>
          %add3A_792 = arith.addi %get3A_791, %get3A_791 : vector<16xi32>
          %add3A_793 = vector.broadcast %arg0 : i32 to vector<16xi32>
          %add3A_794 = arith.addi %add3A_792, %add3A_793 : vector<16xi32>
          %swap3A_795 = arith.index_cast %rem3A_567 : i32 to index
          %swap3A_796 = arith.index_cast %scan3A_745 : i32 to index
          %swap3A_797 = arith.constant 48 : index
          %swap3A_798 = tpu.vector_load %arg7[%swap3A_795, %swap3A_796, %swap3A_797] {strides = array<i32>} : memref<4x5x80xi32, #tpu.memory_space<vmem>>, vector<1x1x16xi32>,
          %swap3A_799 = vector.shape_cast %swap3A_798 : vector<1x1x16xi32> to vector<16xi32>
          %swap3A_800 = vector.shape_cast %add3A_794 : vector<16xi32> to vector<1x1x16xi32>
          tpu.vector_store %arg7[%swap3A_795, %swap3A_796, %swap3A_797], %swap3A_800 {strides = array<i32>} : memref<4x5x80xi32, #tpu.memory_space<vmem>>, vector<1x1x16xi32>,
          %get3A_801 = arith.index_cast %rem3A_567 : i32 to index
          %get3A_802 = arith.index_cast %scan3A_745 : i32 to index
          %get3A_803 = arith.constant 64 : index
          %get3A_804 = tpu.vector_load %arg7[%get3A_801, %get3A_802, %get3A_803] {strides = array<i32>} : memref<4x5x80xi32, #tpu.memory_space<vmem>>, vector<1x1x16xi32>,
          %get3A_805 = vector.shape_cast %get3A_804 : vector<1x1x16xi32> to vector<16xi32>
          %add3A_806 = arith.addi %get3A_805, %get3A_805 : vector<16xi32>
          %add3A_807 = vector.broadcast %arg0 : i32 to vector<16xi32>
          %add3A_808 = arith.addi %add3A_806, %add3A_807 : vector<16xi32>
          %swap3A_809 = arith.index_cast %rem3A_567 : i32 to index
          %swap3A_810 = arith.index_cast %scan3A_745 : i32 to index
          %swap3A_811 = arith.constant 64 : index
          %swap3A_812 = tpu.vector_load %arg7[%swap3A_809, %swap3A_810, %swap3A_811] {strides = array<i32>} : memref<4x5x80xi32, #tpu.memory_space<vmem>>, vector<1x1x16xi32>,
          %swap3A_813 = vector.shape_cast %swap3A_812 : vector<1x1x16xi32> to vector<16xi32>
          %swap3A_814 = vector.shape_cast %add3A_808 : vector<16xi32> to vector<1x1x16xi32>
          tpu.vector_store %arg7[%swap3A_809, %swap3A_810, %swap3A_811], %swap3A_814 {strides = array<i32>} : memref<4x5x80xi32, #tpu.memory_space<vmem>>, vector<1x1x16xi32>,
        }
        %scan3A_689 = arith.constant 5 : i32
        %dma_start3A_690 = arith.constant 0 : i32
        %dma_start3A_691 = arith.constant 0 : i32
        %dma_start3A_692 = arith.constant 0 : i32
        %dma_start3A_693 = tpu.memref_slice %arg9[%rem3A_561, %dma_start3A_691, %dma_start3A_692] : memref<3x400x64xf32, #tpu.memory_space<vmem>> -> memref<1x80x64xf32, #tpu.memory_space<vmem>>
        %dma_start3A_694 = tpu.memref_squeeze %dma_start3A_693 : memref<1x80x64xf32, #tpu.memory_space<vmem>> -> memref<80x64xf32, #tpu.memory_space<vmem>>
        %dma_start3A_695 = arith.constant 0 : i32
        %dma_start3A_696 = tpu.memref_slice %arg7[%rem3A_567, %dma_start3A_690, %dma_start3A_695] : memref<4x5x80xi32, #tpu.memory_space<vmem>> -> memref<1x1x80xi32, #tpu.memory_space<vmem>>
        %dma_start3A_697 = tpu.memref_squeeze %dma_start3A_696 : memref<1x1x80xi32, #tpu.memory_space<vmem>> -> memref<80xi32, #tpu.memory_space<vmem>>
        %dma_start3A_698 = arith.constant 0 : i32
        %dma_start3A_699 = arith.constant 0 : i32
        %dma_start3A_700 = tpu.memref_slice %arg2[%dma_start3A_698, %dma_start3A_699] : memref<20000x64xf32, #tpu.memory_space<hbm>> -> memref<20000x64xf32, #tpu.memory_space<hbm>>
        tpu.enqueue_indirect_dma source(%dma_start3A_700 : memref<20000x64xf32, #tpu.memory_space<hbm>>) target(%dma_start3A_694 : memref<80x64xf32, #tpu.memory_space<vmem>>) offsets(%dma_start3A_697 : memref<80xi32, #tpu.memory_space<vmem>>) semaphore(%arg16 : memref<!tpu.dma_semaphore, #tpu.memory_space<semaphore_mem>>)
        %dma_start3A_701 = arith.constant 1 : i32
        %dma_start3A_702 = arith.constant 80 : i32
        %dma_start3A_703 = arith.constant 0 : i32
        %dma_start3A_704 = tpu.memref_slice %arg9[%rem3A_561, %dma_start3A_702, %dma_start3A_703] : memref<3x400x64xf32, #tpu.memory_space<vmem>> -> memref<1x80x64xf32, #tpu.memory_space<vmem>>
        %dma_start3A_705 = tpu.memref_squeeze %dma_start3A_704 : memref<1x80x64xf32, #tpu.memory_space<vmem>> -> memref<80x64xf32, #tpu.memory_space<vmem>>
        %dma_start3A_706 = arith.constant 0 : i32
        %dma_start3A_707 = tpu.memref_slice %arg7[%rem3A_567, %dma_start3A_701, %dma_start3A_706] : memref<4x5x80xi32, #tpu.memory_space<vmem>> -> memref<1x1x80xi32, #tpu.memory_space<vmem>>
        %dma_start3A_708 = tpu.memref_squeeze %dma_start3A_707 : memref<1x1x80xi32, #tpu.memory_space<vmem>> -> memref<80xi32, #tpu.memory_space<vmem>>
        %dma_start3A_709 = arith.constant 0 : i32
        %dma_start3A_710 = arith.constant 0 : i32
        %dma_start3A_711 = tpu.memref_slice %arg2[%dma_start3A_709, %dma_start3A_710] : memref<20000x64xf32, #tpu.memory_space<hbm>> -> memref<20000x64xf32, #tpu.memory_space<hbm>>
        tpu.enqueue_indirect_dma source(%dma_start3A_711 : memref<20000x64xf32, #tpu.memory_space<hbm>>) target(%dma_start3A_705 : memref<80x64xf32, #tpu.memory_space<vmem>>) offsets(%dma_start3A_708 : memref<80xi32, #tpu.memory_space<vmem>>) semaphore(%arg16 : memref<!tpu.dma_semaphore, #tpu.memory_space<semaphore_mem>>)
        %dma_start3A_712 = arith.constant 2 : i32
        %dma_start3A_713 = arith.constant 160 : i32
        %dma_start3A_714 = arith.constant 0 : i32
        %dma_start3A_715 = tpu.memref_slice %arg9[%rem3A_561, %dma_start3A_713, %dma_start3A_714] : memref<3x400x64xf32, #tpu.memory_space<vmem>> -> memref<1x80x64xf32, #tpu.memory_space<vmem>>
        %dma_start3A_716 = tpu.memref_squeeze %dma_start3A_715 : memref<1x80x64xf32, #tpu.memory_space<vmem>> -> memref<80x64xf32, #tpu.memory_space<vmem>>
        %dma_start3A_717 = arith.constant 0 : i32
        %dma_start3A_718 = tpu.memref_slice %arg7[%rem3A_567, %dma_start3A_712, %dma_start3A_717] : memref<4x5x80xi32, #tpu.memory_space<vmem>> -> memref<1x1x80xi32, #tpu.memory_space<vmem>>
        %dma_start3A_719 = tpu.memref_squeeze %dma_start3A_718 : memref<1x1x80xi32, #tpu.memory_space<vmem>> -> memref<80xi32, #tpu.memory_space<vmem>>
        %dma_start3A_720 = arith.constant 0 : i32
        %dma_start3A_721 = arith.constant 0 : i32
        %dma_start3A_722 = tpu.memref_slice %arg2[%dma_start3A_720, %dma_start3A_721] : memref<20000x64xf32, #tpu.memory_space<hbm>> -> memref<20000x64xf32, #tpu.memory_space<hbm>>
        tpu.enqueue_indirect_dma source(%dma_start3A_722 : memref<20000x64xf32, #tpu.memory_space<hbm>>) target(%dma_start3A_716 : memref<80x64xf32, #tpu.memory_space<vmem>>) offsets(%dma_start3A_719 : memref<80xi32, #tpu.memory_space<vmem>>) semaphore(%arg16 : memref<!tpu.dma_semaphore, #tpu.memory_space<semaphore_mem>>)
        %dma_start3A_723 = arith.constant 3 : i32
        %dma_start3A_724 = arith.constant 240 : i32
        %dma_start3A_725 = arith.constant 0 : i32
        %dma_start3A_726 = tpu.memref_slice %arg9[%rem3A_561, %dma_start3A_724, %dma_start3A_725] : memref<3x400x64xf32, #tpu.memory_space<vmem>> -> memref<1x80x64xf32, #tpu.memory_space<vmem>>
        %dma_start3A_727 = tpu.memref_squeeze %dma_start3A_726 : memref<1x80x64xf32, #tpu.memory_space<vmem>> -> memref<80x64xf32, #tpu.memory_space<vmem>>
        %dma_start3A_728 = arith.constant 0 : i32
        %dma_start3A_729 = tpu.memref_slice %arg7[%rem3A_567, %dma_start3A_723, %dma_start3A_728] : memref<4x5x80xi32, #tpu.memory_space<vmem>> -> memref<1x1x80xi32, #tpu.memory_space<vmem>>
        %dma_start3A_730 = tpu.memref_squeeze %dma_start3A_729 : memref<1x1x80xi32, #tpu.memory_space<vmem>> -> memref<80xi32, #tpu.memory_space<vmem>>
        %dma_start3A_731 = arith.constant 0 : i32
        %dma_start3A_732 = arith.constant 0 : i32
        %dma_start3A_733 = tpu.memref_slice %arg2[%dma_start3A_731, %dma_start3A_732] : memref<20000x64xf32, #tpu.memory_space<hbm>> -> memref<20000x64xf32, #tpu.memory_space<hbm>>
        tpu.enqueue_indirect_dma source(%dma_start3A_733 : memref<20000x64xf32, #tpu.memory_space<hbm>>) target(%dma_start3A_727 : memref<80x64xf32, #tpu.memory_space<vmem>>) offsets(%dma_start3A_730 : memref<80xi32, #tpu.memory_space<vmem>>) semaphore(%arg16 : memref<!tpu.dma_semaphore, #tpu.memory_space<semaphore_mem>>)
        %dma_start3A_734 = arith.constant 4 : i32
        %dma_start3A_735 = arith.constant 320 : i32
        %dma_start3A_736 = arith.constant 0 : i32
        %dma_start3A_737 = tpu.memref_slice %arg9[%rem3A_561, %dma_start3A_735, %dma_start3A_736] : memref<3x400x64xf32, #tpu.memory_space<vmem>> -> memref<1x80x64xf32, #tpu.memory_space<vmem>>
        %dma_start3A_738 = tpu.memref_squeeze %dma_start3A_737 : memref<1x80x64xf32, #tpu.memory_space<vmem>> -> memref<80x64xf32, #tpu.memory_space<vmem>>
        %dma_start3A_739 = arith.constant 0 : i32
        %dma_start3A_740 = tpu.memref_slice %arg7[%rem3A_567, %dma_start3A_734, %dma_start3A_739] : memref<4x5x80xi32, #tpu.memory_space<vmem>> -> memref<1x1x80xi32, #tpu.memory_space<vmem>>
        %dma_start3A_741 = tpu.memref_squeeze %dma_start3A_740 : memref<1x1x80xi32, #tpu.memory_space<vmem>> -> memref<80xi32, #tpu.memory_space<vmem>>
        %dma_start3A_742 = arith.constant 0 : i32
        %dma_start3A_743 = arith.constant 0 : i32
        %dma_start3A_744 = tpu.memref_slice %arg2[%dma_start3A_742, %dma_start3A_743] : memref<20000x64xf32, #tpu.memory_space<hbm>> -> memref<20000x64xf32, #tpu.memory_space<hbm>>
        tpu.enqueue_indirect_dma source(%dma_start3A_744 : memref<20000x64xf32, #tpu.memory_space<hbm>>) target(%dma_start3A_738 : memref<80x64xf32, #tpu.memory_space<vmem>>) offsets(%dma_start3A_741 : memref<80xi32, #tpu.memory_space<vmem>>) semaphore(%arg16 : memref<!tpu.dma_semaphore, #tpu.memory_space<semaphore_mem>>)
      } else {
      }
    }
    %scan3A_488 = arith.constant 50 : i32
    %rem3A = arith.constant 49 : i32
    %rem3A_489 = arith.constant 3 : i32
    %rem3A_490 = arith.remsi %rem3A, %rem3A_489 : i32
    %dma_wait3A_491 = arith.constant 0 : i32
    %dma_wait3A_492 = arith.constant 0 : i32
    %dma_wait3A_493 = tpu.memref_slice %arg9[%rem3A_490, %dma_wait3A_491, %dma_wait3A_492] : memref<3x400x64xf32, #tpu.memory_space<vmem>> -> memref<1x400x64xf32, #tpu.memory_space<vmem>>
    %dma_wait3A_494 = tpu.memref_squeeze %dma_wait3A_493 : memref<1x400x64xf32, #tpu.memory_space<vmem>> -> memref<400x64xf32, #tpu.memory_space<vmem>>
    %dma_wait3A_495 = arith.constant 0 : i32
    %dma_wait3A_496 = arith.constant 0 : i32
    %dma_wait3A_497 = tpu.memref_slice %arg2[%dma_wait3A_495, %dma_wait3A_496] : memref<20000x64xf32, #tpu.memory_space<hbm>> -> memref<400x64xf32, #tpu.memory_space<hbm>>
    %dma_wait3A_498 = arith.constant 0 : i32
    %dma_wait3A_499 = arith.constant 0 : i32
    %dma_wait3A_500 = tpu.memref_slice %arg9[%rem3A_490, %dma_wait3A_498, %dma_wait3A_499] : memref<3x400x64xf32, #tpu.memory_space<vmem>> -> memref<1x400x64xf32, #tpu.memory_space<vmem>>
    %dma_wait3A_501 = tpu.memref_squeeze %dma_wait3A_500 : memref<1x400x64xf32, #tpu.memory_space<vmem>> -> memref<400x64xf32, #tpu.memory_space<vmem>>
    %dma_wait3A_502 = arith.constant 0 : i32
    %dma_wait3A_503 = arith.constant 0 : i32
    %dma_wait3A_504 = tpu.memref_slice %arg2[%dma_wait3A_502, %dma_wait3A_503] : memref<20000x64xf32, #tpu.memory_space<hbm>> -> memref<400x64xf32, #tpu.memory_space<hbm>>
    tpu.wait_dma2 semaphore(%arg17 : memref<!tpu.dma_semaphore, #tpu.memory_space<semaphore_mem>>) src(%dma_wait3A_504 : memref<400x64xf32, #tpu.memory_space<hbm>>) dst(%dma_wait3A_501 : memref<400x64xf32, #tpu.memory_space<vmem>>)
    %barrier3A_505 = arith.constant 0 : index
    tpu.barrier barrier_id(%barrier3A_505)
    %add3A_506 = arith.constant 0 : i32
    %add3A_507 = arith.addi %mul3A_0, %add3A_506 : i32
    %dma_start3A_508 = arith.constant 0 : i32
    %dma_start3A_509 = arith.constant 0 : i32
    %dma_start3A_510 = arith.constant 0 : i32
    %dma_start3A_511 = tpu.memref_slice %arg9[%dma_start3A_508, %dma_start3A_509, %dma_start3A_510] : memref<3x400x64xf32, #tpu.memory_space<vmem>> -> memref<1x80x64xf32, #tpu.memory_space<vmem>>
    %dma_start3A_512 = tpu.memref_squeeze %dma_start3A_511 : memref<1x80x64xf32, #tpu.memory_space<vmem>> -> memref<80x64xf32, #tpu.memory_space<vmem>>
    %dma_start3A_513 = arith.constant 0 : i32
    %dma_start3A_514 = tpu.memref_slice %arg14[%add3A_507, %dma_start3A_513] : memref<10240x64xf32, #tpu.memory_space<vmem_shared>> -> memref<80x64xf32, #tpu.memory_space<vmem_shared>>
    %dma_start3A_515 = arith.constant 0 : i32
    %dma_start3A_516 = arith.constant 0 : i32
    %dma_start3A_517 = tpu.memref_slice %arg9[%dma_start3A_508, %dma_start3A_515, %dma_start3A_516] : memref<3x400x64xf32, #tpu.memory_space<vmem>> -> memref<1x80x64xf32, #tpu.memory_space<vmem>>
    %dma_start3A_518 = tpu.memref_squeeze %dma_start3A_517 : memref<1x80x64xf32, #tpu.memory_space<vmem>> -> memref<80x64xf32, #tpu.memory_space<vmem>>
    %dma_start3A_519 = arith.constant 0 : i32
    %dma_start3A_520 = tpu.memref_slice %arg14[%add3A_507, %dma_start3A_519] : memref<10240x64xf32, #tpu.memory_space<vmem_shared>> -> memref<80x64xf32, #tpu.memory_space<vmem_shared>>
    tpu.enqueue_dma source(%dma_start3A_520 : memref<80x64xf32, #tpu.memory_space<vmem_shared>>) target(%dma_start3A_518 : memref<80x64xf32, #tpu.memory_space<vmem>>) target_semaphore(%arg16 : memref<!tpu.dma_semaphore, #tpu.memory_space<semaphore_mem>>)
    %add3A_521 = arith.constant 0 : i32
    %add3A_522 = arith.addi %mul3A_0, %add3A_521 : i32
    %dma_start3A_523 = arith.constant 0 : i32
    %dma_start3A_524 = arith.constant 0 : i32
    %dma_start3A_525 = tpu.memref_slice %arg12[%dma_start3A_523, %dma_start3A_524] : memref<2x96xf32, #tpu.memory_space<vmem>> -> memref<1x80xf32, #tpu.memory_space<vmem>>
    %dma_start3A_526 = tpu.memref_squeeze %dma_start3A_525 : memref<1x80xf32, #tpu.memory_space<vmem>> -> memref<80xf32, #tpu.memory_space<vmem>>
    %dma_start3A_527 = tpu.memref_slice %arg5[%add3A_522] : memref<10240xf32, #tpu.memory_space<hbm>> -> memref<80xf32, #tpu.memory_space<hbm>>
    %dma_start3A_528 = arith.constant 0 : i32
    %dma_start3A_529 = tpu.memref_slice %arg12[%dma_start3A_523, %dma_start3A_528] : memref<2x96xf32, #tpu.memory_space<vmem>> -> memref<1x80xf32, #tpu.memory_space<vmem>>
    %dma_start3A_530 = tpu.memref_squeeze %dma_start3A_529 : memref<1x80xf32, #tpu.memory_space<vmem>> -> memref<80xf32, #tpu.memory_space<vmem>>
    %dma_start3A_531 = tpu.memref_slice %arg5[%add3A_522] : memref<10240xf32, #tpu.memory_space<hbm>> -> memref<80xf32, #tpu.memory_space<hbm>>
    tpu.enqueue_dma source(%dma_start3A_531 : memref<80xf32, #tpu.memory_space<hbm>>) target(%dma_start3A_530 : memref<80xf32, #tpu.memory_space<vmem>>) target_semaphore(%arg19 : memref<!tpu.dma_semaphore, #tpu.memory_space<semaphore_mem>>)
    %scan3A_532 = arith.constant 0 : i32
    %scan3A_533 = arith.constant 0 : i32
    %scan3A_534 = arith.constant 8 : i32
    %scan3A_535 = arith.addi %scan3A_533, %scan3A_534 : i32
    %scan3A_536 = arith.constant 1 : i32
    scf.for %scan3A_555 = %scan3A_533 to %scan3A_535 step %scan3A_536  : i32 {
      %rem3A_556 = arith.constant 2 : i32
      %rem3A_557 = arith.remsi %scan3A_555, %rem3A_556 : i32
      %sub3A = arith.constant 1 : i32
      %sub3A_558 = arith.subi %sub3A, %rem3A_557 : i32
      %mul3A_559 = arith.constant 80 : i32
      %mul3A_560 = arith.muli %scan3A_555, %mul3A_559 : i32
      %add3A_561 = arith.addi %mul3A_0, %mul3A_560 : i32
      %dma_wait3A_562 = arith.constant 0 : i32
      %dma_wait3A_563 = arith.constant 0 : i32
      %dma_wait3A_564 = tpu.memref_slice %arg9[%rem3A_557, %dma_wait3A_562, %dma_wait3A_563] : memref<3x400x64xf32, #tpu.memory_space<vmem>> -> memref<1x80x64xf32, #tpu.memory_space<vmem>>
      %dma_wait3A_565 = tpu.memref_squeeze %dma_wait3A_564 : memref<1x80x64xf32, #tpu.memory_space<vmem>> -> memref<80x64xf32, #tpu.memory_space<vmem>>
      %dma_wait3A_566 = arith.constant 0 : i32
      %dma_wait3A_567 = arith.constant 0 : i32
      %dma_wait3A_568 = tpu.memref_slice %arg2[%dma_wait3A_566, %dma_wait3A_567] : memref<20000x64xf32, #tpu.memory_space<hbm>> -> memref<80x64xf32, #tpu.memory_space<hbm>>
      %dma_wait3A_569 = arith.constant 0 : i32
      %dma_wait3A_570 = arith.constant 0 : i32
      %dma_wait3A_571 = tpu.memref_slice %arg9[%rem3A_557, %dma_wait3A_569, %dma_wait3A_570] : memref<3x400x64xf32, #tpu.memory_space<vmem>> -> memref<1x80x64xf32, #tpu.memory_space<vmem>>
      %dma_wait3A_572 = tpu.memref_squeeze %dma_wait3A_571 : memref<1x80x64xf32, #tpu.memory_space<vmem>> -> memref<80x64xf32, #tpu.memory_space<vmem>>
      %dma_wait3A_573 = arith.constant 0 : i32
      %dma_wait3A_574 = arith.constant 0 : i32
      %dma_wait3A_575 = tpu.memref_slice %arg2[%dma_wait3A_573, %dma_wait3A_574] : memref<20000x64xf32, #tpu.memory_space<hbm>> -> memref<80x64xf32, #tpu.memory_space<hbm>>
      tpu.wait_dma2 semaphore(%arg16 : memref<!tpu.dma_semaphore, #tpu.memory_space<semaphore_mem>>) src(%dma_wait3A_575 : memref<80x64xf32, #tpu.memory_space<hbm>>) dst(%dma_wait3A_572 : memref<80x64xf32, #tpu.memory_space<vmem>>)
      %dma_wait3A_576 = arith.constant 0 : i32
      %dma_wait3A_577 = tpu.memref_slice %arg12[%rem3A_557, %dma_wait3A_576] : memref<2x96xf32, #tpu.memory_space<vmem>> -> memref<1x80xf32, #tpu.memory_space<vmem>>
      %dma_wait3A_578 = tpu.memref_squeeze %dma_wait3A_577 : memref<1x80xf32, #tpu.memory_space<vmem>> -> memref<80xf32, #tpu.memory_space<vmem>>
      %dma_wait3A_579 = arith.constant 0 : i32
      %dma_wait3A_580 = tpu.memref_slice %arg5[%dma_wait3A_579] : memref<10240xf32, #tpu.memory_space<hbm>> -> memref<80xf32, #tpu.memory_space<hbm>>
      %dma_wait3A_581 = arith.constant 0 : i32
      %dma_wait3A_582 = tpu.memref_slice %arg12[%rem3A_557, %dma_wait3A_581] : memref<2x96xf32, #tpu.memory_space<vmem>> -> memref<1x80xf32, #tpu.memory_space<vmem>>
      %dma_wait3A_583 = tpu.memref_squeeze %dma_wait3A_582 : memref<1x80xf32, #tpu.memory_space<vmem>> -> memref<80xf32, #tpu.memory_space<vmem>>
      %dma_wait3A_584 = arith.constant 0 : i32
      %dma_wait3A_585 = tpu.memref_slice %arg5[%dma_wait3A_584] : memref<10240xf32, #tpu.memory_space<hbm>> -> memref<80xf32, #tpu.memory_space<hbm>>
      tpu.wait_dma2 semaphore(%arg19 : memref<!tpu.dma_semaphore, #tpu.memory_space<semaphore_mem>>) src(%dma_wait3A_585 : memref<80xf32, #tpu.memory_space<hbm>>) dst(%dma_wait3A_583 : memref<80xf32, #tpu.memory_space<vmem>>)
      %gt3A = arith.constant 0 : i32
      %gt3A_586 = arith.cmpi sgt, %scan3A_555, %gt3A : i32
      %convert_element_type3A = arith.extui %gt3A_586 : i1 to i32
      %cond3A = arith.constant 0 : i32
      %cond3A_587 = arith.cmpi ne, %convert_element_type3A, %cond3A : i32
      scf.if %cond3A_587 {
        %dma_wait3A_614 = arith.constant 0 : i32
        %dma_wait3A_615 = arith.constant 0 : i32
        %dma_wait3A_616 = tpu.memref_slice %arg9[%sub3A_558, %dma_wait3A_614, %dma_wait3A_615] : memref<3x400x64xf32, #tpu.memory_space<vmem>> -> memref<1x80x64xf32, #tpu.memory_space<vmem>>
        %dma_wait3A_617 = tpu.memref_squeeze %dma_wait3A_616 : memref<1x80x64xf32, #tpu.memory_space<vmem>> -> memref<80x64xf32, #tpu.memory_space<vmem>>
        %dma_wait3A_618 = arith.constant 0 : i32
        %dma_wait3A_619 = arith.constant 0 : i32
        %dma_wait3A_620 = tpu.memref_slice %arg2[%dma_wait3A_618, %dma_wait3A_619] : memref<20000x64xf32, #tpu.memory_space<hbm>> -> memref<80x64xf32, #tpu.memory_space<hbm>>
        %dma_wait3A_621 = arith.constant 0 : i32
        %dma_wait3A_622 = arith.constant 0 : i32
        %dma_wait3A_623 = tpu.memref_slice %arg9[%sub3A_558, %dma_wait3A_621, %dma_wait3A_622] : memref<3x400x64xf32, #tpu.memory_space<vmem>> -> memref<1x80x64xf32, #tpu.memory_space<vmem>>
        %dma_wait3A_624 = tpu.memref_squeeze %dma_wait3A_623 : memref<1x80x64xf32, #tpu.memory_space<vmem>> -> memref<80x64xf32, #tpu.memory_space<vmem>>
        %dma_wait3A_625 = arith.constant 0 : i32
        %dma_wait3A_626 = arith.constant 0 : i32
        %dma_wait3A_627 = tpu.memref_slice %arg2[%dma_wait3A_625, %dma_wait3A_626] : memref<20000x64xf32, #tpu.memory_space<hbm>> -> memref<80x64xf32, #tpu.memory_space<hbm>>
        tpu.wait_dma2 semaphore(%arg17 : memref<!tpu.dma_semaphore, #tpu.memory_space<semaphore_mem>>) src(%dma_wait3A_627 : memref<80x64xf32, #tpu.memory_space<hbm>>) dst(%dma_wait3A_624 : memref<80x64xf32, #tpu.memory_space<vmem>>)
      } else {
      }
      %add3A_588 = arith.constant 1 : i32
      %add3A_589 = arith.addi %scan3A_555, %add3A_588 : i32
      %lt3A = arith.constant 8 : i32
      %lt3A_590 = arith.cmpi slt, %add3A_589, %lt3A : i32
      %convert_element_type3A_591 = arith.extui %lt3A_590 : i1 to i32
      %cond3A_592 = arith.constant 0 : i32
      %cond3A_593 = arith.cmpi ne, %convert_element_type3A_591, %cond3A_592 : i32
      scf.if %cond3A_593 {
        %add3A_614 = arith.constant 1 : i32
        %add3A_615 = arith.addi %scan3A_555, %add3A_614 : i32
        %mul3A_616 = arith.constant 80 : i32
        %mul3A_617 = arith.muli %add3A_615, %mul3A_616 : i32
        %add3A_618 = arith.addi %mul3A_0, %mul3A_617 : i32
        %dma_start3A_619 = arith.constant 0 : i32
        %dma_start3A_620 = arith.constant 0 : i32
        %dma_start3A_621 = tpu.memref_slice %arg9[%sub3A_558, %dma_start3A_619, %dma_start3A_620] : memref<3x400x64xf32, #tpu.memory_space<vmem>> -> memref<1x80x64xf32, #tpu.memory_space<vmem>>
        %dma_start3A_622 = tpu.memref_squeeze %dma_start3A_621 : memref<1x80x64xf32, #tpu.memory_space<vmem>> -> memref<80x64xf32, #tpu.memory_space<vmem>>
        %dma_start3A_623 = arith.constant 0 : i32
        %dma_start3A_624 = tpu.memref_slice %arg14[%add3A_618, %dma_start3A_623] : memref<10240x64xf32, #tpu.memory_space<vmem_shared>> -> memref<80x64xf32, #tpu.memory_space<vmem_shared>>
        %dma_start3A_625 = arith.constant 0 : i32
        %dma_start3A_626 = arith.constant 0 : i32
        %dma_start3A_627 = tpu.memref_slice %arg9[%sub3A_558, %dma_start3A_625, %dma_start3A_626] : memref<3x400x64xf32, #tpu.memory_space<vmem>> -> memref<1x80x64xf32, #tpu.memory_space<vmem>>
        %dma_start3A_628 = tpu.memref_squeeze %dma_start3A_627 : memref<1x80x64xf32, #tpu.memory_space<vmem>> -> memref<80x64xf32, #tpu.memory_space<vmem>>
        %dma_start3A_629 = arith.constant 0 : i32
        %dma_start3A_630 = tpu.memref_slice %arg14[%add3A_618, %dma_start3A_629] : memref<10240x64xf32, #tpu.memory_space<vmem_shared>> -> memref<80x64xf32, #tpu.memory_space<vmem_shared>>
        tpu.enqueue_dma source(%dma_start3A_630 : memref<80x64xf32, #tpu.memory_space<vmem_shared>>) target(%dma_start3A_628 : memref<80x64xf32, #tpu.memory_space<vmem>>) target_semaphore(%arg16 : memref<!tpu.dma_semaphore, #tpu.memory_space<semaphore_mem>>)
        %mul3A_631 = arith.constant 80 : i32
        %mul3A_632 = arith.muli %add3A_615, %mul3A_631 : i32
        %add3A_633 = arith.addi %mul3A_0, %mul3A_632 : i32
        %dma_start3A_634 = arith.constant 0 : i32
        %dma_start3A_635 = tpu.memref_slice %arg12[%sub3A_558, %dma_start3A_634] : memref<2x96xf32, #tpu.memory_space<vmem>> -> memref<1x80xf32, #tpu.memory_space<vmem>>
        %dma_start3A_636 = tpu.memref_squeeze %dma_start3A_635 : memref<1x80xf32, #tpu.memory_space<vmem>> -> memref<80xf32, #tpu.memory_space<vmem>>
        %dma_start3A_637 = tpu.memref_slice %arg5[%add3A_633] : memref<10240xf32, #tpu.memory_space<hbm>> -> memref<80xf32, #tpu.memory_space<hbm>>
        %dma_start3A_638 = arith.constant 0 : i32
        %dma_start3A_639 = tpu.memref_slice %arg12[%sub3A_558, %dma_start3A_638] : memref<2x96xf32, #tpu.memory_space<vmem>> -> memref<1x80xf32, #tpu.memory_space<vmem>>
        %dma_start3A_640 = tpu.memref_squeeze %dma_start3A_639 : memref<1x80xf32, #tpu.memory_space<vmem>> -> memref<80xf32, #tpu.memory_space<vmem>>
        %dma_start3A_641 = tpu.memref_slice %arg5[%add3A_633] : memref<10240xf32, #tpu.memory_space<hbm>> -> memref<80xf32, #tpu.memory_space<hbm>>
        tpu.enqueue_dma source(%dma_start3A_641 : memref<80xf32, #tpu.memory_space<hbm>>) target(%dma_start3A_640 : memref<80xf32, #tpu.memory_space<vmem>>) target_semaphore(%arg19 : memref<!tpu.dma_semaphore, #tpu.memory_space<semaphore_mem>>)
      } else {
      }
      %scan3A_594 = arith.constant 0 : i32
      %scan3A_595 = arith.constant 0 : i32
      %scan3A_596 = arith.constant 80 : i32
      %scan3A_597 = arith.addi %scan3A_595, %scan3A_596 : i32
      %scan3A_598 = arith.constant 1 : i32
      scf.for %scan3A_614 = %scan3A_595 to %scan3A_597 step %scan3A_598  : i32 {
        %get3A = arith.index_cast %rem3A_557 : i32 to index
        %get3A_615 = arith.index_cast %scan3A_614 : i32 to index
        %get3A_616 = tpu.vector_load %arg12[%get3A, %get3A_615] {strides = array<i32>} : memref<2x96xf32, #tpu.memory_space<vmem>>, vector<1x16xf32>,
        %get3A_617 = vector.shape_cast %get3A_616 : vector<1x16xf32> to vector<16xf32>
        %slice3A = vector.extract_strided_slice %get3A_617 {offsets = [0], sizes = [1], strides = [1]} : vector<16xf32> to vector<1xf32>
        %squeeze3A = vector.extract %slice3A[0] : f32 from vector<1xf32>
        %get3A_618 = arith.index_cast %rem3A_557 : i32 to index
        %get3A_619 = arith.index_cast %scan3A_614 : i32 to index
        %get3A_620 = arith.constant 0 : index
        %get3A_621 = tpu.vector_load %arg9[%get3A_618, %get3A_619, %get3A_620] {strides = array<i32>} : memref<3x400x64xf32, #tpu.memory_space<vmem>>, vector<1x1x16xf32>,
        %get3A_622 = vector.shape_cast %get3A_621 : vector<1x1x16xf32> to vector<16xf32>
        %mul3A_623 = vector.broadcast %squeeze3A : f32 to vector<16xf32>
        %mul3A_624 = arith.mulf %get3A_622, %mul3A_623 : vector<16xf32>
        %swap3A_625 = arith.index_cast %rem3A_557 : i32 to index
        %swap3A_626 = arith.index_cast %scan3A_614 : i32 to index
        %swap3A_627 = arith.constant 0 : index
        %swap3A_628 = tpu.vector_load %arg9[%swap3A_625, %swap3A_626, %swap3A_627] {strides = array<i32>} : memref<3x400x64xf32, #tpu.memory_space<vmem>>, vector<1x1x16xf32>,
        %swap3A_629 = vector.shape_cast %swap3A_628 : vector<1x1x16xf32> to vector<16xf32>
        %swap3A_630 = vector.shape_cast %mul3A_624 : vector<16xf32> to vector<1x1x16xf32>
        tpu.vector_store %arg9[%swap3A_625, %swap3A_626, %swap3A_627], %swap3A_630 {strides = array<i32>} : memref<3x400x64xf32, #tpu.memory_space<vmem>>, vector<1x1x16xf32>,
        %get3A_631 = arith.index_cast %rem3A_557 : i32 to index
        %get3A_632 = arith.index_cast %scan3A_614 : i32 to index
        %get3A_633 = arith.constant 16 : index
        %get3A_634 = tpu.vector_load %arg9[%get3A_631, %get3A_632, %get3A_633] {strides = array<i32>} : memref<3x400x64xf32, #tpu.memory_space<vmem>>, vector<1x1x16xf32>,
        %get3A_635 = vector.shape_cast %get3A_634 : vector<1x1x16xf32> to vector<16xf32>
        %mul3A_636 = vector.broadcast %squeeze3A : f32 to vector<16xf32>
        %mul3A_637 = arith.mulf %get3A_635, %mul3A_636 : vector<16xf32>
        %swap3A_638 = arith.index_cast %rem3A_557 : i32 to index
        %swap3A_639 = arith.index_cast %scan3A_614 : i32 to index
        %swap3A_640 = arith.constant 16 : index
        %swap3A_641 = tpu.vector_load %arg9[%swap3A_638, %swap3A_639, %swap3A_640] {strides = array<i32>} : memref<3x400x64xf32, #tpu.memory_space<vmem>>, vector<1x1x16xf32>,
        %swap3A_642 = vector.shape_cast %swap3A_641 : vector<1x1x16xf32> to vector<16xf32>
        %swap3A_643 = vector.shape_cast %mul3A_637 : vector<16xf32> to vector<1x1x16xf32>
        tpu.vector_store %arg9[%swap3A_638, %swap3A_639, %swap3A_640], %swap3A_643 {strides = array<i32>} : memref<3x400x64xf32, #tpu.memory_space<vmem>>, vector<1x1x16xf32>,
        %get3A_644 = arith.index_cast %rem3A_557 : i32 to index
        %get3A_645 = arith.index_cast %scan3A_614 : i32 to index
        %get3A_646 = arith.constant 32 : index
        %get3A_647 = tpu.vector_load %arg9[%get3A_644, %get3A_645, %get3A_646] {strides = array<i32>} : memref<3x400x64xf32, #tpu.memory_space<vmem>>, vector<1x1x16xf32>,
        %get3A_648 = vector.shape_cast %get3A_647 : vector<1x1x16xf32> to vector<16xf32>
        %mul3A_649 = vector.broadcast %squeeze3A : f32 to vector<16xf32>
        %mul3A_650 = arith.mulf %get3A_648, %mul3A_649 : vector<16xf32>
        %swap3A_651 = arith.index_cast %rem3A_557 : i32 to index
        %swap3A_652 = arith.index_cast %scan3A_614 : i32 to index
        %swap3A_653 = arith.constant 32 : index
        %swap3A_654 = tpu.vector_load %arg9[%swap3A_651, %swap3A_652, %swap3A_653] {strides = array<i32>} : memref<3x400x64xf32, #tpu.memory_space<vmem>>, vector<1x1x16xf32>,
        %swap3A_655 = vector.shape_cast %swap3A_654 : vector<1x1x16xf32> to vector<16xf32>
        %swap3A_656 = vector.shape_cast %mul3A_650 : vector<16xf32> to vector<1x1x16xf32>
        tpu.vector_store %arg9[%swap3A_651, %swap3A_652, %swap3A_653], %swap3A_656 {strides = array<i32>} : memref<3x400x64xf32, #tpu.memory_space<vmem>>, vector<1x1x16xf32>,
        %get3A_657 = arith.index_cast %rem3A_557 : i32 to index
        %get3A_658 = arith.index_cast %scan3A_614 : i32 to index
        %get3A_659 = arith.constant 48 : index
        %get3A_660 = tpu.vector_load %arg9[%get3A_657, %get3A_658, %get3A_659] {strides = array<i32>} : memref<3x400x64xf32, #tpu.memory_space<vmem>>, vector<1x1x16xf32>,
        %get3A_661 = vector.shape_cast %get3A_660 : vector<1x1x16xf32> to vector<16xf32>
        %mul3A_662 = vector.broadcast %squeeze3A : f32 to vector<16xf32>
        %mul3A_663 = arith.mulf %get3A_661, %mul3A_662 : vector<16xf32>
        %swap3A_664 = arith.index_cast %rem3A_557 : i32 to index
        %swap3A_665 = arith.index_cast %scan3A_614 : i32 to index
        %swap3A_666 = arith.constant 48 : index
        %swap3A_667 = tpu.vector_load %arg9[%swap3A_664, %swap3A_665, %swap3A_666] {strides = array<i32>} : memref<3x400x64xf32, #tpu.memory_space<vmem>>, vector<1x1x16xf32>,
        %swap3A_668 = vector.shape_cast %swap3A_667 : vector<1x1x16xf32> to vector<16xf32>
        %swap3A_669 = vector.shape_cast %mul3A_663 : vector<16xf32> to vector<1x1x16xf32>
        tpu.vector_store %arg9[%swap3A_664, %swap3A_665, %swap3A_666], %swap3A_669 {strides = array<i32>} : memref<3x400x64xf32, #tpu.memory_space<vmem>>, vector<1x1x16xf32>,
      }
      %scan3A_599 = arith.constant 80 : i32
      %dma_start3A_600 = arith.constant 0 : i32
      %dma_start3A_601 = arith.constant 0 : i32
      %dma_start3A_602 = tpu.memref_slice %arg9[%rem3A_557, %dma_start3A_600, %dma_start3A_601] : memref<3x400x64xf32, #tpu.memory_space<vmem>> -> memref<1x80x64xf32, #tpu.memory_space<vmem>>
      %dma_start3A_603 = tpu.memref_squeeze %dma_start3A_602 : memref<1x80x64xf32, #tpu.memory_space<vmem>> -> memref<80x64xf32, #tpu.memory_space<vmem>>
      %dma_start3A_604 = arith.constant 0 : i32
      %dma_start3A_605 = tpu.memref_slice %arg6[%arg0, %add3A_561, %dma_start3A_604] : memref<2x10240x64xf32, #tpu.memory_space<hbm>> -> memref<1x80x64xf32, #tpu.memory_space<hbm>>
      %dma_start3A_606 = tpu.memref_squeeze %dma_start3A_605 : memref<1x80x64xf32, #tpu.memory_space<hbm>> -> memref<80x64xf32, #tpu.memory_space<hbm>>
      %dma_start3A_607 = arith.constant 0 : i32
      %dma_start3A_608 = tpu.memref_slice %arg6[%arg0, %add3A_561, %dma_start3A_607] : memref<2x10240x64xf32, #tpu.memory_space<hbm>> -> memref<1x80x64xf32, #tpu.memory_space<hbm>>
      %dma_start3A_609 = tpu.memref_squeeze %dma_start3A_608 : memref<1x80x64xf32, #tpu.memory_space<hbm>> -> memref<80x64xf32, #tpu.memory_space<hbm>>
      %dma_start3A_610 = arith.constant 0 : i32
      %dma_start3A_611 = arith.constant 0 : i32
      %dma_start3A_612 = tpu.memref_slice %arg9[%rem3A_557, %dma_start3A_610, %dma_start3A_611] : memref<3x400x64xf32, #tpu.memory_space<vmem>> -> memref<1x80x64xf32, #tpu.memory_space<vmem>>
      %dma_start3A_613 = tpu.memref_squeeze %dma_start3A_612 : memref<1x80x64xf32, #tpu.memory_space<vmem>> -> memref<80x64xf32, #tpu.memory_space<vmem>>
      tpu.enqueue_dma source(%dma_start3A_613 : memref<80x64xf32, #tpu.memory_space<vmem>>) target(%dma_start3A_609 : memref<80x64xf32, #tpu.memory_space<hbm>>) target_semaphore(%arg17 : memref<!tpu.dma_semaphore, #tpu.memory_space<semaphore_mem>>)
    }
    %scan3A_537 = arith.constant 8 : i32
    %rem3A_538 = arith.constant 7 : i32
    %rem3A_539 = arith.constant 2 : i32
    %rem3A_540 = arith.remsi %rem3A_538, %rem3A_539 : i32
    %dma_wait3A_541 = arith.constant 0 : i32
    %dma_wait3A_542 = arith.constant 0 : i32
    %dma_wait3A_543 = tpu.memref_slice %arg9[%rem3A_540, %dma_wait3A_541, %dma_wait3A_542] : memref<3x400x64xf32, #tpu.memory_space<vmem>> -> memref<1x80x64xf32, #tpu.memory_space<vmem>>
    %dma_wait3A_544 = tpu.memref_squeeze %dma_wait3A_543 : memref<1x80x64xf32, #tpu.memory_space<vmem>> -> memref<80x64xf32, #tpu.memory_space<vmem>>
    %dma_wait3A_545 = arith.constant 0 : i32
    %dma_wait3A_546 = arith.constant 0 : i32
    %dma_wait3A_547 = tpu.memref_slice %arg2[%dma_wait3A_545, %dma_wait3A_546] : memref<20000x64xf32, #tpu.memory_space<hbm>> -> memref<80x64xf32, #tpu.memory_space<hbm>>
    %dma_wait3A_548 = arith.constant 0 : i32
    %dma_wait3A_549 = arith.constant 0 : i32
    %dma_wait3A_550 = tpu.memref_slice %arg9[%rem3A_540, %dma_wait3A_548, %dma_wait3A_549] : memref<3x400x64xf32, #tpu.memory_space<vmem>> -> memref<1x80x64xf32, #tpu.memory_space<vmem>>
    %dma_wait3A_551 = tpu.memref_squeeze %dma_wait3A_550 : memref<1x80x64xf32, #tpu.memory_space<vmem>> -> memref<80x64xf32, #tpu.memory_space<vmem>>
    %dma_wait3A_552 = arith.constant 0 : i32
    %dma_wait3A_553 = arith.constant 0 : i32
    %dma_wait3A_554 = tpu.memref_slice %arg2[%dma_wait3A_552, %dma_wait3A_553] : memref<20000x64xf32, #tpu.memory_space<hbm>> -> memref<80x64xf32, #tpu.memory_space<hbm>>
    tpu.wait_dma2 semaphore(%arg17 : memref<!tpu.dma_semaphore, #tpu.memory_space<semaphore_mem>>) src(%dma_wait3A_554 : memref<80x64xf32, #tpu.memory_space<hbm>>) dst(%dma_wait3A_551 : memref<80x64xf32, #tpu.memory_space<vmem>>)
    return
  }
}

#map = affine_map<(d0, d1) -> (0, 0)>
#map1 = affine_map<(d0, d1) -> (0, 0, 0)>
#map2 = affine_map<(d0, d1) -> (0)>
module attributes {stable_mosaic.version = 14 : i64} {
  func.func @body(%arg0: i32, %arg1: i32, %arg2: memref<20000x64xf32, #tpu.memory_space<hbm>>, %arg3: memref<16x250x80xi32, #tpu.memory_space<hbm>>, %arg4: memref<16x250x80xi32, #tpu.memory_space<hbm>>, %arg5: memref<2x10240x64xf32, #tpu.memory_space<hbm>>, %arg6: memref<10240xf32, #tpu.memory_space<hbm>>, %arg7: memref<4x5x80xi32, #tpu.memory_space<vmem>>, %arg8: memref<4x5x80xi32, #tpu.memory_space<vmem>>, %arg9: memref<3x400x64xf32, #tpu.memory_space<vmem>>, %arg10: memref<80xf32, #tpu.memory_space<vmem>>, %arg11: memref<2x80xf32, #tpu.memory_space<vmem>>, %arg12: memref<2x96xf32, #tpu.memory_space<vmem>>, %arg13: memref<400xf32, #tpu.memory_space<vmem>>, %arg14: memref<10240x64xf32, #tpu.memory_space<vmem_shared>>, %arg15: memref<10240xf32, #tpu.memory_space<vmem_shared>>, %arg16: memref<!tpu.dma_semaphore, #tpu.memory_space<semaphore_mem>>, %arg17: memref<!tpu.dma_semaphore, #tpu.memory_space<semaphore_mem>>, %arg18: memref<!tpu.dma_semaphore, #tpu.memory_space<semaphore_mem>>, %arg19: memref<!tpu.dma_semaphore, #tpu.memory_space<semaphore_mem>>) attributes {dimension_semantics = [#tpu.dimension_semantics<core_parallel>, #tpu.dimension_semantics<subcore_parallel>], iteration_bounds = array<i64: 2, 16>, scalar_prefetch = 0 : i64, scratch_operands = 13 : i64, tpu.core_type = #tpu.core_type<sc_vector_subcore>, window_params = [{transform_indices = #map}, {transform_indices = #map1}, {transform_indices = #map1}, {transform_indices = #map1}, {transform_indices = #map2}]} {
    %mul3A = arith.constant 640 : i32
    %mul3A_0 = arith.muli %arg1, %mul3A : i32
    %broadcast_in_dim3A = arith.constant 0.000000e+00 : f32
    %broadcast_in_dim3A_1 = vector.broadcast %broadcast_in_dim3A : f32 to vector<16xf32>
    %broadcast_in_dim3A_2 = arith.constant 1.000000e+00 : f32
    %broadcast_in_dim3A_3 = vector.broadcast %broadcast_in_dim3A_2 : f32 to vector<16xf32>
    %scan3A = arith.constant 0 : i32
    %scan3A_4 = arith.constant 0 : i32
    %scan3A_5 = arith.constant 80 : i32
    %scan3A_6 = arith.addi %scan3A_4, %scan3A_5 : i32
    %scan3A_7 = arith.constant 1 : i32
    scf.for %scan3A_735 = %scan3A_4 to %scan3A_6 step %scan3A_7  : i32 {
      %swap3A_736 = arith.constant 0 : i32
      %swap3A_737 = arith.index_cast %swap3A_736 : i32 to index
      %swap3A_738 = arith.index_cast %scan3A_735 : i32 to index
      %swap3A_739 = arith.constant 0 : index
      %swap3A_740 = tpu.vector_load %arg9[%swap3A_737, %swap3A_738, %swap3A_739] {strides = array<i32>} : memref<3x400x64xf32, #tpu.memory_space<vmem>>, vector<1x1x16xf32>,
      %swap3A_741 = vector.shape_cast %swap3A_740 : vector<1x1x16xf32> to vector<16xf32>
      %swap3A_742 = vector.shape_cast %broadcast_in_dim3A_1 : vector<16xf32> to vector<1x1x16xf32>
      tpu.vector_store %arg9[%swap3A_737, %swap3A_738, %swap3A_739], %swap3A_742 {strides = array<i32>} : memref<3x400x64xf32, #tpu.memory_space<vmem>>, vector<1x1x16xf32>,
      %swap3A_743 = arith.constant 0 : i32
      %swap3A_744 = arith.index_cast %swap3A_743 : i32 to index
      %swap3A_745 = arith.index_cast %scan3A_735 : i32 to index
      %swap3A_746 = arith.constant 16 : index
      %swap3A_747 = tpu.vector_load %arg9[%swap3A_744, %swap3A_745, %swap3A_746] {strides = array<i32>} : memref<3x400x64xf32, #tpu.memory_space<vmem>>, vector<1x1x16xf32>,
      %swap3A_748 = vector.shape_cast %swap3A_747 : vector<1x1x16xf32> to vector<16xf32>
      %swap3A_749 = vector.shape_cast %broadcast_in_dim3A_1 : vector<16xf32> to vector<1x1x16xf32>
      tpu.vector_store %arg9[%swap3A_744, %swap3A_745, %swap3A_746], %swap3A_749 {strides = array<i32>} : memref<3x400x64xf32, #tpu.memory_space<vmem>>, vector<1x1x16xf32>,
      %swap3A_750 = arith.constant 0 : i32
      %swap3A_751 = arith.index_cast %swap3A_750 : i32 to index
      %swap3A_752 = arith.index_cast %scan3A_735 : i32 to index
      %swap3A_753 = arith.constant 32 : index
      %swap3A_754 = tpu.vector_load %arg9[%swap3A_751, %swap3A_752, %swap3A_753] {strides = array<i32>} : memref<3x400x64xf32, #tpu.memory_space<vmem>>, vector<1x1x16xf32>,
      %swap3A_755 = vector.shape_cast %swap3A_754 : vector<1x1x16xf32> to vector<16xf32>
      %swap3A_756 = vector.shape_cast %broadcast_in_dim3A_1 : vector<16xf32> to vector<1x1x16xf32>
      tpu.vector_store %arg9[%swap3A_751, %swap3A_752, %swap3A_753], %swap3A_756 {strides = array<i32>} : memref<3x400x64xf32, #tpu.memory_space<vmem>>, vector<1x1x16xf32>,
      %swap3A_757 = arith.constant 0 : i32
      %swap3A_758 = arith.index_cast %swap3A_757 : i32 to index
      %swap3A_759 = arith.index_cast %scan3A_735 : i32 to index
      %swap3A_760 = arith.constant 48 : index
      %swap3A_761 = tpu.vector_load %arg9[%swap3A_758, %swap3A_759, %swap3A_760] {strides = array<i32>} : memref<3x400x64xf32, #tpu.memory_space<vmem>>, vector<1x1x16xf32>,
      %swap3A_762 = vector.shape_cast %swap3A_761 : vector<1x1x16xf32> to vector<16xf32>
      %swap3A_763 = vector.shape_cast %broadcast_in_dim3A_1 : vector<16xf32> to vector<1x1x16xf32>
      tpu.vector_store %arg9[%swap3A_758, %swap3A_759, %swap3A_760], %swap3A_763 {strides = array<i32>} : memref<3x400x64xf32, #tpu.memory_space<vmem>>, vector<1x1x16xf32>,
    }
    %scan3A_8 = arith.constant 80 : i32
    %swap3A = arith.constant 0 : i32
    %swap3A_9 = arith.index_cast %swap3A : i32 to index
    %swap3A_10 = arith.constant 0 : index
    %swap3A_11 = tpu.vector_load %arg11[%swap3A_9, %swap3A_10] {strides = array<i32>} : memref<2x80xf32, #tpu.memory_space<vmem>>, vector<1x16xf32>,
    %swap3A_12 = vector.shape_cast %swap3A_11 : vector<1x16xf32> to vector<16xf32>
    %swap3A_13 = vector.shape_cast %broadcast_in_dim3A_1 : vector<16xf32> to vector<1x16xf32>
    tpu.vector_store %arg11[%swap3A_9, %swap3A_10], %swap3A_13 {strides = array<i32>} : memref<2x80xf32, #tpu.memory_space<vmem>>, vector<1x16xf32>,
    %swap3A_14 = arith.constant 0 : index
    %swap3A_15 = tpu.vector_load %arg10[%swap3A_14] {strides = array<i32>} : memref<80xf32, #tpu.memory_space<vmem>>, vector<16xf32>,
    %swap3A_16 = vector.shape_cast %swap3A_15 : vector<16xf32> to vector<16xf32>
    %swap3A_17 = vector.shape_cast %broadcast_in_dim3A_3 : vector<16xf32> to vector<16xf32>
    tpu.vector_store %arg10[%swap3A_14], %swap3A_17 {strides = array<i32>} : memref<80xf32, #tpu.memory_space<vmem>>, vector<16xf32>,
    %swap3A_18 = arith.constant 0 : i32
    %swap3A_19 = arith.index_cast %swap3A_18 : i32 to index
    %swap3A_20 = arith.constant 16 : index
    %swap3A_21 = tpu.vector_load %arg11[%swap3A_19, %swap3A_20] {strides = array<i32>} : memref<2x80xf32, #tpu.memory_space<vmem>>, vector<1x16xf32>,
    %swap3A_22 = vector.shape_cast %swap3A_21 : vector<1x16xf32> to vector<16xf32>
    %swap3A_23 = vector.shape_cast %broadcast_in_dim3A_1 : vector<16xf32> to vector<1x16xf32>
    tpu.vector_store %arg11[%swap3A_19, %swap3A_20], %swap3A_23 {strides = array<i32>} : memref<2x80xf32, #tpu.memory_space<vmem>>, vector<1x16xf32>,
    %swap3A_24 = arith.constant 16 : index
    %swap3A_25 = tpu.vector_load %arg10[%swap3A_24] {strides = array<i32>} : memref<80xf32, #tpu.memory_space<vmem>>, vector<16xf32>,
    %swap3A_26 = vector.shape_cast %swap3A_25 : vector<16xf32> to vector<16xf32>
    %swap3A_27 = vector.shape_cast %broadcast_in_dim3A_3 : vector<16xf32> to vector<16xf32>
    tpu.vector_store %arg10[%swap3A_24], %swap3A_27 {strides = array<i32>} : memref<80xf32, #tpu.memory_space<vmem>>, vector<16xf32>,
    %swap3A_28 = arith.constant 0 : i32
    %swap3A_29 = arith.index_cast %swap3A_28 : i32 to index
    %swap3A_30 = arith.constant 32 : index
    %swap3A_31 = tpu.vector_load %arg11[%swap3A_29, %swap3A_30] {strides = array<i32>} : memref<2x80xf32, #tpu.memory_space<vmem>>, vector<1x16xf32>,
    %swap3A_32 = vector.shape_cast %swap3A_31 : vector<1x16xf32> to vector<16xf32>
    %swap3A_33 = vector.shape_cast %broadcast_in_dim3A_1 : vector<16xf32> to vector<1x16xf32>
    tpu.vector_store %arg11[%swap3A_29, %swap3A_30], %swap3A_33 {strides = array<i32>} : memref<2x80xf32, #tpu.memory_space<vmem>>, vector<1x16xf32>,
    %swap3A_34 = arith.constant 32 : index
    %swap3A_35 = tpu.vector_load %arg10[%swap3A_34] {strides = array<i32>} : memref<80xf32, #tpu.memory_space<vmem>>, vector<16xf32>,
    %swap3A_36 = vector.shape_cast %swap3A_35 : vector<16xf32> to vector<16xf32>
    %swap3A_37 = vector.shape_cast %broadcast_in_dim3A_3 : vector<16xf32> to vector<16xf32>
    tpu.vector_store %arg10[%swap3A_34], %swap3A_37 {strides = array<i32>} : memref<80xf32, #tpu.memory_space<vmem>>, vector<16xf32>,
    %swap3A_38 = arith.constant 0 : i32
    %swap3A_39 = arith.index_cast %swap3A_38 : i32 to index
    %swap3A_40 = arith.constant 48 : index
    %swap3A_41 = tpu.vector_load %arg11[%swap3A_39, %swap3A_40] {strides = array<i32>} : memref<2x80xf32, #tpu.memory_space<vmem>>, vector<1x16xf32>,
    %swap3A_42 = vector.shape_cast %swap3A_41 : vector<1x16xf32> to vector<16xf32>
    %swap3A_43 = vector.shape_cast %broadcast_in_dim3A_1 : vector<16xf32> to vector<1x16xf32>
    tpu.vector_store %arg11[%swap3A_39, %swap3A_40], %swap3A_43 {strides = array<i32>} : memref<2x80xf32, #tpu.memory_space<vmem>>, vector<1x16xf32>,
    %swap3A_44 = arith.constant 48 : index
    %swap3A_45 = tpu.vector_load %arg10[%swap3A_44] {strides = array<i32>} : memref<80xf32, #tpu.memory_space<vmem>>, vector<16xf32>,
    %swap3A_46 = vector.shape_cast %swap3A_45 : vector<16xf32> to vector<16xf32>
    %swap3A_47 = vector.shape_cast %broadcast_in_dim3A_3 : vector<16xf32> to vector<16xf32>
    tpu.vector_store %arg10[%swap3A_44], %swap3A_47 {strides = array<i32>} : memref<80xf32, #tpu.memory_space<vmem>>, vector<16xf32>,
    %swap3A_48 = arith.constant 0 : i32
    %swap3A_49 = arith.index_cast %swap3A_48 : i32 to index
    %swap3A_50 = arith.constant 64 : index
    %swap3A_51 = tpu.vector_load %arg11[%swap3A_49, %swap3A_50] {strides = array<i32>} : memref<2x80xf32, #tpu.memory_space<vmem>>, vector<1x16xf32>,
    %swap3A_52 = vector.shape_cast %swap3A_51 : vector<1x16xf32> to vector<16xf32>
    %swap3A_53 = vector.shape_cast %broadcast_in_dim3A_1 : vector<16xf32> to vector<1x16xf32>
    tpu.vector_store %arg11[%swap3A_49, %swap3A_50], %swap3A_53 {strides = array<i32>} : memref<2x80xf32, #tpu.memory_space<vmem>>, vector<1x16xf32>,
    %swap3A_54 = arith.constant 64 : index
    %swap3A_55 = tpu.vector_load %arg10[%swap3A_54] {strides = array<i32>} : memref<80xf32, #tpu.memory_space<vmem>>, vector<16xf32>,
    %swap3A_56 = vector.shape_cast %swap3A_55 : vector<16xf32> to vector<16xf32>
    %swap3A_57 = vector.shape_cast %broadcast_in_dim3A_3 : vector<16xf32> to vector<16xf32>
    tpu.vector_store %arg10[%swap3A_54], %swap3A_57 {strides = array<i32>} : memref<80xf32, #tpu.memory_space<vmem>>, vector<16xf32>,
    %add3A = arith.constant 0 : i32
    %add3A_58 = arith.addi %mul3A_0, %add3A : i32
    %dma_start3A = arith.constant 0 : i32
    %dma_start3A_59 = arith.constant 0 : i32
    %dma_start3A_60 = arith.constant 0 : i32
    %dma_start3A_61 = tpu.memref_slice %arg9[%dma_start3A, %dma_start3A_59, %dma_start3A_60] : memref<3x400x64xf32, #tpu.memory_space<vmem>> -> memref<1x80x64xf32, #tpu.memory_space<vmem>>
    %dma_start3A_62 = tpu.memref_squeeze %dma_start3A_61 : memref<1x80x64xf32, #tpu.memory_space<vmem>> -> memref<80x64xf32, #tpu.memory_space<vmem>>
    %dma_start3A_63 = arith.constant 0 : i32
    %dma_start3A_64 = tpu.memref_slice %arg14[%add3A_58, %dma_start3A_63] : memref<10240x64xf32, #tpu.memory_space<vmem_shared>> -> memref<80x64xf32, #tpu.memory_space<vmem_shared>>
    %dma_start3A_65 = arith.constant 0 : i32
    %dma_start3A_66 = tpu.memref_slice %arg14[%add3A_58, %dma_start3A_65] : memref<10240x64xf32, #tpu.memory_space<vmem_shared>> -> memref<80x64xf32, #tpu.memory_space<vmem_shared>>
    %dma_start3A_67 = arith.constant 0 : i32
    %dma_start3A_68 = arith.constant 0 : i32
    %dma_start3A_69 = tpu.memref_slice %arg9[%dma_start3A, %dma_start3A_67, %dma_start3A_68] : memref<3x400x64xf32, #tpu.memory_space<vmem>> -> memref<1x80x64xf32, #tpu.memory_space<vmem>>
    %dma_start3A_70 = tpu.memref_squeeze %dma_start3A_69 : memref<1x80x64xf32, #tpu.memory_space<vmem>> -> memref<80x64xf32, #tpu.memory_space<vmem>>
    tpu.enqueue_dma source(%dma_start3A_70 : memref<80x64xf32, #tpu.memory_space<vmem>>) target(%dma_start3A_66 : memref<80x64xf32, #tpu.memory_space<vmem_shared>>) target_semaphore(%arg16 : memref<!tpu.dma_semaphore, #tpu.memory_space<semaphore_mem>>)
    %add3A_71 = arith.constant 0 : i32
    %add3A_72 = arith.addi %mul3A_0, %add3A_71 : i32
    %dma_start3A_73 = arith.constant 0 : i32
    %dma_start3A_74 = arith.constant 0 : i32
    %dma_start3A_75 = tpu.memref_slice %arg11[%dma_start3A_73, %dma_start3A_74] : memref<2x80xf32, #tpu.memory_space<vmem>> -> memref<1x80xf32, #tpu.memory_space<vmem>>
    %dma_start3A_76 = tpu.memref_squeeze %dma_start3A_75 : memref<1x80xf32, #tpu.memory_space<vmem>> -> memref<80xf32, #tpu.memory_space<vmem>>
    %dma_start3A_77 = tpu.memref_slice %arg15[%add3A_72] : memref<10240xf32, #tpu.memory_space<vmem_shared>> -> memref<80xf32, #tpu.memory_space<vmem_shared>>
    %dma_start3A_78 = tpu.memref_slice %arg15[%add3A_72] : memref<10240xf32, #tpu.memory_space<vmem_shared>> -> memref<80xf32, #tpu.memory_space<vmem_shared>>
    %dma_start3A_79 = arith.constant 0 : i32
    %dma_start3A_80 = tpu.memref_slice %arg11[%dma_start3A_73, %dma_start3A_79] : memref<2x80xf32, #tpu.memory_space<vmem>> -> memref<1x80xf32, #tpu.memory_space<vmem>>
    %dma_start3A_81 = tpu.memref_squeeze %dma_start3A_80 : memref<1x80xf32, #tpu.memory_space<vmem>> -> memref<80xf32, #tpu.memory_space<vmem>>
    tpu.enqueue_dma source(%dma_start3A_81 : memref<80xf32, #tpu.memory_space<vmem>>) target(%dma_start3A_78 : memref<80xf32, #tpu.memory_space<vmem_shared>>) target_semaphore(%arg18 : memref<!tpu.dma_semaphore, #tpu.memory_space<semaphore_mem>>)
    %add3A_82 = arith.constant 80 : i32
    %add3A_83 = arith.addi %mul3A_0, %add3A_82 : i32
    %dma_start3A_84 = arith.constant 0 : i32
    %dma_start3A_85 = arith.constant 0 : i32
    %dma_start3A_86 = arith.constant 0 : i32
    %dma_start3A_87 = tpu.memref_slice %arg9[%dma_start3A_84, %dma_start3A_85, %dma_start3A_86] : memref<3x400x64xf32, #tpu.memory_space<vmem>> -> memref<1x80x64xf32, #tpu.memory_space<vmem>>
    %dma_start3A_88 = tpu.memref_squeeze %dma_start3A_87 : memref<1x80x64xf32, #tpu.memory_space<vmem>> -> memref<80x64xf32, #tpu.memory_space<vmem>>
    %dma_start3A_89 = arith.constant 0 : i32
    %dma_start3A_90 = tpu.memref_slice %arg14[%add3A_83, %dma_start3A_89] : memref<10240x64xf32, #tpu.memory_space<vmem_shared>> -> memref<80x64xf32, #tpu.memory_space<vmem_shared>>
    %dma_start3A_91 = arith.constant 0 : i32
    %dma_start3A_92 = tpu.memref_slice %arg14[%add3A_83, %dma_start3A_91] : memref<10240x64xf32, #tpu.memory_space<vmem_shared>> -> memref<80x64xf32, #tpu.memory_space<vmem_shared>>
    %dma_start3A_93 = arith.constant 0 : i32
    %dma_start3A_94 = arith.constant 0 : i32
    %dma_start3A_95 = tpu.memref_slice %arg9[%dma_start3A_84, %dma_start3A_93, %dma_start3A_94] : memref<3x400x64xf32, #tpu.memory_space<vmem>> -> memref<1x80x64xf32, #tpu.memory_space<vmem>>
    %dma_start3A_96 = tpu.memref_squeeze %dma_start3A_95 : memref<1x80x64xf32, #tpu.memory_space<vmem>> -> memref<80x64xf32, #tpu.memory_space<vmem>>
    tpu.enqueue_dma source(%dma_start3A_96 : memref<80x64xf32, #tpu.memory_space<vmem>>) target(%dma_start3A_92 : memref<80x64xf32, #tpu.memory_space<vmem_shared>>) target_semaphore(%arg16 : memref<!tpu.dma_semaphore, #tpu.memory_space<semaphore_mem>>)
    %add3A_97 = arith.constant 80 : i32
    %add3A_98 = arith.addi %mul3A_0, %add3A_97 : i32
    %dma_start3A_99 = arith.constant 0 : i32
    %dma_start3A_100 = arith.constant 0 : i32
    %dma_start3A_101 = tpu.memref_slice %arg11[%dma_start3A_99, %dma_start3A_100] : memref<2x80xf32, #tpu.memory_space<vmem>> -> memref<1x80xf32, #tpu.memory_space<vmem>>
    %dma_start3A_102 = tpu.memref_squeeze %dma_start3A_101 : memref<1x80xf32, #tpu.memory_space<vmem>> -> memref<80xf32, #tpu.memory_space<vmem>>
    %dma_start3A_103 = tpu.memref_slice %arg15[%add3A_98] : memref<10240xf32, #tpu.memory_space<vmem_shared>> -> memref<80xf32, #tpu.memory_space<vmem_shared>>
    %dma_start3A_104 = tpu.memref_slice %arg15[%add3A_98] : memref<10240xf32, #tpu.memory_space<vmem_shared>> -> memref<80xf32, #tpu.memory_space<vmem_shared>>
    %dma_start3A_105 = arith.constant 0 : i32
    %dma_start3A_106 = tpu.memref_slice %arg11[%dma_start3A_99, %dma_start3A_105] : memref<2x80xf32, #tpu.memory_space<vmem>> -> memref<1x80xf32, #tpu.memory_space<vmem>>
    %dma_start3A_107 = tpu.memref_squeeze %dma_start3A_106 : memref<1x80xf32, #tpu.memory_space<vmem>> -> memref<80xf32, #tpu.memory_space<vmem>>
    tpu.enqueue_dma source(%dma_start3A_107 : memref<80xf32, #tpu.memory_space<vmem>>) target(%dma_start3A_104 : memref<80xf32, #tpu.memory_space<vmem_shared>>) target_semaphore(%arg18 : memref<!tpu.dma_semaphore, #tpu.memory_space<semaphore_mem>>)
    %add3A_108 = arith.constant 160 : i32
    %add3A_109 = arith.addi %mul3A_0, %add3A_108 : i32
    %dma_start3A_110 = arith.constant 0 : i32
    %dma_start3A_111 = arith.constant 0 : i32
    %dma_start3A_112 = arith.constant 0 : i32
    %dma_start3A_113 = tpu.memref_slice %arg9[%dma_start3A_110, %dma_start3A_111, %dma_start3A_112] : memref<3x400x64xf32, #tpu.memory_space<vmem>> -> memref<1x80x64xf32, #tpu.memory_space<vmem>>
    %dma_start3A_114 = tpu.memref_squeeze %dma_start3A_113 : memref<1x80x64xf32, #tpu.memory_space<vmem>> -> memref<80x64xf32, #tpu.memory_space<vmem>>
    %dma_start3A_115 = arith.constant 0 : i32
    %dma_start3A_116 = tpu.memref_slice %arg14[%add3A_109, %dma_start3A_115] : memref<10240x64xf32, #tpu.memory_space<vmem_shared>> -> memref<80x64xf32, #tpu.memory_space<vmem_shared>>
    %dma_start3A_117 = arith.constant 0 : i32
    %dma_start3A_118 = tpu.memref_slice %arg14[%add3A_109, %dma_start3A_117] : memref<10240x64xf32, #tpu.memory_space<vmem_shared>> -> memref<80x64xf32, #tpu.memory_space<vmem_shared>>
    %dma_start3A_119 = arith.constant 0 : i32
    %dma_start3A_120 = arith.constant 0 : i32
    %dma_start3A_121 = tpu.memref_slice %arg9[%dma_start3A_110, %dma_start3A_119, %dma_start3A_120] : memref<3x400x64xf32, #tpu.memory_space<vmem>> -> memref<1x80x64xf32, #tpu.memory_space<vmem>>
    %dma_start3A_122 = tpu.memref_squeeze %dma_start3A_121 : memref<1x80x64xf32, #tpu.memory_space<vmem>> -> memref<80x64xf32, #tpu.memory_space<vmem>>
    tpu.enqueue_dma source(%dma_start3A_122 : memref<80x64xf32, #tpu.memory_space<vmem>>) target(%dma_start3A_118 : memref<80x64xf32, #tpu.memory_space<vmem_shared>>) target_semaphore(%arg16 : memref<!tpu.dma_semaphore, #tpu.memory_space<semaphore_mem>>)
    %add3A_123 = arith.constant 160 : i32
    %add3A_124 = arith.addi %mul3A_0, %add3A_123 : i32
    %dma_start3A_125 = arith.constant 0 : i32
    %dma_start3A_126 = arith.constant 0 : i32
    %dma_start3A_127 = tpu.memref_slice %arg11[%dma_start3A_125, %dma_start3A_126] : memref<2x80xf32, #tpu.memory_space<vmem>> -> memref<1x80xf32, #tpu.memory_space<vmem>>
    %dma_start3A_128 = tpu.memref_squeeze %dma_start3A_127 : memref<1x80xf32, #tpu.memory_space<vmem>> -> memref<80xf32, #tpu.memory_space<vmem>>
    %dma_start3A_129 = tpu.memref_slice %arg15[%add3A_124] : memref<10240xf32, #tpu.memory_space<vmem_shared>> -> memref<80xf32, #tpu.memory_space<vmem_shared>>
    %dma_start3A_130 = tpu.memref_slice %arg15[%add3A_124] : memref<10240xf32, #tpu.memory_space<vmem_shared>> -> memref<80xf32, #tpu.memory_space<vmem_shared>>
    %dma_start3A_131 = arith.constant 0 : i32
    %dma_start3A_132 = tpu.memref_slice %arg11[%dma_start3A_125, %dma_start3A_131] : memref<2x80xf32, #tpu.memory_space<vmem>> -> memref<1x80xf32, #tpu.memory_space<vmem>>
    %dma_start3A_133 = tpu.memref_squeeze %dma_start3A_132 : memref<1x80xf32, #tpu.memory_space<vmem>> -> memref<80xf32, #tpu.memory_space<vmem>>
    tpu.enqueue_dma source(%dma_start3A_133 : memref<80xf32, #tpu.memory_space<vmem>>) target(%dma_start3A_130 : memref<80xf32, #tpu.memory_space<vmem_shared>>) target_semaphore(%arg18 : memref<!tpu.dma_semaphore, #tpu.memory_space<semaphore_mem>>)
    %add3A_134 = arith.constant 240 : i32
    %add3A_135 = arith.addi %mul3A_0, %add3A_134 : i32
    %dma_start3A_136 = arith.constant 0 : i32
    %dma_start3A_137 = arith.constant 0 : i32
    %dma_start3A_138 = arith.constant 0 : i32
    %dma_start3A_139 = tpu.memref_slice %arg9[%dma_start3A_136, %dma_start3A_137, %dma_start3A_138] : memref<3x400x64xf32, #tpu.memory_space<vmem>> -> memref<1x80x64xf32, #tpu.memory_space<vmem>>
    %dma_start3A_140 = tpu.memref_squeeze %dma_start3A_139 : memref<1x80x64xf32, #tpu.memory_space<vmem>> -> memref<80x64xf32, #tpu.memory_space<vmem>>
    %dma_start3A_141 = arith.constant 0 : i32
    %dma_start3A_142 = tpu.memref_slice %arg14[%add3A_135, %dma_start3A_141] : memref<10240x64xf32, #tpu.memory_space<vmem_shared>> -> memref<80x64xf32, #tpu.memory_space<vmem_shared>>
    %dma_start3A_143 = arith.constant 0 : i32
    %dma_start3A_144 = tpu.memref_slice %arg14[%add3A_135, %dma_start3A_143] : memref<10240x64xf32, #tpu.memory_space<vmem_shared>> -> memref<80x64xf32, #tpu.memory_space<vmem_shared>>
    %dma_start3A_145 = arith.constant 0 : i32
    %dma_start3A_146 = arith.constant 0 : i32
    %dma_start3A_147 = tpu.memref_slice %arg9[%dma_start3A_136, %dma_start3A_145, %dma_start3A_146] : memref<3x400x64xf32, #tpu.memory_space<vmem>> -> memref<1x80x64xf32, #tpu.memory_space<vmem>>
    %dma_start3A_148 = tpu.memref_squeeze %dma_start3A_147 : memref<1x80x64xf32, #tpu.memory_space<vmem>> -> memref<80x64xf32, #tpu.memory_space<vmem>>
    tpu.enqueue_dma source(%dma_start3A_148 : memref<80x64xf32, #tpu.memory_space<vmem>>) target(%dma_start3A_144 : memref<80x64xf32, #tpu.memory_space<vmem_shared>>) target_semaphore(%arg16 : memref<!tpu.dma_semaphore, #tpu.memory_space<semaphore_mem>>)
    %add3A_149 = arith.constant 240 : i32
    %add3A_150 = arith.addi %mul3A_0, %add3A_149 : i32
    %dma_start3A_151 = arith.constant 0 : i32
    %dma_start3A_152 = arith.constant 0 : i32
    %dma_start3A_153 = tpu.memref_slice %arg11[%dma_start3A_151, %dma_start3A_152] : memref<2x80xf32, #tpu.memory_space<vmem>> -> memref<1x80xf32, #tpu.memory_space<vmem>>
    %dma_start3A_154 = tpu.memref_squeeze %dma_start3A_153 : memref<1x80xf32, #tpu.memory_space<vmem>> -> memref<80xf32, #tpu.memory_space<vmem>>
    %dma_start3A_155 = tpu.memref_slice %arg15[%add3A_150] : memref<10240xf32, #tpu.memory_space<vmem_shared>> -> memref<80xf32, #tpu.memory_space<vmem_shared>>
    %dma_start3A_156 = tpu.memref_slice %arg15[%add3A_150] : memref<10240xf32, #tpu.memory_space<vmem_shared>> -> memref<80xf32, #tpu.memory_space<vmem_shared>>
    %dma_start3A_157 = arith.constant 0 : i32
    %dma_start3A_158 = tpu.memref_slice %arg11[%dma_start3A_151, %dma_start3A_157] : memref<2x80xf32, #tpu.memory_space<vmem>> -> memref<1x80xf32, #tpu.memory_space<vmem>>
    %dma_start3A_159 = tpu.memref_squeeze %dma_start3A_158 : memref<1x80xf32, #tpu.memory_space<vmem>> -> memref<80xf32, #tpu.memory_space<vmem>>
    tpu.enqueue_dma source(%dma_start3A_159 : memref<80xf32, #tpu.memory_space<vmem>>) target(%dma_start3A_156 : memref<80xf32, #tpu.memory_space<vmem_shared>>) target_semaphore(%arg18 : memref<!tpu.dma_semaphore, #tpu.memory_space<semaphore_mem>>)
    %add3A_160 = arith.constant 320 : i32
    %add3A_161 = arith.addi %mul3A_0, %add3A_160 : i32
    %dma_start3A_162 = arith.constant 0 : i32
    %dma_start3A_163 = arith.constant 0 : i32
    %dma_start3A_164 = arith.constant 0 : i32
    %dma_start3A_165 = tpu.memref_slice %arg9[%dma_start3A_162, %dma_start3A_163, %dma_start3A_164] : memref<3x400x64xf32, #tpu.memory_space<vmem>> -> memref<1x80x64xf32, #tpu.memory_space<vmem>>
    %dma_start3A_166 = tpu.memref_squeeze %dma_start3A_165 : memref<1x80x64xf32, #tpu.memory_space<vmem>> -> memref<80x64xf32, #tpu.memory_space<vmem>>
    %dma_start3A_167 = arith.constant 0 : i32
    %dma_start3A_168 = tpu.memref_slice %arg14[%add3A_161, %dma_start3A_167] : memref<10240x64xf32, #tpu.memory_space<vmem_shared>> -> memref<80x64xf32, #tpu.memory_space<vmem_shared>>
    %dma_start3A_169 = arith.constant 0 : i32
    %dma_start3A_170 = tpu.memref_slice %arg14[%add3A_161, %dma_start3A_169] : memref<10240x64xf32, #tpu.memory_space<vmem_shared>> -> memref<80x64xf32, #tpu.memory_space<vmem_shared>>
    %dma_start3A_171 = arith.constant 0 : i32
    %dma_start3A_172 = arith.constant 0 : i32
    %dma_start3A_173 = tpu.memref_slice %arg9[%dma_start3A_162, %dma_start3A_171, %dma_start3A_172] : memref<3x400x64xf32, #tpu.memory_space<vmem>> -> memref<1x80x64xf32, #tpu.memory_space<vmem>>
    %dma_start3A_174 = tpu.memref_squeeze %dma_start3A_173 : memref<1x80x64xf32, #tpu.memory_space<vmem>> -> memref<80x64xf32, #tpu.memory_space<vmem>>
    tpu.enqueue_dma source(%dma_start3A_174 : memref<80x64xf32, #tpu.memory_space<vmem>>) target(%dma_start3A_170 : memref<80x64xf32, #tpu.memory_space<vmem_shared>>) target_semaphore(%arg16 : memref<!tpu.dma_semaphore, #tpu.memory_space<semaphore_mem>>)
    %add3A_175 = arith.constant 320 : i32
    %add3A_176 = arith.addi %mul3A_0, %add3A_175 : i32
    %dma_start3A_177 = arith.constant 0 : i32
    %dma_start3A_178 = arith.constant 0 : i32
    %dma_start3A_179 = tpu.memref_slice %arg11[%dma_start3A_177, %dma_start3A_178] : memref<2x80xf32, #tpu.memory_space<vmem>> -> memref<1x80xf32, #tpu.memory_space<vmem>>
    %dma_start3A_180 = tpu.memref_squeeze %dma_start3A_179 : memref<1x80xf32, #tpu.memory_space<vmem>> -> memref<80xf32, #tpu.memory_space<vmem>>
    %dma_start3A_181 = tpu.memref_slice %arg15[%add3A_176] : memref<10240xf32, #tpu.memory_space<vmem_shared>> -> memref<80xf32, #tpu.memory_space<vmem_shared>>
    %dma_start3A_182 = tpu.memref_slice %arg15[%add3A_176] : memref<10240xf32, #tpu.memory_space<vmem_shared>> -> memref<80xf32, #tpu.memory_space<vmem_shared>>
    %dma_start3A_183 = arith.constant 0 : i32
    %dma_start3A_184 = tpu.memref_slice %arg11[%dma_start3A_177, %dma_start3A_183] : memref<2x80xf32, #tpu.memory_space<vmem>> -> memref<1x80xf32, #tpu.memory_space<vmem>>
    %dma_start3A_185 = tpu.memref_squeeze %dma_start3A_184 : memref<1x80xf32, #tpu.memory_space<vmem>> -> memref<80xf32, #tpu.memory_space<vmem>>
    tpu.enqueue_dma source(%dma_start3A_185 : memref<80xf32, #tpu.memory_space<vmem>>) target(%dma_start3A_182 : memref<80xf32, #tpu.memory_space<vmem_shared>>) target_semaphore(%arg18 : memref<!tpu.dma_semaphore, #tpu.memory_space<semaphore_mem>>)
    %add3A_186 = arith.constant 400 : i32
    %add3A_187 = arith.addi %mul3A_0, %add3A_186 : i32
    %dma_start3A_188 = arith.constant 0 : i32
    %dma_start3A_189 = arith.constant 0 : i32
    %dma_start3A_190 = arith.constant 0 : i32
    %dma_start3A_191 = tpu.memref_slice %arg9[%dma_start3A_188, %dma_start3A_189, %dma_start3A_190] : memref<3x400x64xf32, #tpu.memory_space<vmem>> -> memref<1x80x64xf32, #tpu.memory_space<vmem>>
    %dma_start3A_192 = tpu.memref_squeeze %dma_start3A_191 : memref<1x80x64xf32, #tpu.memory_space<vmem>> -> memref<80x64xf32, #tpu.memory_space<vmem>>
    %dma_start3A_193 = arith.constant 0 : i32
    %dma_start3A_194 = tpu.memref_slice %arg14[%add3A_187, %dma_start3A_193] : memref<10240x64xf32, #tpu.memory_space<vmem_shared>> -> memref<80x64xf32, #tpu.memory_space<vmem_shared>>
    %dma_start3A_195 = arith.constant 0 : i32
    %dma_start3A_196 = tpu.memref_slice %arg14[%add3A_187, %dma_start3A_195] : memref<10240x64xf32, #tpu.memory_space<vmem_shared>> -> memref<80x64xf32, #tpu.memory_space<vmem_shared>>
    %dma_start3A_197 = arith.constant 0 : i32
    %dma_start3A_198 = arith.constant 0 : i32
    %dma_start3A_199 = tpu.memref_slice %arg9[%dma_start3A_188, %dma_start3A_197, %dma_start3A_198] : memref<3x400x64xf32, #tpu.memory_space<vmem>> -> memref<1x80x64xf32, #tpu.memory_space<vmem>>
    %dma_start3A_200 = tpu.memref_squeeze %dma_start3A_199 : memref<1x80x64xf32, #tpu.memory_space<vmem>> -> memref<80x64xf32, #tpu.memory_space<vmem>>
    tpu.enqueue_dma source(%dma_start3A_200 : memref<80x64xf32, #tpu.memory_space<vmem>>) target(%dma_start3A_196 : memref<80x64xf32, #tpu.memory_space<vmem_shared>>) target_semaphore(%arg16 : memref<!tpu.dma_semaphore, #tpu.memory_space<semaphore_mem>>)
    %add3A_201 = arith.constant 400 : i32
    %add3A_202 = arith.addi %mul3A_0, %add3A_201 : i32
    %dma_start3A_203 = arith.constant 0 : i32
    %dma_start3A_204 = arith.constant 0 : i32
    %dma_start3A_205 = tpu.memref_slice %arg11[%dma_start3A_203, %dma_start3A_204] : memref<2x80xf32, #tpu.memory_space<vmem>> -> memref<1x80xf32, #tpu.memory_space<vmem>>
    %dma_start3A_206 = tpu.memref_squeeze %dma_start3A_205 : memref<1x80xf32, #tpu.memory_space<vmem>> -> memref<80xf32, #tpu.memory_space<vmem>>
    %dma_start3A_207 = tpu.memref_slice %arg15[%add3A_202] : memref<10240xf32, #tpu.memory_space<vmem_shared>> -> memref<80xf32, #tpu.memory_space<vmem_shared>>
    %dma_start3A_208 = tpu.memref_slice %arg15[%add3A_202] : memref<10240xf32, #tpu.memory_space<vmem_shared>> -> memref<80xf32, #tpu.memory_space<vmem_shared>>
    %dma_start3A_209 = arith.constant 0 : i32
    %dma_start3A_210 = tpu.memref_slice %arg11[%dma_start3A_203, %dma_start3A_209] : memref<2x80xf32, #tpu.memory_space<vmem>> -> memref<1x80xf32, #tpu.memory_space<vmem>>
    %dma_start3A_211 = tpu.memref_squeeze %dma_start3A_210 : memref<1x80xf32, #tpu.memory_space<vmem>> -> memref<80xf32, #tpu.memory_space<vmem>>
    tpu.enqueue_dma source(%dma_start3A_211 : memref<80xf32, #tpu.memory_space<vmem>>) target(%dma_start3A_208 : memref<80xf32, #tpu.memory_space<vmem_shared>>) target_semaphore(%arg18 : memref<!tpu.dma_semaphore, #tpu.memory_space<semaphore_mem>>)
    %add3A_212 = arith.constant 480 : i32
    %add3A_213 = arith.addi %mul3A_0, %add3A_212 : i32
    %dma_start3A_214 = arith.constant 0 : i32
    %dma_start3A_215 = arith.constant 0 : i32
    %dma_start3A_216 = arith.constant 0 : i32
    %dma_start3A_217 = tpu.memref_slice %arg9[%dma_start3A_214, %dma_start3A_215, %dma_start3A_216] : memref<3x400x64xf32, #tpu.memory_space<vmem>> -> memref<1x80x64xf32, #tpu.memory_space<vmem>>
    %dma_start3A_218 = tpu.memref_squeeze %dma_start3A_217 : memref<1x80x64xf32, #tpu.memory_space<vmem>> -> memref<80x64xf32, #tpu.memory_space<vmem>>
    %dma_start3A_219 = arith.constant 0 : i32
    %dma_start3A_220 = tpu.memref_slice %arg14[%add3A_213, %dma_start3A_219] : memref<10240x64xf32, #tpu.memory_space<vmem_shared>> -> memref<80x64xf32, #tpu.memory_space<vmem_shared>>
    %dma_start3A_221 = arith.constant 0 : i32
    %dma_start3A_222 = tpu.memref_slice %arg14[%add3A_213, %dma_start3A_221] : memref<10240x64xf32, #tpu.memory_space<vmem_shared>> -> memref<80x64xf32, #tpu.memory_space<vmem_shared>>
    %dma_start3A_223 = arith.constant 0 : i32
    %dma_start3A_224 = arith.constant 0 : i32
    %dma_start3A_225 = tpu.memref_slice %arg9[%dma_start3A_214, %dma_start3A_223, %dma_start3A_224] : memref<3x400x64xf32, #tpu.memory_space<vmem>> -> memref<1x80x64xf32, #tpu.memory_space<vmem>>
    %dma_start3A_226 = tpu.memref_squeeze %dma_start3A_225 : memref<1x80x64xf32, #tpu.memory_space<vmem>> -> memref<80x64xf32, #tpu.memory_space<vmem>>
    tpu.enqueue_dma source(%dma_start3A_226 : memref<80x64xf32, #tpu.memory_space<vmem>>) target(%dma_start3A_222 : memref<80x64xf32, #tpu.memory_space<vmem_shared>>) target_semaphore(%arg16 : memref<!tpu.dma_semaphore, #tpu.memory_space<semaphore_mem>>)
    %add3A_227 = arith.constant 480 : i32
    %add3A_228 = arith.addi %mul3A_0, %add3A_227 : i32
    %dma_start3A_229 = arith.constant 0 : i32
    %dma_start3A_230 = arith.constant 0 : i32
    %dma_start3A_231 = tpu.memref_slice %arg11[%dma_start3A_229, %dma_start3A_230] : memref<2x80xf32, #tpu.memory_space<vmem>> -> memref<1x80xf32, #tpu.memory_space<vmem>>
    %dma_start3A_232 = tpu.memref_squeeze %dma_start3A_231 : memref<1x80xf32, #tpu.memory_space<vmem>> -> memref<80xf32, #tpu.memory_space<vmem>>
    %dma_start3A_233 = tpu.memref_slice %arg15[%add3A_228] : memref<10240xf32, #tpu.memory_space<vmem_shared>> -> memref<80xf32, #tpu.memory_space<vmem_shared>>
    %dma_start3A_234 = tpu.memref_slice %arg15[%add3A_228] : memref<10240xf32, #tpu.memory_space<vmem_shared>> -> memref<80xf32, #tpu.memory_space<vmem_shared>>
    %dma_start3A_235 = arith.constant 0 : i32
    %dma_start3A_236 = tpu.memref_slice %arg11[%dma_start3A_229, %dma_start3A_235] : memref<2x80xf32, #tpu.memory_space<vmem>> -> memref<1x80xf32, #tpu.memory_space<vmem>>
    %dma_start3A_237 = tpu.memref_squeeze %dma_start3A_236 : memref<1x80xf32, #tpu.memory_space<vmem>> -> memref<80xf32, #tpu.memory_space<vmem>>
    tpu.enqueue_dma source(%dma_start3A_237 : memref<80xf32, #tpu.memory_space<vmem>>) target(%dma_start3A_234 : memref<80xf32, #tpu.memory_space<vmem_shared>>) target_semaphore(%arg18 : memref<!tpu.dma_semaphore, #tpu.memory_space<semaphore_mem>>)
    %add3A_238 = arith.constant 560 : i32
    %add3A_239 = arith.addi %mul3A_0, %add3A_238 : i32
    %dma_start3A_240 = arith.constant 0 : i32
    %dma_start3A_241 = arith.constant 0 : i32
    %dma_start3A_242 = arith.constant 0 : i32
    %dma_start3A_243 = tpu.memref_slice %arg9[%dma_start3A_240, %dma_start3A_241, %dma_start3A_242] : memref<3x400x64xf32, #tpu.memory_space<vmem>> -> memref<1x80x64xf32, #tpu.memory_space<vmem>>
    %dma_start3A_244 = tpu.memref_squeeze %dma_start3A_243 : memref<1x80x64xf32, #tpu.memory_space<vmem>> -> memref<80x64xf32, #tpu.memory_space<vmem>>
    %dma_start3A_245 = arith.constant 0 : i32
    %dma_start3A_246 = tpu.memref_slice %arg14[%add3A_239, %dma_start3A_245] : memref<10240x64xf32, #tpu.memory_space<vmem_shared>> -> memref<80x64xf32, #tpu.memory_space<vmem_shared>>
    %dma_start3A_247 = arith.constant 0 : i32
    %dma_start3A_248 = tpu.memref_slice %arg14[%add3A_239, %dma_start3A_247] : memref<10240x64xf32, #tpu.memory_space<vmem_shared>> -> memref<80x64xf32, #tpu.memory_space<vmem_shared>>
    %dma_start3A_249 = arith.constant 0 : i32
    %dma_start3A_250 = arith.constant 0 : i32
    %dma_start3A_251 = tpu.memref_slice %arg9[%dma_start3A_240, %dma_start3A_249, %dma_start3A_250] : memref<3x400x64xf32, #tpu.memory_space<vmem>> -> memref<1x80x64xf32, #tpu.memory_space<vmem>>
    %dma_start3A_252 = tpu.memref_squeeze %dma_start3A_251 : memref<1x80x64xf32, #tpu.memory_space<vmem>> -> memref<80x64xf32, #tpu.memory_space<vmem>>
    tpu.enqueue_dma source(%dma_start3A_252 : memref<80x64xf32, #tpu.memory_space<vmem>>) target(%dma_start3A_248 : memref<80x64xf32, #tpu.memory_space<vmem_shared>>) target_semaphore(%arg16 : memref<!tpu.dma_semaphore, #tpu.memory_space<semaphore_mem>>)
    %add3A_253 = arith.constant 560 : i32
    %add3A_254 = arith.addi %mul3A_0, %add3A_253 : i32
    %dma_start3A_255 = arith.constant 0 : i32
    %dma_start3A_256 = arith.constant 0 : i32
    %dma_start3A_257 = tpu.memref_slice %arg11[%dma_start3A_255, %dma_start3A_256] : memref<2x80xf32, #tpu.memory_space<vmem>> -> memref<1x80xf32, #tpu.memory_space<vmem>>
    %dma_start3A_258 = tpu.memref_squeeze %dma_start3A_257 : memref<1x80xf32, #tpu.memory_space<vmem>> -> memref<80xf32, #tpu.memory_space<vmem>>
    %dma_start3A_259 = tpu.memref_slice %arg15[%add3A_254] : memref<10240xf32, #tpu.memory_space<vmem_shared>> -> memref<80xf32, #tpu.memory_space<vmem_shared>>
    %dma_start3A_260 = tpu.memref_slice %arg15[%add3A_254] : memref<10240xf32, #tpu.memory_space<vmem_shared>> -> memref<80xf32, #tpu.memory_space<vmem_shared>>
    %dma_start3A_261 = arith.constant 0 : i32
    %dma_start3A_262 = tpu.memref_slice %arg11[%dma_start3A_255, %dma_start3A_261] : memref<2x80xf32, #tpu.memory_space<vmem>> -> memref<1x80xf32, #tpu.memory_space<vmem>>
    %dma_start3A_263 = tpu.memref_squeeze %dma_start3A_262 : memref<1x80xf32, #tpu.memory_space<vmem>> -> memref<80xf32, #tpu.memory_space<vmem>>
    tpu.enqueue_dma source(%dma_start3A_263 : memref<80xf32, #tpu.memory_space<vmem>>) target(%dma_start3A_260 : memref<80xf32, #tpu.memory_space<vmem_shared>>) target_semaphore(%arg18 : memref<!tpu.dma_semaphore, #tpu.memory_space<semaphore_mem>>)
    %dma_wait3A = arith.constant 0 : i32
    %dma_wait3A_264 = arith.constant 0 : i32
    %dma_wait3A_265 = arith.constant 0 : i32
    %dma_wait3A_266 = tpu.memref_slice %arg9[%dma_wait3A, %dma_wait3A_264, %dma_wait3A_265] : memref<3x400x64xf32, #tpu.memory_space<vmem>> -> memref<1x400x64xf32, #tpu.memory_space<vmem>>
    %dma_wait3A_267 = tpu.memref_squeeze %dma_wait3A_266 : memref<1x400x64xf32, #tpu.memory_space<vmem>> -> memref<400x64xf32, #tpu.memory_space<vmem>>
    %dma_wait3A_268 = arith.constant 0 : i32
    %dma_wait3A_269 = arith.constant 0 : i32
    %dma_wait3A_270 = tpu.memref_slice %arg2[%dma_wait3A_268, %dma_wait3A_269] : memref<20000x64xf32, #tpu.memory_space<hbm>> -> memref<400x64xf32, #tpu.memory_space<hbm>>
    %dma_wait3A_271 = arith.constant 0 : i32
    %dma_wait3A_272 = arith.constant 0 : i32
    %dma_wait3A_273 = tpu.memref_slice %arg9[%dma_wait3A, %dma_wait3A_271, %dma_wait3A_272] : memref<3x400x64xf32, #tpu.memory_space<vmem>> -> memref<1x400x64xf32, #tpu.memory_space<vmem>>
    %dma_wait3A_274 = tpu.memref_squeeze %dma_wait3A_273 : memref<1x400x64xf32, #tpu.memory_space<vmem>> -> memref<400x64xf32, #tpu.memory_space<vmem>>
    %dma_wait3A_275 = arith.constant 0 : i32
    %dma_wait3A_276 = arith.constant 0 : i32
    %dma_wait3A_277 = tpu.memref_slice %arg2[%dma_wait3A_275, %dma_wait3A_276] : memref<20000x64xf32, #tpu.memory_space<hbm>> -> memref<400x64xf32, #tpu.memory_space<hbm>>
    tpu.wait_dma2 semaphore(%arg16 : memref<!tpu.dma_semaphore, #tpu.memory_space<semaphore_mem>>) src(%dma_wait3A_277 : memref<400x64xf32, #tpu.memory_space<hbm>>) dst(%dma_wait3A_274 : memref<400x64xf32, #tpu.memory_space<vmem>>)
    %dma_wait3A_278 = arith.constant 0 : i32
    %dma_wait3A_279 = arith.constant 0 : i32
    %dma_wait3A_280 = arith.constant 0 : i32
    %dma_wait3A_281 = tpu.memref_slice %arg9[%dma_wait3A_278, %dma_wait3A_279, %dma_wait3A_280] : memref<3x400x64xf32, #tpu.memory_space<vmem>> -> memref<1x240x64xf32, #tpu.memory_space<vmem>>
    %dma_wait3A_282 = tpu.memref_squeeze %dma_wait3A_281 : memref<1x240x64xf32, #tpu.memory_space<vmem>> -> memref<240x64xf32, #tpu.memory_space<vmem>>
    %dma_wait3A_283 = arith.constant 0 : i32
    %dma_wait3A_284 = arith.constant 0 : i32
    %dma_wait3A_285 = tpu.memref_slice %arg2[%dma_wait3A_283, %dma_wait3A_284] : memref<20000x64xf32, #tpu.memory_space<hbm>> -> memref<240x64xf32, #tpu.memory_space<hbm>>
    %dma_wait3A_286 = arith.constant 0 : i32
    %dma_wait3A_287 = arith.constant 0 : i32
    %dma_wait3A_288 = tpu.memref_slice %arg9[%dma_wait3A_278, %dma_wait3A_286, %dma_wait3A_287] : memref<3x400x64xf32, #tpu.memory_space<vmem>> -> memref<1x240x64xf32, #tpu.memory_space<vmem>>
    %dma_wait3A_289 = tpu.memref_squeeze %dma_wait3A_288 : memref<1x240x64xf32, #tpu.memory_space<vmem>> -> memref<240x64xf32, #tpu.memory_space<vmem>>
    %dma_wait3A_290 = arith.constant 0 : i32
    %dma_wait3A_291 = arith.constant 0 : i32
    %dma_wait3A_292 = tpu.memref_slice %arg2[%dma_wait3A_290, %dma_wait3A_291] : memref<20000x64xf32, #tpu.memory_space<hbm>> -> memref<240x64xf32, #tpu.memory_space<hbm>>
    tpu.wait_dma2 semaphore(%arg16 : memref<!tpu.dma_semaphore, #tpu.memory_space<semaphore_mem>>) src(%dma_wait3A_292 : memref<240x64xf32, #tpu.memory_space<hbm>>) dst(%dma_wait3A_289 : memref<240x64xf32, #tpu.memory_space<vmem>>)
    %dma_wait3A_293 = arith.constant 0 : i32
    %dma_wait3A_294 = arith.constant 0 : i32
    %dma_wait3A_295 = tpu.memref_slice %arg11[%dma_wait3A_293, %dma_wait3A_294] : memref<2x80xf32, #tpu.memory_space<vmem>> -> memref<1x80xf32, #tpu.memory_space<vmem>>
    %dma_wait3A_296 = tpu.memref_squeeze %dma_wait3A_295 : memref<1x80xf32, #tpu.memory_space<vmem>> -> memref<80xf32, #tpu.memory_space<vmem>>
    %dma_wait3A_297 = arith.constant 0 : i32
    %dma_wait3A_298 = tpu.memref_slice %arg6[%dma_wait3A_297] : memref<10240xf32, #tpu.memory_space<hbm>> -> memref<80xf32, #tpu.memory_space<hbm>>
    %dma_wait3A_299 = arith.constant 0 : i32
    %dma_wait3A_300 = tpu.memref_slice %arg11[%dma_wait3A_293, %dma_wait3A_299] : memref<2x80xf32, #tpu.memory_space<vmem>> -> memref<1x80xf32, #tpu.memory_space<vmem>>
    %dma_wait3A_301 = tpu.memref_squeeze %dma_wait3A_300 : memref<1x80xf32, #tpu.memory_space<vmem>> -> memref<80xf32, #tpu.memory_space<vmem>>
    %dma_wait3A_302 = arith.constant 0 : i32
    %dma_wait3A_303 = tpu.memref_slice %arg6[%dma_wait3A_302] : memref<10240xf32, #tpu.memory_space<hbm>> -> memref<80xf32, #tpu.memory_space<hbm>>
    tpu.wait_dma2 semaphore(%arg18 : memref<!tpu.dma_semaphore, #tpu.memory_space<semaphore_mem>>) src(%dma_wait3A_303 : memref<80xf32, #tpu.memory_space<hbm>>) dst(%dma_wait3A_301 : memref<80xf32, #tpu.memory_space<vmem>>)
    %dma_wait3A_304 = arith.constant 0 : i32
    %dma_wait3A_305 = arith.constant 0 : i32
    %dma_wait3A_306 = tpu.memref_slice %arg11[%dma_wait3A_304, %dma_wait3A_305] : memref<2x80xf32, #tpu.memory_space<vmem>> -> memref<1x80xf32, #tpu.memory_space<vmem>>
    %dma_wait3A_307 = tpu.memref_squeeze %dma_wait3A_306 : memref<1x80xf32, #tpu.memory_space<vmem>> -> memref<80xf32, #tpu.memory_space<vmem>>
    %dma_wait3A_308 = arith.constant 0 : i32
    %dma_wait3A_309 = tpu.memref_slice %arg6[%dma_wait3A_308] : memref<10240xf32, #tpu.memory_space<hbm>> -> memref<80xf32, #tpu.memory_space<hbm>>
    %dma_wait3A_310 = arith.constant 0 : i32
    %dma_wait3A_311 = tpu.memref_slice %arg11[%dma_wait3A_304, %dma_wait3A_310] : memref<2x80xf32, #tpu.memory_space<vmem>> -> memref<1x80xf32, #tpu.memory_space<vmem>>
    %dma_wait3A_312 = tpu.memref_squeeze %dma_wait3A_311 : memref<1x80xf32, #tpu.memory_space<vmem>> -> memref<80xf32, #tpu.memory_space<vmem>>
    %dma_wait3A_313 = arith.constant 0 : i32
    %dma_wait3A_314 = tpu.memref_slice %arg6[%dma_wait3A_313] : memref<10240xf32, #tpu.memory_space<hbm>> -> memref<80xf32, #tpu.memory_space<hbm>>
    tpu.wait_dma2 semaphore(%arg18 : memref<!tpu.dma_semaphore, #tpu.memory_space<semaphore_mem>>) src(%dma_wait3A_314 : memref<80xf32, #tpu.memory_space<hbm>>) dst(%dma_wait3A_312 : memref<80xf32, #tpu.memory_space<vmem>>)
    %dma_wait3A_315 = arith.constant 0 : i32
    %dma_wait3A_316 = arith.constant 0 : i32
    %dma_wait3A_317 = tpu.memref_slice %arg11[%dma_wait3A_315, %dma_wait3A_316] : memref<2x80xf32, #tpu.memory_space<vmem>> -> memref<1x80xf32, #tpu.memory_space<vmem>>
    %dma_wait3A_318 = tpu.memref_squeeze %dma_wait3A_317 : memref<1x80xf32, #tpu.memory_space<vmem>> -> memref<80xf32, #tpu.memory_space<vmem>>
    %dma_wait3A_319 = arith.constant 0 : i32
    %dma_wait3A_320 = tpu.memref_slice %arg6[%dma_wait3A_319] : memref<10240xf32, #tpu.memory_space<hbm>> -> memref<80xf32, #tpu.memory_space<hbm>>
    %dma_wait3A_321 = arith.constant 0 : i32
    %dma_wait3A_322 = tpu.memref_slice %arg11[%dma_wait3A_315, %dma_wait3A_321] : memref<2x80xf32, #tpu.memory_space<vmem>> -> memref<1x80xf32, #tpu.memory_space<vmem>>
    %dma_wait3A_323 = tpu.memref_squeeze %dma_wait3A_322 : memref<1x80xf32, #tpu.memory_space<vmem>> -> memref<80xf32, #tpu.memory_space<vmem>>
    %dma_wait3A_324 = arith.constant 0 : i32
    %dma_wait3A_325 = tpu.memref_slice %arg6[%dma_wait3A_324] : memref<10240xf32, #tpu.memory_space<hbm>> -> memref<80xf32, #tpu.memory_space<hbm>>
    tpu.wait_dma2 semaphore(%arg18 : memref<!tpu.dma_semaphore, #tpu.memory_space<semaphore_mem>>) src(%dma_wait3A_325 : memref<80xf32, #tpu.memory_space<hbm>>) dst(%dma_wait3A_323 : memref<80xf32, #tpu.memory_space<vmem>>)
    %dma_wait3A_326 = arith.constant 0 : i32
    %dma_wait3A_327 = arith.constant 0 : i32
    %dma_wait3A_328 = tpu.memref_slice %arg11[%dma_wait3A_326, %dma_wait3A_327] : memref<2x80xf32, #tpu.memory_space<vmem>> -> memref<1x80xf32, #tpu.memory_space<vmem>>
    %dma_wait3A_329 = tpu.memref_squeeze %dma_wait3A_328 : memref<1x80xf32, #tpu.memory_space<vmem>> -> memref<80xf32, #tpu.memory_space<vmem>>
    %dma_wait3A_330 = arith.constant 0 : i32
    %dma_wait3A_331 = tpu.memref_slice %arg6[%dma_wait3A_330] : memref<10240xf32, #tpu.memory_space<hbm>> -> memref<80xf32, #tpu.memory_space<hbm>>
    %dma_wait3A_332 = arith.constant 0 : i32
    %dma_wait3A_333 = tpu.memref_slice %arg11[%dma_wait3A_326, %dma_wait3A_332] : memref<2x80xf32, #tpu.memory_space<vmem>> -> memref<1x80xf32, #tpu.memory_space<vmem>>
    %dma_wait3A_334 = tpu.memref_squeeze %dma_wait3A_333 : memref<1x80xf32, #tpu.memory_space<vmem>> -> memref<80xf32, #tpu.memory_space<vmem>>
    %dma_wait3A_335 = arith.constant 0 : i32
    %dma_wait3A_336 = tpu.memref_slice %arg6[%dma_wait3A_335] : memref<10240xf32, #tpu.memory_space<hbm>> -> memref<80xf32, #tpu.memory_space<hbm>>
    tpu.wait_dma2 semaphore(%arg18 : memref<!tpu.dma_semaphore, #tpu.memory_space<semaphore_mem>>) src(%dma_wait3A_336 : memref<80xf32, #tpu.memory_space<hbm>>) dst(%dma_wait3A_334 : memref<80xf32, #tpu.memory_space<vmem>>)
    %dma_wait3A_337 = arith.constant 0 : i32
    %dma_wait3A_338 = arith.constant 0 : i32
    %dma_wait3A_339 = tpu.memref_slice %arg11[%dma_wait3A_337, %dma_wait3A_338] : memref<2x80xf32, #tpu.memory_space<vmem>> -> memref<1x80xf32, #tpu.memory_space<vmem>>
    %dma_wait3A_340 = tpu.memref_squeeze %dma_wait3A_339 : memref<1x80xf32, #tpu.memory_space<vmem>> -> memref<80xf32, #tpu.memory_space<vmem>>
    %dma_wait3A_341 = arith.constant 0 : i32
    %dma_wait3A_342 = tpu.memref_slice %arg6[%dma_wait3A_341] : memref<10240xf32, #tpu.memory_space<hbm>> -> memref<80xf32, #tpu.memory_space<hbm>>
    %dma_wait3A_343 = arith.constant 0 : i32
    %dma_wait3A_344 = tpu.memref_slice %arg11[%dma_wait3A_337, %dma_wait3A_343] : memref<2x80xf32, #tpu.memory_space<vmem>> -> memref<1x80xf32, #tpu.memory_space<vmem>>
    %dma_wait3A_345 = tpu.memref_squeeze %dma_wait3A_344 : memref<1x80xf32, #tpu.memory_space<vmem>> -> memref<80xf32, #tpu.memory_space<vmem>>
    %dma_wait3A_346 = arith.constant 0 : i32
    %dma_wait3A_347 = tpu.memref_slice %arg6[%dma_wait3A_346] : memref<10240xf32, #tpu.memory_space<hbm>> -> memref<80xf32, #tpu.memory_space<hbm>>
    tpu.wait_dma2 semaphore(%arg18 : memref<!tpu.dma_semaphore, #tpu.memory_space<semaphore_mem>>) src(%dma_wait3A_347 : memref<80xf32, #tpu.memory_space<hbm>>) dst(%dma_wait3A_345 : memref<80xf32, #tpu.memory_space<vmem>>)
    %dma_wait3A_348 = arith.constant 0 : i32
    %dma_wait3A_349 = arith.constant 0 : i32
    %dma_wait3A_350 = tpu.memref_slice %arg11[%dma_wait3A_348, %dma_wait3A_349] : memref<2x80xf32, #tpu.memory_space<vmem>> -> memref<1x80xf32, #tpu.memory_space<vmem>>
    %dma_wait3A_351 = tpu.memref_squeeze %dma_wait3A_350 : memref<1x80xf32, #tpu.memory_space<vmem>> -> memref<80xf32, #tpu.memory_space<vmem>>
    %dma_wait3A_352 = arith.constant 0 : i32
    %dma_wait3A_353 = tpu.memref_slice %arg6[%dma_wait3A_352] : memref<10240xf32, #tpu.memory_space<hbm>> -> memref<80xf32, #tpu.memory_space<hbm>>
    %dma_wait3A_354 = arith.constant 0 : i32
    %dma_wait3A_355 = tpu.memref_slice %arg11[%dma_wait3A_348, %dma_wait3A_354] : memref<2x80xf32, #tpu.memory_space<vmem>> -> memref<1x80xf32, #tpu.memory_space<vmem>>
    %dma_wait3A_356 = tpu.memref_squeeze %dma_wait3A_355 : memref<1x80xf32, #tpu.memory_space<vmem>> -> memref<80xf32, #tpu.memory_space<vmem>>
    %dma_wait3A_357 = arith.constant 0 : i32
    %dma_wait3A_358 = tpu.memref_slice %arg6[%dma_wait3A_357] : memref<10240xf32, #tpu.memory_space<hbm>> -> memref<80xf32, #tpu.memory_space<hbm>>
    tpu.wait_dma2 semaphore(%arg18 : memref<!tpu.dma_semaphore, #tpu.memory_space<semaphore_mem>>) src(%dma_wait3A_358 : memref<80xf32, #tpu.memory_space<hbm>>) dst(%dma_wait3A_356 : memref<80xf32, #tpu.memory_space<vmem>>)
    %dma_wait3A_359 = arith.constant 0 : i32
    %dma_wait3A_360 = arith.constant 0 : i32
    %dma_wait3A_361 = tpu.memref_slice %arg11[%dma_wait3A_359, %dma_wait3A_360] : memref<2x80xf32, #tpu.memory_space<vmem>> -> memref<1x80xf32, #tpu.memory_space<vmem>>
    %dma_wait3A_362 = tpu.memref_squeeze %dma_wait3A_361 : memref<1x80xf32, #tpu.memory_space<vmem>> -> memref<80xf32, #tpu.memory_space<vmem>>
    %dma_wait3A_363 = arith.constant 0 : i32
    %dma_wait3A_364 = tpu.memref_slice %arg6[%dma_wait3A_363] : memref<10240xf32, #tpu.memory_space<hbm>> -> memref<80xf32, #tpu.memory_space<hbm>>
    %dma_wait3A_365 = arith.constant 0 : i32
    %dma_wait3A_366 = tpu.memref_slice %arg11[%dma_wait3A_359, %dma_wait3A_365] : memref<2x80xf32, #tpu.memory_space<vmem>> -> memref<1x80xf32, #tpu.memory_space<vmem>>
    %dma_wait3A_367 = tpu.memref_squeeze %dma_wait3A_366 : memref<1x80xf32, #tpu.memory_space<vmem>> -> memref<80xf32, #tpu.memory_space<vmem>>
    %dma_wait3A_368 = arith.constant 0 : i32
    %dma_wait3A_369 = tpu.memref_slice %arg6[%dma_wait3A_368] : memref<10240xf32, #tpu.memory_space<hbm>> -> memref<80xf32, #tpu.memory_space<hbm>>
    tpu.wait_dma2 semaphore(%arg18 : memref<!tpu.dma_semaphore, #tpu.memory_space<semaphore_mem>>) src(%dma_wait3A_369 : memref<80xf32, #tpu.memory_space<hbm>>) dst(%dma_wait3A_367 : memref<80xf32, #tpu.memory_space<vmem>>)
    %dma_wait3A_370 = arith.constant 0 : i32
    %dma_wait3A_371 = arith.constant 0 : i32
    %dma_wait3A_372 = tpu.memref_slice %arg11[%dma_wait3A_370, %dma_wait3A_371] : memref<2x80xf32, #tpu.memory_space<vmem>> -> memref<1x80xf32, #tpu.memory_space<vmem>>
    %dma_wait3A_373 = tpu.memref_squeeze %dma_wait3A_372 : memref<1x80xf32, #tpu.memory_space<vmem>> -> memref<80xf32, #tpu.memory_space<vmem>>
    %dma_wait3A_374 = arith.constant 0 : i32
    %dma_wait3A_375 = tpu.memref_slice %arg6[%dma_wait3A_374] : memref<10240xf32, #tpu.memory_space<hbm>> -> memref<80xf32, #tpu.memory_space<hbm>>
    %dma_wait3A_376 = arith.constant 0 : i32
    %dma_wait3A_377 = tpu.memref_slice %arg11[%dma_wait3A_370, %dma_wait3A_376] : memref<2x80xf32, #tpu.memory_space<vmem>> -> memref<1x80xf32, #tpu.memory_space<vmem>>
    %dma_wait3A_378 = tpu.memref_squeeze %dma_wait3A_377 : memref<1x80xf32, #tpu.memory_space<vmem>> -> memref<80xf32, #tpu.memory_space<vmem>>
    %dma_wait3A_379 = arith.constant 0 : i32
    %dma_wait3A_380 = tpu.memref_slice %arg6[%dma_wait3A_379] : memref<10240xf32, #tpu.memory_space<hbm>> -> memref<80xf32, #tpu.memory_space<hbm>>
    tpu.wait_dma2 semaphore(%arg18 : memref<!tpu.dma_semaphore, #tpu.memory_space<semaphore_mem>>) src(%dma_wait3A_380 : memref<80xf32, #tpu.memory_space<hbm>>) dst(%dma_wait3A_378 : memref<80xf32, #tpu.memory_space<vmem>>)
    %barrier3A = arith.constant 0 : index
    tpu.barrier barrier_id(%barrier3A)
    %dma_start3A_381 = arith.constant 0 : i32
    %dma_start3A_382 = arith.constant 0 : i32
    %dma_start3A_383 = arith.constant 0 : i32
    %dma_start3A_384 = tpu.memref_slice %arg7[%dma_start3A_381, %dma_start3A_382, %dma_start3A_383] : memref<4x5x80xi32, #tpu.memory_space<vmem>> -> memref<1x5x80xi32, #tpu.memory_space<vmem>>
    %dma_start3A_385 = tpu.memref_squeeze %dma_start3A_384 : memref<1x5x80xi32, #tpu.memory_space<vmem>> -> memref<5x80xi32, #tpu.memory_space<vmem>>
    %dma_start3A_386 = arith.constant 0 : i32
    %dma_start3A_387 = arith.constant 0 : i32
    %dma_start3A_388 = tpu.memref_slice %arg3[%arg1, %dma_start3A_386, %dma_start3A_387] : memref<16x250x80xi32, #tpu.memory_space<hbm>> -> memref<1x5x80xi32, #tpu.memory_space<hbm>>
    %dma_start3A_389 = tpu.memref_squeeze %dma_start3A_388 : memref<1x5x80xi32, #tpu.memory_space<hbm>> -> memref<5x80xi32, #tpu.memory_space<hbm>>
    %dma_start3A_390 = arith.constant 0 : i32
    %dma_start3A_391 = arith.constant 0 : i32
    %dma_start3A_392 = tpu.memref_slice %arg7[%dma_start3A_381, %dma_start3A_390, %dma_start3A_391] : memref<4x5x80xi32, #tpu.memory_space<vmem>> -> memref<1x5x80xi32, #tpu.memory_space<vmem>>
    %dma_start3A_393 = tpu.memref_squeeze %dma_start3A_392 : memref<1x5x80xi32, #tpu.memory_space<vmem>> -> memref<5x80xi32, #tpu.memory_space<vmem>>
    %dma_start3A_394 = arith.constant 0 : i32
    %dma_start3A_395 = arith.constant 0 : i32
    %dma_start3A_396 = tpu.memref_slice %arg3[%arg1, %dma_start3A_394, %dma_start3A_395] : memref<16x250x80xi32, #tpu.memory_space<hbm>> -> memref<1x5x80xi32, #tpu.memory_space<hbm>>
    %dma_start3A_397 = tpu.memref_squeeze %dma_start3A_396 : memref<1x5x80xi32, #tpu.memory_space<hbm>> -> memref<5x80xi32, #tpu.memory_space<hbm>>
    tpu.enqueue_dma source(%dma_start3A_397 : memref<5x80xi32, #tpu.memory_space<hbm>>) target(%dma_start3A_393 : memref<5x80xi32, #tpu.memory_space<vmem>>) target_semaphore(%arg19 : memref<!tpu.dma_semaphore, #tpu.memory_space<semaphore_mem>>)
    %dma_start3A_398 = arith.constant 0 : i32
    %dma_start3A_399 = arith.constant 0 : i32
    %dma_start3A_400 = arith.constant 0 : i32
    %dma_start3A_401 = tpu.memref_slice %arg8[%dma_start3A_398, %dma_start3A_399, %dma_start3A_400] : memref<4x5x80xi32, #tpu.memory_space<vmem>> -> memref<1x5x80xi32, #tpu.memory_space<vmem>>
    %dma_start3A_402 = tpu.memref_squeeze %dma_start3A_401 : memref<1x5x80xi32, #tpu.memory_space<vmem>> -> memref<5x80xi32, #tpu.memory_space<vmem>>
    %dma_start3A_403 = arith.constant 0 : i32
    %dma_start3A_404 = arith.constant 0 : i32
    %dma_start3A_405 = tpu.memref_slice %arg4[%arg1, %dma_start3A_403, %dma_start3A_404] : memref<16x250x80xi32, #tpu.memory_space<hbm>> -> memref<1x5x80xi32, #tpu.memory_space<hbm>>
    %dma_start3A_406 = tpu.memref_squeeze %dma_start3A_405 : memref<1x5x80xi32, #tpu.memory_space<hbm>> -> memref<5x80xi32, #tpu.memory_space<hbm>>
    %dma_start3A_407 = arith.constant 0 : i32
    %dma_start3A_408 = arith.constant 0 : i32
    %dma_start3A_409 = tpu.memref_slice %arg8[%dma_start3A_398, %dma_start3A_407, %dma_start3A_408] : memref<4x5x80xi32, #tpu.memory_space<vmem>> -> memref<1x5x80xi32, #tpu.memory_space<vmem>>
    %dma_start3A_410 = tpu.memref_squeeze %dma_start3A_409 : memref<1x5x80xi32, #tpu.memory_space<vmem>> -> memref<5x80xi32, #tpu.memory_space<vmem>>
    %dma_start3A_411 = arith.constant 0 : i32
    %dma_start3A_412 = arith.constant 0 : i32
    %dma_start3A_413 = tpu.memref_slice %arg4[%arg1, %dma_start3A_411, %dma_start3A_412] : memref<16x250x80xi32, #tpu.memory_space<hbm>> -> memref<1x5x80xi32, #tpu.memory_space<hbm>>
    %dma_start3A_414 = tpu.memref_squeeze %dma_start3A_413 : memref<1x5x80xi32, #tpu.memory_space<hbm>> -> memref<5x80xi32, #tpu.memory_space<hbm>>
    tpu.enqueue_dma source(%dma_start3A_414 : memref<5x80xi32, #tpu.memory_space<hbm>>) target(%dma_start3A_410 : memref<5x80xi32, #tpu.memory_space<vmem>>) target_semaphore(%arg19 : memref<!tpu.dma_semaphore, #tpu.memory_space<semaphore_mem>>)
    %dma_wait3A_415 = arith.constant 0 : i32
    %dma_wait3A_416 = arith.constant 0 : i32
    %dma_wait3A_417 = arith.constant 0 : i32
    %dma_wait3A_418 = tpu.memref_slice %arg7[%dma_wait3A_415, %dma_wait3A_416, %dma_wait3A_417] : memref<4x5x80xi32, #tpu.memory_space<vmem>> -> memref<1x5x80xi32, #tpu.memory_space<vmem>>
    %dma_wait3A_419 = tpu.memref_squeeze %dma_wait3A_418 : memref<1x5x80xi32, #tpu.memory_space<vmem>> -> memref<5x80xi32, #tpu.memory_space<vmem>>
    %dma_wait3A_420 = arith.constant 0 : i32
    %dma_wait3A_421 = arith.constant 0 : i32
    %dma_wait3A_422 = tpu.memref_slice %arg3[%arg1, %dma_wait3A_420, %dma_wait3A_421] : memref<16x250x80xi32, #tpu.memory_space<hbm>> -> memref<1x5x80xi32, #tpu.memory_space<hbm>>
    %dma_wait3A_423 = tpu.memref_squeeze %dma_wait3A_422 : memref<1x5x80xi32, #tpu.memory_space<hbm>> -> memref<5x80xi32, #tpu.memory_space<hbm>>
    %dma_wait3A_424 = arith.constant 0 : i32
    %dma_wait3A_425 = arith.constant 0 : i32
    %dma_wait3A_426 = tpu.memref_slice %arg7[%dma_wait3A_415, %dma_wait3A_424, %dma_wait3A_425] : memref<4x5x80xi32, #tpu.memory_space<vmem>> -> memref<1x5x80xi32, #tpu.memory_space<vmem>>
    %dma_wait3A_427 = tpu.memref_squeeze %dma_wait3A_426 : memref<1x5x80xi32, #tpu.memory_space<vmem>> -> memref<5x80xi32, #tpu.memory_space<vmem>>
    %dma_wait3A_428 = arith.constant 0 : i32
    %dma_wait3A_429 = arith.constant 0 : i32
    %dma_wait3A_430 = tpu.memref_slice %arg3[%arg1, %dma_wait3A_428, %dma_wait3A_429] : memref<16x250x80xi32, #tpu.memory_space<hbm>> -> memref<1x5x80xi32, #tpu.memory_space<hbm>>
    %dma_wait3A_431 = tpu.memref_squeeze %dma_wait3A_430 : memref<1x5x80xi32, #tpu.memory_space<hbm>> -> memref<5x80xi32, #tpu.memory_space<hbm>>
    tpu.wait_dma2 semaphore(%arg19 : memref<!tpu.dma_semaphore, #tpu.memory_space<semaphore_mem>>) src(%dma_wait3A_431 : memref<5x80xi32, #tpu.memory_space<hbm>>) dst(%dma_wait3A_427 : memref<5x80xi32, #tpu.memory_space<vmem>>)
    %dma_wait3A_432 = arith.constant 0 : i32
    %dma_wait3A_433 = arith.constant 0 : i32
    %dma_wait3A_434 = arith.constant 0 : i32
    %dma_wait3A_435 = tpu.memref_slice %arg8[%dma_wait3A_432, %dma_wait3A_433, %dma_wait3A_434] : memref<4x5x80xi32, #tpu.memory_space<vmem>> -> memref<1x5x80xi32, #tpu.memory_space<vmem>>
    %dma_wait3A_436 = tpu.memref_squeeze %dma_wait3A_435 : memref<1x5x80xi32, #tpu.memory_space<vmem>> -> memref<5x80xi32, #tpu.memory_space<vmem>>
    %dma_wait3A_437 = arith.constant 0 : i32
    %dma_wait3A_438 = arith.constant 0 : i32
    %dma_wait3A_439 = tpu.memref_slice %arg4[%arg1, %dma_wait3A_437, %dma_wait3A_438] : memref<16x250x80xi32, #tpu.memory_space<hbm>> -> memref<1x5x80xi32, #tpu.memory_space<hbm>>
    %dma_wait3A_440 = tpu.memref_squeeze %dma_wait3A_439 : memref<1x5x80xi32, #tpu.memory_space<hbm>> -> memref<5x80xi32, #tpu.memory_space<hbm>>
    %dma_wait3A_441 = arith.constant 0 : i32
    %dma_wait3A_442 = arith.constant 0 : i32
    %dma_wait3A_443 = tpu.memref_slice %arg8[%dma_wait3A_432, %dma_wait3A_441, %dma_wait3A_442] : memref<4x5x80xi32, #tpu.memory_space<vmem>> -> memref<1x5x80xi32, #tpu.memory_space<vmem>>
    %dma_wait3A_444 = tpu.memref_squeeze %dma_wait3A_443 : memref<1x5x80xi32, #tpu.memory_space<vmem>> -> memref<5x80xi32, #tpu.memory_space<vmem>>
    %dma_wait3A_445 = arith.constant 0 : i32
    %dma_wait3A_446 = arith.constant 0 : i32
    %dma_wait3A_447 = tpu.memref_slice %arg4[%arg1, %dma_wait3A_445, %dma_wait3A_446] : memref<16x250x80xi32, #tpu.memory_space<hbm>> -> memref<1x5x80xi32, #tpu.memory_space<hbm>>
    %dma_wait3A_448 = tpu.memref_squeeze %dma_wait3A_447 : memref<1x5x80xi32, #tpu.memory_space<hbm>> -> memref<5x80xi32, #tpu.memory_space<hbm>>
    tpu.wait_dma2 semaphore(%arg19 : memref<!tpu.dma_semaphore, #tpu.memory_space<semaphore_mem>>) src(%dma_wait3A_448 : memref<5x80xi32, #tpu.memory_space<hbm>>) dst(%dma_wait3A_444 : memref<5x80xi32, #tpu.memory_space<vmem>>)
    %scan3A_449 = arith.constant 0 : i32
    %scan3A_450 = arith.constant 0 : i32
    %scan3A_451 = arith.constant 5 : i32
    %scan3A_452 = arith.addi %scan3A_450, %scan3A_451 : i32
    %scan3A_453 = arith.constant 1 : i32
    scf.for %scan3A_735 = %scan3A_450 to %scan3A_452 step %scan3A_453  : i32 {
      %get3A = arith.constant 0 : i32
      %get3A_736 = arith.index_cast %get3A : i32 to index
      %get3A_737 = arith.index_cast %scan3A_735 : i32 to index
      %get3A_738 = arith.constant 0 : index
      %get3A_739 = tpu.vector_load %arg7[%get3A_736, %get3A_737, %get3A_738] {strides = array<i32>} : memref<4x5x80xi32, #tpu.memory_space<vmem>>, vector<1x1x16xi32>,
      %get3A_740 = vector.shape_cast %get3A_739 : vector<1x1x16xi32> to vector<16xi32>
      %add3A_741 = arith.addi %get3A_740, %get3A_740 : vector<16xi32>
      %add3A_742 = vector.broadcast %arg0 : i32 to vector<16xi32>
      %add3A_743 = arith.addi %add3A_741, %add3A_742 : vector<16xi32>
      %swap3A_744 = arith.constant 0 : i32
      %swap3A_745 = arith.index_cast %swap3A_744 : i32 to index
      %swap3A_746 = arith.index_cast %scan3A_735 : i32 to index
      %swap3A_747 = arith.constant 0 : index
      %swap3A_748 = tpu.vector_load %arg7[%swap3A_745, %swap3A_746, %swap3A_747] {strides = array<i32>} : memref<4x5x80xi32, #tpu.memory_space<vmem>>, vector<1x1x16xi32>,
      %swap3A_749 = vector.shape_cast %swap3A_748 : vector<1x1x16xi32> to vector<16xi32>
      %swap3A_750 = vector.shape_cast %add3A_743 : vector<16xi32> to vector<1x1x16xi32>
      tpu.vector_store %arg7[%swap3A_745, %swap3A_746, %swap3A_747], %swap3A_750 {strides = array<i32>} : memref<4x5x80xi32, #tpu.memory_space<vmem>>, vector<1x1x16xi32>,
      %get3A_751 = arith.constant 0 : i32
      %get3A_752 = arith.index_cast %get3A_751 : i32 to index
      %get3A_753 = arith.index_cast %scan3A_735 : i32 to index
      %get3A_754 = arith.constant 16 : index
      %get3A_755 = tpu.vector_load %arg7[%get3A_752, %get3A_753, %get3A_754] {strides = array<i32>} : memref<4x5x80xi32, #tpu.memory_space<vmem>>, vector<1x1x16xi32>,
      %get3A_756 = vector.shape_cast %get3A_755 : vector<1x1x16xi32> to vector<16xi32>
      %add3A_757 = arith.addi %get3A_756, %get3A_756 : vector<16xi32>
      %add3A_758 = vector.broadcast %arg0 : i32 to vector<16xi32>
      %add3A_759 = arith.addi %add3A_757, %add3A_758 : vector<16xi32>
      %swap3A_760 = arith.constant 0 : i32
      %swap3A_761 = arith.index_cast %swap3A_760 : i32 to index
      %swap3A_762 = arith.index_cast %scan3A_735 : i32 to index
      %swap3A_763 = arith.constant 16 : index
      %swap3A_764 = tpu.vector_load %arg7[%swap3A_761, %swap3A_762, %swap3A_763] {strides = array<i32>} : memref<4x5x80xi32, #tpu.memory_space<vmem>>, vector<1x1x16xi32>,
      %swap3A_765 = vector.shape_cast %swap3A_764 : vector<1x1x16xi32> to vector<16xi32>
      %swap3A_766 = vector.shape_cast %add3A_759 : vector<16xi32> to vector<1x1x16xi32>
      tpu.vector_store %arg7[%swap3A_761, %swap3A_762, %swap3A_763], %swap3A_766 {strides = array<i32>} : memref<4x5x80xi32, #tpu.memory_space<vmem>>, vector<1x1x16xi32>,
      %get3A_767 = arith.constant 0 : i32
      %get3A_768 = arith.index_cast %get3A_767 : i32 to index
      %get3A_769 = arith.index_cast %scan3A_735 : i32 to index
      %get3A_770 = arith.constant 32 : index
      %get3A_771 = tpu.vector_load %arg7[%get3A_768, %get3A_769, %get3A_770] {strides = array<i32>} : memref<4x5x80xi32, #tpu.memory_space<vmem>>, vector<1x1x16xi32>,
      %get3A_772 = vector.shape_cast %get3A_771 : vector<1x1x16xi32> to vector<16xi32>
      %add3A_773 = arith.addi %get3A_772, %get3A_772 : vector<16xi32>
      %add3A_774 = vector.broadcast %arg0 : i32 to vector<16xi32>
      %add3A_775 = arith.addi %add3A_773, %add3A_774 : vector<16xi32>
      %swap3A_776 = arith.constant 0 : i32
      %swap3A_777 = arith.index_cast %swap3A_776 : i32 to index
      %swap3A_778 = arith.index_cast %scan3A_735 : i32 to index
      %swap3A_779 = arith.constant 32 : index
      %swap3A_780 = tpu.vector_load %arg7[%swap3A_777, %swap3A_778, %swap3A_779] {strides = array<i32>} : memref<4x5x80xi32, #tpu.memory_space<vmem>>, vector<1x1x16xi32>,
      %swap3A_781 = vector.shape_cast %swap3A_780 : vector<1x1x16xi32> to vector<16xi32>
      %swap3A_782 = vector.shape_cast %add3A_775 : vector<16xi32> to vector<1x1x16xi32>
      tpu.vector_store %arg7[%swap3A_777, %swap3A_778, %swap3A_779], %swap3A_782 {strides = array<i32>} : memref<4x5x80xi32, #tpu.memory_space<vmem>>, vector<1x1x16xi32>,
      %get3A_783 = arith.constant 0 : i32
      %get3A_784 = arith.index_cast %get3A_783 : i32 to index
      %get3A_785 = arith.index_cast %scan3A_735 : i32 to index
      %get3A_786 = arith.constant 48 : index
      %get3A_787 = tpu.vector_load %arg7[%get3A_784, %get3A_785, %get3A_786] {strides = array<i32>} : memref<4x5x80xi32, #tpu.memory_space<vmem>>, vector<1x1x16xi32>,
      %get3A_788 = vector.shape_cast %get3A_787 : vector<1x1x16xi32> to vector<16xi32>
      %add3A_789 = arith.addi %get3A_788, %get3A_788 : vector<16xi32>
      %add3A_790 = vector.broadcast %arg0 : i32 to vector<16xi32>
      %add3A_791 = arith.addi %add3A_789, %add3A_790 : vector<16xi32>
      %swap3A_792 = arith.constant 0 : i32
      %swap3A_793 = arith.index_cast %swap3A_792 : i32 to index
      %swap3A_794 = arith.index_cast %scan3A_735 : i32 to index
      %swap3A_795 = arith.constant 48 : index
      %swap3A_796 = tpu.vector_load %arg7[%swap3A_793, %swap3A_794, %swap3A_795] {strides = array<i32>} : memref<4x5x80xi32, #tpu.memory_space<vmem>>, vector<1x1x16xi32>,
      %swap3A_797 = vector.shape_cast %swap3A_796 : vector<1x1x16xi32> to vector<16xi32>
      %swap3A_798 = vector.shape_cast %add3A_791 : vector<16xi32> to vector<1x1x16xi32>
      tpu.vector_store %arg7[%swap3A_793, %swap3A_794, %swap3A_795], %swap3A_798 {strides = array<i32>} : memref<4x5x80xi32, #tpu.memory_space<vmem>>, vector<1x1x16xi32>,
      %get3A_799 = arith.constant 0 : i32
      %get3A_800 = arith.index_cast %get3A_799 : i32 to index
      %get3A_801 = arith.index_cast %scan3A_735 : i32 to index
      %get3A_802 = arith.constant 64 : index
      %get3A_803 = tpu.vector_load %arg7[%get3A_800, %get3A_801, %get3A_802] {strides = array<i32>} : memref<4x5x80xi32, #tpu.memory_space<vmem>>, vector<1x1x16xi32>,
      %get3A_804 = vector.shape_cast %get3A_803 : vector<1x1x16xi32> to vector<16xi32>
      %add3A_805 = arith.addi %get3A_804, %get3A_804 : vector<16xi32>
      %add3A_806 = vector.broadcast %arg0 : i32 to vector<16xi32>
      %add3A_807 = arith.addi %add3A_805, %add3A_806 : vector<16xi32>
      %swap3A_808 = arith.constant 0 : i32
      %swap3A_809 = arith.index_cast %swap3A_808 : i32 to index
      %swap3A_810 = arith.index_cast %scan3A_735 : i32 to index
      %swap3A_811 = arith.constant 64 : index
      %swap3A_812 = tpu.vector_load %arg7[%swap3A_809, %swap3A_810, %swap3A_811] {strides = array<i32>} : memref<4x5x80xi32, #tpu.memory_space<vmem>>, vector<1x1x16xi32>,
      %swap3A_813 = vector.shape_cast %swap3A_812 : vector<1x1x16xi32> to vector<16xi32>
      %swap3A_814 = vector.shape_cast %add3A_807 : vector<16xi32> to vector<1x1x16xi32>
      tpu.vector_store %arg7[%swap3A_809, %swap3A_810, %swap3A_811], %swap3A_814 {strides = array<i32>} : memref<4x5x80xi32, #tpu.memory_space<vmem>>, vector<1x1x16xi32>,
    }
    %scan3A_454 = arith.constant 5 : i32
    %dma_start3A_455 = arith.constant 1 : i32
    %dma_start3A_456 = arith.constant 0 : i32
    %dma_start3A_457 = arith.constant 0 : i32
    %dma_start3A_458 = tpu.memref_slice %arg7[%dma_start3A_455, %dma_start3A_456, %dma_start3A_457] : memref<4x5x80xi32, #tpu.memory_space<vmem>> -> memref<1x5x80xi32, #tpu.memory_space<vmem>>
    %dma_start3A_459 = tpu.memref_squeeze %dma_start3A_458 : memref<1x5x80xi32, #tpu.memory_space<vmem>> -> memref<5x80xi32, #tpu.memory_space<vmem>>
    %dma_start3A_460 = arith.constant 5 : i32
    %dma_start3A_461 = arith.constant 0 : i32
    %dma_start3A_462 = tpu.memref_slice %arg3[%arg1, %dma_start3A_460, %dma_start3A_461] : memref<16x250x80xi32, #tpu.memory_space<hbm>> -> memref<1x5x80xi32, #tpu.memory_space<hbm>>
    %dma_start3A_463 = tpu.memref_squeeze %dma_start3A_462 : memref<1x5x80xi32, #tpu.memory_space<hbm>> -> memref<5x80xi32, #tpu.memory_space<hbm>>
    %dma_start3A_464 = arith.constant 0 : i32
    %dma_start3A_465 = arith.constant 0 : i32
    %dma_start3A_466 = tpu.memref_slice %arg7[%dma_start3A_455, %dma_start3A_464, %dma_start3A_465] : memref<4x5x80xi32, #tpu.memory_space<vmem>> -> memref<1x5x80xi32, #tpu.memory_space<vmem>>
    %dma_start3A_467 = tpu.memref_squeeze %dma_start3A_466 : memref<1x5x80xi32, #tpu.memory_space<vmem>> -> memref<5x80xi32, #tpu.memory_space<vmem>>
    %dma_start3A_468 = arith.constant 5 : i32
    %dma_start3A_469 = arith.constant 0 : i32
    %dma_start3A_470 = tpu.memref_slice %arg3[%arg1, %dma_start3A_468, %dma_start3A_469] : memref<16x250x80xi32, #tpu.memory_space<hbm>> -> memref<1x5x80xi32, #tpu.memory_space<hbm>>
    %dma_start3A_471 = tpu.memref_squeeze %dma_start3A_470 : memref<1x5x80xi32, #tpu.memory_space<hbm>> -> memref<5x80xi32, #tpu.memory_space<hbm>>
    tpu.enqueue_dma source(%dma_start3A_471 : memref<5x80xi32, #tpu.memory_space<hbm>>) target(%dma_start3A_467 : memref<5x80xi32, #tpu.memory_space<vmem>>) target_semaphore(%arg19 : memref<!tpu.dma_semaphore, #tpu.memory_space<semaphore_mem>>)
    %dma_start3A_472 = arith.constant 1 : i32
    %dma_start3A_473 = arith.constant 0 : i32
    %dma_start3A_474 = arith.constant 0 : i32
    %dma_start3A_475 = tpu.memref_slice %arg8[%dma_start3A_472, %dma_start3A_473, %dma_start3A_474] : memref<4x5x80xi32, #tpu.memory_space<vmem>> -> memref<1x5x80xi32, #tpu.memory_space<vmem>>
    %dma_start3A_476 = tpu.memref_squeeze %dma_start3A_475 : memref<1x5x80xi32, #tpu.memory_space<vmem>> -> memref<5x80xi32, #tpu.memory_space<vmem>>
    %dma_start3A_477 = arith.constant 5 : i32
    %dma_start3A_478 = arith.constant 0 : i32
    %dma_start3A_479 = tpu.memref_slice %arg4[%arg1, %dma_start3A_477, %dma_start3A_478] : memref<16x250x80xi32, #tpu.memory_space<hbm>> -> memref<1x5x80xi32, #tpu.memory_space<hbm>>
    %dma_start3A_480 = tpu.memref_squeeze %dma_start3A_479 : memref<1x5x80xi32, #tpu.memory_space<hbm>> -> memref<5x80xi32, #tpu.memory_space<hbm>>
    %dma_start3A_481 = arith.constant 0 : i32
    %dma_start3A_482 = arith.constant 0 : i32
    %dma_start3A_483 = tpu.memref_slice %arg8[%dma_start3A_472, %dma_start3A_481, %dma_start3A_482] : memref<4x5x80xi32, #tpu.memory_space<vmem>> -> memref<1x5x80xi32, #tpu.memory_space<vmem>>
    %dma_start3A_484 = tpu.memref_squeeze %dma_start3A_483 : memref<1x5x80xi32, #tpu.memory_space<vmem>> -> memref<5x80xi32, #tpu.memory_space<vmem>>
    %dma_start3A_485 = arith.constant 5 : i32
    %dma_start3A_486 = arith.constant 0 : i32
    %dma_start3A_487 = tpu.memref_slice %arg4[%arg1, %dma_start3A_485, %dma_start3A_486] : memref<16x250x80xi32, #tpu.memory_space<hbm>> -> memref<1x5x80xi32, #tpu.memory_space<hbm>>
    %dma_start3A_488 = tpu.memref_squeeze %dma_start3A_487 : memref<1x5x80xi32, #tpu.memory_space<hbm>> -> memref<5x80xi32, #tpu.memory_space<hbm>>
    tpu.enqueue_dma source(%dma_start3A_488 : memref<5x80xi32, #tpu.memory_space<hbm>>) target(%dma_start3A_484 : memref<5x80xi32, #tpu.memory_space<vmem>>) target_semaphore(%arg19 : memref<!tpu.dma_semaphore, #tpu.memory_space<semaphore_mem>>)
    %dma_start3A_489 = arith.constant 0 : i32
    %dma_start3A_490 = arith.constant 0 : i32
    %dma_start3A_491 = arith.constant 0 : i32
    %dma_start3A_492 = arith.constant 0 : i32
    %dma_start3A_493 = arith.constant 0 : i32
    %dma_start3A_494 = tpu.memref_slice %arg9[%dma_start3A_491, %dma_start3A_492, %dma_start3A_493] : memref<3x400x64xf32, #tpu.memory_space<vmem>> -> memref<1x80x64xf32, #tpu.memory_space<vmem>>
    %dma_start3A_495 = tpu.memref_squeeze %dma_start3A_494 : memref<1x80x64xf32, #tpu.memory_space<vmem>> -> memref<80x64xf32, #tpu.memory_space<vmem>>
    %dma_start3A_496 = arith.constant 0 : i32
    %dma_start3A_497 = tpu.memref_slice %arg7[%dma_start3A_489, %dma_start3A_490, %dma_start3A_496] : memref<4x5x80xi32, #tpu.memory_space<vmem>> -> memref<1x1x80xi32, #tpu.memory_space<vmem>>
    %dma_start3A_498 = tpu.memref_squeeze %dma_start3A_497 : memref<1x1x80xi32, #tpu.memory_space<vmem>> -> memref<80xi32, #tpu.memory_space<vmem>>
    %dma_start3A_499 = arith.constant 0 : i32
    %dma_start3A_500 = arith.constant 0 : i32
    %dma_start3A_501 = tpu.memref_slice %arg2[%dma_start3A_499, %dma_start3A_500] : memref<20000x64xf32, #tpu.memory_space<hbm>> -> memref<20000x64xf32, #tpu.memory_space<hbm>>
    tpu.enqueue_indirect_dma source(%dma_start3A_501 : memref<20000x64xf32, #tpu.memory_space<hbm>>) target(%dma_start3A_495 : memref<80x64xf32, #tpu.memory_space<vmem>>) offsets(%dma_start3A_498 : memref<80xi32, #tpu.memory_space<vmem>>) semaphore(%arg16 : memref<!tpu.dma_semaphore, #tpu.memory_space<semaphore_mem>>)
    %dma_start3A_502 = arith.constant 0 : i32
    %dma_start3A_503 = arith.constant 1 : i32
    %dma_start3A_504 = arith.constant 0 : i32
    %dma_start3A_505 = arith.constant 80 : i32
    %dma_start3A_506 = arith.constant 0 : i32
    %dma_start3A_507 = tpu.memref_slice %arg9[%dma_start3A_504, %dma_start3A_505, %dma_start3A_506] : memref<3x400x64xf32, #tpu.memory_space<vmem>> -> memref<1x80x64xf32, #tpu.memory_space<vmem>>
    %dma_start3A_508 = tpu.memref_squeeze %dma_start3A_507 : memref<1x80x64xf32, #tpu.memory_space<vmem>> -> memref<80x64xf32, #tpu.memory_space<vmem>>
    %dma_start3A_509 = arith.constant 0 : i32
    %dma_start3A_510 = tpu.memref_slice %arg7[%dma_start3A_502, %dma_start3A_503, %dma_start3A_509] : memref<4x5x80xi32, #tpu.memory_space<vmem>> -> memref<1x1x80xi32, #tpu.memory_space<vmem>>
    %dma_start3A_511 = tpu.memref_squeeze %dma_start3A_510 : memref<1x1x80xi32, #tpu.memory_space<vmem>> -> memref<80xi32, #tpu.memory_space<vmem>>
    %dma_start3A_512 = arith.constant 0 : i32
    %dma_start3A_513 = arith.constant 0 : i32
    %dma_start3A_514 = tpu.memref_slice %arg2[%dma_start3A_512, %dma_start3A_513] : memref<20000x64xf32, #tpu.memory_space<hbm>> -> memref<20000x64xf32, #tpu.memory_space<hbm>>
    tpu.enqueue_indirect_dma source(%dma_start3A_514 : memref<20000x64xf32, #tpu.memory_space<hbm>>) target(%dma_start3A_508 : memref<80x64xf32, #tpu.memory_space<vmem>>) offsets(%dma_start3A_511 : memref<80xi32, #tpu.memory_space<vmem>>) semaphore(%arg16 : memref<!tpu.dma_semaphore, #tpu.memory_space<semaphore_mem>>)
    %dma_start3A_515 = arith.constant 0 : i32
    %dma_start3A_516 = arith.constant 2 : i32
    %dma_start3A_517 = arith.constant 0 : i32
    %dma_start3A_518 = arith.constant 160 : i32
    %dma_start3A_519 = arith.constant 0 : i32
    %dma_start3A_520 = tpu.memref_slice %arg9[%dma_start3A_517, %dma_start3A_518, %dma_start3A_519] : memref<3x400x64xf32, #tpu.memory_space<vmem>> -> memref<1x80x64xf32, #tpu.memory_space<vmem>>
    %dma_start3A_521 = tpu.memref_squeeze %dma_start3A_520 : memref<1x80x64xf32, #tpu.memory_space<vmem>> -> memref<80x64xf32, #tpu.memory_space<vmem>>
    %dma_start3A_522 = arith.constant 0 : i32
    %dma_start3A_523 = tpu.memref_slice %arg7[%dma_start3A_515, %dma_start3A_516, %dma_start3A_522] : memref<4x5x80xi32, #tpu.memory_space<vmem>> -> memref<1x1x80xi32, #tpu.memory_space<vmem>>
    %dma_start3A_524 = tpu.memref_squeeze %dma_start3A_523 : memref<1x1x80xi32, #tpu.memory_space<vmem>> -> memref<80xi32, #tpu.memory_space<vmem>>
    %dma_start3A_525 = arith.constant 0 : i32
    %dma_start3A_526 = arith.constant 0 : i32
    %dma_start3A_527 = tpu.memref_slice %arg2[%dma_start3A_525, %dma_start3A_526] : memref<20000x64xf32, #tpu.memory_space<hbm>> -> memref<20000x64xf32, #tpu.memory_space<hbm>>
    tpu.enqueue_indirect_dma source(%dma_start3A_527 : memref<20000x64xf32, #tpu.memory_space<hbm>>) target(%dma_start3A_521 : memref<80x64xf32, #tpu.memory_space<vmem>>) offsets(%dma_start3A_524 : memref<80xi32, #tpu.memory_space<vmem>>) semaphore(%arg16 : memref<!tpu.dma_semaphore, #tpu.memory_space<semaphore_mem>>)
    %dma_start3A_528 = arith.constant 0 : i32
    %dma_start3A_529 = arith.constant 3 : i32
    %dma_start3A_530 = arith.constant 0 : i32
    %dma_start3A_531 = arith.constant 240 : i32
    %dma_start3A_532 = arith.constant 0 : i32
    %dma_start3A_533 = tpu.memref_slice %arg9[%dma_start3A_530, %dma_start3A_531, %dma_start3A_532] : memref<3x400x64xf32, #tpu.memory_space<vmem>> -> memref<1x80x64xf32, #tpu.memory_space<vmem>>
    %dma_start3A_534 = tpu.memref_squeeze %dma_start3A_533 : memref<1x80x64xf32, #tpu.memory_space<vmem>> -> memref<80x64xf32, #tpu.memory_space<vmem>>
    %dma_start3A_535 = arith.constant 0 : i32
    %dma_start3A_536 = tpu.memref_slice %arg7[%dma_start3A_528, %dma_start3A_529, %dma_start3A_535] : memref<4x5x80xi32, #tpu.memory_space<vmem>> -> memref<1x1x80xi32, #tpu.memory_space<vmem>>
    %dma_start3A_537 = tpu.memref_squeeze %dma_start3A_536 : memref<1x1x80xi32, #tpu.memory_space<vmem>> -> memref<80xi32, #tpu.memory_space<vmem>>
    %dma_start3A_538 = arith.constant 0 : i32
    %dma_start3A_539 = arith.constant 0 : i32
    %dma_start3A_540 = tpu.memref_slice %arg2[%dma_start3A_538, %dma_start3A_539] : memref<20000x64xf32, #tpu.memory_space<hbm>> -> memref<20000x64xf32, #tpu.memory_space<hbm>>
    tpu.enqueue_indirect_dma source(%dma_start3A_540 : memref<20000x64xf32, #tpu.memory_space<hbm>>) target(%dma_start3A_534 : memref<80x64xf32, #tpu.memory_space<vmem>>) offsets(%dma_start3A_537 : memref<80xi32, #tpu.memory_space<vmem>>) semaphore(%arg16 : memref<!tpu.dma_semaphore, #tpu.memory_space<semaphore_mem>>)
    %dma_start3A_541 = arith.constant 0 : i32
    %dma_start3A_542 = arith.constant 4 : i32
    %dma_start3A_543 = arith.constant 0 : i32
    %dma_start3A_544 = arith.constant 320 : i32
    %dma_start3A_545 = arith.constant 0 : i32
    %dma_start3A_546 = tpu.memref_slice %arg9[%dma_start3A_543, %dma_start3A_544, %dma_start3A_545] : memref<3x400x64xf32, #tpu.memory_space<vmem>> -> memref<1x80x64xf32, #tpu.memory_space<vmem>>
    %dma_start3A_547 = tpu.memref_squeeze %dma_start3A_546 : memref<1x80x64xf32, #tpu.memory_space<vmem>> -> memref<80x64xf32, #tpu.memory_space<vmem>>
    %dma_start3A_548 = arith.constant 0 : i32
    %dma_start3A_549 = tpu.memref_slice %arg7[%dma_start3A_541, %dma_start3A_542, %dma_start3A_548] : memref<4x5x80xi32, #tpu.memory_space<vmem>> -> memref<1x1x80xi32, #tpu.memory_space<vmem>>
    %dma_start3A_550 = tpu.memref_squeeze %dma_start3A_549 : memref<1x1x80xi32, #tpu.memory_space<vmem>> -> memref<80xi32, #tpu.memory_space<vmem>>
    %dma_start3A_551 = arith.constant 0 : i32
    %dma_start3A_552 = arith.constant 0 : i32
    %dma_start3A_553 = tpu.memref_slice %arg2[%dma_start3A_551, %dma_start3A_552] : memref<20000x64xf32, #tpu.memory_space<hbm>> -> memref<20000x64xf32, #tpu.memory_space<hbm>>
    tpu.enqueue_indirect_dma source(%dma_start3A_553 : memref<20000x64xf32, #tpu.memory_space<hbm>>) target(%dma_start3A_547 : memref<80x64xf32, #tpu.memory_space<vmem>>) offsets(%dma_start3A_550 : memref<80xi32, #tpu.memory_space<vmem>>) semaphore(%arg16 : memref<!tpu.dma_semaphore, #tpu.memory_space<semaphore_mem>>)
    %dma_wait3A_554 = arith.constant 1 : i32
    %dma_wait3A_555 = arith.constant 0 : i32
    %dma_wait3A_556 = arith.constant 0 : i32
    %dma_wait3A_557 = tpu.memref_slice %arg7[%dma_wait3A_554, %dma_wait3A_555, %dma_wait3A_556] : memref<4x5x80xi32, #tpu.memory_space<vmem>> -> memref<1x5x80xi32, #tpu.memory_space<vmem>>
    %dma_wait3A_558 = tpu.memref_squeeze %dma_wait3A_557 : memref<1x5x80xi32, #tpu.memory_space<vmem>> -> memref<5x80xi32, #tpu.memory_space<vmem>>
    %dma_wait3A_559 = arith.constant 5 : i32
    %dma_wait3A_560 = arith.constant 0 : i32
    %dma_wait3A_561 = tpu.memref_slice %arg3[%arg1, %dma_wait3A_559, %dma_wait3A_560] : memref<16x250x80xi32, #tpu.memory_space<hbm>> -> memref<1x5x80xi32, #tpu.memory_space<hbm>>
    %dma_wait3A_562 = tpu.memref_squeeze %dma_wait3A_561 : memref<1x5x80xi32, #tpu.memory_space<hbm>> -> memref<5x80xi32, #tpu.memory_space<hbm>>
    %dma_wait3A_563 = arith.constant 0 : i32
    %dma_wait3A_564 = arith.constant 0 : i32
    %dma_wait3A_565 = tpu.memref_slice %arg7[%dma_wait3A_554, %dma_wait3A_563, %dma_wait3A_564] : memref<4x5x80xi32, #tpu.memory_space<vmem>> -> memref<1x5x80xi32, #tpu.memory_space<vmem>>
    %dma_wait3A_566 = tpu.memref_squeeze %dma_wait3A_565 : memref<1x5x80xi32, #tpu.memory_space<vmem>> -> memref<5x80xi32, #tpu.memory_space<vmem>>
    %dma_wait3A_567 = arith.constant 5 : i32
    %dma_wait3A_568 = arith.constant 0 : i32
    %dma_wait3A_569 = tpu.memref_slice %arg3[%arg1, %dma_wait3A_567, %dma_wait3A_568] : memref<16x250x80xi32, #tpu.memory_space<hbm>> -> memref<1x5x80xi32, #tpu.memory_space<hbm>>
    %dma_wait3A_570 = tpu.memref_squeeze %dma_wait3A_569 : memref<1x5x80xi32, #tpu.memory_space<hbm>> -> memref<5x80xi32, #tpu.memory_space<hbm>>
    tpu.wait_dma2 semaphore(%arg19 : memref<!tpu.dma_semaphore, #tpu.memory_space<semaphore_mem>>) src(%dma_wait3A_570 : memref<5x80xi32, #tpu.memory_space<hbm>>) dst(%dma_wait3A_566 : memref<5x80xi32, #tpu.memory_space<vmem>>)
    %dma_wait3A_571 = arith.constant 1 : i32
    %dma_wait3A_572 = arith.constant 0 : i32
    %dma_wait3A_573 = arith.constant 0 : i32
    %dma_wait3A_574 = tpu.memref_slice %arg8[%dma_wait3A_571, %dma_wait3A_572, %dma_wait3A_573] : memref<4x5x80xi32, #tpu.memory_space<vmem>> -> memref<1x5x80xi32, #tpu.memory_space<vmem>>
    %dma_wait3A_575 = tpu.memref_squeeze %dma_wait3A_574 : memref<1x5x80xi32, #tpu.memory_space<vmem>> -> memref<5x80xi32, #tpu.memory_space<vmem>>
    %dma_wait3A_576 = arith.constant 5 : i32
    %dma_wait3A_577 = arith.constant 0 : i32
    %dma_wait3A_578 = tpu.memref_slice %arg4[%arg1, %dma_wait3A_576, %dma_wait3A_577] : memref<16x250x80xi32, #tpu.memory_space<hbm>> -> memref<1x5x80xi32, #tpu.memory_space<hbm>>
    %dma_wait3A_579 = tpu.memref_squeeze %dma_wait3A_578 : memref<1x5x80xi32, #tpu.memory_space<hbm>> -> memref<5x80xi32, #tpu.memory_space<hbm>>
    %dma_wait3A_580 = arith.constant 0 : i32
    %dma_wait3A_581 = arith.constant 0 : i32
    %dma_wait3A_582 = tpu.memref_slice %arg8[%dma_wait3A_571, %dma_wait3A_580, %dma_wait3A_581] : memref<4x5x80xi32, #tpu.memory_space<vmem>> -> memref<1x5x80xi32, #tpu.memory_space<vmem>>
    %dma_wait3A_583 = tpu.memref_squeeze %dma_wait3A_582 : memref<1x5x80xi32, #tpu.memory_space<vmem>> -> memref<5x80xi32, #tpu.memory_space<vmem>>
    %dma_wait3A_584 = arith.constant 5 : i32
    %dma_wait3A_585 = arith.constant 0 : i32
    %dma_wait3A_586 = tpu.memref_slice %arg4[%arg1, %dma_wait3A_584, %dma_wait3A_585] : memref<16x250x80xi32, #tpu.memory_space<hbm>> -> memref<1x5x80xi32, #tpu.memory_space<hbm>>
    %dma_wait3A_587 = tpu.memref_squeeze %dma_wait3A_586 : memref<1x5x80xi32, #tpu.memory_space<hbm>> -> memref<5x80xi32, #tpu.memory_space<hbm>>
    tpu.wait_dma2 semaphore(%arg19 : memref<!tpu.dma_semaphore, #tpu.memory_space<semaphore_mem>>) src(%dma_wait3A_587 : memref<5x80xi32, #tpu.memory_space<hbm>>) dst(%dma_wait3A_583 : memref<5x80xi32, #tpu.memory_space<vmem>>)
    %scan3A_588 = arith.constant 0 : i32
    %scan3A_589 = arith.constant 0 : i32
    %scan3A_590 = arith.constant 5 : i32
    %scan3A_591 = arith.addi %scan3A_589, %scan3A_590 : i32
    %scan3A_592 = arith.constant 1 : i32
    scf.for %scan3A_735 = %scan3A_589 to %scan3A_591 step %scan3A_592  : i32 {
      %get3A = arith.constant 1 : i32
      %get3A_736 = arith.index_cast %get3A : i32 to index
      %get3A_737 = arith.index_cast %scan3A_735 : i32 to index
      %get3A_738 = arith.constant 0 : index
      %get3A_739 = tpu.vector_load %arg7[%get3A_736, %get3A_737, %get3A_738] {strides = array<i32>} : memref<4x5x80xi32, #tpu.memory_space<vmem>>, vector<1x1x16xi32>,
      %get3A_740 = vector.shape_cast %get3A_739 : vector<1x1x16xi32> to vector<16xi32>
      %add3A_741 = arith.addi %get3A_740, %get3A_740 : vector<16xi32>
      %add3A_742 = vector.broadcast %arg0 : i32 to vector<16xi32>
      %add3A_743 = arith.addi %add3A_741, %add3A_742 : vector<16xi32>
      %swap3A_744 = arith.constant 1 : i32
      %swap3A_745 = arith.index_cast %swap3A_744 : i32 to index
      %swap3A_746 = arith.index_cast %scan3A_735 : i32 to index
      %swap3A_747 = arith.constant 0 : index
      %swap3A_748 = tpu.vector_load %arg7[%swap3A_745, %swap3A_746, %swap3A_747] {strides = array<i32>} : memref<4x5x80xi32, #tpu.memory_space<vmem>>, vector<1x1x16xi32>,
      %swap3A_749 = vector.shape_cast %swap3A_748 : vector<1x1x16xi32> to vector<16xi32>
      %swap3A_750 = vector.shape_cast %add3A_743 : vector<16xi32> to vector<1x1x16xi32>
      tpu.vector_store %arg7[%swap3A_745, %swap3A_746, %swap3A_747], %swap3A_750 {strides = array<i32>} : memref<4x5x80xi32, #tpu.memory_space<vmem>>, vector<1x1x16xi32>,
      %get3A_751 = arith.constant 1 : i32
      %get3A_752 = arith.index_cast %get3A_751 : i32 to index
      %get3A_753 = arith.index_cast %scan3A_735 : i32 to index
      %get3A_754 = arith.constant 16 : index
      %get3A_755 = tpu.vector_load %arg7[%get3A_752, %get3A_753, %get3A_754] {strides = array<i32>} : memref<4x5x80xi32, #tpu.memory_space<vmem>>, vector<1x1x16xi32>,
      %get3A_756 = vector.shape_cast %get3A_755 : vector<1x1x16xi32> to vector<16xi32>
      %add3A_757 = arith.addi %get3A_756, %get3A_756 : vector<16xi32>
      %add3A_758 = vector.broadcast %arg0 : i32 to vector<16xi32>
      %add3A_759 = arith.addi %add3A_757, %add3A_758 : vector<16xi32>
      %swap3A_760 = arith.constant 1 : i32
      %swap3A_761 = arith.index_cast %swap3A_760 : i32 to index
      %swap3A_762 = arith.index_cast %scan3A_735 : i32 to index
      %swap3A_763 = arith.constant 16 : index
      %swap3A_764 = tpu.vector_load %arg7[%swap3A_761, %swap3A_762, %swap3A_763] {strides = array<i32>} : memref<4x5x80xi32, #tpu.memory_space<vmem>>, vector<1x1x16xi32>,
      %swap3A_765 = vector.shape_cast %swap3A_764 : vector<1x1x16xi32> to vector<16xi32>
      %swap3A_766 = vector.shape_cast %add3A_759 : vector<16xi32> to vector<1x1x16xi32>
      tpu.vector_store %arg7[%swap3A_761, %swap3A_762, %swap3A_763], %swap3A_766 {strides = array<i32>} : memref<4x5x80xi32, #tpu.memory_space<vmem>>, vector<1x1x16xi32>,
      %get3A_767 = arith.constant 1 : i32
      %get3A_768 = arith.index_cast %get3A_767 : i32 to index
      %get3A_769 = arith.index_cast %scan3A_735 : i32 to index
      %get3A_770 = arith.constant 32 : index
      %get3A_771 = tpu.vector_load %arg7[%get3A_768, %get3A_769, %get3A_770] {strides = array<i32>} : memref<4x5x80xi32, #tpu.memory_space<vmem>>, vector<1x1x16xi32>,
      %get3A_772 = vector.shape_cast %get3A_771 : vector<1x1x16xi32> to vector<16xi32>
      %add3A_773 = arith.addi %get3A_772, %get3A_772 : vector<16xi32>
      %add3A_774 = vector.broadcast %arg0 : i32 to vector<16xi32>
      %add3A_775 = arith.addi %add3A_773, %add3A_774 : vector<16xi32>
      %swap3A_776 = arith.constant 1 : i32
      %swap3A_777 = arith.index_cast %swap3A_776 : i32 to index
      %swap3A_778 = arith.index_cast %scan3A_735 : i32 to index
      %swap3A_779 = arith.constant 32 : index
      %swap3A_780 = tpu.vector_load %arg7[%swap3A_777, %swap3A_778, %swap3A_779] {strides = array<i32>} : memref<4x5x80xi32, #tpu.memory_space<vmem>>, vector<1x1x16xi32>,
      %swap3A_781 = vector.shape_cast %swap3A_780 : vector<1x1x16xi32> to vector<16xi32>
      %swap3A_782 = vector.shape_cast %add3A_775 : vector<16xi32> to vector<1x1x16xi32>
      tpu.vector_store %arg7[%swap3A_777, %swap3A_778, %swap3A_779], %swap3A_782 {strides = array<i32>} : memref<4x5x80xi32, #tpu.memory_space<vmem>>, vector<1x1x16xi32>,
      %get3A_783 = arith.constant 1 : i32
      %get3A_784 = arith.index_cast %get3A_783 : i32 to index
      %get3A_785 = arith.index_cast %scan3A_735 : i32 to index
      %get3A_786 = arith.constant 48 : index
      %get3A_787 = tpu.vector_load %arg7[%get3A_784, %get3A_785, %get3A_786] {strides = array<i32>} : memref<4x5x80xi32, #tpu.memory_space<vmem>>, vector<1x1x16xi32>,
      %get3A_788 = vector.shape_cast %get3A_787 : vector<1x1x16xi32> to vector<16xi32>
      %add3A_789 = arith.addi %get3A_788, %get3A_788 : vector<16xi32>
      %add3A_790 = vector.broadcast %arg0 : i32 to vector<16xi32>
      %add3A_791 = arith.addi %add3A_789, %add3A_790 : vector<16xi32>
      %swap3A_792 = arith.constant 1 : i32
      %swap3A_793 = arith.index_cast %swap3A_792 : i32 to index
      %swap3A_794 = arith.index_cast %scan3A_735 : i32 to index
      %swap3A_795 = arith.constant 48 : index
      %swap3A_796 = tpu.vector_load %arg7[%swap3A_793, %swap3A_794, %swap3A_795] {strides = array<i32>} : memref<4x5x80xi32, #tpu.memory_space<vmem>>, vector<1x1x16xi32>,
      %swap3A_797 = vector.shape_cast %swap3A_796 : vector<1x1x16xi32> to vector<16xi32>
      %swap3A_798 = vector.shape_cast %add3A_791 : vector<16xi32> to vector<1x1x16xi32>
      tpu.vector_store %arg7[%swap3A_793, %swap3A_794, %swap3A_795], %swap3A_798 {strides = array<i32>} : memref<4x5x80xi32, #tpu.memory_space<vmem>>, vector<1x1x16xi32>,
      %get3A_799 = arith.constant 1 : i32
      %get3A_800 = arith.index_cast %get3A_799 : i32 to index
      %get3A_801 = arith.index_cast %scan3A_735 : i32 to index
      %get3A_802 = arith.constant 64 : index
      %get3A_803 = tpu.vector_load %arg7[%get3A_800, %get3A_801, %get3A_802] {strides = array<i32>} : memref<4x5x80xi32, #tpu.memory_space<vmem>>, vector<1x1x16xi32>,
      %get3A_804 = vector.shape_cast %get3A_803 : vector<1x1x16xi32> to vector<16xi32>
      %add3A_805 = arith.addi %get3A_804, %get3A_804 : vector<16xi32>
      %add3A_806 = vector.broadcast %arg0 : i32 to vector<16xi32>
      %add3A_807 = arith.addi %add3A_805, %add3A_806 : vector<16xi32>
      %swap3A_808 = arith.constant 1 : i32
      %swap3A_809 = arith.index_cast %swap3A_808 : i32 to index
      %swap3A_810 = arith.index_cast %scan3A_735 : i32 to index
      %swap3A_811 = arith.constant 64 : index
      %swap3A_812 = tpu.vector_load %arg7[%swap3A_809, %swap3A_810, %swap3A_811] {strides = array<i32>} : memref<4x5x80xi32, #tpu.memory_space<vmem>>, vector<1x1x16xi32>,
      %swap3A_813 = vector.shape_cast %swap3A_812 : vector<1x1x16xi32> to vector<16xi32>
      %swap3A_814 = vector.shape_cast %add3A_807 : vector<16xi32> to vector<1x1x16xi32>
      tpu.vector_store %arg7[%swap3A_809, %swap3A_810, %swap3A_811], %swap3A_814 {strides = array<i32>} : memref<4x5x80xi32, #tpu.memory_space<vmem>>, vector<1x1x16xi32>,
    }
    %scan3A_593 = arith.constant 5 : i32
    %dma_start3A_594 = arith.constant 1 : i32
    %dma_start3A_595 = arith.constant 0 : i32
    %dma_start3A_596 = arith.constant 1 : i32
    %dma_start3A_597 = arith.constant 0 : i32
    %dma_start3A_598 = arith.constant 0 : i32
    %dma_start3A_599 = tpu.memref_slice %arg9[%dma_start3A_596, %dma_start3A_597, %dma_start3A_598] : memref<3x400x64xf32, #tpu.memory_space<vmem>> -> memref<1x80x64xf32, #tpu.memory_space<vmem>>
    %dma_start3A_600 = tpu.memref_squeeze %dma_start3A_599 : memref<1x80x64xf32, #tpu.memory_space<vmem>> -> memref<80x64xf32, #tpu.memory_space<vmem>>
    %dma_start3A_601 = arith.constant 0 : i32
    %dma_start3A_602 = tpu.memref_slice %arg7[%dma_start3A_594, %dma_start3A_595, %dma_start3A_601] : memref<4x5x80xi32, #tpu.memory_space<vmem>> -> memref<1x1x80xi32, #tpu.memory_space<vmem>>
    %dma_start3A_603 = tpu.memref_squeeze %dma_start3A_602 : memref<1x1x80xi32, #tpu.memory_space<vmem>> -> memref<80xi32, #tpu.memory_space<vmem>>
    %dma_start3A_604 = arith.constant 0 : i32
    %dma_start3A_605 = arith.constant 0 : i32
    %dma_start3A_606 = tpu.memref_slice %arg2[%dma_start3A_604, %dma_start3A_605] : memref<20000x64xf32, #tpu.memory_space<hbm>> -> memref<20000x64xf32, #tpu.memory_space<hbm>>
    tpu.enqueue_indirect_dma source(%dma_start3A_606 : memref<20000x64xf32, #tpu.memory_space<hbm>>) target(%dma_start3A_600 : memref<80x64xf32, #tpu.memory_space<vmem>>) offsets(%dma_start3A_603 : memref<80xi32, #tpu.memory_space<vmem>>) semaphore(%arg16 : memref<!tpu.dma_semaphore, #tpu.memory_space<semaphore_mem>>)
    %dma_start3A_607 = arith.constant 1 : i32
    %dma_start3A_608 = arith.constant 1 : i32
    %dma_start3A_609 = arith.constant 1 : i32
    %dma_start3A_610 = arith.constant 80 : i32
    %dma_start3A_611 = arith.constant 0 : i32
    %dma_start3A_612 = tpu.memref_slice %arg9[%dma_start3A_609, %dma_start3A_610, %dma_start3A_611] : memref<3x400x64xf32, #tpu.memory_space<vmem>> -> memref<1x80x64xf32, #tpu.memory_space<vmem>>
    %dma_start3A_613 = tpu.memref_squeeze %dma_start3A_612 : memref<1x80x64xf32, #tpu.memory_space<vmem>> -> memref<80x64xf32, #tpu.memory_space<vmem>>
    %dma_start3A_614 = arith.constant 0 : i32
    %dma_start3A_615 = tpu.memref_slice %arg7[%dma_start3A_607, %dma_start3A_608, %dma_start3A_614] : memref<4x5x80xi32, #tpu.memory_space<vmem>> -> memref<1x1x80xi32, #tpu.memory_space<vmem>>
    %dma_start3A_616 = tpu.memref_squeeze %dma_start3A_615 : memref<1x1x80xi32, #tpu.memory_space<vmem>> -> memref<80xi32, #tpu.memory_space<vmem>>
    %dma_start3A_617 = arith.constant 0 : i32
    %dma_start3A_618 = arith.constant 0 : i32
    %dma_start3A_619 = tpu.memref_slice %arg2[%dma_start3A_617, %dma_start3A_618] : memref<20000x64xf32, #tpu.memory_space<hbm>> -> memref<20000x64xf32, #tpu.memory_space<hbm>>
    tpu.enqueue_indirect_dma source(%dma_start3A_619 : memref<20000x64xf32, #tpu.memory_space<hbm>>) target(%dma_start3A_613 : memref<80x64xf32, #tpu.memory_space<vmem>>) offsets(%dma_start3A_616 : memref<80xi32, #tpu.memory_space<vmem>>) semaphore(%arg16 : memref<!tpu.dma_semaphore, #tpu.memory_space<semaphore_mem>>)
    %dma_start3A_620 = arith.constant 1 : i32
    %dma_start3A_621 = arith.constant 2 : i32
    %dma_start3A_622 = arith.constant 1 : i32
    %dma_start3A_623 = arith.constant 160 : i32
    %dma_start3A_624 = arith.constant 0 : i32
    %dma_start3A_625 = tpu.memref_slice %arg9[%dma_start3A_622, %dma_start3A_623, %dma_start3A_624] : memref<3x400x64xf32, #tpu.memory_space<vmem>> -> memref<1x80x64xf32, #tpu.memory_space<vmem>>
    %dma_start3A_626 = tpu.memref_squeeze %dma_start3A_625 : memref<1x80x64xf32, #tpu.memory_space<vmem>> -> memref<80x64xf32, #tpu.memory_space<vmem>>
    %dma_start3A_627 = arith.constant 0 : i32
    %dma_start3A_628 = tpu.memref_slice %arg7[%dma_start3A_620, %dma_start3A_621, %dma_start3A_627] : memref<4x5x80xi32, #tpu.memory_space<vmem>> -> memref<1x1x80xi32, #tpu.memory_space<vmem>>
    %dma_start3A_629 = tpu.memref_squeeze %dma_start3A_628 : memref<1x1x80xi32, #tpu.memory_space<vmem>> -> memref<80xi32, #tpu.memory_space<vmem>>
    %dma_start3A_630 = arith.constant 0 : i32
    %dma_start3A_631 = arith.constant 0 : i32
    %dma_start3A_632 = tpu.memref_slice %arg2[%dma_start3A_630, %dma_start3A_631] : memref<20000x64xf32, #tpu.memory_space<hbm>> -> memref<20000x64xf32, #tpu.memory_space<hbm>>
    tpu.enqueue_indirect_dma source(%dma_start3A_632 : memref<20000x64xf32, #tpu.memory_space<hbm>>) target(%dma_start3A_626 : memref<80x64xf32, #tpu.memory_space<vmem>>) offsets(%dma_start3A_629 : memref<80xi32, #tpu.memory_space<vmem>>) semaphore(%arg16 : memref<!tpu.dma_semaphore, #tpu.memory_space<semaphore_mem>>)
    %dma_start3A_633 = arith.constant 1 : i32
    %dma_start3A_634 = arith.constant 3 : i32
    %dma_start3A_635 = arith.constant 1 : i32
    %dma_start3A_636 = arith.constant 240 : i32
    %dma_start3A_637 = arith.constant 0 : i32
    %dma_start3A_638 = tpu.memref_slice %arg9[%dma_start3A_635, %dma_start3A_636, %dma_start3A_637] : memref<3x400x64xf32, #tpu.memory_space<vmem>> -> memref<1x80x64xf32, #tpu.memory_space<vmem>>
    %dma_start3A_639 = tpu.memref_squeeze %dma_start3A_638 : memref<1x80x64xf32, #tpu.memory_space<vmem>> -> memref<80x64xf32, #tpu.memory_space<vmem>>
    %dma_start3A_640 = arith.constant 0 : i32
    %dma_start3A_641 = tpu.memref_slice %arg7[%dma_start3A_633, %dma_start3A_634, %dma_start3A_640] : memref<4x5x80xi32, #tpu.memory_space<vmem>> -> memref<1x1x80xi32, #tpu.memory_space<vmem>>
    %dma_start3A_642 = tpu.memref_squeeze %dma_start3A_641 : memref<1x1x80xi32, #tpu.memory_space<vmem>> -> memref<80xi32, #tpu.memory_space<vmem>>
    %dma_start3A_643 = arith.constant 0 : i32
    %dma_start3A_644 = arith.constant 0 : i32
    %dma_start3A_645 = tpu.memref_slice %arg2[%dma_start3A_643, %dma_start3A_644] : memref<20000x64xf32, #tpu.memory_space<hbm>> -> memref<20000x64xf32, #tpu.memory_space<hbm>>
    tpu.enqueue_indirect_dma source(%dma_start3A_645 : memref<20000x64xf32, #tpu.memory_space<hbm>>) target(%dma_start3A_639 : memref<80x64xf32, #tpu.memory_space<vmem>>) offsets(%dma_start3A_642 : memref<80xi32, #tpu.memory_space<vmem>>) semaphore(%arg16 : memref<!tpu.dma_semaphore, #tpu.memory_space<semaphore_mem>>)
    %dma_start3A_646 = arith.constant 1 : i32
    %dma_start3A_647 = arith.constant 4 : i32
    %dma_start3A_648 = arith.constant 1 : i32
    %dma_start3A_649 = arith.constant 320 : i32
    %dma_start3A_650 = arith.constant 0 : i32
    %dma_start3A_651 = tpu.memref_slice %arg9[%dma_start3A_648, %dma_start3A_649, %dma_start3A_650] : memref<3x400x64xf32, #tpu.memory_space<vmem>> -> memref<1x80x64xf32, #tpu.memory_space<vmem>>
    %dma_start3A_652 = tpu.memref_squeeze %dma_start3A_651 : memref<1x80x64xf32, #tpu.memory_space<vmem>> -> memref<80x64xf32, #tpu.memory_space<vmem>>
    %dma_start3A_653 = arith.constant 0 : i32
    %dma_start3A_654 = tpu.memref_slice %arg7[%dma_start3A_646, %dma_start3A_647, %dma_start3A_653] : memref<4x5x80xi32, #tpu.memory_space<vmem>> -> memref<1x1x80xi32, #tpu.memory_space<vmem>>
    %dma_start3A_655 = tpu.memref_squeeze %dma_start3A_654 : memref<1x1x80xi32, #tpu.memory_space<vmem>> -> memref<80xi32, #tpu.memory_space<vmem>>
    %dma_start3A_656 = arith.constant 0 : i32
    %dma_start3A_657 = arith.constant 0 : i32
    %dma_start3A_658 = tpu.memref_slice %arg2[%dma_start3A_656, %dma_start3A_657] : memref<20000x64xf32, #tpu.memory_space<hbm>> -> memref<20000x64xf32, #tpu.memory_space<hbm>>
    tpu.enqueue_indirect_dma source(%dma_start3A_658 : memref<20000x64xf32, #tpu.memory_space<hbm>>) target(%dma_start3A_652 : memref<80x64xf32, #tpu.memory_space<vmem>>) offsets(%dma_start3A_655 : memref<80xi32, #tpu.memory_space<vmem>>) semaphore(%arg16 : memref<!tpu.dma_semaphore, #tpu.memory_space<semaphore_mem>>)
    %scan3A_659 = arith.constant 0 : i32
    %scan3A_660 = arith.constant 0 : i32
    %scan3A_661 = arith.constant 50 : i32
    %scan3A_662 = arith.addi %scan3A_660, %scan3A_661 : i32
    %scan3A_663 = arith.constant 1 : i32
    scf.for %scan3A_735 = %scan3A_660 to %scan3A_662 step %scan3A_663  : i32 {
      %rem3A_736 = arith.constant 3 : i32
      %rem3A_737 = arith.remsi %scan3A_735, %rem3A_736 : i32
      %add3A_738 = arith.constant 2 : i32
      %add3A_739 = arith.addi %scan3A_735, %add3A_738 : i32
      %rem3A_740 = arith.constant 3 : i32
      %rem3A_741 = arith.remsi %add3A_739, %rem3A_740 : i32
      %rem3A_742 = arith.constant 4 : i32
      %rem3A_743 = arith.remsi %scan3A_735, %rem3A_742 : i32
      %add3A_744 = arith.constant 2 : i32
      %add3A_745 = arith.addi %scan3A_735, %add3A_744 : i32
      %rem3A_746 = arith.constant 4 : i32
      %rem3A_747 = arith.remsi %add3A_745, %rem3A_746 : i32
      %add3A_748 = arith.constant 2 : i32
      %add3A_749 = arith.addi %scan3A_735, %add3A_748 : i32
      %lt3A = arith.constant 50 : i32
      %lt3A_750 = arith.cmpi slt, %add3A_749, %lt3A : i32
      %convert_element_type3A = arith.extui %lt3A_750 : i1 to i32
      %cond3A = arith.constant 0 : i32
      %cond3A_751 = arith.cmpi ne, %convert_element_type3A, %cond3A : i32
      scf.if %cond3A_751 {
        %add3A_862 = arith.constant 2 : i32
        %add3A_863 = arith.addi %scan3A_735, %add3A_862 : i32
        %mul3A_864 = arith.constant 5 : i32
        %mul3A_865 = arith.muli %add3A_863, %mul3A_864 : i32
        %dma_start3A_866 = arith.constant 0 : i32
        %dma_start3A_867 = arith.constant 0 : i32
        %dma_start3A_868 = tpu.memref_slice %arg7[%rem3A_747, %dma_start3A_866, %dma_start3A_867] : memref<4x5x80xi32, #tpu.memory_space<vmem>> -> memref<1x5x80xi32, #tpu.memory_space<vmem>>
        %dma_start3A_869 = tpu.memref_squeeze %dma_start3A_868 : memref<1x5x80xi32, #tpu.memory_space<vmem>> -> memref<5x80xi32, #tpu.memory_space<vmem>>
        %dma_start3A_870 = arith.constant 0 : i32
        %dma_start3A_871 = tpu.memref_slice %arg3[%arg1, %mul3A_865, %dma_start3A_870] : memref<16x250x80xi32, #tpu.memory_space<hbm>> -> memref<1x5x80xi32, #tpu.memory_space<hbm>>
        %dma_start3A_872 = tpu.memref_squeeze %dma_start3A_871 : memref<1x5x80xi32, #tpu.memory_space<hbm>> -> memref<5x80xi32, #tpu.memory_space<hbm>>
        %dma_start3A_873 = arith.constant 0 : i32
        %dma_start3A_874 = arith.constant 0 : i32
        %dma_start3A_875 = tpu.memref_slice %arg7[%rem3A_747, %dma_start3A_873, %dma_start3A_874] : memref<4x5x80xi32, #tpu.memory_space<vmem>> -> memref<1x5x80xi32, #tpu.memory_space<vmem>>
        %dma_start3A_876 = tpu.memref_squeeze %dma_start3A_875 : memref<1x5x80xi32, #tpu.memory_space<vmem>> -> memref<5x80xi32, #tpu.memory_space<vmem>>
        %dma_start3A_877 = arith.constant 0 : i32
        %dma_start3A_878 = tpu.memref_slice %arg3[%arg1, %mul3A_865, %dma_start3A_877] : memref<16x250x80xi32, #tpu.memory_space<hbm>> -> memref<1x5x80xi32, #tpu.memory_space<hbm>>
        %dma_start3A_879 = tpu.memref_squeeze %dma_start3A_878 : memref<1x5x80xi32, #tpu.memory_space<hbm>> -> memref<5x80xi32, #tpu.memory_space<hbm>>
        tpu.enqueue_dma source(%dma_start3A_879 : memref<5x80xi32, #tpu.memory_space<hbm>>) target(%dma_start3A_876 : memref<5x80xi32, #tpu.memory_space<vmem>>) target_semaphore(%arg19 : memref<!tpu.dma_semaphore, #tpu.memory_space<semaphore_mem>>)
        %mul3A_880 = arith.constant 5 : i32
        %mul3A_881 = arith.muli %add3A_863, %mul3A_880 : i32
        %dma_start3A_882 = arith.constant 0 : i32
        %dma_start3A_883 = arith.constant 0 : i32
        %dma_start3A_884 = tpu.memref_slice %arg8[%rem3A_747, %dma_start3A_882, %dma_start3A_883] : memref<4x5x80xi32, #tpu.memory_space<vmem>> -> memref<1x5x80xi32, #tpu.memory_space<vmem>>
        %dma_start3A_885 = tpu.memref_squeeze %dma_start3A_884 : memref<1x5x80xi32, #tpu.memory_space<vmem>> -> memref<5x80xi32, #tpu.memory_space<vmem>>
        %dma_start3A_886 = arith.constant 0 : i32
        %dma_start3A_887 = tpu.memref_slice %arg4[%arg1, %mul3A_881, %dma_start3A_886] : memref<16x250x80xi32, #tpu.memory_space<hbm>> -> memref<1x5x80xi32, #tpu.memory_space<hbm>>
        %dma_start3A_888 = tpu.memref_squeeze %dma_start3A_887 : memref<1x5x80xi32, #tpu.memory_space<hbm>> -> memref<5x80xi32, #tpu.memory_space<hbm>>
        %dma_start3A_889 = arith.constant 0 : i32
        %dma_start3A_890 = arith.constant 0 : i32
        %dma_start3A_891 = tpu.memref_slice %arg8[%rem3A_747, %dma_start3A_889, %dma_start3A_890] : memref<4x5x80xi32, #tpu.memory_space<vmem>> -> memref<1x5x80xi32, #tpu.memory_space<vmem>>
        %dma_start3A_892 = tpu.memref_squeeze %dma_start3A_891 : memref<1x5x80xi32, #tpu.memory_space<vmem>> -> memref<5x80xi32, #tpu.memory_space<vmem>>
        %dma_start3A_893 = arith.constant 0 : i32
        %dma_start3A_894 = tpu.memref_slice %arg4[%arg1, %mul3A_881, %dma_start3A_893] : memref<16x250x80xi32, #tpu.memory_space<hbm>> -> memref<1x5x80xi32, #tpu.memory_space<hbm>>
        %dma_start3A_895 = tpu.memref_squeeze %dma_start3A_894 : memref<1x5x80xi32, #tpu.memory_space<hbm>> -> memref<5x80xi32, #tpu.memory_space<hbm>>
        tpu.enqueue_dma source(%dma_start3A_895 : memref<5x80xi32, #tpu.memory_space<hbm>>) target(%dma_start3A_892 : memref<5x80xi32, #tpu.memory_space<vmem>>) target_semaphore(%arg19 : memref<!tpu.dma_semaphore, #tpu.memory_space<semaphore_mem>>)
      } else {
      }
      %dma_wait3A_752 = arith.constant 0 : i32
      %dma_wait3A_753 = arith.constant 0 : i32
      %dma_wait3A_754 = tpu.memref_slice %arg9[%rem3A_737, %dma_wait3A_752, %dma_wait3A_753] : memref<3x400x64xf32, #tpu.memory_space<vmem>> -> memref<1x400x64xf32, #tpu.memory_space<vmem>>
      %dma_wait3A_755 = tpu.memref_squeeze %dma_wait3A_754 : memref<1x400x64xf32, #tpu.memory_space<vmem>> -> memref<400x64xf32, #tpu.memory_space<vmem>>
      %dma_wait3A_756 = arith.constant 0 : i32
      %dma_wait3A_757 = arith.constant 0 : i32
      %dma_wait3A_758 = tpu.memref_slice %arg2[%dma_wait3A_756, %dma_wait3A_757] : memref<20000x64xf32, #tpu.memory_space<hbm>> -> memref<400x64xf32, #tpu.memory_space<hbm>>
      %dma_wait3A_759 = arith.constant 0 : i32
      %dma_wait3A_760 = arith.constant 0 : i32
      %dma_wait3A_761 = tpu.memref_slice %arg9[%rem3A_737, %dma_wait3A_759, %dma_wait3A_760] : memref<3x400x64xf32, #tpu.memory_space<vmem>> -> memref<1x400x64xf32, #tpu.memory_space<vmem>>
      %dma_wait3A_762 = tpu.memref_squeeze %dma_wait3A_761 : memref<1x400x64xf32, #tpu.memory_space<vmem>> -> memref<400x64xf32, #tpu.memory_space<vmem>>
      %dma_wait3A_763 = arith.constant 0 : i32
      %dma_wait3A_764 = arith.constant 0 : i32
      %dma_wait3A_765 = tpu.memref_slice %arg2[%dma_wait3A_763, %dma_wait3A_764] : memref<20000x64xf32, #tpu.memory_space<hbm>> -> memref<400x64xf32, #tpu.memory_space<hbm>>
      tpu.wait_dma2 semaphore(%arg16 : memref<!tpu.dma_semaphore, #tpu.memory_space<semaphore_mem>>) src(%dma_wait3A_765 : memref<400x64xf32, #tpu.memory_space<hbm>>) dst(%dma_wait3A_762 : memref<400x64xf32, #tpu.memory_space<vmem>>)
      %dma_start3A_766 = arith.constant 0 : i32
      %dma_start3A_767 = arith.constant 0 : i32
      %dma_start3A_768 = arith.constant 0 : i32
      %dma_start3A_769 = tpu.memref_slice %arg9[%rem3A_737, %dma_start3A_767, %dma_start3A_768] : memref<3x400x64xf32, #tpu.memory_space<vmem>> -> memref<1x80x64xf32, #tpu.memory_space<vmem>>
      %dma_start3A_770 = tpu.memref_squeeze %dma_start3A_769 : memref<1x80x64xf32, #tpu.memory_space<vmem>> -> memref<80x64xf32, #tpu.memory_space<vmem>>
      %dma_start3A_771 = arith.constant 0 : i32
      %dma_start3A_772 = tpu.memref_slice %arg8[%rem3A_743, %dma_start3A_766, %dma_start3A_771] : memref<4x5x80xi32, #tpu.memory_space<vmem>> -> memref<1x1x80xi32, #tpu.memory_space<vmem>>
      %dma_start3A_773 = tpu.memref_squeeze %dma_start3A_772 : memref<1x1x80xi32, #tpu.memory_space<vmem>> -> memref<80xi32, #tpu.memory_space<vmem>>
      %dma_start3A_774 = arith.constant 0 : i32
      %dma_start3A_775 = arith.constant 0 : i32
      %dma_start3A_776 = tpu.memref_slice %arg14[%dma_start3A_774, %dma_start3A_775] : memref<10240x64xf32, #tpu.memory_space<vmem_shared>> -> memref<10240x64xf32, #tpu.memory_space<vmem_shared>>
      tpu.enqueue_indirect_dma source(%dma_start3A_770 : memref<80x64xf32, #tpu.memory_space<vmem>>) target(%dma_start3A_776 : memref<10240x64xf32, #tpu.memory_space<vmem_shared>>) offsets(%dma_start3A_773 : memref<80xi32, #tpu.memory_space<vmem>>) semaphore(%arg17 : memref<!tpu.dma_semaphore, #tpu.memory_space<semaphore_mem>>) {add = true}
      %dma_start3A_777 = arith.constant 0 : i32
      %dma_start3A_778 = arith.constant 0 : i32
      %dma_start3A_779 = tpu.memref_slice %arg8[%rem3A_743, %dma_start3A_777, %dma_start3A_778] : memref<4x5x80xi32, #tpu.memory_space<vmem>> -> memref<1x1x80xi32, #tpu.memory_space<vmem>>
      %dma_start3A_780 = tpu.memref_squeeze %dma_start3A_779 : memref<1x1x80xi32, #tpu.memory_space<vmem>> -> memref<80xi32, #tpu.memory_space<vmem>>
      %dma_start3A_781 = arith.constant 0 : i32
      %dma_start3A_782 = tpu.memref_slice %arg15[%dma_start3A_781] : memref<10240xf32, #tpu.memory_space<vmem_shared>> -> memref<10240xf32, #tpu.memory_space<vmem_shared>>
      tpu.enqueue_indirect_dma source(%arg10 : memref<80xf32, #tpu.memory_space<vmem>>) target(%dma_start3A_782 : memref<10240xf32, #tpu.memory_space<vmem_shared>>) offsets(%dma_start3A_780 : memref<80xi32, #tpu.memory_space<vmem>>) semaphore(%arg18 : memref<!tpu.dma_semaphore, #tpu.memory_space<semaphore_mem>>) {add = true}
      %dma_start3A_783 = arith.constant 1 : i32
      %dma_start3A_784 = arith.constant 80 : i32
      %dma_start3A_785 = arith.constant 0 : i32
      %dma_start3A_786 = tpu.memref_slice %arg9[%rem3A_737, %dma_start3A_784, %dma_start3A_785] : memref<3x400x64xf32, #tpu.memory_space<vmem>> -> memref<1x80x64xf32, #tpu.memory_space<vmem>>
      %dma_start3A_787 = tpu.memref_squeeze %dma_start3A_786 : memref<1x80x64xf32, #tpu.memory_space<vmem>> -> memref<80x64xf32, #tpu.memory_space<vmem>>
      %dma_start3A_788 = arith.constant 0 : i32
      %dma_start3A_789 = tpu.memref_slice %arg8[%rem3A_743, %dma_start3A_783, %dma_start3A_788] : memref<4x5x80xi32, #tpu.memory_space<vmem>> -> memref<1x1x80xi32, #tpu.memory_space<vmem>>
      %dma_start3A_790 = tpu.memref_squeeze %dma_start3A_789 : memref<1x1x80xi32, #tpu.memory_space<vmem>> -> memref<80xi32, #tpu.memory_space<vmem>>
      %dma_start3A_791 = arith.constant 0 : i32
      %dma_start3A_792 = arith.constant 0 : i32
      %dma_start3A_793 = tpu.memref_slice %arg14[%dma_start3A_791, %dma_start3A_792] : memref<10240x64xf32, #tpu.memory_space<vmem_shared>> -> memref<10240x64xf32, #tpu.memory_space<vmem_shared>>
      tpu.enqueue_indirect_dma source(%dma_start3A_787 : memref<80x64xf32, #tpu.memory_space<vmem>>) target(%dma_start3A_793 : memref<10240x64xf32, #tpu.memory_space<vmem_shared>>) offsets(%dma_start3A_790 : memref<80xi32, #tpu.memory_space<vmem>>) semaphore(%arg17 : memref<!tpu.dma_semaphore, #tpu.memory_space<semaphore_mem>>) {add = true}
      %dma_start3A_794 = arith.constant 1 : i32
      %dma_start3A_795 = arith.constant 0 : i32
      %dma_start3A_796 = tpu.memref_slice %arg8[%rem3A_743, %dma_start3A_794, %dma_start3A_795] : memref<4x5x80xi32, #tpu.memory_space<vmem>> -> memref<1x1x80xi32, #tpu.memory_space<vmem>>
      %dma_start3A_797 = tpu.memref_squeeze %dma_start3A_796 : memref<1x1x80xi32, #tpu.memory_space<vmem>> -> memref<80xi32, #tpu.memory_space<vmem>>
      %dma_start3A_798 = arith.constant 0 : i32
      %dma_start3A_799 = tpu.memref_slice %arg15[%dma_start3A_798] : memref<10240xf32, #tpu.memory_space<vmem_shared>> -> memref<10240xf32, #tpu.memory_space<vmem_shared>>
      tpu.enqueue_indirect_dma source(%arg10 : memref<80xf32, #tpu.memory_space<vmem>>) target(%dma_start3A_799 : memref<10240xf32, #tpu.memory_space<vmem_shared>>) offsets(%dma_start3A_797 : memref<80xi32, #tpu.memory_space<vmem>>) semaphore(%arg18 : memref<!tpu.dma_semaphore, #tpu.memory_space<semaphore_mem>>) {add = true}
      %dma_start3A_800 = arith.constant 2 : i32
      %dma_start3A_801 = arith.constant 160 : i32
      %dma_start3A_802 = arith.constant 0 : i32
      %dma_start3A_803 = tpu.memref_slice %arg9[%rem3A_737, %dma_start3A_801, %dma_start3A_802] : memref<3x400x64xf32, #tpu.memory_space<vmem>> -> memref<1x80x64xf32, #tpu.memory_space<vmem>>
      %dma_start3A_804 = tpu.memref_squeeze %dma_start3A_803 : memref<1x80x64xf32, #tpu.memory_space<vmem>> -> memref<80x64xf32, #tpu.memory_space<vmem>>
      %dma_start3A_805 = arith.constant 0 : i32
      %dma_start3A_806 = tpu.memref_slice %arg8[%rem3A_743, %dma_start3A_800, %dma_start3A_805] : memref<4x5x80xi32, #tpu.memory_space<vmem>> -> memref<1x1x80xi32, #tpu.memory_space<vmem>>
      %dma_start3A_807 = tpu.memref_squeeze %dma_start3A_806 : memref<1x1x80xi32, #tpu.memory_space<vmem>> -> memref<80xi32, #tpu.memory_space<vmem>>
      %dma_start3A_808 = arith.constant 0 : i32
      %dma_start3A_809 = arith.constant 0 : i32
      %dma_start3A_810 = tpu.memref_slice %arg14[%dma_start3A_808, %dma_start3A_809] : memref<10240x64xf32, #tpu.memory_space<vmem_shared>> -> memref<10240x64xf32, #tpu.memory_space<vmem_shared>>
      tpu.enqueue_indirect_dma source(%dma_start3A_804 : memref<80x64xf32, #tpu.memory_space<vmem>>) target(%dma_start3A_810 : memref<10240x64xf32, #tpu.memory_space<vmem_shared>>) offsets(%dma_start3A_807 : memref<80xi32, #tpu.memory_space<vmem>>) semaphore(%arg17 : memref<!tpu.dma_semaphore, #tpu.memory_space<semaphore_mem>>) {add = true}
      %dma_start3A_811 = arith.constant 2 : i32
      %dma_start3A_812 = arith.constant 0 : i32
      %dma_start3A_813 = tpu.memref_slice %arg8[%rem3A_743, %dma_start3A_811, %dma_start3A_812] : memref<4x5x80xi32, #tpu.memory_space<vmem>> -> memref<1x1x80xi32, #tpu.memory_space<vmem>>
      %dma_start3A_814 = tpu.memref_squeeze %dma_start3A_813 : memref<1x1x80xi32, #tpu.memory_space<vmem>> -> memref<80xi32, #tpu.memory_space<vmem>>
      %dma_start3A_815 = arith.constant 0 : i32
      %dma_start3A_816 = tpu.memref_slice %arg15[%dma_start3A_815] : memref<10240xf32, #tpu.memory_space<vmem_shared>> -> memref<10240xf32, #tpu.memory_space<vmem_shared>>
      tpu.enqueue_indirect_dma source(%arg10 : memref<80xf32, #tpu.memory_space<vmem>>) target(%dma_start3A_816 : memref<10240xf32, #tpu.memory_space<vmem_shared>>) offsets(%dma_start3A_814 : memref<80xi32, #tpu.memory_space<vmem>>) semaphore(%arg18 : memref<!tpu.dma_semaphore, #tpu.memory_space<semaphore_mem>>) {add = true}
      %dma_start3A_817 = arith.constant 3 : i32
      %dma_start3A_818 = arith.constant 240 : i32
      %dma_start3A_819 = arith.constant 0 : i32
      %dma_start3A_820 = tpu.memref_slice %arg9[%rem3A_737, %dma_start3A_818, %dma_start3A_819] : memref<3x400x64xf32, #tpu.memory_space<vmem>> -> memref<1x80x64xf32, #tpu.memory_space<vmem>>
      %dma_start3A_821 = tpu.memref_squeeze %dma_start3A_820 : memref<1x80x64xf32, #tpu.memory_space<vmem>> -> memref<80x64xf32, #tpu.memory_space<vmem>>
      %dma_start3A_822 = arith.constant 0 : i32
      %dma_start3A_823 = tpu.memref_slice %arg8[%rem3A_743, %dma_start3A_817, %dma_start3A_822] : memref<4x5x80xi32, #tpu.memory_space<vmem>> -> memref<1x1x80xi32, #tpu.memory_space<vmem>>
      %dma_start3A_824 = tpu.memref_squeeze %dma_start3A_823 : memref<1x1x80xi32, #tpu.memory_space<vmem>> -> memref<80xi32, #tpu.memory_space<vmem>>
      %dma_start3A_825 = arith.constant 0 : i32
      %dma_start3A_826 = arith.constant 0 : i32
      %dma_start3A_827 = tpu.memref_slice %arg14[%dma_start3A_825, %dma_start3A_826] : memref<10240x64xf32, #tpu.memory_space<vmem_shared>> -> memref<10240x64xf32, #tpu.memory_space<vmem_shared>>
      tpu.enqueue_indirect_dma source(%dma_start3A_821 : memref<80x64xf32, #tpu.memory_space<vmem>>) target(%dma_start3A_827 : memref<10240x64xf32, #tpu.memory_space<vmem_shared>>) offsets(%dma_start3A_824 : memref<80xi32, #tpu.memory_space<vmem>>) semaphore(%arg17 : memref<!tpu.dma_semaphore, #tpu.memory_space<semaphore_mem>>) {add = true}
      %dma_start3A_828 = arith.constant 3 : i32
      %dma_start3A_829 = arith.constant 0 : i32
      %dma_start3A_830 = tpu.memref_slice %arg8[%rem3A_743, %dma_start3A_828, %dma_start3A_829] : memref<4x5x80xi32, #tpu.memory_space<vmem>> -> memref<1x1x80xi32, #tpu.memory_space<vmem>>
      %dma_start3A_831 = tpu.memref_squeeze %dma_start3A_830 : memref<1x1x80xi32, #tpu.memory_space<vmem>> -> memref<80xi32, #tpu.memory_space<vmem>>
      %dma_start3A_832 = arith.constant 0 : i32
      %dma_start3A_833 = tpu.memref_slice %arg15[%dma_start3A_832] : memref<10240xf32, #tpu.memory_space<vmem_shared>> -> memref<10240xf32, #tpu.memory_space<vmem_shared>>
      tpu.enqueue_indirect_dma source(%arg10 : memref<80xf32, #tpu.memory_space<vmem>>) target(%dma_start3A_833 : memref<10240xf32, #tpu.memory_space<vmem_shared>>) offsets(%dma_start3A_831 : memref<80xi32, #tpu.memory_space<vmem>>) semaphore(%arg18 : memref<!tpu.dma_semaphore, #tpu.memory_space<semaphore_mem>>) {add = true}
      %dma_start3A_834 = arith.constant 4 : i32
      %dma_start3A_835 = arith.constant 320 : i32
      %dma_start3A_836 = arith.constant 0 : i32
      %dma_start3A_837 = tpu.memref_slice %arg9[%rem3A_737, %dma_start3A_835, %dma_start3A_836] : memref<3x400x64xf32, #tpu.memory_space<vmem>> -> memref<1x80x64xf32, #tpu.memory_space<vmem>>
      %dma_start3A_838 = tpu.memref_squeeze %dma_start3A_837 : memref<1x80x64xf32, #tpu.memory_space<vmem>> -> memref<80x64xf32, #tpu.memory_space<vmem>>
      %dma_start3A_839 = arith.constant 0 : i32
      %dma_start3A_840 = tpu.memref_slice %arg8[%rem3A_743, %dma_start3A_834, %dma_start3A_839] : memref<4x5x80xi32, #tpu.memory_space<vmem>> -> memref<1x1x80xi32, #tpu.memory_space<vmem>>
      %dma_start3A_841 = tpu.memref_squeeze %dma_start3A_840 : memref<1x1x80xi32, #tpu.memory_space<vmem>> -> memref<80xi32, #tpu.memory_space<vmem>>
      %dma_start3A_842 = arith.constant 0 : i32
      %dma_start3A_843 = arith.constant 0 : i32
      %dma_start3A_844 = tpu.memref_slice %arg14[%dma_start3A_842, %dma_start3A_843] : memref<10240x64xf32, #tpu.memory_space<vmem_shared>> -> memref<10240x64xf32, #tpu.memory_space<vmem_shared>>
      tpu.enqueue_indirect_dma source(%dma_start3A_838 : memref<80x64xf32, #tpu.memory_space<vmem>>) target(%dma_start3A_844 : memref<10240x64xf32, #tpu.memory_space<vmem_shared>>) offsets(%dma_start3A_841 : memref<80xi32, #tpu.memory_space<vmem>>) semaphore(%arg17 : memref<!tpu.dma_semaphore, #tpu.memory_space<semaphore_mem>>) {add = true}
      %dma_start3A_845 = arith.constant 4 : i32
      %dma_start3A_846 = arith.constant 0 : i32
      %dma_start3A_847 = tpu.memref_slice %arg8[%rem3A_743, %dma_start3A_845, %dma_start3A_846] : memref<4x5x80xi32, #tpu.memory_space<vmem>> -> memref<1x1x80xi32, #tpu.memory_space<vmem>>
      %dma_start3A_848 = tpu.memref_squeeze %dma_start3A_847 : memref<1x1x80xi32, #tpu.memory_space<vmem>> -> memref<80xi32, #tpu.memory_space<vmem>>
      %dma_start3A_849 = arith.constant 0 : i32
      %dma_start3A_850 = tpu.memref_slice %arg15[%dma_start3A_849] : memref<10240xf32, #tpu.memory_space<vmem_shared>> -> memref<10240xf32, #tpu.memory_space<vmem_shared>>
      tpu.enqueue_indirect_dma source(%arg10 : memref<80xf32, #tpu.memory_space<vmem>>) target(%dma_start3A_850 : memref<10240xf32, #tpu.memory_space<vmem_shared>>) offsets(%dma_start3A_848 : memref<80xi32, #tpu.memory_space<vmem>>) semaphore(%arg18 : memref<!tpu.dma_semaphore, #tpu.memory_space<semaphore_mem>>) {add = true}
      %gt3A = arith.constant 0 : i32
      %gt3A_851 = arith.cmpi sgt, %scan3A_735, %gt3A : i32
      %convert_element_type3A_852 = arith.extui %gt3A_851 : i1 to i32
      %cond3A_853 = arith.constant 0 : i32
      %cond3A_854 = arith.cmpi ne, %convert_element_type3A_852, %cond3A_853 : i32
      scf.if %cond3A_854 {
        %dma_wait3A_862 = arith.constant 0 : i32
        %dma_wait3A_863 = arith.constant 0 : i32
        %dma_wait3A_864 = tpu.memref_slice %arg9[%rem3A_741, %dma_wait3A_862, %dma_wait3A_863] : memref<3x400x64xf32, #tpu.memory_space<vmem>> -> memref<1x400x64xf32, #tpu.memory_space<vmem>>
        %dma_wait3A_865 = tpu.memref_squeeze %dma_wait3A_864 : memref<1x400x64xf32, #tpu.memory_space<vmem>> -> memref<400x64xf32, #tpu.memory_space<vmem>>
        %dma_wait3A_866 = arith.constant 0 : i32
        %dma_wait3A_867 = arith.constant 0 : i32
        %dma_wait3A_868 = tpu.memref_slice %arg2[%dma_wait3A_866, %dma_wait3A_867] : memref<20000x64xf32, #tpu.memory_space<hbm>> -> memref<400x64xf32, #tpu.memory_space<hbm>>
        %dma_wait3A_869 = arith.constant 0 : i32
        %dma_wait3A_870 = arith.constant 0 : i32
        %dma_wait3A_871 = tpu.memref_slice %arg9[%rem3A_741, %dma_wait3A_869, %dma_wait3A_870] : memref<3x400x64xf32, #tpu.memory_space<vmem>> -> memref<1x400x64xf32, #tpu.memory_space<vmem>>
        %dma_wait3A_872 = tpu.memref_squeeze %dma_wait3A_871 : memref<1x400x64xf32, #tpu.memory_space<vmem>> -> memref<400x64xf32, #tpu.memory_space<vmem>>
        %dma_wait3A_873 = arith.constant 0 : i32
        %dma_wait3A_874 = arith.constant 0 : i32
        %dma_wait3A_875 = tpu.memref_slice %arg2[%dma_wait3A_873, %dma_wait3A_874] : memref<20000x64xf32, #tpu.memory_space<hbm>> -> memref<400x64xf32, #tpu.memory_space<hbm>>
        tpu.wait_dma2 semaphore(%arg17 : memref<!tpu.dma_semaphore, #tpu.memory_space<semaphore_mem>>) src(%dma_wait3A_875 : memref<400x64xf32, #tpu.memory_space<hbm>>) dst(%dma_wait3A_872 : memref<400x64xf32, #tpu.memory_space<vmem>>)
        %dma_wait3A_876 = arith.constant 0 : i32
        %dma_wait3A_877 = tpu.memref_slice %arg6[%dma_wait3A_876] : memref<10240xf32, #tpu.memory_space<hbm>> -> memref<400xf32, #tpu.memory_space<hbm>>
        %dma_wait3A_878 = arith.constant 0 : i32
        %dma_wait3A_879 = tpu.memref_slice %arg6[%dma_wait3A_878] : memref<10240xf32, #tpu.memory_space<hbm>> -> memref<400xf32, #tpu.memory_space<hbm>>
        tpu.wait_dma2 semaphore(%arg18 : memref<!tpu.dma_semaphore, #tpu.memory_space<semaphore_mem>>) src(%dma_wait3A_879 : memref<400xf32, #tpu.memory_space<hbm>>) dst(%arg13 : memref<400xf32, #tpu.memory_space<vmem>>)
      } else {
      }
      %add3A_855 = arith.constant 2 : i32
      %add3A_856 = arith.addi %scan3A_735, %add3A_855 : i32
      %lt3A_857 = arith.constant 50 : i32
      %lt3A_858 = arith.cmpi slt, %add3A_856, %lt3A_857 : i32
      %convert_element_type3A_859 = arith.extui %lt3A_858 : i1 to i32
      %cond3A_860 = arith.constant 0 : i32
      %cond3A_861 = arith.cmpi ne, %convert_element_type3A_859, %cond3A_860 : i32
      scf.if %cond3A_861 {
        %dma_wait3A_862 = arith.constant 0 : i32
        %dma_wait3A_863 = arith.constant 0 : i32
        %dma_wait3A_864 = tpu.memref_slice %arg7[%rem3A_747, %dma_wait3A_862, %dma_wait3A_863] : memref<4x5x80xi32, #tpu.memory_space<vmem>> -> memref<1x5x80xi32, #tpu.memory_space<vmem>>
        %dma_wait3A_865 = tpu.memref_squeeze %dma_wait3A_864 : memref<1x5x80xi32, #tpu.memory_space<vmem>> -> memref<5x80xi32, #tpu.memory_space<vmem>>
        %dma_wait3A_866 = arith.constant 0 : i32
        %dma_wait3A_867 = arith.constant 0 : i32
        %dma_wait3A_868 = tpu.memref_slice %arg3[%arg1, %dma_wait3A_866, %dma_wait3A_867] : memref<16x250x80xi32, #tpu.memory_space<hbm>> -> memref<1x5x80xi32, #tpu.memory_space<hbm>>
        %dma_wait3A_869 = tpu.memref_squeeze %dma_wait3A_868 : memref<1x5x80xi32, #tpu.memory_space<hbm>> -> memref<5x80xi32, #tpu.memory_space<hbm>>
        %dma_wait3A_870 = arith.constant 0 : i32
        %dma_wait3A_871 = arith.constant 0 : i32
        %dma_wait3A_872 = tpu.memref_slice %arg7[%rem3A_747, %dma_wait3A_870, %dma_wait3A_871] : memref<4x5x80xi32, #tpu.memory_space<vmem>> -> memref<1x5x80xi32, #tpu.memory_space<vmem>>
        %dma_wait3A_873 = tpu.memref_squeeze %dma_wait3A_872 : memref<1x5x80xi32, #tpu.memory_space<vmem>> -> memref<5x80xi32, #tpu.memory_space<vmem>>
        %dma_wait3A_874 = arith.constant 0 : i32
        %dma_wait3A_875 = arith.constant 0 : i32
        %dma_wait3A_876 = tpu.memref_slice %arg3[%arg1, %dma_wait3A_874, %dma_wait3A_875] : memref<16x250x80xi32, #tpu.memory_space<hbm>> -> memref<1x5x80xi32, #tpu.memory_space<hbm>>
        %dma_wait3A_877 = tpu.memref_squeeze %dma_wait3A_876 : memref<1x5x80xi32, #tpu.memory_space<hbm>> -> memref<5x80xi32, #tpu.memory_space<hbm>>
        tpu.wait_dma2 semaphore(%arg19 : memref<!tpu.dma_semaphore, #tpu.memory_space<semaphore_mem>>) src(%dma_wait3A_877 : memref<5x80xi32, #tpu.memory_space<hbm>>) dst(%dma_wait3A_873 : memref<5x80xi32, #tpu.memory_space<vmem>>)
        %dma_wait3A_878 = arith.constant 0 : i32
        %dma_wait3A_879 = arith.constant 0 : i32
        %dma_wait3A_880 = tpu.memref_slice %arg8[%rem3A_747, %dma_wait3A_878, %dma_wait3A_879] : memref<4x5x80xi32, #tpu.memory_space<vmem>> -> memref<1x5x80xi32, #tpu.memory_space<vmem>>
        %dma_wait3A_881 = tpu.memref_squeeze %dma_wait3A_880 : memref<1x5x80xi32, #tpu.memory_space<vmem>> -> memref<5x80xi32, #tpu.memory_space<vmem>>
        %dma_wait3A_882 = arith.constant 0 : i32
        %dma_wait3A_883 = arith.constant 0 : i32
        %dma_wait3A_884 = tpu.memref_slice %arg4[%arg1, %dma_wait3A_882, %dma_wait3A_883] : memref<16x250x80xi32, #tpu.memory_space<hbm>> -> memref<1x5x80xi32, #tpu.memory_space<hbm>>
        %dma_wait3A_885 = tpu.memref_squeeze %dma_wait3A_884 : memref<1x5x80xi32, #tpu.memory_space<hbm>> -> memref<5x80xi32, #tpu.memory_space<hbm>>
        %dma_wait3A_886 = arith.constant 0 : i32
        %dma_wait3A_887 = arith.constant 0 : i32
        %dma_wait3A_888 = tpu.memref_slice %arg8[%rem3A_747, %dma_wait3A_886, %dma_wait3A_887] : memref<4x5x80xi32, #tpu.memory_space<vmem>> -> memref<1x5x80xi32, #tpu.memory_space<vmem>>
        %dma_wait3A_889 = tpu.memref_squeeze %dma_wait3A_888 : memref<1x5x80xi32, #tpu.memory_space<vmem>> -> memref<5x80xi32, #tpu.memory_space<vmem>>
        %dma_wait3A_890 = arith.constant 0 : i32
        %dma_wait3A_891 = arith.constant 0 : i32
        %dma_wait3A_892 = tpu.memref_slice %arg4[%arg1, %dma_wait3A_890, %dma_wait3A_891] : memref<16x250x80xi32, #tpu.memory_space<hbm>> -> memref<1x5x80xi32, #tpu.memory_space<hbm>>
        %dma_wait3A_893 = tpu.memref_squeeze %dma_wait3A_892 : memref<1x5x80xi32, #tpu.memory_space<hbm>> -> memref<5x80xi32, #tpu.memory_space<hbm>>
        tpu.wait_dma2 semaphore(%arg19 : memref<!tpu.dma_semaphore, #tpu.memory_space<semaphore_mem>>) src(%dma_wait3A_893 : memref<5x80xi32, #tpu.memory_space<hbm>>) dst(%dma_wait3A_889 : memref<5x80xi32, #tpu.memory_space<vmem>>)
        %scan3A_894 = arith.constant 0 : i32
        %scan3A_895 = arith.constant 0 : i32
        %scan3A_896 = arith.constant 5 : i32
        %scan3A_897 = arith.addi %scan3A_895, %scan3A_896 : i32
        %scan3A_898 = arith.constant 1 : i32
        scf.for %scan3A_955 = %scan3A_895 to %scan3A_897 step %scan3A_898  : i32 {
          %get3A = arith.index_cast %rem3A_747 : i32 to index
          %get3A_956 = arith.index_cast %scan3A_955 : i32 to index
          %get3A_957 = arith.constant 0 : index
          %get3A_958 = tpu.vector_load %arg7[%get3A, %get3A_956, %get3A_957] {strides = array<i32>} : memref<4x5x80xi32, #tpu.memory_space<vmem>>, vector<1x1x16xi32>,
          %get3A_959 = vector.shape_cast %get3A_958 : vector<1x1x16xi32> to vector<16xi32>
          %add3A_960 = arith.addi %get3A_959, %get3A_959 : vector<16xi32>
          %add3A_961 = vector.broadcast %arg0 : i32 to vector<16xi32>
          %add3A_962 = arith.addi %add3A_960, %add3A_961 : vector<16xi32>
          %swap3A_963 = arith.index_cast %rem3A_747 : i32 to index
          %swap3A_964 = arith.index_cast %scan3A_955 : i32 to index
          %swap3A_965 = arith.constant 0 : index
          %swap3A_966 = tpu.vector_load %arg7[%swap3A_963, %swap3A_964, %swap3A_965] {strides = array<i32>} : memref<4x5x80xi32, #tpu.memory_space<vmem>>, vector<1x1x16xi32>,
          %swap3A_967 = vector.shape_cast %swap3A_966 : vector<1x1x16xi32> to vector<16xi32>
          %swap3A_968 = vector.shape_cast %add3A_962 : vector<16xi32> to vector<1x1x16xi32>
          tpu.vector_store %arg7[%swap3A_963, %swap3A_964, %swap3A_965], %swap3A_968 {strides = array<i32>} : memref<4x5x80xi32, #tpu.memory_space<vmem>>, vector<1x1x16xi32>,
          %get3A_969 = arith.index_cast %rem3A_747 : i32 to index
          %get3A_970 = arith.index_cast %scan3A_955 : i32 to index
          %get3A_971 = arith.constant 16 : index
          %get3A_972 = tpu.vector_load %arg7[%get3A_969, %get3A_970, %get3A_971] {strides = array<i32>} : memref<4x5x80xi32, #tpu.memory_space<vmem>>, vector<1x1x16xi32>,
          %get3A_973 = vector.shape_cast %get3A_972 : vector<1x1x16xi32> to vector<16xi32>
          %add3A_974 = arith.addi %get3A_973, %get3A_973 : vector<16xi32>
          %add3A_975 = vector.broadcast %arg0 : i32 to vector<16xi32>
          %add3A_976 = arith.addi %add3A_974, %add3A_975 : vector<16xi32>
          %swap3A_977 = arith.index_cast %rem3A_747 : i32 to index
          %swap3A_978 = arith.index_cast %scan3A_955 : i32 to index
          %swap3A_979 = arith.constant 16 : index
          %swap3A_980 = tpu.vector_load %arg7[%swap3A_977, %swap3A_978, %swap3A_979] {strides = array<i32>} : memref<4x5x80xi32, #tpu.memory_space<vmem>>, vector<1x1x16xi32>,
          %swap3A_981 = vector.shape_cast %swap3A_980 : vector<1x1x16xi32> to vector<16xi32>
          %swap3A_982 = vector.shape_cast %add3A_976 : vector<16xi32> to vector<1x1x16xi32>
          tpu.vector_store %arg7[%swap3A_977, %swap3A_978, %swap3A_979], %swap3A_982 {strides = array<i32>} : memref<4x5x80xi32, #tpu.memory_space<vmem>>, vector<1x1x16xi32>,
          %get3A_983 = arith.index_cast %rem3A_747 : i32 to index
          %get3A_984 = arith.index_cast %scan3A_955 : i32 to index
          %get3A_985 = arith.constant 32 : index
          %get3A_986 = tpu.vector_load %arg7[%get3A_983, %get3A_984, %get3A_985] {strides = array<i32>} : memref<4x5x80xi32, #tpu.memory_space<vmem>>, vector<1x1x16xi32>,
          %get3A_987 = vector.shape_cast %get3A_986 : vector<1x1x16xi32> to vector<16xi32>
          %add3A_988 = arith.addi %get3A_987, %get3A_987 : vector<16xi32>
          %add3A_989 = vector.broadcast %arg0 : i32 to vector<16xi32>
          %add3A_990 = arith.addi %add3A_988, %add3A_989 : vector<16xi32>
          %swap3A_991 = arith.index_cast %rem3A_747 : i32 to index
          %swap3A_992 = arith.index_cast %scan3A_955 : i32 to index
          %swap3A_993 = arith.constant 32 : index
          %swap3A_994 = tpu.vector_load %arg7[%swap3A_991, %swap3A_992, %swap3A_993] {strides = array<i32>} : memref<4x5x80xi32, #tpu.memory_space<vmem>>, vector<1x1x16xi32>,
          %swap3A_995 = vector.shape_cast %swap3A_994 : vector<1x1x16xi32> to vector<16xi32>
          %swap3A_996 = vector.shape_cast %add3A_990 : vector<16xi32> to vector<1x1x16xi32>
          tpu.vector_store %arg7[%swap3A_991, %swap3A_992, %swap3A_993], %swap3A_996 {strides = array<i32>} : memref<4x5x80xi32, #tpu.memory_space<vmem>>, vector<1x1x16xi32>,
          %get3A_997 = arith.index_cast %rem3A_747 : i32 to index
          %get3A_998 = arith.index_cast %scan3A_955 : i32 to index
          %get3A_999 = arith.constant 48 : index
          %get3A_1000 = tpu.vector_load %arg7[%get3A_997, %get3A_998, %get3A_999] {strides = array<i32>} : memref<4x5x80xi32, #tpu.memory_space<vmem>>, vector<1x1x16xi32>,
          %get3A_1001 = vector.shape_cast %get3A_1000 : vector<1x1x16xi32> to vector<16xi32>
          %add3A_1002 = arith.addi %get3A_1001, %get3A_1001 : vector<16xi32>
          %add3A_1003 = vector.broadcast %arg0 : i32 to vector<16xi32>
          %add3A_1004 = arith.addi %add3A_1002, %add3A_1003 : vector<16xi32>
          %swap3A_1005 = arith.index_cast %rem3A_747 : i32 to index
          %swap3A_1006 = arith.index_cast %scan3A_955 : i32 to index
          %swap3A_1007 = arith.constant 48 : index
          %swap3A_1008 = tpu.vector_load %arg7[%swap3A_1005, %swap3A_1006, %swap3A_1007] {strides = array<i32>} : memref<4x5x80xi32, #tpu.memory_space<vmem>>, vector<1x1x16xi32>,
          %swap3A_1009 = vector.shape_cast %swap3A_1008 : vector<1x1x16xi32> to vector<16xi32>
          %swap3A_1010 = vector.shape_cast %add3A_1004 : vector<16xi32> to vector<1x1x16xi32>
          tpu.vector_store %arg7[%swap3A_1005, %swap3A_1006, %swap3A_1007], %swap3A_1010 {strides = array<i32>} : memref<4x5x80xi32, #tpu.memory_space<vmem>>, vector<1x1x16xi32>,
          %get3A_1011 = arith.index_cast %rem3A_747 : i32 to index
          %get3A_1012 = arith.index_cast %scan3A_955 : i32 to index
          %get3A_1013 = arith.constant 64 : index
          %get3A_1014 = tpu.vector_load %arg7[%get3A_1011, %get3A_1012, %get3A_1013] {strides = array<i32>} : memref<4x5x80xi32, #tpu.memory_space<vmem>>, vector<1x1x16xi32>,
          %get3A_1015 = vector.shape_cast %get3A_1014 : vector<1x1x16xi32> to vector<16xi32>
          %add3A_1016 = arith.addi %get3A_1015, %get3A_1015 : vector<16xi32>
          %add3A_1017 = vector.broadcast %arg0 : i32 to vector<16xi32>
          %add3A_1018 = arith.addi %add3A_1016, %add3A_1017 : vector<16xi32>
          %swap3A_1019 = arith.index_cast %rem3A_747 : i32 to index
          %swap3A_1020 = arith.index_cast %scan3A_955 : i32 to index
          %swap3A_1021 = arith.constant 64 : index
          %swap3A_1022 = tpu.vector_load %arg7[%swap3A_1019, %swap3A_1020, %swap3A_1021] {strides = array<i32>} : memref<4x5x80xi32, #tpu.memory_space<vmem>>, vector<1x1x16xi32>,
          %swap3A_1023 = vector.shape_cast %swap3A_1022 : vector<1x1x16xi32> to vector<16xi32>
          %swap3A_1024 = vector.shape_cast %add3A_1018 : vector<16xi32> to vector<1x1x16xi32>
          tpu.vector_store %arg7[%swap3A_1019, %swap3A_1020, %swap3A_1021], %swap3A_1024 {strides = array<i32>} : memref<4x5x80xi32, #tpu.memory_space<vmem>>, vector<1x1x16xi32>,
        }
        %scan3A_899 = arith.constant 5 : i32
        %dma_start3A_900 = arith.constant 0 : i32
        %dma_start3A_901 = arith.constant 0 : i32
        %dma_start3A_902 = arith.constant 0 : i32
        %dma_start3A_903 = tpu.memref_slice %arg9[%rem3A_741, %dma_start3A_901, %dma_start3A_902] : memref<3x400x64xf32, #tpu.memory_space<vmem>> -> memref<1x80x64xf32, #tpu.memory_space<vmem>>
        %dma_start3A_904 = tpu.memref_squeeze %dma_start3A_903 : memref<1x80x64xf32, #tpu.memory_space<vmem>> -> memref<80x64xf32, #tpu.memory_space<vmem>>
        %dma_start3A_905 = arith.constant 0 : i32
        %dma_start3A_906 = tpu.memref_slice %arg7[%rem3A_747, %dma_start3A_900, %dma_start3A_905] : memref<4x5x80xi32, #tpu.memory_space<vmem>> -> memref<1x1x80xi32, #tpu.memory_space<vmem>>
        %dma_start3A_907 = tpu.memref_squeeze %dma_start3A_906 : memref<1x1x80xi32, #tpu.memory_space<vmem>> -> memref<80xi32, #tpu.memory_space<vmem>>
        %dma_start3A_908 = arith.constant 0 : i32
        %dma_start3A_909 = arith.constant 0 : i32
        %dma_start3A_910 = tpu.memref_slice %arg2[%dma_start3A_908, %dma_start3A_909] : memref<20000x64xf32, #tpu.memory_space<hbm>> -> memref<20000x64xf32, #tpu.memory_space<hbm>>
        tpu.enqueue_indirect_dma source(%dma_start3A_910 : memref<20000x64xf32, #tpu.memory_space<hbm>>) target(%dma_start3A_904 : memref<80x64xf32, #tpu.memory_space<vmem>>) offsets(%dma_start3A_907 : memref<80xi32, #tpu.memory_space<vmem>>) semaphore(%arg16 : memref<!tpu.dma_semaphore, #tpu.memory_space<semaphore_mem>>)
        %dma_start3A_911 = arith.constant 1 : i32
        %dma_start3A_912 = arith.constant 80 : i32
        %dma_start3A_913 = arith.constant 0 : i32
        %dma_start3A_914 = tpu.memref_slice %arg9[%rem3A_741, %dma_start3A_912, %dma_start3A_913] : memref<3x400x64xf32, #tpu.memory_space<vmem>> -> memref<1x80x64xf32, #tpu.memory_space<vmem>>
        %dma_start3A_915 = tpu.memref_squeeze %dma_start3A_914 : memref<1x80x64xf32, #tpu.memory_space<vmem>> -> memref<80x64xf32, #tpu.memory_space<vmem>>
        %dma_start3A_916 = arith.constant 0 : i32
        %dma_start3A_917 = tpu.memref_slice %arg7[%rem3A_747, %dma_start3A_911, %dma_start3A_916] : memref<4x5x80xi32, #tpu.memory_space<vmem>> -> memref<1x1x80xi32, #tpu.memory_space<vmem>>
        %dma_start3A_918 = tpu.memref_squeeze %dma_start3A_917 : memref<1x1x80xi32, #tpu.memory_space<vmem>> -> memref<80xi32, #tpu.memory_space<vmem>>
        %dma_start3A_919 = arith.constant 0 : i32
        %dma_start3A_920 = arith.constant 0 : i32
        %dma_start3A_921 = tpu.memref_slice %arg2[%dma_start3A_919, %dma_start3A_920] : memref<20000x64xf32, #tpu.memory_space<hbm>> -> memref<20000x64xf32, #tpu.memory_space<hbm>>
        tpu.enqueue_indirect_dma source(%dma_start3A_921 : memref<20000x64xf32, #tpu.memory_space<hbm>>) target(%dma_start3A_915 : memref<80x64xf32, #tpu.memory_space<vmem>>) offsets(%dma_start3A_918 : memref<80xi32, #tpu.memory_space<vmem>>) semaphore(%arg16 : memref<!tpu.dma_semaphore, #tpu.memory_space<semaphore_mem>>)
        %dma_start3A_922 = arith.constant 2 : i32
        %dma_start3A_923 = arith.constant 160 : i32
        %dma_start3A_924 = arith.constant 0 : i32
        %dma_start3A_925 = tpu.memref_slice %arg9[%rem3A_741, %dma_start3A_923, %dma_start3A_924] : memref<3x400x64xf32, #tpu.memory_space<vmem>> -> memref<1x80x64xf32, #tpu.memory_space<vmem>>
        %dma_start3A_926 = tpu.memref_squeeze %dma_start3A_925 : memref<1x80x64xf32, #tpu.memory_space<vmem>> -> memref<80x64xf32, #tpu.memory_space<vmem>>
        %dma_start3A_927 = arith.constant 0 : i32
        %dma_start3A_928 = tpu.memref_slice %arg7[%rem3A_747, %dma_start3A_922, %dma_start3A_927] : memref<4x5x80xi32, #tpu.memory_space<vmem>> -> memref<1x1x80xi32, #tpu.memory_space<vmem>>
        %dma_start3A_929 = tpu.memref_squeeze %dma_start3A_928 : memref<1x1x80xi32, #tpu.memory_space<vmem>> -> memref<80xi32, #tpu.memory_space<vmem>>
        %dma_start3A_930 = arith.constant 0 : i32
        %dma_start3A_931 = arith.constant 0 : i32
        %dma_start3A_932 = tpu.memref_slice %arg2[%dma_start3A_930, %dma_start3A_931] : memref<20000x64xf32, #tpu.memory_space<hbm>> -> memref<20000x64xf32, #tpu.memory_space<hbm>>
        tpu.enqueue_indirect_dma source(%dma_start3A_932 : memref<20000x64xf32, #tpu.memory_space<hbm>>) target(%dma_start3A_926 : memref<80x64xf32, #tpu.memory_space<vmem>>) offsets(%dma_start3A_929 : memref<80xi32, #tpu.memory_space<vmem>>) semaphore(%arg16 : memref<!tpu.dma_semaphore, #tpu.memory_space<semaphore_mem>>)
        %dma_start3A_933 = arith.constant 3 : i32
        %dma_start3A_934 = arith.constant 240 : i32
        %dma_start3A_935 = arith.constant 0 : i32
        %dma_start3A_936 = tpu.memref_slice %arg9[%rem3A_741, %dma_start3A_934, %dma_start3A_935] : memref<3x400x64xf32, #tpu.memory_space<vmem>> -> memref<1x80x64xf32, #tpu.memory_space<vmem>>
        %dma_start3A_937 = tpu.memref_squeeze %dma_start3A_936 : memref<1x80x64xf32, #tpu.memory_space<vmem>> -> memref<80x64xf32, #tpu.memory_space<vmem>>
        %dma_start3A_938 = arith.constant 0 : i32
        %dma_start3A_939 = tpu.memref_slice %arg7[%rem3A_747, %dma_start3A_933, %dma_start3A_938] : memref<4x5x80xi32, #tpu.memory_space<vmem>> -> memref<1x1x80xi32, #tpu.memory_space<vmem>>
        %dma_start3A_940 = tpu.memref_squeeze %dma_start3A_939 : memref<1x1x80xi32, #tpu.memory_space<vmem>> -> memref<80xi32, #tpu.memory_space<vmem>>
        %dma_start3A_941 = arith.constant 0 : i32
        %dma_start3A_942 = arith.constant 0 : i32
        %dma_start3A_943 = tpu.memref_slice %arg2[%dma_start3A_941, %dma_start3A_942] : memref<20000x64xf32, #tpu.memory_space<hbm>> -> memref<20000x64xf32, #tpu.memory_space<hbm>>
        tpu.enqueue_indirect_dma source(%dma_start3A_943 : memref<20000x64xf32, #tpu.memory_space<hbm>>) target(%dma_start3A_937 : memref<80x64xf32, #tpu.memory_space<vmem>>) offsets(%dma_start3A_940 : memref<80xi32, #tpu.memory_space<vmem>>) semaphore(%arg16 : memref<!tpu.dma_semaphore, #tpu.memory_space<semaphore_mem>>)
        %dma_start3A_944 = arith.constant 4 : i32
        %dma_start3A_945 = arith.constant 320 : i32
        %dma_start3A_946 = arith.constant 0 : i32
        %dma_start3A_947 = tpu.memref_slice %arg9[%rem3A_741, %dma_start3A_945, %dma_start3A_946] : memref<3x400x64xf32, #tpu.memory_space<vmem>> -> memref<1x80x64xf32, #tpu.memory_space<vmem>>
        %dma_start3A_948 = tpu.memref_squeeze %dma_start3A_947 : memref<1x80x64xf32, #tpu.memory_space<vmem>> -> memref<80x64xf32, #tpu.memory_space<vmem>>
        %dma_start3A_949 = arith.constant 0 : i32
        %dma_start3A_950 = tpu.memref_slice %arg7[%rem3A_747, %dma_start3A_944, %dma_start3A_949] : memref<4x5x80xi32, #tpu.memory_space<vmem>> -> memref<1x1x80xi32, #tpu.memory_space<vmem>>
        %dma_start3A_951 = tpu.memref_squeeze %dma_start3A_950 : memref<1x1x80xi32, #tpu.memory_space<vmem>> -> memref<80xi32, #tpu.memory_space<vmem>>
        %dma_start3A_952 = arith.constant 0 : i32
        %dma_start3A_953 = arith.constant 0 : i32
        %dma_start3A_954 = tpu.memref_slice %arg2[%dma_start3A_952, %dma_start3A_953] : memref<20000x64xf32, #tpu.memory_space<hbm>> -> memref<20000x64xf32, #tpu.memory_space<hbm>>
        tpu.enqueue_indirect_dma source(%dma_start3A_954 : memref<20000x64xf32, #tpu.memory_space<hbm>>) target(%dma_start3A_948 : memref<80x64xf32, #tpu.memory_space<vmem>>) offsets(%dma_start3A_951 : memref<80xi32, #tpu.memory_space<vmem>>) semaphore(%arg16 : memref<!tpu.dma_semaphore, #tpu.memory_space<semaphore_mem>>)
      } else {
      }
    }
    %scan3A_664 = arith.constant 50 : i32
    %rem3A = arith.constant 49 : i32
    %rem3A_665 = arith.constant 3 : i32
    %rem3A_666 = arith.remsi %rem3A, %rem3A_665 : i32
    %dma_wait3A_667 = arith.constant 0 : i32
    %dma_wait3A_668 = arith.constant 0 : i32
    %dma_wait3A_669 = tpu.memref_slice %arg9[%rem3A_666, %dma_wait3A_667, %dma_wait3A_668] : memref<3x400x64xf32, #tpu.memory_space<vmem>> -> memref<1x400x64xf32, #tpu.memory_space<vmem>>
    %dma_wait3A_670 = tpu.memref_squeeze %dma_wait3A_669 : memref<1x400x64xf32, #tpu.memory_space<vmem>> -> memref<400x64xf32, #tpu.memory_space<vmem>>
    %dma_wait3A_671 = arith.constant 0 : i32
    %dma_wait3A_672 = arith.constant 0 : i32
    %dma_wait3A_673 = tpu.memref_slice %arg2[%dma_wait3A_671, %dma_wait3A_672] : memref<20000x64xf32, #tpu.memory_space<hbm>> -> memref<400x64xf32, #tpu.memory_space<hbm>>
    %dma_wait3A_674 = arith.constant 0 : i32
    %dma_wait3A_675 = arith.constant 0 : i32
    %dma_wait3A_676 = tpu.memref_slice %arg9[%rem3A_666, %dma_wait3A_674, %dma_wait3A_675] : memref<3x400x64xf32, #tpu.memory_space<vmem>> -> memref<1x400x64xf32, #tpu.memory_space<vmem>>
    %dma_wait3A_677 = tpu.memref_squeeze %dma_wait3A_676 : memref<1x400x64xf32, #tpu.memory_space<vmem>> -> memref<400x64xf32, #tpu.memory_space<vmem>>
    %dma_wait3A_678 = arith.constant 0 : i32
    %dma_wait3A_679 = arith.constant 0 : i32
    %dma_wait3A_680 = tpu.memref_slice %arg2[%dma_wait3A_678, %dma_wait3A_679] : memref<20000x64xf32, #tpu.memory_space<hbm>> -> memref<400x64xf32, #tpu.memory_space<hbm>>
    tpu.wait_dma2 semaphore(%arg17 : memref<!tpu.dma_semaphore, #tpu.memory_space<semaphore_mem>>) src(%dma_wait3A_680 : memref<400x64xf32, #tpu.memory_space<hbm>>) dst(%dma_wait3A_677 : memref<400x64xf32, #tpu.memory_space<vmem>>)
    %dma_wait3A_681 = arith.constant 0 : i32
    %dma_wait3A_682 = tpu.memref_slice %arg6[%dma_wait3A_681] : memref<10240xf32, #tpu.memory_space<hbm>> -> memref<400xf32, #tpu.memory_space<hbm>>
    %dma_wait3A_683 = arith.constant 0 : i32
    %dma_wait3A_684 = tpu.memref_slice %arg6[%dma_wait3A_683] : memref<10240xf32, #tpu.memory_space<hbm>> -> memref<400xf32, #tpu.memory_space<hbm>>
    tpu.wait_dma2 semaphore(%arg18 : memref<!tpu.dma_semaphore, #tpu.memory_space<semaphore_mem>>) src(%dma_wait3A_684 : memref<400xf32, #tpu.memory_space<hbm>>) dst(%arg13 : memref<400xf32, #tpu.memory_space<vmem>>)
    %barrier3A_685 = arith.constant 0 : index
    tpu.barrier barrier_id(%barrier3A_685)
    %add3A_686 = arith.constant 0 : i32
    %add3A_687 = arith.addi %mul3A_0, %add3A_686 : i32
    %dma_start3A_688 = arith.constant 0 : i32
    %dma_start3A_689 = arith.constant 0 : i32
    %dma_start3A_690 = arith.constant 0 : i32
    %dma_start3A_691 = tpu.memref_slice %arg9[%dma_start3A_688, %dma_start3A_689, %dma_start3A_690] : memref<3x400x64xf32, #tpu.memory_space<vmem>> -> memref<1x80x64xf32, #tpu.memory_space<vmem>>
    %dma_start3A_692 = tpu.memref_squeeze %dma_start3A_691 : memref<1x80x64xf32, #tpu.memory_space<vmem>> -> memref<80x64xf32, #tpu.memory_space<vmem>>
    %dma_start3A_693 = arith.constant 0 : i32
    %dma_start3A_694 = tpu.memref_slice %arg14[%add3A_687, %dma_start3A_693] : memref<10240x64xf32, #tpu.memory_space<vmem_shared>> -> memref<80x64xf32, #tpu.memory_space<vmem_shared>>
    %dma_start3A_695 = arith.constant 0 : i32
    %dma_start3A_696 = arith.constant 0 : i32
    %dma_start3A_697 = tpu.memref_slice %arg9[%dma_start3A_688, %dma_start3A_695, %dma_start3A_696] : memref<3x400x64xf32, #tpu.memory_space<vmem>> -> memref<1x80x64xf32, #tpu.memory_space<vmem>>
    %dma_start3A_698 = tpu.memref_squeeze %dma_start3A_697 : memref<1x80x64xf32, #tpu.memory_space<vmem>> -> memref<80x64xf32, #tpu.memory_space<vmem>>
    %dma_start3A_699 = arith.constant 0 : i32
    %dma_start3A_700 = tpu.memref_slice %arg14[%add3A_687, %dma_start3A_699] : memref<10240x64xf32, #tpu.memory_space<vmem_shared>> -> memref<80x64xf32, #tpu.memory_space<vmem_shared>>
    tpu.enqueue_dma source(%dma_start3A_700 : memref<80x64xf32, #tpu.memory_space<vmem_shared>>) target(%dma_start3A_698 : memref<80x64xf32, #tpu.memory_space<vmem>>) target_semaphore(%arg16 : memref<!tpu.dma_semaphore, #tpu.memory_space<semaphore_mem>>)
    %add3A_701 = arith.constant 0 : i32
    %add3A_702 = arith.addi %mul3A_0, %add3A_701 : i32
    %dma_start3A_703 = arith.constant 0 : i32
    %dma_start3A_704 = arith.constant 0 : i32
    %dma_start3A_705 = tpu.memref_slice %arg11[%dma_start3A_703, %dma_start3A_704] : memref<2x80xf32, #tpu.memory_space<vmem>> -> memref<1x80xf32, #tpu.memory_space<vmem>>
    %dma_start3A_706 = tpu.memref_squeeze %dma_start3A_705 : memref<1x80xf32, #tpu.memory_space<vmem>> -> memref<80xf32, #tpu.memory_space<vmem>>
    %dma_start3A_707 = tpu.memref_slice %arg15[%add3A_702] : memref<10240xf32, #tpu.memory_space<vmem_shared>> -> memref<80xf32, #tpu.memory_space<vmem_shared>>
    %dma_start3A_708 = arith.constant 0 : i32
    %dma_start3A_709 = tpu.memref_slice %arg11[%dma_start3A_703, %dma_start3A_708] : memref<2x80xf32, #tpu.memory_space<vmem>> -> memref<1x80xf32, #tpu.memory_space<vmem>>
    %dma_start3A_710 = tpu.memref_squeeze %dma_start3A_709 : memref<1x80xf32, #tpu.memory_space<vmem>> -> memref<80xf32, #tpu.memory_space<vmem>>
    %dma_start3A_711 = tpu.memref_slice %arg15[%add3A_702] : memref<10240xf32, #tpu.memory_space<vmem_shared>> -> memref<80xf32, #tpu.memory_space<vmem_shared>>
    tpu.enqueue_dma source(%dma_start3A_711 : memref<80xf32, #tpu.memory_space<vmem_shared>>) target(%dma_start3A_710 : memref<80xf32, #tpu.memory_space<vmem>>) target_semaphore(%arg16 : memref<!tpu.dma_semaphore, #tpu.memory_space<semaphore_mem>>)
    %scan3A_712 = arith.constant 0 : i32
    %scan3A_713 = arith.constant 0 : i32
    %scan3A_714 = arith.constant 8 : i32
    %scan3A_715 = arith.addi %scan3A_713, %scan3A_714 : i32
    %scan3A_716 = arith.constant 1 : i32
    scf.for %scan3A_735 = %scan3A_713 to %scan3A_715 step %scan3A_716  : i32 {
      %rem3A_736 = arith.constant 2 : i32
      %rem3A_737 = arith.remsi %scan3A_735, %rem3A_736 : i32
      %sub3A = arith.constant 1 : i32
      %sub3A_738 = arith.subi %sub3A, %rem3A_737 : i32
      %mul3A_739 = arith.constant 80 : i32
      %mul3A_740 = arith.muli %scan3A_735, %mul3A_739 : i32
      %add3A_741 = arith.addi %mul3A_0, %mul3A_740 : i32
      %dma_wait3A_742 = arith.constant 0 : i32
      %dma_wait3A_743 = arith.constant 0 : i32
      %dma_wait3A_744 = tpu.memref_slice %arg9[%rem3A_737, %dma_wait3A_742, %dma_wait3A_743] : memref<3x400x64xf32, #tpu.memory_space<vmem>> -> memref<1x80x64xf32, #tpu.memory_space<vmem>>
      %dma_wait3A_745 = tpu.memref_squeeze %dma_wait3A_744 : memref<1x80x64xf32, #tpu.memory_space<vmem>> -> memref<80x64xf32, #tpu.memory_space<vmem>>
      %dma_wait3A_746 = arith.constant 0 : i32
      %dma_wait3A_747 = arith.constant 0 : i32
      %dma_wait3A_748 = tpu.memref_slice %arg2[%dma_wait3A_746, %dma_wait3A_747] : memref<20000x64xf32, #tpu.memory_space<hbm>> -> memref<80x64xf32, #tpu.memory_space<hbm>>
      %dma_wait3A_749 = arith.constant 0 : i32
      %dma_wait3A_750 = arith.constant 0 : i32
      %dma_wait3A_751 = tpu.memref_slice %arg9[%rem3A_737, %dma_wait3A_749, %dma_wait3A_750] : memref<3x400x64xf32, #tpu.memory_space<vmem>> -> memref<1x80x64xf32, #tpu.memory_space<vmem>>
      %dma_wait3A_752 = tpu.memref_squeeze %dma_wait3A_751 : memref<1x80x64xf32, #tpu.memory_space<vmem>> -> memref<80x64xf32, #tpu.memory_space<vmem>>
      %dma_wait3A_753 = arith.constant 0 : i32
      %dma_wait3A_754 = arith.constant 0 : i32
      %dma_wait3A_755 = tpu.memref_slice %arg2[%dma_wait3A_753, %dma_wait3A_754] : memref<20000x64xf32, #tpu.memory_space<hbm>> -> memref<80x64xf32, #tpu.memory_space<hbm>>
      tpu.wait_dma2 semaphore(%arg16 : memref<!tpu.dma_semaphore, #tpu.memory_space<semaphore_mem>>) src(%dma_wait3A_755 : memref<80x64xf32, #tpu.memory_space<hbm>>) dst(%dma_wait3A_752 : memref<80x64xf32, #tpu.memory_space<vmem>>)
      %dma_wait3A_756 = arith.constant 0 : i32
      %dma_wait3A_757 = tpu.memref_slice %arg11[%rem3A_737, %dma_wait3A_756] : memref<2x80xf32, #tpu.memory_space<vmem>> -> memref<1x80xf32, #tpu.memory_space<vmem>>
      %dma_wait3A_758 = tpu.memref_squeeze %dma_wait3A_757 : memref<1x80xf32, #tpu.memory_space<vmem>> -> memref<80xf32, #tpu.memory_space<vmem>>
      %dma_wait3A_759 = arith.constant 0 : i32
      %dma_wait3A_760 = tpu.memref_slice %arg6[%dma_wait3A_759] : memref<10240xf32, #tpu.memory_space<hbm>> -> memref<80xf32, #tpu.memory_space<hbm>>
      %dma_wait3A_761 = arith.constant 0 : i32
      %dma_wait3A_762 = tpu.memref_slice %arg11[%rem3A_737, %dma_wait3A_761] : memref<2x80xf32, #tpu.memory_space<vmem>> -> memref<1x80xf32, #tpu.memory_space<vmem>>
      %dma_wait3A_763 = tpu.memref_squeeze %dma_wait3A_762 : memref<1x80xf32, #tpu.memory_space<vmem>> -> memref<80xf32, #tpu.memory_space<vmem>>
      %dma_wait3A_764 = arith.constant 0 : i32
      %dma_wait3A_765 = tpu.memref_slice %arg6[%dma_wait3A_764] : memref<10240xf32, #tpu.memory_space<hbm>> -> memref<80xf32, #tpu.memory_space<hbm>>
      tpu.wait_dma2 semaphore(%arg16 : memref<!tpu.dma_semaphore, #tpu.memory_space<semaphore_mem>>) src(%dma_wait3A_765 : memref<80xf32, #tpu.memory_space<hbm>>) dst(%dma_wait3A_763 : memref<80xf32, #tpu.memory_space<vmem>>)
      %gt3A = arith.constant 0 : i32
      %gt3A_766 = arith.cmpi sgt, %scan3A_735, %gt3A : i32
      %convert_element_type3A = arith.extui %gt3A_766 : i1 to i32
      %cond3A = arith.constant 0 : i32
      %cond3A_767 = arith.cmpi ne, %convert_element_type3A, %cond3A : i32
      scf.if %cond3A_767 {
        %dma_wait3A_870 = arith.constant 0 : i32
        %dma_wait3A_871 = arith.constant 0 : i32
        %dma_wait3A_872 = tpu.memref_slice %arg9[%sub3A_738, %dma_wait3A_870, %dma_wait3A_871] : memref<3x400x64xf32, #tpu.memory_space<vmem>> -> memref<1x80x64xf32, #tpu.memory_space<vmem>>
        %dma_wait3A_873 = tpu.memref_squeeze %dma_wait3A_872 : memref<1x80x64xf32, #tpu.memory_space<vmem>> -> memref<80x64xf32, #tpu.memory_space<vmem>>
        %dma_wait3A_874 = arith.constant 0 : i32
        %dma_wait3A_875 = arith.constant 0 : i32
        %dma_wait3A_876 = tpu.memref_slice %arg2[%dma_wait3A_874, %dma_wait3A_875] : memref<20000x64xf32, #tpu.memory_space<hbm>> -> memref<80x64xf32, #tpu.memory_space<hbm>>
        %dma_wait3A_877 = arith.constant 0 : i32
        %dma_wait3A_878 = arith.constant 0 : i32
        %dma_wait3A_879 = tpu.memref_slice %arg9[%sub3A_738, %dma_wait3A_877, %dma_wait3A_878] : memref<3x400x64xf32, #tpu.memory_space<vmem>> -> memref<1x80x64xf32, #tpu.memory_space<vmem>>
        %dma_wait3A_880 = tpu.memref_squeeze %dma_wait3A_879 : memref<1x80x64xf32, #tpu.memory_space<vmem>> -> memref<80x64xf32, #tpu.memory_space<vmem>>
        %dma_wait3A_881 = arith.constant 0 : i32
        %dma_wait3A_882 = arith.constant 0 : i32
        %dma_wait3A_883 = tpu.memref_slice %arg2[%dma_wait3A_881, %dma_wait3A_882] : memref<20000x64xf32, #tpu.memory_space<hbm>> -> memref<80x64xf32, #tpu.memory_space<hbm>>
        tpu.wait_dma2 semaphore(%arg17 : memref<!tpu.dma_semaphore, #tpu.memory_space<semaphore_mem>>) src(%dma_wait3A_883 : memref<80x64xf32, #tpu.memory_space<hbm>>) dst(%dma_wait3A_880 : memref<80x64xf32, #tpu.memory_space<vmem>>)
      } else {
      }
      %add3A_768 = arith.constant 1 : i32
      %add3A_769 = arith.addi %scan3A_735, %add3A_768 : i32
      %lt3A = arith.constant 8 : i32
      %lt3A_770 = arith.cmpi slt, %add3A_769, %lt3A : i32
      %convert_element_type3A_771 = arith.extui %lt3A_770 : i1 to i32
      %cond3A_772 = arith.constant 0 : i32
      %cond3A_773 = arith.cmpi ne, %convert_element_type3A_771, %cond3A_772 : i32
      scf.if %cond3A_773 {
        %add3A_870 = arith.constant 1 : i32
        %add3A_871 = arith.addi %scan3A_735, %add3A_870 : i32
        %mul3A_872 = arith.constant 80 : i32
        %mul3A_873 = arith.muli %add3A_871, %mul3A_872 : i32
        %add3A_874 = arith.addi %mul3A_0, %mul3A_873 : i32
        %dma_start3A_875 = arith.constant 0 : i32
        %dma_start3A_876 = arith.constant 0 : i32
        %dma_start3A_877 = tpu.memref_slice %arg9[%sub3A_738, %dma_start3A_875, %dma_start3A_876] : memref<3x400x64xf32, #tpu.memory_space<vmem>> -> memref<1x80x64xf32, #tpu.memory_space<vmem>>
        %dma_start3A_878 = tpu.memref_squeeze %dma_start3A_877 : memref<1x80x64xf32, #tpu.memory_space<vmem>> -> memref<80x64xf32, #tpu.memory_space<vmem>>
        %dma_start3A_879 = arith.constant 0 : i32
        %dma_start3A_880 = tpu.memref_slice %arg14[%add3A_874, %dma_start3A_879] : memref<10240x64xf32, #tpu.memory_space<vmem_shared>> -> memref<80x64xf32, #tpu.memory_space<vmem_shared>>
        %dma_start3A_881 = arith.constant 0 : i32
        %dma_start3A_882 = arith.constant 0 : i32
        %dma_start3A_883 = tpu.memref_slice %arg9[%sub3A_738, %dma_start3A_881, %dma_start3A_882] : memref<3x400x64xf32, #tpu.memory_space<vmem>> -> memref<1x80x64xf32, #tpu.memory_space<vmem>>
        %dma_start3A_884 = tpu.memref_squeeze %dma_start3A_883 : memref<1x80x64xf32, #tpu.memory_space<vmem>> -> memref<80x64xf32, #tpu.memory_space<vmem>>
        %dma_start3A_885 = arith.constant 0 : i32
        %dma_start3A_886 = tpu.memref_slice %arg14[%add3A_874, %dma_start3A_885] : memref<10240x64xf32, #tpu.memory_space<vmem_shared>> -> memref<80x64xf32, #tpu.memory_space<vmem_shared>>
        tpu.enqueue_dma source(%dma_start3A_886 : memref<80x64xf32, #tpu.memory_space<vmem_shared>>) target(%dma_start3A_884 : memref<80x64xf32, #tpu.memory_space<vmem>>) target_semaphore(%arg16 : memref<!tpu.dma_semaphore, #tpu.memory_space<semaphore_mem>>)
        %mul3A_887 = arith.constant 80 : i32
        %mul3A_888 = arith.muli %add3A_871, %mul3A_887 : i32
        %add3A_889 = arith.addi %mul3A_0, %mul3A_888 : i32
        %dma_start3A_890 = arith.constant 0 : i32
        %dma_start3A_891 = tpu.memref_slice %arg11[%sub3A_738, %dma_start3A_890] : memref<2x80xf32, #tpu.memory_space<vmem>> -> memref<1x80xf32, #tpu.memory_space<vmem>>
        %dma_start3A_892 = tpu.memref_squeeze %dma_start3A_891 : memref<1x80xf32, #tpu.memory_space<vmem>> -> memref<80xf32, #tpu.memory_space<vmem>>
        %dma_start3A_893 = tpu.memref_slice %arg15[%add3A_889] : memref<10240xf32, #tpu.memory_space<vmem_shared>> -> memref<80xf32, #tpu.memory_space<vmem_shared>>
        %dma_start3A_894 = arith.constant 0 : i32
        %dma_start3A_895 = tpu.memref_slice %arg11[%sub3A_738, %dma_start3A_894] : memref<2x80xf32, #tpu.memory_space<vmem>> -> memref<1x80xf32, #tpu.memory_space<vmem>>
        %dma_start3A_896 = tpu.memref_squeeze %dma_start3A_895 : memref<1x80xf32, #tpu.memory_space<vmem>> -> memref<80xf32, #tpu.memory_space<vmem>>
        %dma_start3A_897 = tpu.memref_slice %arg15[%add3A_889] : memref<10240xf32, #tpu.memory_space<vmem_shared>> -> memref<80xf32, #tpu.memory_space<vmem_shared>>
        tpu.enqueue_dma source(%dma_start3A_897 : memref<80xf32, #tpu.memory_space<vmem_shared>>) target(%dma_start3A_896 : memref<80xf32, #tpu.memory_space<vmem>>) target_semaphore(%arg16 : memref<!tpu.dma_semaphore, #tpu.memory_space<semaphore_mem>>)
      } else {
      }
      %get3A = arith.index_cast %rem3A_737 : i32 to index
      %get3A_774 = arith.constant 0 : index
      %get3A_775 = tpu.vector_load %arg11[%get3A, %get3A_774] {strides = array<i32>} : memref<2x80xf32, #tpu.memory_space<vmem>>, vector<1x16xf32>,
      %get3A_776 = vector.shape_cast %get3A_775 : vector<1x16xf32> to vector<16xf32>
      %max3A = arith.constant 1.000000e+00 : f32
      %max3A_777 = vector.broadcast %max3A : f32 to vector<16xf32>
      %max3A_778 = arith.maximumf %get3A_776, %max3A_777 : vector<16xf32>
      %div3A = arith.constant 1.000000e+00 : f32
      %div3A_779 = vector.broadcast %div3A : f32 to vector<16xf32>
      %div3A_780 = arith.divf %div3A_779, %max3A_778 : vector<16xf32>
      %swap3A_781 = arith.index_cast %rem3A_737 : i32 to index
      %swap3A_782 = arith.constant 0 : index
      %swap3A_783 = tpu.vector_load %arg12[%swap3A_781, %swap3A_782] {strides = array<i32>} : memref<2x96xf32, #tpu.memory_space<vmem>>, vector<1x16xf32>,
      %swap3A_784 = vector.shape_cast %swap3A_783 : vector<1x16xf32> to vector<16xf32>
      %swap3A_785 = vector.shape_cast %div3A_780 : vector<16xf32> to vector<1x16xf32>
      tpu.vector_store %arg12[%swap3A_781, %swap3A_782], %swap3A_785 {strides = array<i32>} : memref<2x96xf32, #tpu.memory_space<vmem>>, vector<1x16xf32>,
      %get3A_786 = arith.index_cast %rem3A_737 : i32 to index
      %get3A_787 = arith.constant 16 : index
      %get3A_788 = tpu.vector_load %arg11[%get3A_786, %get3A_787] {strides = array<i32>} : memref<2x80xf32, #tpu.memory_space<vmem>>, vector<1x16xf32>,
      %get3A_789 = vector.shape_cast %get3A_788 : vector<1x16xf32> to vector<16xf32>
      %max3A_790 = arith.constant 1.000000e+00 : f32
      %max3A_791 = vector.broadcast %max3A_790 : f32 to vector<16xf32>
      %max3A_792 = arith.maximumf %get3A_789, %max3A_791 : vector<16xf32>
      %div3A_793 = arith.constant 1.000000e+00 : f32
      %div3A_794 = vector.broadcast %div3A_793 : f32 to vector<16xf32>
      %div3A_795 = arith.divf %div3A_794, %max3A_792 : vector<16xf32>
      %swap3A_796 = arith.index_cast %rem3A_737 : i32 to index
      %swap3A_797 = arith.constant 16 : index
      %swap3A_798 = tpu.vector_load %arg12[%swap3A_796, %swap3A_797] {strides = array<i32>} : memref<2x96xf32, #tpu.memory_space<vmem>>, vector<1x16xf32>,
      %swap3A_799 = vector.shape_cast %swap3A_798 : vector<1x16xf32> to vector<16xf32>
      %swap3A_800 = vector.shape_cast %div3A_795 : vector<16xf32> to vector<1x16xf32>
      tpu.vector_store %arg12[%swap3A_796, %swap3A_797], %swap3A_800 {strides = array<i32>} : memref<2x96xf32, #tpu.memory_space<vmem>>, vector<1x16xf32>,
      %get3A_801 = arith.index_cast %rem3A_737 : i32 to index
      %get3A_802 = arith.constant 32 : index
      %get3A_803 = tpu.vector_load %arg11[%get3A_801, %get3A_802] {strides = array<i32>} : memref<2x80xf32, #tpu.memory_space<vmem>>, vector<1x16xf32>,
      %get3A_804 = vector.shape_cast %get3A_803 : vector<1x16xf32> to vector<16xf32>
      %max3A_805 = arith.constant 1.000000e+00 : f32
      %max3A_806 = vector.broadcast %max3A_805 : f32 to vector<16xf32>
      %max3A_807 = arith.maximumf %get3A_804, %max3A_806 : vector<16xf32>
      %div3A_808 = arith.constant 1.000000e+00 : f32
      %div3A_809 = vector.broadcast %div3A_808 : f32 to vector<16xf32>
      %div3A_810 = arith.divf %div3A_809, %max3A_807 : vector<16xf32>
      %swap3A_811 = arith.index_cast %rem3A_737 : i32 to index
      %swap3A_812 = arith.constant 32 : index
      %swap3A_813 = tpu.vector_load %arg12[%swap3A_811, %swap3A_812] {strides = array<i32>} : memref<2x96xf32, #tpu.memory_space<vmem>>, vector<1x16xf32>,
      %swap3A_814 = vector.shape_cast %swap3A_813 : vector<1x16xf32> to vector<16xf32>
      %swap3A_815 = vector.shape_cast %div3A_810 : vector<16xf32> to vector<1x16xf32>
      tpu.vector_store %arg12[%swap3A_811, %swap3A_812], %swap3A_815 {strides = array<i32>} : memref<2x96xf32, #tpu.memory_space<vmem>>, vector<1x16xf32>,
      %get3A_816 = arith.index_cast %rem3A_737 : i32 to index
      %get3A_817 = arith.constant 48 : index
      %get3A_818 = tpu.vector_load %arg11[%get3A_816, %get3A_817] {strides = array<i32>} : memref<2x80xf32, #tpu.memory_space<vmem>>, vector<1x16xf32>,
      %get3A_819 = vector.shape_cast %get3A_818 : vector<1x16xf32> to vector<16xf32>
      %max3A_820 = arith.constant 1.000000e+00 : f32
      %max3A_821 = vector.broadcast %max3A_820 : f32 to vector<16xf32>
      %max3A_822 = arith.maximumf %get3A_819, %max3A_821 : vector<16xf32>
      %div3A_823 = arith.constant 1.000000e+00 : f32
      %div3A_824 = vector.broadcast %div3A_823 : f32 to vector<16xf32>
      %div3A_825 = arith.divf %div3A_824, %max3A_822 : vector<16xf32>
      %swap3A_826 = arith.index_cast %rem3A_737 : i32 to index
      %swap3A_827 = arith.constant 48 : index
      %swap3A_828 = tpu.vector_load %arg12[%swap3A_826, %swap3A_827] {strides = array<i32>} : memref<2x96xf32, #tpu.memory_space<vmem>>, vector<1x16xf32>,
      %swap3A_829 = vector.shape_cast %swap3A_828 : vector<1x16xf32> to vector<16xf32>
      %swap3A_830 = vector.shape_cast %div3A_825 : vector<16xf32> to vector<1x16xf32>
      tpu.vector_store %arg12[%swap3A_826, %swap3A_827], %swap3A_830 {strides = array<i32>} : memref<2x96xf32, #tpu.memory_space<vmem>>, vector<1x16xf32>,
      %get3A_831 = arith.index_cast %rem3A_737 : i32 to index
      %get3A_832 = arith.constant 64 : index
      %get3A_833 = tpu.vector_load %arg11[%get3A_831, %get3A_832] {strides = array<i32>} : memref<2x80xf32, #tpu.memory_space<vmem>>, vector<1x16xf32>,
      %get3A_834 = vector.shape_cast %get3A_833 : vector<1x16xf32> to vector<16xf32>
      %max3A_835 = arith.constant 1.000000e+00 : f32
      %max3A_836 = vector.broadcast %max3A_835 : f32 to vector<16xf32>
      %max3A_837 = arith.maximumf %get3A_834, %max3A_836 : vector<16xf32>
      %div3A_838 = arith.constant 1.000000e+00 : f32
      %div3A_839 = vector.broadcast %div3A_838 : f32 to vector<16xf32>
      %div3A_840 = arith.divf %div3A_839, %max3A_837 : vector<16xf32>
      %swap3A_841 = arith.index_cast %rem3A_737 : i32 to index
      %swap3A_842 = arith.constant 64 : index
      %swap3A_843 = tpu.vector_load %arg12[%swap3A_841, %swap3A_842] {strides = array<i32>} : memref<2x96xf32, #tpu.memory_space<vmem>>, vector<1x16xf32>,
      %swap3A_844 = vector.shape_cast %swap3A_843 : vector<1x16xf32> to vector<16xf32>
      %swap3A_845 = vector.shape_cast %div3A_840 : vector<16xf32> to vector<1x16xf32>
      tpu.vector_store %arg12[%swap3A_841, %swap3A_842], %swap3A_845 {strides = array<i32>} : memref<2x96xf32, #tpu.memory_space<vmem>>, vector<1x16xf32>,
      %eq3A = arith.constant 0 : i32
      %eq3A_846 = arith.cmpi eq, %arg0, %eq3A : i32
      %convert_element_type3A_847 = arith.extui %eq3A_846 : i1 to i32
      %cond3A_848 = arith.constant 0 : i32
      %cond3A_849 = arith.cmpi ne, %convert_element_type3A_847, %cond3A_848 : i32
      scf.if %cond3A_849 {
        "tpu.region"() ({
          %run_scoped3A = tpu.sem_alloc : memref<!tpu.dma_semaphore, #tpu.memory_space<semaphore_mem>>
          %dma_start3A_870 = arith.constant 0 : i32
          %dma_start3A_871 = tpu.memref_slice %arg12[%rem3A_737, %dma_start3A_870] : memref<2x96xf32, #tpu.memory_space<vmem>> -> memref<1x80xf32, #tpu.memory_space<vmem>>
          %dma_start3A_872 = tpu.memref_squeeze %dma_start3A_871 : memref<1x80xf32, #tpu.memory_space<vmem>> -> memref<80xf32, #tpu.memory_space<vmem>>
          %dma_start3A_873 = tpu.memref_slice %arg6[%add3A_741] : memref<10240xf32, #tpu.memory_space<hbm>> -> memref<80xf32, #tpu.memory_space<hbm>>
          %dma_start3A_874 = tpu.memref_slice %arg6[%add3A_741] : memref<10240xf32, #tpu.memory_space<hbm>> -> memref<80xf32, #tpu.memory_space<hbm>>
          %dma_start3A_875 = arith.constant 0 : i32
          %dma_start3A_876 = tpu.memref_slice %arg12[%rem3A_737, %dma_start3A_875] : memref<2x96xf32, #tpu.memory_space<vmem>> -> memref<1x80xf32, #tpu.memory_space<vmem>>
          %dma_start3A_877 = tpu.memref_squeeze %dma_start3A_876 : memref<1x80xf32, #tpu.memory_space<vmem>> -> memref<80xf32, #tpu.memory_space<vmem>>
          tpu.enqueue_dma source(%dma_start3A_877 : memref<80xf32, #tpu.memory_space<vmem>>) target(%dma_start3A_874 : memref<80xf32, #tpu.memory_space<hbm>>) target_semaphore(%run_scoped3A : memref<!tpu.dma_semaphore, #tpu.memory_space<semaphore_mem>>)
          %dma_wait3A_878 = arith.constant 0 : i32
          %dma_wait3A_879 = tpu.memref_slice %arg12[%rem3A_737, %dma_wait3A_878] : memref<2x96xf32, #tpu.memory_space<vmem>> -> memref<1x80xf32, #tpu.memory_space<vmem>>
          %dma_wait3A_880 = tpu.memref_squeeze %dma_wait3A_879 : memref<1x80xf32, #tpu.memory_space<vmem>> -> memref<80xf32, #tpu.memory_space<vmem>>
          %dma_wait3A_881 = tpu.memref_slice %arg6[%add3A_741] : memref<10240xf32, #tpu.memory_space<hbm>> -> memref<80xf32, #tpu.memory_space<hbm>>
          %dma_wait3A_882 = tpu.memref_slice %arg6[%add3A_741] : memref<10240xf32, #tpu.memory_space<hbm>> -> memref<80xf32, #tpu.memory_space<hbm>>
          %dma_wait3A_883 = arith.constant 0 : i32
          %dma_wait3A_884 = tpu.memref_slice %arg12[%rem3A_737, %dma_wait3A_883] : memref<2x96xf32, #tpu.memory_space<vmem>> -> memref<1x80xf32, #tpu.memory_space<vmem>>
          %dma_wait3A_885 = tpu.memref_squeeze %dma_wait3A_884 : memref<1x80xf32, #tpu.memory_space<vmem>> -> memref<80xf32, #tpu.memory_space<vmem>>
          tpu.wait_dma2 semaphore(%run_scoped3A : memref<!tpu.dma_semaphore, #tpu.memory_space<semaphore_mem>>) src(%dma_wait3A_885 : memref<80xf32, #tpu.memory_space<vmem>>) dst(%dma_wait3A_882 : memref<80xf32, #tpu.memory_space<hbm>>)
          tpu.yield
        }) : () -> ()
      } else {
      }
      %scan3A_850 = arith.constant 0 : i32
      %scan3A_851 = arith.constant 0 : i32
      %scan3A_852 = arith.constant 80 : i32
      %scan3A_853 = arith.addi %scan3A_851, %scan3A_852 : i32
      %scan3A_854 = arith.constant 1 : i32
      scf.for %scan3A_870 = %scan3A_851 to %scan3A_853 step %scan3A_854  : i32 {
        %get3A_871 = arith.index_cast %rem3A_737 : i32 to index
        %get3A_872 = arith.index_cast %scan3A_870 : i32 to index
        %get3A_873 = tpu.vector_load %arg12[%get3A_871, %get3A_872] {strides = array<i32>} : memref<2x96xf32, #tpu.memory_space<vmem>>, vector<1x16xf32>,
        %get3A_874 = vector.shape_cast %get3A_873 : vector<1x16xf32> to vector<16xf32>
        %slice3A = vector.extract_strided_slice %get3A_874 {offsets = [0], sizes = [1], strides = [1]} : vector<16xf32> to vector<1xf32>
        %squeeze3A = vector.extract %slice3A[0] : f32 from vector<1xf32>
        %get3A_875 = arith.index_cast %rem3A_737 : i32 to index
        %get3A_876 = arith.index_cast %scan3A_870 : i32 to index
        %get3A_877 = arith.constant 0 : index
        %get3A_878 = tpu.vector_load %arg9[%get3A_875, %get3A_876, %get3A_877] {strides = array<i32>} : memref<3x400x64xf32, #tpu.memory_space<vmem>>, vector<1x1x16xf32>,
        %get3A_879 = vector.shape_cast %get3A_878 : vector<1x1x16xf32> to vector<16xf32>
        %mul3A_880 = vector.broadcast %squeeze3A : f32 to vector<16xf32>
        %mul3A_881 = arith.mulf %get3A_879, %mul3A_880 : vector<16xf32>
        %swap3A_882 = arith.index_cast %rem3A_737 : i32 to index
        %swap3A_883 = arith.index_cast %scan3A_870 : i32 to index
        %swap3A_884 = arith.constant 0 : index
        %swap3A_885 = tpu.vector_load %arg9[%swap3A_882, %swap3A_883, %swap3A_884] {strides = array<i32>} : memref<3x400x64xf32, #tpu.memory_space<vmem>>, vector<1x1x16xf32>,
        %swap3A_886 = vector.shape_cast %swap3A_885 : vector<1x1x16xf32> to vector<16xf32>
        %swap3A_887 = vector.shape_cast %mul3A_881 : vector<16xf32> to vector<1x1x16xf32>
        tpu.vector_store %arg9[%swap3A_882, %swap3A_883, %swap3A_884], %swap3A_887 {strides = array<i32>} : memref<3x400x64xf32, #tpu.memory_space<vmem>>, vector<1x1x16xf32>,
        %get3A_888 = arith.index_cast %rem3A_737 : i32 to index
        %get3A_889 = arith.index_cast %scan3A_870 : i32 to index
        %get3A_890 = arith.constant 16 : index
        %get3A_891 = tpu.vector_load %arg9[%get3A_888, %get3A_889, %get3A_890] {strides = array<i32>} : memref<3x400x64xf32, #tpu.memory_space<vmem>>, vector<1x1x16xf32>,
        %get3A_892 = vector.shape_cast %get3A_891 : vector<1x1x16xf32> to vector<16xf32>
        %mul3A_893 = vector.broadcast %squeeze3A : f32 to vector<16xf32>
        %mul3A_894 = arith.mulf %get3A_892, %mul3A_893 : vector<16xf32>
        %swap3A_895 = arith.index_cast %rem3A_737 : i32 to index
        %swap3A_896 = arith.index_cast %scan3A_870 : i32 to index
        %swap3A_897 = arith.constant 16 : index
        %swap3A_898 = tpu.vector_load %arg9[%swap3A_895, %swap3A_896, %swap3A_897] {strides = array<i32>} : memref<3x400x64xf32, #tpu.memory_space<vmem>>, vector<1x1x16xf32>,
        %swap3A_899 = vector.shape_cast %swap3A_898 : vector<1x1x16xf32> to vector<16xf32>
        %swap3A_900 = vector.shape_cast %mul3A_894 : vector<16xf32> to vector<1x1x16xf32>
        tpu.vector_store %arg9[%swap3A_895, %swap3A_896, %swap3A_897], %swap3A_900 {strides = array<i32>} : memref<3x400x64xf32, #tpu.memory_space<vmem>>, vector<1x1x16xf32>,
        %get3A_901 = arith.index_cast %rem3A_737 : i32 to index
        %get3A_902 = arith.index_cast %scan3A_870 : i32 to index
        %get3A_903 = arith.constant 32 : index
        %get3A_904 = tpu.vector_load %arg9[%get3A_901, %get3A_902, %get3A_903] {strides = array<i32>} : memref<3x400x64xf32, #tpu.memory_space<vmem>>, vector<1x1x16xf32>,
        %get3A_905 = vector.shape_cast %get3A_904 : vector<1x1x16xf32> to vector<16xf32>
        %mul3A_906 = vector.broadcast %squeeze3A : f32 to vector<16xf32>
        %mul3A_907 = arith.mulf %get3A_905, %mul3A_906 : vector<16xf32>
        %swap3A_908 = arith.index_cast %rem3A_737 : i32 to index
        %swap3A_909 = arith.index_cast %scan3A_870 : i32 to index
        %swap3A_910 = arith.constant 32 : index
        %swap3A_911 = tpu.vector_load %arg9[%swap3A_908, %swap3A_909, %swap3A_910] {strides = array<i32>} : memref<3x400x64xf32, #tpu.memory_space<vmem>>, vector<1x1x16xf32>,
        %swap3A_912 = vector.shape_cast %swap3A_911 : vector<1x1x16xf32> to vector<16xf32>
        %swap3A_913 = vector.shape_cast %mul3A_907 : vector<16xf32> to vector<1x1x16xf32>
        tpu.vector_store %arg9[%swap3A_908, %swap3A_909, %swap3A_910], %swap3A_913 {strides = array<i32>} : memref<3x400x64xf32, #tpu.memory_space<vmem>>, vector<1x1x16xf32>,
        %get3A_914 = arith.index_cast %rem3A_737 : i32 to index
        %get3A_915 = arith.index_cast %scan3A_870 : i32 to index
        %get3A_916 = arith.constant 48 : index
        %get3A_917 = tpu.vector_load %arg9[%get3A_914, %get3A_915, %get3A_916] {strides = array<i32>} : memref<3x400x64xf32, #tpu.memory_space<vmem>>, vector<1x1x16xf32>,
        %get3A_918 = vector.shape_cast %get3A_917 : vector<1x1x16xf32> to vector<16xf32>
        %mul3A_919 = vector.broadcast %squeeze3A : f32 to vector<16xf32>
        %mul3A_920 = arith.mulf %get3A_918, %mul3A_919 : vector<16xf32>
        %swap3A_921 = arith.index_cast %rem3A_737 : i32 to index
        %swap3A_922 = arith.index_cast %scan3A_870 : i32 to index
        %swap3A_923 = arith.constant 48 : index
        %swap3A_924 = tpu.vector_load %arg9[%swap3A_921, %swap3A_922, %swap3A_923] {strides = array<i32>} : memref<3x400x64xf32, #tpu.memory_space<vmem>>, vector<1x1x16xf32>,
        %swap3A_925 = vector.shape_cast %swap3A_924 : vector<1x1x16xf32> to vector<16xf32>
        %swap3A_926 = vector.shape_cast %mul3A_920 : vector<16xf32> to vector<1x1x16xf32>
        tpu.vector_store %arg9[%swap3A_921, %swap3A_922, %swap3A_923], %swap3A_926 {strides = array<i32>} : memref<3x400x64xf32, #tpu.memory_space<vmem>>, vector<1x1x16xf32>,
      }
      %scan3A_855 = arith.constant 80 : i32
      %dma_start3A_856 = arith.constant 0 : i32
      %dma_start3A_857 = arith.constant 0 : i32
      %dma_start3A_858 = tpu.memref_slice %arg9[%rem3A_737, %dma_start3A_856, %dma_start3A_857] : memref<3x400x64xf32, #tpu.memory_space<vmem>> -> memref<1x80x64xf32, #tpu.memory_space<vmem>>
      %dma_start3A_859 = tpu.memref_squeeze %dma_start3A_858 : memref<1x80x64xf32, #tpu.memory_space<vmem>> -> memref<80x64xf32, #tpu.memory_space<vmem>>
      %dma_start3A_860 = arith.constant 0 : i32
      %dma_start3A_861 = tpu.memref_slice %arg5[%arg0, %add3A_741, %dma_start3A_860] : memref<2x10240x64xf32, #tpu.memory_space<hbm>> -> memref<1x80x64xf32, #tpu.memory_space<hbm>>
      %dma_start3A_862 = tpu.memref_squeeze %dma_start3A_861 : memref<1x80x64xf32, #tpu.memory_space<hbm>> -> memref<80x64xf32, #tpu.memory_space<hbm>>
      %dma_start3A_863 = arith.constant 0 : i32
      %dma_start3A_864 = tpu.memref_slice %arg5[%arg0, %add3A_741, %dma_start3A_863] : memref<2x10240x64xf32, #tpu.memory_space<hbm>> -> memref<1x80x64xf32, #tpu.memory_space<hbm>>
      %dma_start3A_865 = tpu.memref_squeeze %dma_start3A_864 : memref<1x80x64xf32, #tpu.memory_space<hbm>> -> memref<80x64xf32, #tpu.memory_space<hbm>>
      %dma_start3A_866 = arith.constant 0 : i32
      %dma_start3A_867 = arith.constant 0 : i32
      %dma_start3A_868 = tpu.memref_slice %arg9[%rem3A_737, %dma_start3A_866, %dma_start3A_867] : memref<3x400x64xf32, #tpu.memory_space<vmem>> -> memref<1x80x64xf32, #tpu.memory_space<vmem>>
      %dma_start3A_869 = tpu.memref_squeeze %dma_start3A_868 : memref<1x80x64xf32, #tpu.memory_space<vmem>> -> memref<80x64xf32, #tpu.memory_space<vmem>>
      tpu.enqueue_dma source(%dma_start3A_869 : memref<80x64xf32, #tpu.memory_space<vmem>>) target(%dma_start3A_865 : memref<80x64xf32, #tpu.memory_space<hbm>>) target_semaphore(%arg17 : memref<!tpu.dma_semaphore, #tpu.memory_space<semaphore_mem>>)
    }
    %scan3A_717 = arith.constant 8 : i32
    %rem3A_718 = arith.constant 7 : i32
    %rem3A_719 = arith.constant 2 : i32
    %rem3A_720 = arith.remsi %rem3A_718, %rem3A_719 : i32
    %dma_wait3A_721 = arith.constant 0 : i32
    %dma_wait3A_722 = arith.constant 0 : i32
    %dma_wait3A_723 = tpu.memref_slice %arg9[%rem3A_720, %dma_wait3A_721, %dma_wait3A_722] : memref<3x400x64xf32, #tpu.memory_space<vmem>> -> memref<1x80x64xf32, #tpu.memory_space<vmem>>
    %dma_wait3A_724 = tpu.memref_squeeze %dma_wait3A_723 : memref<1x80x64xf32, #tpu.memory_space<vmem>> -> memref<80x64xf32, #tpu.memory_space<vmem>>
    %dma_wait3A_725 = arith.constant 0 : i32
    %dma_wait3A_726 = arith.constant 0 : i32
    %dma_wait3A_727 = tpu.memref_slice %arg2[%dma_wait3A_725, %dma_wait3A_726] : memref<20000x64xf32, #tpu.memory_space<hbm>> -> memref<80x64xf32, #tpu.memory_space<hbm>>
    %dma_wait3A_728 = arith.constant 0 : i32
    %dma_wait3A_729 = arith.constant 0 : i32
    %dma_wait3A_730 = tpu.memref_slice %arg9[%rem3A_720, %dma_wait3A_728, %dma_wait3A_729] : memref<3x400x64xf32, #tpu.memory_space<vmem>> -> memref<1x80x64xf32, #tpu.memory_space<vmem>>
    %dma_wait3A_731 = tpu.memref_squeeze %dma_wait3A_730 : memref<1x80x64xf32, #tpu.memory_space<vmem>> -> memref<80x64xf32, #tpu.memory_space<vmem>>
    %dma_wait3A_732 = arith.constant 0 : i32
    %dma_wait3A_733 = arith.constant 0 : i32
    %dma_wait3A_734 = tpu.memref_slice %arg2[%dma_wait3A_732, %dma_wait3A_733] : memref<20000x64xf32, #tpu.memory_space<hbm>> -> memref<80x64xf32, #tpu.memory_space<hbm>>
    tpu.wait_dma2 semaphore(%arg17 : memref<!tpu.dma_semaphore, #tpu.memory_space<semaphore_mem>>) src(%dma_wait3A_734 : memref<80x64xf32, #tpu.memory_space<hbm>>) dst(%dma_wait3A_731 : memref<80x64xf32, #tpu.memory_space<vmem>>)
    return
  }
}

module attributes {stable_mosaic.version = 14 : i64} {
  func.func @_stage1_body(%arg0: i32, %arg1: memref<2x2000x64xf32, #tpu.memory_space<vmem>>, %arg2: memref<2000x128xf32, #tpu.memory_space<vmem>>, %arg3: memref<128x128xf32, #tpu.memory_space<vmem>>, %arg4: memref<128x128xf32, #tpu.memory_space<vmem>>, %arg5: memref<1x128xf32, #tpu.memory_space<vmem>>, %arg6: memref<1x128xf32, #tpu.memory_space<vmem>>, %arg7: memref<1x128xf32, #tpu.memory_space<vmem>>, %arg8: memref<2000x2x64xf32, #tpu.memory_space<vmem>>) attributes {dimension_semantics = [#tpu.dimension_semantics<arbitrary>], iteration_bounds = array<i64: 5>, scalar_prefetch = 0 : i64, scratch_operands = 0 : i64, tpu.core_type = #tpu.core_type<tc>, window_params = [{transform_indices = @transform_0, window_bounds = array<i64: 2, 2000, 64>}, {transform_indices = @transform_1, window_bounds = array<i64: 2000, 128>}, {pipeline_mode = #tpu.pipeline_mode<synchronous>, transform_indices = @transform_2, window_bounds = array<i64: 128, 128>}, {pipeline_mode = #tpu.pipeline_mode<synchronous>, transform_indices = @transform_3, window_bounds = array<i64: 128, 128>}, {pipeline_mode = #tpu.pipeline_mode<synchronous>, transform_indices = @transform_4, window_bounds = array<i64: 1, 128>}, {pipeline_mode = #tpu.pipeline_mode<synchronous>, transform_indices = @transform_5, window_bounds = array<i64: 1, 128>}, {pipeline_mode = #tpu.pipeline_mode<synchronous>, transform_indices = @transform_6, window_bounds = array<i64: 1, 128>}, {transform_indices = @transform_7, window_bounds = array<i64: 2000, 2, 64>}]} {
    %get3A = arith.constant 0 : index
    %get3A_0 = arith.constant 0 : index
    %get3A_1 = arith.constant 0 : index
    %get3A_2 = vector.load %arg1[%get3A, %get3A_0, %get3A_1] : memref<2x2000x64xf32, #tpu.memory_space<vmem>>, vector<1x2000x64xf32>
    %get3A_3 = vector.shape_cast %get3A_2 : vector<1x2000x64xf32> to vector<2000x64xf32>
    %get3A_4 = arith.constant 1 : index
    %get3A_5 = arith.constant 0 : index
    %get3A_6 = arith.constant 0 : index
    %get3A_7 = vector.load %arg1[%get3A_4, %get3A_5, %get3A_6] : memref<2x2000x64xf32, #tpu.memory_space<vmem>>, vector<1x2000x64xf32>
    %get3A_8 = vector.shape_cast %get3A_7 : vector<1x2000x64xf32> to vector<2000x64xf32>
    %concatenate3A = tpu.concatenate %get3A_3, %get3A_8 in 1 : vector<2000x64xf32>, vector<2000x64xf32> -> vector<2000x128xf32>
    %get3A_9 = arith.constant 0 : index
    %get3A_10 = arith.constant 0 : index
    %get3A_11 = vector.load %arg3[%get3A_9, %get3A_10] : memref<128x128xf32, #tpu.memory_space<vmem>>, vector<128x128xf32>
    %dot_general3A = arith.constant dense<0.000000e+00> : vector<2000x128xf32>
    %dot_general3A_12 = tpu.matmul %concatenate3A, %get3A_11, %dot_general3A {dimension_numbers = #tpu.dot_dimension_numbers<[1], [0], [0], [1], [0, 0, 1, 1], [], []>, transpose_lhs_hint = false} : vector<2000x128xf32>, vector<128x128xf32>, vector<2000x128xf32> -> vector<2000x128xf32>
    %get3A_13 = arith.constant 0 : index
    %get3A_14 = arith.constant 0 : index
    %get3A_15 = vector.load %arg2[%get3A_13, %get3A_14] : memref<2000x128xf32, #tpu.memory_space<vmem>>, vector<2000x128xf32>
    %get3A_16 = arith.constant 0 : index
    %get3A_17 = arith.constant 0 : index
    %get3A_18 = vector.load %arg4[%get3A_16, %get3A_17] : memref<128x128xf32, #tpu.memory_space<vmem>>, vector<128x128xf32>
    %dot_general3A_19 = arith.constant dense<0.000000e+00> : vector<2000x128xf32>
    %dot_general3A_20 = tpu.matmul %get3A_15, %get3A_18, %dot_general3A_19 {dimension_numbers = #tpu.dot_dimension_numbers<[1], [0], [0], [1], [0, 0, 1, 1], [], []>, transpose_lhs_hint = false} : vector<2000x128xf32>, vector<128x128xf32>, vector<2000x128xf32> -> vector<2000x128xf32>
    %add3A = arith.addf %dot_general3A_12, %dot_general3A_20 : vector<2000x128xf32>
    %get3A_21 = arith.constant 0 : index
    %get3A_22 = arith.constant 0 : index
    %get3A_23 = vector.load %arg5[%get3A_21, %get3A_22] : memref<1x128xf32, #tpu.memory_space<vmem>>, vector<1x128xf32>
    %add3A_24 = vector.broadcast %get3A_23 : vector<1x128xf32> to vector<2000x128xf32>
    %add3A_25 = arith.addf %add3A, %add3A_24 : vector<2000x128xf32>
    %get3A_26 = arith.constant 0 : index
    %get3A_27 = arith.constant 0 : index
    %get3A_28 = vector.load %arg6[%get3A_26, %get3A_27] : memref<1x128xf32, #tpu.memory_space<vmem>>, vector<1x128xf32>
    %get3A_29 = arith.constant 0 : index
    %get3A_30 = arith.constant 0 : index
    %get3A_31 = vector.load %arg7[%get3A_29, %get3A_30] : memref<1x128xf32, #tpu.memory_space<vmem>>, vector<1x128xf32>
    %reduce_sum3A = arith.constant dense<0.000000e+00> : vector<2000xf32>
    %reduce_sum3A_32 = vector.multi_reduction <add>, %add3A_25, %reduce_sum3A [1] : vector<2000x128xf32> to vector<2000xf32>
    %broadcast_in_dim3A = vector.shape_cast %reduce_sum3A_32 : vector<2000xf32> to vector<2000x1xf32>
    %div3A = arith.constant 1.280000e+02 : f32
    %div3A_33 = vector.broadcast %div3A : f32 to vector<2000x1xf32>
    %div3A_34 = arith.divf %broadcast_in_dim3A, %div3A_33 : vector<2000x1xf32>
    %sub3A = vector.broadcast %div3A_34 : vector<2000x1xf32> to vector<2000x128xf32>
    %sub3A_35 = arith.subf %add3A_25, %sub3A : vector<2000x128xf32>
    %mul3A = arith.mulf %sub3A_35, %sub3A_35 : vector<2000x128xf32>
    %reduce_sum3A_36 = arith.constant dense<0.000000e+00> : vector<2000xf32>
    %reduce_sum3A_37 = vector.multi_reduction <add>, %mul3A, %reduce_sum3A_36 [1] : vector<2000x128xf32> to vector<2000xf32>
    %broadcast_in_dim3A_38 = vector.shape_cast %reduce_sum3A_37 : vector<2000xf32> to vector<2000x1xf32>
    %div3A_39 = arith.constant 1.280000e+02 : f32
    %div3A_40 = vector.broadcast %div3A_39 : f32 to vector<2000x1xf32>
    %div3A_41 = arith.divf %broadcast_in_dim3A_38, %div3A_40 : vector<2000x1xf32>
    %add3A_42 = arith.constant 9.99999974E-6 : f32
    %add3A_43 = vector.broadcast %add3A_42 : f32 to vector<2000x1xf32>
    %add3A_44 = arith.addf %div3A_41, %add3A_43 : vector<2000x1xf32>
    %rsqrt3A = math.rsqrt %add3A_44 : vector<2000x1xf32>
    %mul3A_45 = vector.broadcast %rsqrt3A : vector<2000x1xf32> to vector<2000x128xf32>
    %mul3A_46 = arith.mulf %sub3A_35, %mul3A_45 : vector<2000x128xf32>
    %mul3A_47 = vector.broadcast %get3A_28 : vector<1x128xf32> to vector<2000x128xf32>
    %mul3A_48 = arith.mulf %mul3A_46, %mul3A_47 : vector<2000x128xf32>
    %add3A_49 = vector.broadcast %get3A_31 : vector<1x128xf32> to vector<2000x128xf32>
    %add3A_50 = arith.addf %mul3A_48, %add3A_49 : vector<2000x128xf32>
    %logistic3A = arith.negf %add3A_50 : vector<2000x128xf32>
    %logistic3A_51 = math.exp %logistic3A : vector<2000x128xf32>
    %logistic3A_52 = arith.constant 1.000000e+00 : f32
    %logistic3A_53 = vector.broadcast %logistic3A_52 : f32 to vector<2000x128xf32>
    %logistic3A_54 = arith.addf %logistic3A_53, %logistic3A_51 : vector<2000x128xf32>
    %logistic3A_55 = arith.divf %logistic3A_53, %logistic3A_54 : vector<2000x128xf32>
    %mul3A_56 = arith.mulf %add3A_50, %logistic3A_55 : vector<2000x128xf32>
    %slice3A = vector.extract_strided_slice %mul3A_56 {offsets = [0, 0], sizes = [2000, 64], strides = [1, 1]} : vector<2000x128xf32> to vector<2000x64xf32>
    %swap3A = arith.constant 0 : index
    %swap3A_57 = arith.constant 0 : index
    %swap3A_58 = arith.constant 0 : index
    %swap3A_59 = vector.load %arg8[%swap3A, %swap3A_57, %swap3A_58] : memref<2000x2x64xf32, #tpu.memory_space<vmem>>, vector<2000x1x64xf32>
    %swap3A_60 = vector.shape_cast %swap3A_59 : vector<2000x1x64xf32> to vector<2000x64xf32>
    %swap3A_61 = vector.shape_cast %slice3A : vector<2000x64xf32> to vector<2000x1x64xf32>
    tpu.vector_store %arg8[%swap3A, %swap3A_57, %swap3A_58], %swap3A_61 {strides = array<i32>} : memref<2000x2x64xf32, #tpu.memory_space<vmem>>, vector<2000x1x64xf32>,
    %slice3A_62 = vector.extract_strided_slice %mul3A_56 {offsets = [0, 64], sizes = [2000, 64], strides = [1, 1]} : vector<2000x128xf32> to vector<2000x64xf32>
    %swap3A_63 = arith.constant 0 : index
    %swap3A_64 = arith.constant 1 : index
    %swap3A_65 = arith.constant 0 : index
    %swap3A_66 = vector.load %arg8[%swap3A_63, %swap3A_64, %swap3A_65] : memref<2000x2x64xf32, #tpu.memory_space<vmem>>, vector<2000x1x64xf32>
    %swap3A_67 = vector.shape_cast %swap3A_66 : vector<2000x1x64xf32> to vector<2000x64xf32>
    %swap3A_68 = vector.shape_cast %slice3A_62 : vector<2000x64xf32> to vector<2000x1x64xf32>
    tpu.vector_store %arg8[%swap3A_63, %swap3A_64, %swap3A_65], %swap3A_68 {strides = array<i32>} : memref<2000x2x64xf32, #tpu.memory_space<vmem>>, vector<2000x1x64xf32>,
    return
  }
  func.func @transform_0(%arg0: i32) -> (i32, i32, i32) {
    %c0_i32 = arith.constant 0 : i32
    %c0_i32_0 = arith.constant 0 : i32
    %c0_i32_1 = arith.constant 0 : i32
    return %c0_i32, %arg0, %c0_i32_0 : i32, i32, i32
  }
  func.func @transform_1(%arg0: i32) -> (i32, i32) {
    %c0_i32 = arith.constant 0 : i32
    %c0_i32_0 = arith.constant 0 : i32
    return %arg0, %c0_i32 : i32, i32
  }
  func.func @transform_2(%arg0: i32) -> (i32, i32) {
    %c0_i32 = arith.constant 0 : i32
    %c0_i32_0 = arith.constant 0 : i32
    %c0_i32_1 = arith.constant 0 : i32
    return %c0_i32, %c0_i32_0 : i32, i32
  }
  func.func @transform_3(%arg0: i32) -> (i32, i32) {
    %c0_i32 = arith.constant 0 : i32
    %c0_i32_0 = arith.constant 0 : i32
    %c0_i32_1 = arith.constant 0 : i32
    return %c0_i32, %c0_i32_0 : i32, i32
  }
  func.func @transform_4(%arg0: i32) -> (i32, i32) {
    %c0_i32 = arith.constant 0 : i32
    %c0_i32_0 = arith.constant 0 : i32
    %c0_i32_1 = arith.constant 0 : i32
    return %c0_i32, %c0_i32_0 : i32, i32
  }
  func.func @transform_5(%arg0: i32) -> (i32, i32) {
    %c0_i32 = arith.constant 0 : i32
    %c0_i32_0 = arith.constant 0 : i32
    %c0_i32_1 = arith.constant 0 : i32
    return %c0_i32, %c0_i32_0 : i32, i32
  }
  func.func @transform_6(%arg0: i32) -> (i32, i32) {
    %c0_i32 = arith.constant 0 : i32
    %c0_i32_0 = arith.constant 0 : i32
    %c0_i32_1 = arith.constant 0 : i32
    return %c0_i32, %c0_i32_0 : i32, i32
  }
  func.func @transform_7(%arg0: i32) -> (i32, i32, i32) {
    %c0_i32 = arith.constant 0 : i32
    %c0_i32_0 = arith.constant 0 : i32
    %c0_i32_1 = arith.constant 0 : i32
    return %arg0, %c0_i32, %c0_i32_0 : i32, i32, i32
  }
}

module attributes {stable_mosaic.version = 14 : i64} {
  func.func @_stage2_body(%arg0: i32, %arg1: memref<2x2000x64xf32, #tpu.memory_space<vmem>>, %arg2: memref<2000x2x64xf32, #tpu.memory_space<vmem>>, %arg3: memref<128x128xf32, #tpu.memory_space<vmem>>, %arg4: memref<128x128xf32, #tpu.memory_space<vmem>>, %arg5: memref<1x128xf32, #tpu.memory_space<vmem>>, %arg6: memref<1x128xf32, #tpu.memory_space<vmem>>, %arg7: memref<1x128xf32, #tpu.memory_space<vmem>>, %arg8: memref<128x128xf32, #tpu.memory_space<vmem>>, %arg9: memref<1x128xf32, #tpu.memory_space<vmem>>, %arg10: memref<128x1xf32, #tpu.memory_space<vmem>>, %arg11: memref<1x1xf32, #tpu.memory_space<vmem>>, %arg12: memref<2000x1xf32, #tpu.memory_space<vmem>>) attributes {dimension_semantics = [#tpu.dimension_semantics<arbitrary>], iteration_bounds = array<i64: 5>, scalar_prefetch = 0 : i64, scratch_operands = 0 : i64, tpu.core_type = #tpu.core_type<tc>, window_params = [{transform_indices = @transform_0, window_bounds = array<i64: 2, 2000, 64>}, {transform_indices = @transform_1, window_bounds = array<i64: 2000, 2, 64>}, {pipeline_mode = #tpu.pipeline_mode<synchronous>, transform_indices = @transform_2, window_bounds = array<i64: 128, 128>}, {pipeline_mode = #tpu.pipeline_mode<synchronous>, transform_indices = @transform_3, window_bounds = array<i64: 128, 128>}, {pipeline_mode = #tpu.pipeline_mode<synchronous>, transform_indices = @transform_4, window_bounds = array<i64: 1, 128>}, {pipeline_mode = #tpu.pipeline_mode<synchronous>, transform_indices = @transform_5, window_bounds = array<i64: 1, 128>}, {pipeline_mode = #tpu.pipeline_mode<synchronous>, transform_indices = @transform_6, window_bounds = array<i64: 1, 128>}, {pipeline_mode = #tpu.pipeline_mode<synchronous>, transform_indices = @transform_7, window_bounds = array<i64: 128, 128>}, {pipeline_mode = #tpu.pipeline_mode<synchronous>, transform_indices = @transform_8, window_bounds = array<i64: 1, 128>}, {pipeline_mode = #tpu.pipeline_mode<synchronous>, transform_indices = @transform_9, window_bounds = array<i64: 128, 1>}, {pipeline_mode = #tpu.pipeline_mode<synchronous>, transform_indices = @transform_10, window_bounds = array<i64: 1, 1>}, {transform_indices = @transform_11, window_bounds = array<i64: 2000, 1>}]} {
    %get3A = arith.constant 0 : index
    %get3A_0 = arith.constant 0 : index
    %get3A_1 = arith.constant 0 : index
    %get3A_2 = vector.load %arg1[%get3A, %get3A_0, %get3A_1] : memref<2x2000x64xf32, #tpu.memory_space<vmem>>, vector<1x2000x64xf32>
    %get3A_3 = vector.shape_cast %get3A_2 : vector<1x2000x64xf32> to vector<2000x64xf32>
    %get3A_4 = arith.constant 1 : index
    %get3A_5 = arith.constant 0 : index
    %get3A_6 = arith.constant 0 : index
    %get3A_7 = vector.load %arg1[%get3A_4, %get3A_5, %get3A_6] : memref<2x2000x64xf32, #tpu.memory_space<vmem>>, vector<1x2000x64xf32>
    %get3A_8 = vector.shape_cast %get3A_7 : vector<1x2000x64xf32> to vector<2000x64xf32>
    %concatenate3A = tpu.concatenate %get3A_3, %get3A_8 in 1 : vector<2000x64xf32>, vector<2000x64xf32> -> vector<2000x128xf32>
    %get3A_9 = arith.constant 0 : index
    %get3A_10 = arith.constant 0 : index
    %get3A_11 = arith.constant 0 : index
    %get3A_12 = vector.load %arg2[%get3A_9, %get3A_10, %get3A_11] : memref<2000x2x64xf32, #tpu.memory_space<vmem>>, vector<2000x1x64xf32>
    %get3A_13 = vector.shape_cast %get3A_12 : vector<2000x1x64xf32> to vector<2000x64xf32>
    %get3A_14 = arith.constant 0 : index
    %get3A_15 = arith.constant 1 : index
    %get3A_16 = arith.constant 0 : index
    %get3A_17 = vector.load %arg2[%get3A_14, %get3A_15, %get3A_16] : memref<2000x2x64xf32, #tpu.memory_space<vmem>>, vector<2000x1x64xf32>
    %get3A_18 = vector.shape_cast %get3A_17 : vector<2000x1x64xf32> to vector<2000x64xf32>
    %concatenate3A_19 = tpu.concatenate %get3A_13, %get3A_18 in 1 : vector<2000x64xf32>, vector<2000x64xf32> -> vector<2000x128xf32>
    %get3A_20 = arith.constant 0 : index
    %get3A_21 = arith.constant 0 : index
    %get3A_22 = vector.load %arg3[%get3A_20, %get3A_21] : memref<128x128xf32, #tpu.memory_space<vmem>>, vector<128x128xf32>
    %dot_general3A = arith.constant dense<0.000000e+00> : vector<2000x128xf32>
    %dot_general3A_23 = tpu.matmul %concatenate3A, %get3A_22, %dot_general3A {dimension_numbers = #tpu.dot_dimension_numbers<[1], [0], [0], [1], [0, 0, 1, 1], [], []>, transpose_lhs_hint = false} : vector<2000x128xf32>, vector<128x128xf32>, vector<2000x128xf32> -> vector<2000x128xf32>
    %get3A_24 = arith.constant 0 : index
    %get3A_25 = arith.constant 0 : index
    %get3A_26 = vector.load %arg4[%get3A_24, %get3A_25] : memref<128x128xf32, #tpu.memory_space<vmem>>, vector<128x128xf32>
    %dot_general3A_27 = arith.constant dense<0.000000e+00> : vector<2000x128xf32>
    %dot_general3A_28 = tpu.matmul %concatenate3A_19, %get3A_26, %dot_general3A_27 {dimension_numbers = #tpu.dot_dimension_numbers<[1], [0], [0], [1], [0, 0, 1, 1], [], []>, transpose_lhs_hint = false} : vector<2000x128xf32>, vector<128x128xf32>, vector<2000x128xf32> -> vector<2000x128xf32>
    %add3A = arith.addf %dot_general3A_23, %dot_general3A_28 : vector<2000x128xf32>
    %get3A_29 = arith.constant 0 : index
    %get3A_30 = arith.constant 0 : index
    %get3A_31 = vector.load %arg5[%get3A_29, %get3A_30] : memref<1x128xf32, #tpu.memory_space<vmem>>, vector<1x128xf32>
    %add3A_32 = vector.broadcast %get3A_31 : vector<1x128xf32> to vector<2000x128xf32>
    %add3A_33 = arith.addf %add3A, %add3A_32 : vector<2000x128xf32>
    %get3A_34 = arith.constant 0 : index
    %get3A_35 = arith.constant 0 : index
    %get3A_36 = vector.load %arg6[%get3A_34, %get3A_35] : memref<1x128xf32, #tpu.memory_space<vmem>>, vector<1x128xf32>
    %get3A_37 = arith.constant 0 : index
    %get3A_38 = arith.constant 0 : index
    %get3A_39 = vector.load %arg7[%get3A_37, %get3A_38] : memref<1x128xf32, #tpu.memory_space<vmem>>, vector<1x128xf32>
    %reduce_sum3A = arith.constant dense<0.000000e+00> : vector<2000xf32>
    %reduce_sum3A_40 = vector.multi_reduction <add>, %add3A_33, %reduce_sum3A [1] : vector<2000x128xf32> to vector<2000xf32>
    %broadcast_in_dim3A = vector.shape_cast %reduce_sum3A_40 : vector<2000xf32> to vector<2000x1xf32>
    %div3A = arith.constant 1.280000e+02 : f32
    %div3A_41 = vector.broadcast %div3A : f32 to vector<2000x1xf32>
    %div3A_42 = arith.divf %broadcast_in_dim3A, %div3A_41 : vector<2000x1xf32>
    %sub3A = vector.broadcast %div3A_42 : vector<2000x1xf32> to vector<2000x128xf32>
    %sub3A_43 = arith.subf %add3A_33, %sub3A : vector<2000x128xf32>
    %mul3A = arith.mulf %sub3A_43, %sub3A_43 : vector<2000x128xf32>
    %reduce_sum3A_44 = arith.constant dense<0.000000e+00> : vector<2000xf32>
    %reduce_sum3A_45 = vector.multi_reduction <add>, %mul3A, %reduce_sum3A_44 [1] : vector<2000x128xf32> to vector<2000xf32>
    %broadcast_in_dim3A_46 = vector.shape_cast %reduce_sum3A_45 : vector<2000xf32> to vector<2000x1xf32>
    %div3A_47 = arith.constant 1.280000e+02 : f32
    %div3A_48 = vector.broadcast %div3A_47 : f32 to vector<2000x1xf32>
    %div3A_49 = arith.divf %broadcast_in_dim3A_46, %div3A_48 : vector<2000x1xf32>
    %add3A_50 = arith.constant 9.99999974E-6 : f32
    %add3A_51 = vector.broadcast %add3A_50 : f32 to vector<2000x1xf32>
    %add3A_52 = arith.addf %div3A_49, %add3A_51 : vector<2000x1xf32>
    %rsqrt3A = math.rsqrt %add3A_52 : vector<2000x1xf32>
    %mul3A_53 = vector.broadcast %rsqrt3A : vector<2000x1xf32> to vector<2000x128xf32>
    %mul3A_54 = arith.mulf %sub3A_43, %mul3A_53 : vector<2000x128xf32>
    %mul3A_55 = vector.broadcast %get3A_36 : vector<1x128xf32> to vector<2000x128xf32>
    %mul3A_56 = arith.mulf %mul3A_54, %mul3A_55 : vector<2000x128xf32>
    %add3A_57 = vector.broadcast %get3A_39 : vector<1x128xf32> to vector<2000x128xf32>
    %add3A_58 = arith.addf %mul3A_56, %add3A_57 : vector<2000x128xf32>
    %logistic3A = arith.negf %add3A_58 : vector<2000x128xf32>
    %logistic3A_59 = math.exp %logistic3A : vector<2000x128xf32>
    %logistic3A_60 = arith.constant 1.000000e+00 : f32
    %logistic3A_61 = vector.broadcast %logistic3A_60 : f32 to vector<2000x128xf32>
    %logistic3A_62 = arith.addf %logistic3A_61, %logistic3A_59 : vector<2000x128xf32>
    %logistic3A_63 = arith.divf %logistic3A_61, %logistic3A_62 : vector<2000x128xf32>
    %mul3A_64 = arith.mulf %add3A_58, %logistic3A_63 : vector<2000x128xf32>
    %get3A_65 = arith.constant 0 : index
    %get3A_66 = arith.constant 0 : index
    %get3A_67 = vector.load %arg8[%get3A_65, %get3A_66] : memref<128x128xf32, #tpu.memory_space<vmem>>, vector<128x128xf32>
    %dot_general3A_68 = arith.constant dense<0.000000e+00> : vector<2000x128xf32>
    %dot_general3A_69 = tpu.matmul %mul3A_64, %get3A_67, %dot_general3A_68 {dimension_numbers = #tpu.dot_dimension_numbers<[1], [0], [0], [1], [0, 0, 1, 1], [], []>, transpose_lhs_hint = false} : vector<2000x128xf32>, vector<128x128xf32>, vector<2000x128xf32> -> vector<2000x128xf32>
    %get3A_70 = arith.constant 0 : index
    %get3A_71 = arith.constant 0 : index
    %get3A_72 = vector.load %arg9[%get3A_70, %get3A_71] : memref<1x128xf32, #tpu.memory_space<vmem>>, vector<1x128xf32>
    %add3A_73 = vector.broadcast %get3A_72 : vector<1x128xf32> to vector<2000x128xf32>
    %add3A_74 = arith.addf %dot_general3A_69, %add3A_73 : vector<2000x128xf32>
    %max3A = arith.constant 0.000000e+00 : f32
    %max3A_75 = vector.broadcast %max3A : f32 to vector<2000x128xf32>
    %max3A_76 = arith.maximumf %add3A_74, %max3A_75 : vector<2000x128xf32>
    %get3A_77 = arith.constant 0 : index
    %get3A_78 = arith.constant 0 : index
    %get3A_79 = vector.load %arg10[%get3A_77, %get3A_78] : memref<128x1xf32, #tpu.memory_space<vmem>>, vector<128x1xf32>
    %dot_general3A_80 = arith.constant dense<0.000000e+00> : vector<2000x1xf32>
    %dot_general3A_81 = tpu.matmul %max3A_76, %get3A_79, %dot_general3A_80 {dimension_numbers = #tpu.dot_dimension_numbers<[1], [0], [0], [1], [0, 0, 1, 1], [], []>, transpose_lhs_hint = false} : vector<2000x128xf32>, vector<128x1xf32>, vector<2000x1xf32> -> vector<2000x1xf32>
    %get3A_82 = arith.constant 0 : index
    %get3A_83 = arith.constant 0 : index
    %get3A_84 = vector.load %arg11[%get3A_82, %get3A_83] : memref<1x1xf32, #tpu.memory_space<vmem>>, vector<1x1xf32>
    %add3A_85 = vector.broadcast %get3A_84 : vector<1x1xf32> to vector<2000x1xf32>
    %add3A_86 = arith.addf %dot_general3A_81, %add3A_85 : vector<2000x1xf32>
    %swap3A = arith.constant 0 : index
    %swap3A_87 = arith.constant 0 : index
    %swap3A_88 = vector.load %arg12[%swap3A, %swap3A_87] : memref<2000x1xf32, #tpu.memory_space<vmem>>, vector<2000x1xf32>
    tpu.vector_store %arg12[%swap3A, %swap3A_87], %add3A_86 {strides = array<i32>} : memref<2000x1xf32, #tpu.memory_space<vmem>>, vector<2000x1xf32>,
    return
  }
  func.func @transform_0(%arg0: i32) -> (i32, i32, i32) {
    %c0_i32 = arith.constant 0 : i32
    %c0_i32_0 = arith.constant 0 : i32
    %c0_i32_1 = arith.constant 0 : i32
    return %c0_i32, %arg0, %c0_i32_0 : i32, i32, i32
  }
  func.func @transform_1(%arg0: i32) -> (i32, i32, i32) {
    %c0_i32 = arith.constant 0 : i32
    %c0_i32_0 = arith.constant 0 : i32
    %c0_i32_1 = arith.constant 0 : i32
    return %arg0, %c0_i32, %c0_i32_0 : i32, i32, i32
  }
  func.func @transform_2(%arg0: i32) -> (i32, i32) {
    %c0_i32 = arith.constant 0 : i32
    %c0_i32_0 = arith.constant 0 : i32
    %c0_i32_1 = arith.constant 0 : i32
    return %c0_i32, %c0_i32_0 : i32, i32
  }
  func.func @transform_3(%arg0: i32) -> (i32, i32) {
    %c0_i32 = arith.constant 0 : i32
    %c0_i32_0 = arith.constant 0 : i32
    %c0_i32_1 = arith.constant 0 : i32
    return %c0_i32, %c0_i32_0 : i32, i32
  }
  func.func @transform_4(%arg0: i32) -> (i32, i32) {
    %c0_i32 = arith.constant 0 : i32
    %c0_i32_0 = arith.constant 0 : i32
    %c0_i32_1 = arith.constant 0 : i32
    return %c0_i32, %c0_i32_0 : i32, i32
  }
  func.func @transform_5(%arg0: i32) -> (i32, i32) {
    %c0_i32 = arith.constant 0 : i32
    %c0_i32_0 = arith.constant 0 : i32
    %c0_i32_1 = arith.constant 0 : i32
    return %c0_i32, %c0_i32_0 : i32, i32
  }
  func.func @transform_6(%arg0: i32) -> (i32, i32) {
    %c0_i32 = arith.constant 0 : i32
    %c0_i32_0 = arith.constant 0 : i32
    %c0_i32_1 = arith.constant 0 : i32
    return %c0_i32, %c0_i32_0 : i32, i32
  }
  func.func @transform_7(%arg0: i32) -> (i32, i32) {
    %c0_i32 = arith.constant 0 : i32
    %c0_i32_0 = arith.constant 0 : i32
    %c0_i32_1 = arith.constant 0 : i32
    return %c0_i32, %c0_i32_0 : i32, i32
  }
  func.func @transform_8(%arg0: i32) -> (i32, i32) {
    %c0_i32 = arith.constant 0 : i32
    %c0_i32_0 = arith.constant 0 : i32
    %c0_i32_1 = arith.constant 0 : i32
    return %c0_i32, %c0_i32_0 : i32, i32
  }
  func.func @transform_9(%arg0: i32) -> (i32, i32) {
    %c0_i32 = arith.constant 0 : i32
    %c0_i32_0 = arith.constant 0 : i32
    %c0_i32_1 = arith.constant 0 : i32
    return %c0_i32, %c0_i32_0 : i32, i32
  }
  func.func @transform_10(%arg0: i32) -> (i32, i32) {
    %c0_i32 = arith.constant 0 : i32
    %c0_i32_0 = arith.constant 0 : i32
    %c0_i32_1 = arith.constant 0 : i32
    return %c0_i32, %c0_i32_0 : i32, i32
  }
  func.func @transform_11(%arg0: i32) -> (i32, i32) {
    %c0_i32 = arith.constant 0 : i32
    %c0_i32_0 = arith.constant 0 : i32
    return %arg0, %c0_i32 : i32, i32
  }
}

</mosaic_0001>

<sc_bundles>
// kernel: kernel.6.cloned.1.call-start
scs
__scs_entry_jumppad:
0x0: {  	(pc) =	sbr.rel $0x88, $3  }
0x1: {  	(tag) =	ssettag $0x0;
	lr =	simm.s32 $0x1  }
0x2: {  	[smem:$0x3F91] =	sst lr;
	_ =	strace $0xD0000000  }
0x3: {  	_ = 	snop  }
0x4: {  	_ = 	snop  }
0x5: {  	_ = 	snop  }
0x6: {  	_ = 	snop  }
0x7: {  	_ = 	snop  }
__scs_overlays_trampoline_lowered:
0x8: {  	[smem:$0x3FA0] =	sst s0  }
0x9: {  	[smem:$0x3FA1] =	sst s1  }
0xa: {  	[smem:$0x3FA2] =	sst s2  }
0xb: {  	[smem:$0x3FA3] =	sst s3  }
0xc: {  	[smem:$0x3FA4] =	sst s4  }
0xd: {  	[smem:$0x3FA5] =	sst s5  }
0xe: {  	[smem:$0x3FA6] =	sst s6  }
0xf: {  	[smem:$0x3FA7] =	sst s7  }
0x10: {  	[smem:$0x3FA8] =	sst s8  }
0x11: {  	[smem:$0x3FA9] =	sst s9;
	s0 =	simm.s32 @!p0 $0x0  }
0x12: {  	s1 =	sld [smem:$0x3F8F];
	s0 =	simm.s32 @p0 $0x1  }
0x13: {  	[smem:$0x3FAA] =	sst s0;
	s0 =	simm.s32 @!p1 $0x0  }
0x14: {  	s2 =	sld [smem:$0x3F8E];
	s0 =	simm.s32 @p1 $0x1  }
0x15: {  	[smem:$0x3FAB] =	sst s0;
	s0 =	simm.s32 @!p2 $0x0  }
0x16: {  	s3 =	sld [smem:$0x3FDB];
	s0 =	simm.s32 @p2 $0x1  }
0x17: {  	s4 =	simm.s32 $0x1BF5;
	[smem:$0x3FAD] =	sst s0  }
0x18: {  	s0 =	sld [smem:$0x3F90];
	_ =	swait.ge [sflag:s4], $0x0  }
0x19: {  	s7 =	sld [smem:$0x3F91]  }
0x1a: {  	s8 =	sadd.s32 $0xFFFFE003, lr  }
0x1b: {  	s9 =	sadd.s32 $0xFFFFFEF7, lr;
	s5 =	simm.s32 $0xFFFFFFFF;
	p2 =	slt.u32 s8, $0xFFFFF086  }
0x1c: {  	p1 =	slt.u32 s9, $0xF7A;
	s5 =	simm.s32 @!p2 $0x0  }
0x1d: {  	s5 =	simm.s32 @p1 $0x1;
	p0 =	seq.s32 s7, s2  }
0x1e: {  	s7 =	smul.u32 @!p0 $0xF7A, s2;
	p2 =	seq.s32 @!p0 s5, $0x0  }
0x1f: {  	s9 =	smul.u32 $0xF7A, s1;
	s8 =	simm.s32 @!p0 $0x1BF5;
	p2 =	por !p2, p0  }
0x20: {  	[sflag:s8] =	ssyncset.s32 @!p0 $0xFFFFF086;
	s6 =	sadd.s32 @!p0 s3, s7;
	s7 =	simm.s32 @!p0 $0x108  }
0x21: {  	s3 =	sadd.s32 s3, s9;
	s6 =	sadd.s32 @!p0 $0x88, s6;
	s7 =	simm.s32 @p2 $0x1082  }
0x22: {  	[simem:s7], [sflag:s8] =	dma.local @!p0 [hbm:s6], $0xF7A  }
0x23: {  	s9 =	sor.u32 $0xD0000000, s2;
	s6 =	simm.s32 $0x108;
	_ =	swait.ge @!p0 [sflag:s8], $0x0  }
0x24: {  	s3 =	sadd.s32 $0x88, s3;
	s6 =	simm.s32 @!p1 $0x1082;
	[sflag:s4] =	ssyncset.s32 $0xFFFFF086  }
0x25: {  	[simem:s6], [sflag:s4] =	dma.local [hbm:s3], $0xF7A  }
0x26: {  	[smem:$0x3F91] =	sst s1;
	(tag) =	ssettag s2;
	_ =	strace s9  }
0x27: {  	s1 =	sld [smem:$0x3FA1]  }
0x28: {  	s2 =	sld [smem:$0x3FA2]  }
0x29: {  	s4 =	sld [smem:$0x3FA4]  }
0x2a: {  	p0 =	seq.s32 s5, $0x0;
	s5 =	sld [smem:$0x3FA5]  }
0x2b: {  	s6 =	sld [smem:$0x3FA6]  }
0x2c: {  	s7 =	sld [smem:$0x3FA7]  }
0x2d: {  	s3 =	simm.s32 $0x108;
	s8 =	sld [smem:$0x3FA8]  }
0x2e: {  	s3 =	simm.s32 @!p0 $0x1082;
	s9 =	sld [smem:$0x3FA9]  }
0x2f: {  	lr =	sadd.s32 s0, s3;
	s0 =	sld [smem:$0x3FA0]  }
0x30: {  	s3 =	sld [smem:$0x3FA3]  }
0x31: {  	[smem:$0x3FAC] =	sst s10  }
0x32: {  	s10 =	sld [smem:$0x3FAA];
	_ =	sdelay $0x3  }
0x33: {  	p0 =	seq.s32 s10, $0x1;
	s10 =	sld [smem:$0x3FAC];
	_ =	sdelay $0x3  }
0x34: {  	[smem:$0x3FAC] =	sst s10  }
0x35: {  	s10 =	sld [smem:$0x3FAB];
	_ =	sdelay $0x3  }
0x36: {  	p1 =	seq.s32 s10, $0x1;
	s10 =	sld [smem:$0x3FAC];
	_ =	sdelay $0x3  }
0x37: {  	[smem:$0x3FAC] =	sst s10  }
0x38: {  	s10 =	sld [smem:$0x3FAD]  }
0x39: {  	_ = 	snop;
	(pc) =	sbr.ind lr, $3  }
0x3a: {  	_ = 	snop  }
0x3b: {  	_ = 	snop  }
0x3c: {  	p2 =	seq.s32 s10, $0x1;
	s10 =	sld [smem:$0x3FAC]  }
0x3d: {  	_ =	shalt  }
0x3e: {  	_ =	shalt  }
0x3f: {  	_ =	shalt  }
0x40: {  	_ =	shalt  }
0x41: {  	_ =	shalt  }
0x42: {  	_ =	shalt  }
0x43: {  	_ =	shalt  }
0x44: {  	_ =	shalt  }
0x45: {  	_ =	shalt  }
0x46: {  	_ =	shalt  }
0x47: {  	_ =	shalt  }
0x48: {  	_ =	shalt  }
0x49: {  	_ =	shalt  }
0x4a: {  	_ =	shalt  }
0x4b: {  	_ =	shalt  }
0x4c: {  	_ =	shalt  }
0x4d: {  	_ =	shalt  }
0x4e: {  	_ =	shalt  }
0x4f: {  	_ =	shalt  }
0x50: {  	_ =	shalt  }
0x51: {  	_ =	shalt  }
0x52: {  	_ =	shalt  }
0x53: {  	_ =	shalt  }
0x54: {  	_ =	shalt  }
0x55: {  	_ =	shalt  }
0x56: {  	_ =	shalt  }
0x57: {  	_ =	shalt  }
0x58: {  	_ =	shalt  }
0x59: {  	_ =	shalt  }
0x5a: {  	_ =	shalt  }
0x5b: {  	_ =	shalt  }
0x5c: {  	_ =	shalt  }
0x5d: {  	_ =	shalt  }
0x5e: {  	_ =	shalt  }
0x5f: {  	_ =	shalt  }
0x60: {  	_ =	shalt  }
0x61: {  	_ =	shalt  }
0x62: {  	_ =	shalt  }
0x63: {  	_ =	shalt  }
0x64: {  	_ =	shalt  }
0x65: {  	_ =	shalt  }
0x66: {  	_ =	shalt  }
0x67: {  	_ =	shalt  }
0x68: {  	_ =	shalt  }
0x69: {  	_ =	shalt  }
0x6a: {  	_ =	shalt  }
0x6b: {  	_ =	shalt  }
0x6c: {  	_ =	shalt  }
0x6d: {  	_ =	shalt  }
0x6e: {  	_ =	shalt  }
0x6f: {  	_ =	shalt  }
0x70: {  	_ =	shalt  }
0x71: {  	_ =	shalt  }
0x72: {  	_ =	shalt  }
0x73: {  	_ =	shalt  }
0x74: {  	_ =	shalt  }
0x75: {  	_ =	shalt  }
0x76: {  	_ =	shalt  }
0x77: {  	_ =	shalt  }
0x78: {  	_ =	shalt  }
0x79: {  	_ =	shalt  }
0x7a: {  	_ =	shalt  }
0x7b: {  	_ =	shalt  }
0x7c: {  	_ =	shalt  }
0x7d: {  	_ =	shalt  }
0x7e: {  	_ =	shalt  }
0x7f: {  	_ =	shalt  }
0x80: {  	_ =	shalt  }
0x81: {  	_ =	shalt  }
0x82: {  	_ =	shalt  }
0x83: {  	_ =	shalt  }
0x84: {  	_ =	shalt  }
0x85: {  	_ =	shalt  }
0x86: {  	_ =	shalt  }
0x87: {  	_ =	shalt  }
.Lfunc_end0:
.L_simem_size_0:
called_computation_lowered:
.L_overlay_start_0:
0x88: {  	s2 =	sld [smem:$0x3FD9]  }
0x89: {  	s3 =	sld [smem:$0x3FFE];
	_ =	sdelay $0x1  }
0x8a: {  	s1 =	srdreg.scid  }
0x8b: {  	s0 =	sand.u32 $0x1, s1  }
0x8c: {  	s17 =	sshll.u32 s0, $0xA;
	s2 =	sadd.s32 s3, s2  }
0x8d: {  	s2 =	sadd.s32 s2, s17  }
0x8e: {  	[smem:$0x3FB8] =	sst s2  }
0x8f: {  	_ = 	snop  }
0x90: {  	s2 =	sld [smem:$0x3FC9];
	(tm) =	ssettm $0x1  }
0x91: {  	s18 =	sld [smem:$0x3FFB];
	_ =	sdelay $0x3  }
0x92: {  	_ =	strace s18  }
0x93: {  	s3 =	sld [smem:$0x3FFC];
	_ =	sdelay $0x3  }
0x94: {  	_ =	strace s3  }
0x95: {  	s3 =	sld [smem:$0x3FFD];
	_ =	sdelay $0x3  }
0x96: {  	_ =	strace s3  }
0x97: {  	_ =	strace $0x8FFFFFFF  }
0x98: {  	s19 =	sld [smem:$0x3FDB];
	_ =	sdelay $0x1  }
0x99: {  	s4 =	simm.s32 $_scs_section_size  }
0x9a: {  	s5 =	simm.s32 $_size__tile_overlayer_lowered;
	s6 =	simm.s32 $_tile_overlayer_lowered  }
0x9b: {  	s22 =	simm.s32 $0x1BFF;
	s21 =	sshll.u32 s6, $0x1;
	s3 =	sadd.s32 s4, s19  }
0x9c: {  	s7 =	simm.s32 $0x0;
	s20 =	sshll.u32 s5, $0x1;
	s5 =	sadd.s32 s21, s3  }
0x9d: {  	[timem:s7], [sflag:s22] =	dma.local [hbm:s5], s20  }
0x9e: {  	_ =	swait.ge [sflag:s22], s20  }
0x9f: {  	s4 =	ssub.s32 $0x0, s20;
	[sflag:s22] =	ssyncset.done $0x0  }
0xa0: {  	[sflag:s22] =	ssyncadd.s32 s4;
	_ =	sdelay $0x1  }
0xa1: {  	s23 =	simm.s32 $0x1B8B  }
0xa2: {  	_ =	swait.ge [sflag:s23], $0x1  }
0xa3: {  	[sflag:s23] =	ssyncset.done $0x0  }
0xa4: {  	s25 =	simm.s32 $0x1B8E;
	s24 =	sld [smem:$0x3FFE];
	[sflag:s23] =	ssyncadd.s32 $0xFFFFFFFF  }
0xa5: {  	s26 =	simm.s32 $execute0_lowered;
	[smem:$0x3FD2] =	sst s25  }
0xa6: {  	s5 =	sshll.u32 s26, $0x1;
	_ =	strace $0x80000046;
	[dreg:$0x1] =	wrdreg $0xFFFFFFFF  }
0xa7: {  	s28 =	simm.s32 $_size_execute0_lowered;
	s3 =	sadd.s32 s3, s5;
	[dreg:$0x0] =	wrdreg $0x0  }
0xa8: {  	s5 =	sshll.u32 s28, $0x1;
	[dreg:$0x2] =	wrdreg s3  }
0xa9: {  	[dreg:$0x3] =	wrdreg s5  }
0xaa: {  	[dreg:$0x4] =	wrdreg $0xC0  }
0xab: {  	_ =	task [dreg:s7], $0x5FFFF  }
0xac: {  	[dreg:$0x1] =	wrdreg $0xFFFFFFFF  }
0xad: {  	[dreg:$0x0] =	wrdreg $0x60  }
0xae: {  	[dreg:$0x2] =	wrdreg s2  }
0xaf: {  	[dreg:$0x3] =	wrdreg s24  }
0xb0: {  	[dreg:$0x4] =	wrdreg $0x13A300  }
0xb1: {  	[dreg:$0x5] =	wrdreg $0x1DA300  }
0xb2: {  	[dreg:$0x6] =	wrdreg $0x9  }
0xb3: {  	_ =	task.clear_ibuf [dreg:s7], $0x7FFFF;
	_ =	strace $0x90000046  }
0xb4: {  	s29 =	simm.s32 $0x9;
	_ =	strace $0x80000048  }
0xb5: {  	_ =	swait.ge [sflag:s29], $0x1  }
0xb6: {  	[sflag:s29] =	ssyncadd.s32 $0xFFFFFFFF  }
0xb7: {  	_ =	strace $0x90000048  }
0xb8: {  	_ =	sfence  }
0xb9: {  	s30 =	sld [smem:$0x0];
	_ =	sdelay $0x2  }
0xba: {  	s31 =	sshll.u32 s1, $0xD;
	s1 =	sshrl.u32 s1, $0x2  }
0xbb: {  	s3 =	sand.u32 $0x4000, s31;
	s1 =	sadd.s32 s1, s30  }
0xbc: {  	s0 =	sor.u32 s3, s0;
	s1 =	sshll.u32 s1, $0x11  }
0xbd: {  	s0 =	sor.u32 s1, s0  }
0xbe: {  	s0 =	sadd.s32 $0x8F2B, s0  }
0xbf: {  	[sflag:s0] =	ssyncadd.remote.s32 $0x1  }
0xc0: {  	_ =	sfence.sel $0xFFFF  }
0xc1: {  	[dreg:$0x0] =	wrdreg $0xFFFFFFFF;
	(pc) =	sbr.abs _section_cstart, $3  }
0xc2: {  	[dreg:$0x1] =	wrdreg $0xFFFFFFFF  }
0xc3: {  	_ =	task.clear_ibuf [dreg:s7], $0x2FFFF;
	_ =	strace $0x9FFFFFFF  }
0xc4: {  	(tm) =	ssettm $0x7FFFFFFF  }
0xc5: {  	_ =	shalt  }
tec
execute0_lowered:
.L_overlay_start_1:
0x0: {  	(tag) =	ssettag $0x1  }
0x1: {  	s1 =	rddreg [dreg:$0x0]  }
0x2: {  	s0 =	rddreg [dreg:$0x1]  }
0x3: {  	s2 =	rddreg [dreg:$0x2]  }
0x4: {  	s3 =	rddreg [dreg:$0x3]  }
0x5: {  	s5 =	simm.s32 $0x0;
	s16 =	stileid.u32;
	s8 =	srdreg.scid  }
0x6: {  	[smem:$0x7FF] =	sst s5;
	s6 =	smul.u32 $0x280, s16  }
0x7: {  	s4 =	sadd.s32 $0xC400, s0;
	s10 =	sadd.s32 $0x2600, s0;
	s9 =	smul.u32 $0x28000, s16  }
0x8: {  	s7 =	sadd.s32 $0x16200, s0;
	s17 =	sand.u32 $0x1, s8;
	s15 =	smul.u32 $0x4E20, s16  }
0x9: {  	s8 =	sadd.s32 $0x3E200, s0;
	s16 =	smul.u32 $0x9C4, s16;
	_ =	strace $0x80000047  }
0xa: {  	s24 =	ssub.s32 $0x2, s17;
	p0 =	sne.s32 s17, $0x0;
	s11 =	sor.u32 $0x50, s6  }
0xb: {  	s12 =	sshrl.u32 s24, $0x1;
	s9 =	sshrl.u32 s9, $0x2;
	s26 =	sadd.s32 $0xA0, s6  }
0xc: {  	s28 =	sadd.s32 $0xF0, s6;
	s31 =	sadd.s32 $0x140, s6;
	s21 =	sadd.s32 $0x190, s6  }
0xd: {  	s13 =	sshll.u32 s11, $0x6;
	s0 =	ssub.s32 s24, s12;
	s11 =	sadd.s32 s11, s3  }
0xe: {  	s9 =	sadd.s32 s9, s2;
	s12 =	sadd.s32 s28, s3;
	[dreg:$0x6] =	wrdreg s11  }
0xf: {  	s29 =	sshll.u32 s26, $0x6;
	s25 =	sadd.s32 s13, s2;
	[dreg:$0xe] =	wrdreg s12  }
0x10: {  	s14 =	sshll.u32 s28, $0x6;
	s13 =	sadd.s32 s29, s2;
	[dreg:$0x5] =	wrdreg s25  }
0x11: {  	s20 =	sshll.u32 s31, $0x6;
	s11 =	sadd.s32 s26, s3;
	[dreg:$0x7] =	wrdreg s13  }
0x12: {  	s23 =	sshll.u32 s21, $0x6;
	s30 =	sadd.s32 s14, s2;
	[dreg:$0x8] =	wrdreg s11  }
0x13: {  	s14 =	sshrl.u32 s15, $0x3;
	s22 =	sadd.s32 s20, s2;
	[dreg:$0x9] =	wrdreg s30  }
0x14: {  	s24 =	sadd.s32 s23, s2;
	s26 =	sadd.s32 s21, s3;
	[dreg:$0xf] =	wrdreg s22  }
0x15: {  	s29 =	sadd.s32 $0x230, s6;
	s0 =	smax.u32 s0, $0x1;
	[dreg:$0x11] =	wrdreg s24  }
0x16: {  	s15 =	sadd.s32 s4, s14;
	s18 =	sadd.s32 s10, s14;
	[dreg:$0x12] =	wrdreg s26  }
0x17: {  	s13 =	sadd.s32 $0x32, s14;
	s11 =	sadd.s32 s31, s3;
	[dreg:$0x17] =	wrdreg s0  }
0x18: {  	s25 =	sadd.s32 $0x1E0, s6;
	s30 =	sshll.u32 s29, $0x6;
	[dreg:$0xa] =	wrdreg s15  }
0x19: {  	s31 =	sadd.s32 s29, s3;
	s0 =	sadd.s32 s6, s3;
	[dreg:$0xb] =	wrdreg s18  }
0x1a: {  	s14 =	simm.s32 $0x4;
	s19 =	sadd.s32 s4, s13;
	[dreg:$0x10] =	wrdreg s11  }
0x1b: {  	s13 =	sadd.s32 s10, s13;
	s10 =	sadd.s32 s16, s10;
	[dreg:$0x16] =	wrdreg s31  }
0x1c: {  	s4 =	sadd.s32 s16, s4;
	s28 =	sshll.u32 s25, $0x6;
	[dreg:$0xc] =	wrdreg s19  }
0x1d: {  	s11 =	sadd.s32 s25, s3;
	s16 =	simm.s32 $0x50;
	[dreg:$0xd] =	wrdreg s13  }
0x1e: {  	s18 =	simm.s32 $0x2;
	s12 =	sadd.s32 s28, s2;
	[dreg:$0x14] =	wrdreg s11  }
0x1f: {  	s11 =	sadd.s32 s30, s2;
	s22 =	sadd.s32 $0x64, s10;
	s21 =	sadd.s32 $0x64, s4  }
0x20: {  	s4 =	smul.u32 $0xA0000, s17;
	s10 =	simm.s32 $0xC80;
	s13 =	simm.s32 $0x3  }
0x21: {  	v0 =	vmov s17;
	s17 =	simm.s32 $0x13880;
	s19 =	simm.s32 $0x0;
	[dreg:$0x13] =	wrdreg s12  }
0x22: {  	v1 =	vimm.f32 $0.0e+00;
	v2 =	vimm.f32 $1.000000000e+00;
	[dreg:$0x15] =	wrdreg s11;
	s11 =	simm.s32 $0x138D0;
	s12 =	simm.s32 $0x1  }
.LBB2_1:
0x23: {  	s23 =	simm.s32 $0x100;
	s20 =	simm.s32 $0x0  }
.LBB2_2:
0x24: {  	p1 =	sne.s32 s23, $0x4F00;
	[tilespmem:s20+$0xCB0] =	vst v1;
	s24 =	smov.u32 s23;
	s23 =	sadd.s32 $0x100, s23  }
.Ltmp0:
0x25: {  	[tilespmem:s20+$0xCA0] =	vst v1;
	(pc) =	sbr.rel @p1 .LBB2_2-.Ltmp0, $3  }
0x26: {  	[tilespmem:s20+$0xC80] =	vst v1  }
0x27: {  	[tilespmem:s20+$0xC90] =	vst v1;
	_ =	sdelay $0x1  }
0x28: {  	s20 =	sshra.s32 s24, $0x2  }
0x29: {  	[tilespmem:s20+$0xCB0] =	vst v1  }
0x2a: {  	[tilespmem:s20+$0xCA0] =	vst v1  }
0x2b: {  	[tilespmem:s20+$0xC80] =	vst v1  }
0x2c: {  	[tilespmem:s20+$0xC90] =	vst v1  }
0x2d: {  	[tilespmem:$0x138D0] =	vst v1  }
0x2e: {  	[tilespmem:$0x13880] =	vst v2  }
0x2f: {  	[tilespmem:$0x138E0] =	vst v1  }
0x30: {  	[tilespmem:$0x13890] =	vst v2  }
0x31: {  	[tilespmem:$0x138F0] =	vst v1  }
0x32: {  	[tilespmem:$0x138A0] =	vst v2  }
0x33: {  	[tilespmem:$0x13900] =	vst v1  }
0x34: {  	[tilespmem:$0x138B0] =	vst v2  }
0x35: {  	[tilespmem:$0x13910] =	vst v1  }
0x36: {  	[tilespmem:$0x138C0] =	vst v2  }
0x37: {  	[spmem:s9] =	stream.linear.scatter [tilespmem:s10], [sflag:$0x1], $0x1400, $0x38;
	[tilespmem:$0x1DCB0] =	vst v63  }
0x38: {  	_ = 	snop  }
0x39: {  	[spmem:s0] =	stream.linear.scatter [tilespmem:s11], [sflag:$0x3], $0x50, $0x38;
	[tilespmem:$0x1DCB0] =	vst v63  }
0x3a: {  	s15 =	rddreg [dreg:$0x5]  }
0x3b: {  	[spmem:s15] =	stream.linear.scatter [tilespmem:s10], [sflag:$0x1], $0x1400, $0x38;
	[tilespmem:$0x1DCB0] =	vst v63  }
0x3c: {  	s26 =	rddreg [dreg:$0x6]  }
0x3d: {  	[spmem:s26] =	stream.linear.scatter [tilespmem:s11], [sflag:$0x3], $0x50, $0x38;
	[tilespmem:$0x1DCB0] =	vst v63  }
0x3e: {  	s28 =	rddreg [dreg:$0x7]  }
0x3f: {  	[spmem:s28] =	stream.linear.scatter [tilespmem:s10], [sflag:$0x1], $0x1400, $0x38;
	[tilespmem:$0x1DCB0] =	vst v63  }
0x40: {  	s29 =	rddreg [dreg:$0x8]  }
0x41: {  	[spmem:s29] =	stream.linear.scatter [tilespmem:s11], [sflag:$0x3], $0x50, $0x38;
	[tilespmem:$0x1DCB0] =	vst v63  }
0x42: {  	s20 =	rddreg [dreg:$0x9]  }
0x43: {  	[spmem:s20] =	stream.linear.scatter [tilespmem:s10], [sflag:$0x1], $0x1400, $0x38;
	[tilespmem:$0x1DCB0] =	vst v63  }
0x44: {  	s23 =	rddreg [dreg:$0xe]  }
0x45: {  	[spmem:s23] =	stream.linear.scatter [tilespmem:s11], [sflag:$0x3], $0x50, $0x38;
	[tilespmem:$0x1DCB0] =	vst v63  }
0x46: {  	s24 =	rddreg [dreg:$0xf]  }
0x47: {  	[spmem:s24] =	stream.linear.scatter [tilespmem:s10], [sflag:$0x1], $0x1400, $0x38;
	[tilespmem:$0x1DCB0] =	vst v63  }
0x48: {  	s25 =	rddreg [dreg:$0x10]  }
0x49: {  	[spmem:s25] =	stream.linear.scatter [tilespmem:s11], [sflag:$0x3], $0x50, $0x38;
	[tilespmem:$0x1DCB0] =	vst v63  }
0x4a: {  	s26 =	rddreg [dreg:$0x11]  }
0x4b: {  	[spmem:s26] =	stream.linear.scatter [tilespmem:s10], [sflag:$0x1], $0x1400, $0x38;
	[tilespmem:$0x1DCB0] =	vst v63  }
0x4c: {  	s28 =	rddreg [dreg:$0x12]  }
0x4d: {  	[spmem:s28] =	stream.linear.scatter [tilespmem:s11], [sflag:$0x3], $0x50, $0x38;
	[tilespmem:$0x1DCB0] =	vst v63  }
0x4e: {  	s29 =	rddreg [dreg:$0x13]  }
0x4f: {  	[spmem:s29] =	stream.linear.scatter [tilespmem:s10], [sflag:$0x1], $0x1400, $0x38;
	[tilespmem:$0x1DCB0] =	vst v63  }
0x50: {  	s20 =	rddreg [dreg:$0x14]  }
0x51: {  	[spmem:s20] =	stream.linear.scatter [tilespmem:s11], [sflag:$0x3], $0x50, $0x38;
	[tilespmem:$0x1DCB0] =	vst v63  }
0x52: {  	s23 =	rddreg [dreg:$0x15]  }
0x53: {  	[spmem:s23] =	stream.linear.scatter [tilespmem:s10], [sflag:$0x1], $0x1400, $0x38;
	[tilespmem:$0x1DCB0] =	vst v63  }
0x54: {  	s24 =	rddreg [dreg:$0x16]  }
0x55: {  	[spmem:s24] =	stream.linear.scatter [tilespmem:s11], [sflag:$0x3], $0x50, $0x38;
	[tilespmem:$0x1DCB0] =	vst v63  }
0x56: {  	_ =	swait.ge [sflag:s12], $0x6400  }
0x57: {  	[sflag:s12] =	ssyncset.done $0x0  }
0x58: {  	[sflag:s12] =	ssyncadd.s32 $0xFFFF9C00  }
0x59: {  	_ =	swait.ge [sflag:s12], $0x3C00  }
0x5a: {  	[sflag:s12] =	ssyncset.done $0x0  }
0x5b: {  	[sflag:s12] =	ssyncadd.s32 $0xFFFFC400  }
0x5c: {  	_ =	swait.ge [sflag:s13], $0x50  }
0x5d: {  	[sflag:s13] =	ssyncset.done $0x0  }
0x5e: {  	[sflag:s13] =	ssyncadd.s32 $0xFFFFFFB0  }
0x5f: {  	_ =	swait.ge [sflag:s13], $0x50  }
0x60: {  	[sflag:s13] =	ssyncset.done $0x0  }
0x61: {  	[sflag:s13] =	ssyncadd.s32 $0xFFFFFFB0  }
0x62: {  	_ =	swait.ge [sflag:s13], $0x50  }
0x63: {  	[sflag:s13] =	ssyncset.done $0x0  }
0x64: {  	[sflag:s13] =	ssyncadd.s32 $0xFFFFFFB0  }
0x65: {  	_ =	swait.ge [sflag:s13], $0x50  }
0x66: {  	[sflag:s13] =	ssyncset.done $0x0  }
0x67: {  	[sflag:s13] =	ssyncadd.s32 $0xFFFFFFB0  }
0x68: {  	_ =	swait.ge [sflag:s13], $0x50  }
0x69: {  	[sflag:s13] =	ssyncset.done $0x0  }
0x6a: {  	[sflag:s13] =	ssyncadd.s32 $0xFFFFFFB0  }
0x6b: {  	_ =	swait.ge [sflag:s13], $0x50  }
0x6c: {  	[sflag:s13] =	ssyncset.done $0x0  }
0x6d: {  	[sflag:s13] =	ssyncadd.s32 $0xFFFFFFB0  }
0x6e: {  	_ =	swait.ge [sflag:s13], $0x50  }
0x6f: {  	[sflag:s13] =	ssyncset.done $0x0  }
0x70: {  	[sflag:s13] =	ssyncadd.s32 $0xFFFFFFB0  }
0x71: {  	_ =	swait.ge [sflag:s13], $0x50  }
0x72: {  	[sflag:s13] =	ssyncset.done $0x0  }
0x73: {  	[sflag:s13] =	ssyncadd.s32 $0xFFFFFFB0  }
0x74: {  	[bflag:$0x0] =	sbarrier.arrive $0xFFFF  }
0x75: {  	s20 =	simm.s32 $0x0;
	s25 =	rddreg [dreg:$0xa]  }
0x76: {  	[tilespmem:s20], [sflag:$0x4] =	stream.linear.gather [hbm4b:s25+s20], $0x190, $0x38;
	[tilespmem:$0x1DCB0] =	vst v63  }
0x77: {  	s23 =	simm.s32 $0x640;
	s26 =	rddreg [dreg:$0xb]  }
0x78: {  	[tilespmem:s23], [sflag:$0x4] =	stream.linear.gather [hbm4b:s26+s20], $0x190, $0x38;
	[tilespmem:$0x1DCB0] =	vst v63  }
0x79: {  	_ =	swait.ge [sflag:s14], $0x190  }
0x7a: {  	[sflag:s14] =	ssyncset.done $0x0  }
0x7b: {  	[sflag:s14] =	ssyncadd.s32 $0xFFFFFE70  }
0x7c: {  	_ =	swait.ge [sflag:s14], $0x190  }
0x7d: {  	[sflag:s14] =	ssyncset.done $0x0  }
0x7e: {  	[sflag:s14] =	ssyncadd.s32 $0xFFFFFE70  }
0x7f: {  	v3 =	vld [tilespmem:$0x0]  }
0x80: {  	v4 =	vld [tilespmem:$0x10]  }
0x81: {  	v5 =	vld [tilespmem:$0x20]  }
0x82: {  	v6 =	vld [tilespmem:$0x30]  }
0x83: {  	v7 =	vld [tilespmem:$0x40]  }
0x84: {  	v8 =	vld [tilespmem:$0x50];
	v3 =	vshll.u32 v3, $0x1  }
0x85: {  	v9 =	vld [tilespmem:$0x60];
	v4 =	vshll.u32 v4, $0x1;
	v3 =	vor.u32 v0, v3  }
0x86: {  	v31 =	vld [tilespmem:$0x70];
	v30 =	vshll.u32 v5, $0x1;
	[tilespmem:$0x0] =	vst v3;
	v3 =	vor.u32 v0, v4  }
0x87: {  	v33 =	vld [tilespmem:$0x80];
	v32 =	vshll.u32 v6, $0x1;
	[tilespmem:$0x10] =	vst v3;
	v3 =	vor.u32 v0, v30  }
0x88: {  	v35 =	vld [tilespmem:$0x90];
	v34 =	vshll.u32 v7, $0x1;
	[tilespmem:$0x20] =	vst v3;
	v3 =	vor.u32 v0, v32  }
0x89: {  	v37 =	vld [tilespmem:$0xA0];
	v36 =	vshll.u32 v8, $0x1;
	[tilespmem:$0x30] =	vst v3;
	v3 =	vor.u32 v0, v34  }
0x8a: {  	v39 =	vld [tilespmem:$0xB0];
	v38 =	vshll.u32 v9, $0x1;
	[tilespmem:$0x40] =	vst v3;
	v3 =	vor.u32 v0, v36  }
0x8b: {  	v41 =	vld [tilespmem:$0xC0];
	v40 =	vshll.u32 v31, $0x1;
	[tilespmem:$0x50] =	vst v3;
	v3 =	vor.u32 v0, v38  }
0x8c: {  	v43 =	vld [tilespmem:$0xD0];
	v42 =	vshll.u32 v33, $0x1;
	[tilespmem:$0x60] =	vst v3;
	v3 =	vor.u32 v0, v40  }
0x8d: {  	v45 =	vld [tilespmem:$0xE0];
	v44 =	vshll.u32 v35, $0x1;
	[tilespmem:$0x70] =	vst v3;
	v3 =	vor.u32 v0, v42  }
0x8e: {  	v47 =	vld [tilespmem:$0xF0];
	v46 =	vshll.u32 v37, $0x1;
	[tilespmem:$0x80] =	vst v3;
	v3 =	vor.u32 v0, v44  }
0x8f: {  	v49 =	vld [tilespmem:$0x100];
	v48 =	vshll.u32 v39, $0x1;
	[tilespmem:$0x90] =	vst v3;
	v3 =	vor.u32 v0, v46  }
0x90: {  	v51 =	vld [tilespmem:$0x110];
	v50 =	vshll.u32 v41, $0x1;
	[tilespmem:$0xA0] =	vst v3;
	v3 =	vor.u32 v0, v48  }
0x91: {  	v53 =	vld [tilespmem:$0x120];
	v52 =	vshll.u32 v43, $0x1;
	[tilespmem:$0xB0] =	vst v3;
	v3 =	vor.u32 v0, v50  }
0x92: {  	v55 =	vld [tilespmem:$0x130];
	v54 =	vshll.u32 v45, $0x1;
	[tilespmem:$0xC0] =	vst v3;
	v3 =	vor.u32 v0, v52  }
0x93: {  	v57 =	vld [tilespmem:$0x140];
	v56 =	vshll.u32 v47, $0x1;
	[tilespmem:$0xD0] =	vst v3;
	v3 =	vor.u32 v0, v54  }
0x94: {  	v59 =	vld [tilespmem:$0x150];
	v58 =	vshll.u32 v49, $0x1;
	[tilespmem:$0xE0] =	vst v3;
	v3 =	vor.u32 v0, v56  }
0x95: {  	v61 =	vld [tilespmem:$0x160];
	v60 =	vshll.u32 v51, $0x1;
	[tilespmem:$0xF0] =	vst v3;
	v3 =	vor.u32 v0, v58  }
0x96: {  	v63 =	vld [tilespmem:$0x170];
	v62 =	vshll.u32 v53, $0x1;
	[tilespmem:$0x100] =	vst v3;
	v3 =	vor.u32 v0, v60  }
0x97: {  	v11 =	vld [tilespmem:$0x180];
	v10 =	vshll.u32 v55, $0x1;
	[tilespmem:$0x110] =	vst v3;
	v3 =	vor.u32 v0, v62  }
0x98: {  	v12 =	vshll.u32 v57, $0x1;
	[tilespmem:$0x120] =	vst v3;
	v3 =	vor.u32 v0, v10  }
0x99: {  	v13 =	vshll.u32 v59, $0x1;
	[tilespmem:$0x130] =	vst v3;
	v3 =	vor.u32 v0, v12  }
0x9a: {  	v14 =	vshll.u32 v61, $0x1;
	[tilespmem:$0x140] =	vst v3;
	v3 =	vor.u32 v0, v13  }
0x9b: {  	v15 =	vshll.u32 v63, $0x1;
	[tilespmem:$0x150] =	vst v3;
	v3 =	vor.u32 v0, v14  }
0x9c: {  	v16 =	vshll.u32 v11, $0x1;
	[tilespmem:$0x160] =	vst v3;
	v3 =	vor.u32 v0, v15  }
0x9d: {  	[tilespmem:$0x170] =	vst v3;
	v3 =	vor.u32 v0, v16  }
0x9e: {  	s23 =	simm.s32 $0x190;
	s28 =	rddreg [dreg:$0xc];
	[tilespmem:$0x180] =	vst v3  }
0x9f: {  	[tilespmem:s23], [sflag:$0x4] =	stream.linear.gather [hbm4b:s28+s20], $0x190, $0x38;
	[tilespmem:$0x1DCB0] =	vst v63  }
0xa0: {  	s24 =	simm.s32 $0x7D0;
	s29 =	rddreg [dreg:$0xd]  }
0xa1: {  	[tilespmem:s24], [sflag:$0x4] =	stream.linear.gather [hbm4b:s29+s20], $0x190, $0x38;
	[tilespmem:$0x1DCB0] =	vst v63  }
0xa2: {  	_ = 	snop  }
0xa3: {  	[tilespmem:s10], [sflag:$0x1] =	stream.indirect.gather [hbm4b:s1+s16], $0x40, s20, s16, $0xb8;
	[tilespmem:$0x1DCB0] =	vst v63  }
0xa4: {  	s24 =	simm.s32 $0x2080  }
0xa5: {  	[tilespmem:s24], [sflag:$0x1] =	stream.indirect.gather [hbm4b:s1+s16], $0x40, s16, s16, $0xb8;
	[tilespmem:$0x1DCB0] =	vst v63  }
0xa6: {  	s25 =	simm.s32 $0xA0;
	s26 =	simm.s32 $0x3480  }
0xa7: {  	[tilespmem:s26], [sflag:$0x1] =	stream.indirect.gather [hbm4b:s1+s16], $0x40, s25, s16, $0xb8;
	[tilespmem:$0x1DCB0] =	vst v63  }
0xa8: {  	s28 =	simm.s32 $0xF0;
	s29 =	simm.s32 $0x4880  }
0xa9: {  	[tilespmem:s29], [sflag:$0x1] =	stream.indirect.gather [hbm4b:s1+s16], $0x40, s28, s16, $0xb8;
	[tilespmem:$0x1DCB0] =	vst v63  }
0xaa: {  	s24 =	simm.s32 $0x140;
	s25 =	simm.s32 $0x5C80  }
0xab: {  	[tilespmem:s25], [sflag:$0x1] =	stream.indirect.gather [hbm4b:s1+s16], $0x40, s24, s16, $0xb8;
	[tilespmem:$0x1DCB0] =	vst v63  }
0xac: {  	_ =	swait.ge [sflag:s14], $0x190  }
0xad: {  	[sflag:s14] =	ssyncset.done $0x0  }
0xae: {  	[sflag:s14] =	ssyncadd.s32 $0xFFFFFE70  }
0xaf: {  	_ =	swait.ge [sflag:s14], $0x190  }
0xb0: {  	[sflag:s14] =	ssyncset.done $0x0  }
0xb1: {  	[sflag:s14] =	ssyncadd.s32 $0xFFFFFE70  }
0xb2: {  	v3 =	vld [tilespmem:$0x190]  }
0xb3: {  	v17 =	vld [tilespmem:$0x1A0]  }
0xb4: {  	v18 =	vld [tilespmem:$0x1B0]  }
0xb5: {  	v19 =	vld [tilespmem:$0x1C0]  }
0xb6: {  	v20 =	vld [tilespmem:$0x1D0]  }
0xb7: {  	v21 =	vld [tilespmem:$0x1E0];
	v3 =	vshll.u32 v3, $0x1  }
0xb8: {  	v22 =	vld [tilespmem:$0x1F0];
	v4 =	vshll.u32 v17, $0x1;
	v3 =	vor.u32 v0, v3  }
0xb9: {  	v24 =	vld [tilespmem:$0x200];
	v23 =	vshll.u32 v18, $0x1;
	[tilespmem:$0x190] =	vst v3;
	v3 =	vor.u32 v0, v4  }
0xba: {  	v26 =	vld [tilespmem:$0x210];
	v25 =	vshll.u32 v19, $0x1;
	[tilespmem:$0x1A0] =	vst v3;
	v3 =	vor.u32 v0, v23  }
0xbb: {  	v28 =	vld [tilespmem:$0x220];
	v27 =	vshll.u32 v20, $0x1;
	[tilespmem:$0x1B0] =	vst v3;
	v3 =	vor.u32 v0, v25  }
0xbc: {  	v30 =	vld [tilespmem:$0x230];
	v29 =	vshll.u32 v21, $0x1;
	[tilespmem:$0x1C0] =	vst v3;
	v3 =	vor.u32 v0, v27  }
0xbd: {  	v32 =	vld [tilespmem:$0x240];
	v31 =	vshll.u32 v22, $0x1;
	[tilespmem:$0x1D0] =	vst v3;
	v3 =	vor.u32 v0, v29  }
0xbe: {  	v34 =	vld [tilespmem:$0x250];
	v33 =	vshll.u32 v24, $0x1;
	[tilespmem:$0x1E0] =	vst v3;
	v3 =	vor.u32 v0, v31  }
0xbf: {  	v36 =	vld [tilespmem:$0x260];
	v35 =	vshll.u32 v26, $0x1;
	[tilespmem:$0x1F0] =	vst v3;
	v3 =	vor.u32 v0, v33  }
0xc0: {  	v38 =	vld [tilespmem:$0x270];
	v37 =	vshll.u32 v28, $0x1;
	[tilespmem:$0x200] =	vst v3;
	v3 =	vor.u32 v0, v35  }
0xc1: {  	v40 =	vld [tilespmem:$0x280];
	v39 =	vshll.u32 v30, $0x1;
	[tilespmem:$0x210] =	vst v3;
	v3 =	vor.u32 v0, v37  }
0xc2: {  	v42 =	vld [tilespmem:$0x290];
	v41 =	vshll.u32 v32, $0x1;
	[tilespmem:$0x220] =	vst v3;
	v3 =	vor.u32 v0, v39  }
0xc3: {  	v44 =	vld [tilespmem:$0x2A0];
	v43 =	vshll.u32 v34, $0x1;
	[tilespmem:$0x230] =	vst v3;
	v3 =	vor.u32 v0, v41  }
0xc4: {  	v46 =	vld [tilespmem:$0x2B0];
	v45 =	vshll.u32 v36, $0x1;
	[tilespmem:$0x240] =	vst v3;
	v3 =	vor.u32 v0, v43  }
0xc5: {  	v48 =	vld [tilespmem:$0x2C0];
	v47 =	vshll.u32 v38, $0x1;
	[tilespmem:$0x250] =	vst v3;
	v3 =	vor.u32 v0, v45  }
0xc6: {  	v50 =	vld [tilespmem:$0x2D0];
	v49 =	vshll.u32 v40, $0x1;
	[tilespmem:$0x260] =	vst v3;
	v3 =	vor.u32 v0, v47  }
0xc7: {  	v52 =	vld [tilespmem:$0x2E0];
	v51 =	vshll.u32 v42, $0x1;
	[tilespmem:$0x270] =	vst v3;
	v3 =	vor.u32 v0, v49  }
0xc8: {  	v54 =	vld [tilespmem:$0x2F0];
	v53 =	vshll.u32 v44, $0x1;
	[tilespmem:$0x280] =	vst v3;
	v3 =	vor.u32 v0, v51  }
0xc9: {  	v56 =	vld [tilespmem:$0x300];
	v55 =	vshll.u32 v46, $0x1;
	[tilespmem:$0x290] =	vst v3;
	v3 =	vor.u32 v0, v53  }
0xca: {  	v58 =	vld [tilespmem:$0x310];
	v57 =	vshll.u32 v48, $0x1;
	[tilespmem:$0x2A0] =	vst v3;
	v3 =	vor.u32 v0, v55  }
0xcb: {  	v59 =	vshll.u32 v50, $0x1;
	[tilespmem:$0x2B0] =	vst v3;
	v3 =	vor.u32 v0, v57  }
0xcc: {  	v60 =	vshll.u32 v52, $0x1;
	[tilespmem:$0x2C0] =	vst v3;
	v3 =	vor.u32 v0, v59  }
0xcd: {  	v61 =	vshll.u32 v54, $0x1;
	[tilespmem:$0x2D0] =	vst v3;
	v3 =	vor.u32 v0, v60  }
0xce: {  	v62 =	vshll.u32 v56, $0x1;
	[tilespmem:$0x2E0] =	vst v3;
	v3 =	vor.u32 v0, v61  }
0xcf: {  	v63 =	vshll.u32 v58, $0x1;
	[tilespmem:$0x2F0] =	vst v3;
	v3 =	vor.u32 v0, v62  }
0xd0: {  	[tilespmem:$0x300] =	vst v3;
	v3 =	vor.u32 v0, v63  }
0xd1: {  	s26 =	simm.s32 $0x7080;
	[tilespmem:$0x310] =	vst v3  }
0xd2: {  	[tilespmem:s26], [sflag:$0x1] =	stream.indirect.gather [hbm4b:s1+s16], $0x40, s23, s16, $0xb8;
	[tilespmem:$0x1DCB0] =	vst v63  }
0xd3: {  	s28 =	simm.s32 $0x1E0;
	s29 =	simm.s32 $0x8480  }
0xd4: {  	[tilespmem:s29], [sflag:$0x1] =	stream.indirect.gather [hbm4b:s1+s16], $0x40, s28, s16, $0xb8;
	[tilespmem:$0x1DCB0] =	vst v63  }
0xd5: {  	s24 =	simm.s32 $0x9880;
	s23 =	simm.s32 $0x230  }
0xd6: {  	[tilespmem:s24], [sflag:$0x1] =	stream.indirect.gather [hbm4b:s1+s16], $0x40, s23, s16, $0xb8;
	[tilespmem:$0x1DCB0] =	vst v63  }
.Ltmp1:
0xd7: {  	_ = 	snop;
	(pc) =	sbr.rel .LBB2_4-.Ltmp1, $4  }
0xd8: {  	s31 =	smov.u32 s21;
	s25 =	simm.s32 $0x280;
	s26 =	simm.s32 $0xAC80  }
0xd9: {  	[tilespmem:s26], [sflag:$0x1] =	stream.indirect.gather [hbm4b:s1+s16], $0x40, s25, s16, $0xb8;
	[tilespmem:$0x1DCB0] =	vst v63  }
0xda: {  	s30 =	smov.u32 s22;
	s28 =	simm.s32 $0x2D0;
	s29 =	simm.s32 $0xC080  }
0xdb: {  	[tilespmem:s29], [sflag:$0x1] =	stream.indirect.gather [hbm4b:s1+s16], $0x40, s28, s16, $0xb8;
	[tilespmem:$0x1DCB0] =	vst v63  }
.LBB2_6:
0xdc: {  	s20 =	sadd.s32 $0x1, s20  }
0xdd: {  	p1 =	sne.s32 s20, $0x32  }
.Ltmp2:
0xde: {  	_ = 	snop;
	(pc) =	sbr.rel @!p1 .LBB2_7-.Ltmp2, $2  }
0xdf: {  	_ =	sdelay $0x2  }
0xe0: {  	s30 =	sadd.s32 $0x32, s30;
	s31 =	sadd.s32 $0x32, s31  }
.LBB2_4:
0xe1: {  	s24 =	smul.u32 $0xAB, s20;
	_ =	sdelay $0x1  }
0xe2: {  	s23 =	sshrl.u32 s24, $0x9  }
0xe3: {  	s25 =	sand.u32 $0x7F, s23;
	s23 =	sadd.s32 $0x2, s20  }
0xe4: {  	p1 =	sgt.u32 s20, $0x2F;
	s26 =	smul.u32 $0x3, s25;
	s25 =	sand.u32 $0x3, s23  }
0xe5: {  	s28 =	smul.u32 @!p1 $0x190, s25  }
0xe6: {  	s29 =	simm.s32 @!p1 $0x0;
	s26 =	ssub.s32 s20, s26  }
0xe7: {  	[tilespmem:s28], [sflag:$0x4] =	stream.linear.gather @!p1 [hbm4b:s31+s29], $0x190, $0x38;
	[tilespmem:$0x1DCB0] =	vst v63  }
0xe8: {  	s26 =	sand.u32 $0xFF, s26  }
0xe9: {  	s15 =	sand.u32 $0x3, s20;
	s28 =	sadd.s32 @!p1 $0x640, s28;
	s26 =	smul.u32 $0x19000, s26  }
0xea: {  	[tilespmem:s28], [sflag:$0x4] =	stream.linear.gather @!p1 [hbm4b:s30+s29], $0x190, $0x38;
	[tilespmem:$0x1DCB0] =	vst v63  }
0xeb: {  	s28 =	smul.u32 $0x640, s15  }
0xec: {  	_ =	swait.ge [sflag:s12], $0x6400  }
0xed: {  	s26 =	sshrl.u32 s26, $0x2;
	[sflag:s12] =	ssyncset.done $0x0;
	s28 =	sshrl.u32 s28, $0x2  }
0xee: {  	s29 =	sadd.s32 $0xC80, s26;
	[sflag:s12] =	ssyncadd.s32 $0xFFFF9C00;
	s15 =	sadd.s32 $0x640, s28  }
0xef: {  	[spmem:s2] =	stream.indirect.scatter.add.f32 [tilespmem:s29], [sflag:$0x2], $0x40, s15, s16, $0xb8;
	[tilespmem:$0x1DCB0] =	vst v63  }
0xf0: {  	_ = 	snop  }
0xf1: {  	[spmem:s3] =	stream.indirect.scatter.add.f32 [tilespmem:s17], [sflag:$0x3], $0x1, s15, s16, $0xb8;
	[tilespmem:$0x1DCB0] =	vst v63  }
0xf2: {  	s29 =	sadd.s32 $0x690, s28;
	s15 =	sadd.s32 $0x2080, s26  }
0xf3: {  	[spmem:s2] =	stream.indirect.scatter.add.f32 [tilespmem:s15], [sflag:$0x2], $0x40, s29, s16, $0xb8;
	[tilespmem:$0x1DCB0] =	vst v63  }
0xf4: {  	_ = 	snop  }
0xf5: {  	[spmem:s3] =	stream.indirect.scatter.add.f32 [tilespmem:s17], [sflag:$0x3], $0x1, s29, s16, $0xb8;
	[tilespmem:$0x1DCB0] =	vst v63  }
0xf6: {  	s15 =	sadd.s32 $0x3480, s26;
	s29 =	sadd.s32 $0x6E0, s28  }
0xf7: {  	[spmem:s2] =	stream.indirect.scatter.add.f32 [tilespmem:s15], [sflag:$0x2], $0x40, s29, s16, $0xb8;
	[tilespmem:$0x1DCB0] =	vst v63  }
0xf8: {  	_ = 	snop  }
0xf9: {  	[spmem:s3] =	stream.indirect.scatter.add.f32 [tilespmem:s17], [sflag:$0x3], $0x1, s29, s16, $0xb8;
	[tilespmem:$0x1DCB0] =	vst v63  }
0xfa: {  	s15 =	sadd.s32 $0x4880, s26;
	s29 =	sadd.s32 $0x730, s28  }
0xfb: {  	[spmem:s2] =	stream.indirect.scatter.add.f32 [tilespmem:s15], [sflag:$0x2], $0x40, s29, s16, $0xb8;
	[tilespmem:$0x1DCB0] =	vst v63  }
0xfc: {  	_ = 	snop  }
0xfd: {  	[spmem:s3] =	stream.indirect.scatter.add.f32 [tilespmem:s17], [sflag:$0x3], $0x1, s29, s16, $0xb8;
	[tilespmem:$0x1DCB0] =	vst v63  }
0xfe: {  	p1 =	seq.s32 s20, $0x0;
	s26 =	sadd.s32 $0x5C80, s26;
	s29 =	sadd.s32 $0x780, s28  }
0xff: {  	[spmem:s2] =	stream.indirect.scatter.add.f32 [tilespmem:s26], [sflag:$0x2], $0x40, s29, s16, $0xb8;
	[tilespmem:$0x1DCB0] =	vst v63  }
0x100: {  	p2 =	sgt.u32 @!p1 s20, $0x2F;
	s15 =	simm.s32 @!p1 $0x2  }
0x101: {  	[spmem:s3] =	stream.indirect.scatter.add.f32 [tilespmem:s17], [sflag:$0x3], $0x1, s29, s16, $0xb8;
	[tilespmem:$0x1DCB0] =	vst v63  }
0x102: {  	p2 =	por p1, !p2;
	_ =	swait.ge @!p1 [sflag:s15], $0x6400  }
.Ltmp3:
0x103: {  	[sflag:s15] =	ssyncset.done @!p1 $0x0;
	(pc) =	sbr.rel @!p2 .LBB2_6-.Ltmp3, $4  }
0x104: {  	[sflag:s15] =	ssyncadd.s32 @!p1 $0xFFFF9C00;
	s15 =	simm.s32 @!p1 $0x3  }
0x105: {  	_ =	swait.ge @!p1 [sflag:s15], $0x190  }
0x106: {  	[sflag:s15] =	ssyncset.done @!p1 $0x0  }
0x107: {  	[sflag:s15] =	ssyncadd.s32 @!p1 $0xFFFFFE70  }
0x108: {  	_ =	swait.ge [sflag:s14], $0x190  }
0x109: {  	[sflag:s14] =	ssyncset.done $0x0  }
0x10a: {  	[sflag:s14] =	ssyncadd.s32 $0xFFFFFE70  }
0x10b: {  	s15 =	smul.u32 $0x640, s25;
	_ =	swait.ge [sflag:s14], $0x190  }
0x10c: {  	[sflag:s14] =	ssyncset.done $0x0  }
0x10d: {  	s25 =	sshrl.u32 s15, $0x2;
	[sflag:s14] =	ssyncadd.s32 $0xFFFFFE70  }
0x10e: {  	v3 =	vld [tilespmem:s25+$0x0]  }
0x10f: {  	v4 =	vld [tilespmem:s25+$0x10]  }
0x110: {  	v5 =	vld [tilespmem:s25+$0x20]  }
0x111: {  	v6 =	vld [tilespmem:s25+$0x30]  }
0x112: {  	v7 =	vld [tilespmem:s25+$0x40]  }
0x113: {  	v8 =	vld [tilespmem:s25+$0x50];
	v3 =	vshll.u32 v3, $0x1  }
0x114: {  	v9 =	vld [tilespmem:s25+$0x60];
	v4 =	vshll.u32 v4, $0x1;
	v3 =	vor.u32 v0, v3  }
0x115: {  	v24 =	vld [tilespmem:s25+$0x70];
	v23 =	vshll.u32 v5, $0x1;
	[tilespmem:s25+$0x0] =	vst v3;
	v3 =	vor.u32 v0, v4  }
0x116: {  	v26 =	vld [tilespmem:s25+$0x80];
	v25 =	vshll.u32 v6, $0x1;
	[tilespmem:s25+$0x10] =	vst v3;
	v3 =	vor.u32 v0, v23  }
0x117: {  	v28 =	vld [tilespmem:s25+$0x90];
	v27 =	vshll.u32 v7, $0x1;
	[tilespmem:s25+$0x20] =	vst v3;
	v3 =	vor.u32 v0, v25  }
0x118: {  	v30 =	vld [tilespmem:s25+$0xA0];
	v29 =	vshll.u32 v8, $0x1;
	[tilespmem:s25+$0x30] =	vst v3;
	v3 =	vor.u32 v0, v27  }
0x119: {  	v32 =	vld [tilespmem:s25+$0xB0];
	v31 =	vshll.u32 v9, $0x1;
	[tilespmem:s25+$0x40] =	vst v3;
	v3 =	vor.u32 v0, v29  }
0x11a: {  	v34 =	vld [tilespmem:s25+$0xC0];
	v33 =	vshll.u32 v24, $0x1;
	[tilespmem:s25+$0x50] =	vst v3;
	v3 =	vor.u32 v0, v31  }
0x11b: {  	v36 =	vld [tilespmem:s25+$0xD0];
	v35 =	vshll.u32 v26, $0x1;
	[tilespmem:s25+$0x60] =	vst v3;
	v3 =	vor.u32 v0, v33  }
0x11c: {  	v38 =	vld [tilespmem:s25+$0xE0];
	v37 =	vshll.u32 v28, $0x1;
	[tilespmem:s25+$0x70] =	vst v3;
	v3 =	vor.u32 v0, v35  }
0x11d: {  	v40 =	vld [tilespmem:s25+$0xF0];
	v39 =	vshll.u32 v30, $0x1;
	[tilespmem:s25+$0x80] =	vst v3;
	v3 =	vor.u32 v0, v37  }
0x11e: {  	v42 =	vld [tilespmem:s25+$0x100];
	v41 =	vshll.u32 v32, $0x1;
	[tilespmem:s25+$0x90] =	vst v3;
	v3 =	vor.u32 v0, v39  }
0x11f: {  	v44 =	vld [tilespmem:s25+$0x110];
	v43 =	vshll.u32 v34, $0x1;
	[tilespmem:s25+$0xA0] =	vst v3;
	v3 =	vor.u32 v0, v41  }
0x120: {  	v46 =	vld [tilespmem:s25+$0x120];
	v45 =	vshll.u32 v36, $0x1;
	[tilespmem:s25+$0xB0] =	vst v3;
	v3 =	vor.u32 v0, v43  }
0x121: {  	v48 =	vld [tilespmem:s25+$0x130];
	v47 =	vshll.u32 v38, $0x1;
	[tilespmem:s25+$0xC0] =	vst v3;
	v3 =	vor.u32 v0, v45  }
0x122: {  	v50 =	vld [tilespmem:s25+$0x140];
	v49 =	vshll.u32 v40, $0x1;
	[tilespmem:s25+$0xD0] =	vst v3;
	v3 =	vor.u32 v0, v47  }
0x123: {  	s28 =	sadd.s32 $0x156, s24;
	v52 =	vld [tilespmem:s25+$0x150];
	v51 =	vshll.u32 v42, $0x1;
	[tilespmem:s25+$0xE0] =	vst v3;
	v3 =	vor.u32 v0, v49  }
0x124: {  	s15 =	sshrl.u32 s28, $0x9;
	v54 =	vld [tilespmem:s25+$0x160];
	v53 =	vshll.u32 v44, $0x1;
	[tilespmem:s25+$0xF0] =	vst v3;
	v3 =	vor.u32 v0, v51  }
0x125: {  	s15 =	sand.u32 $0x7F, s15;
	v56 =	vld [tilespmem:s25+$0x170];
	v55 =	vshll.u32 v46, $0x1;
	[tilespmem:s25+$0x100] =	vst v3;
	v3 =	vor.u32 v0, v53  }
0x126: {  	s15 =	smul.u32 $0x3, s15;
	v58 =	vld [tilespmem:s25+$0x180];
	v57 =	vshll.u32 v48, $0x1;
	[tilespmem:s25+$0x110] =	vst v3;
	v3 =	vor.u32 v0, v55  }
0x127: {  	v59 =	vshll.u32 v50, $0x1;
	[tilespmem:s25+$0x120] =	vst v3;
	v3 =	vor.u32 v0, v57  }
0x128: {  	s15 =	ssub.s32 s23, s15;
	v60 =	vshll.u32 v52, $0x1;
	[tilespmem:s25+$0x130] =	vst v3;
	v3 =	vor.u32 v0, v59  }
0x129: {  	s15 =	sand.u32 $0xFF, s15;
	v61 =	vshll.u32 v54, $0x1;
	[tilespmem:s25+$0x140] =	vst v3;
	v3 =	vor.u32 v0, v60  }
0x12a: {  	s15 =	smul.u32 $0x19000, s15;
	v62 =	vshll.u32 v56, $0x1;
	[tilespmem:s25+$0x150] =	vst v3;
	v3 =	vor.u32 v0, v61  }
0x12b: {  	v63 =	vshll.u32 v58, $0x1;
	[tilespmem:s25+$0x160] =	vst v3;
	v3 =	vor.u32 v0, v62  }
0x12c: {  	s15 =	sshrl.u32 s15, $0x2;
	[tilespmem:s25+$0x170] =	vst v3;
	v3 =	vor.u32 v0, v63  }
0x12d: {  	s29 =	sadd.s32 $0xC80, s15;
	[tilespmem:s25+$0x180] =	vst v3  }
0x12e: {  	[tilespmem:s29], [sflag:$0x1] =	stream.indirect.gather [hbm4b:s1+s16], $0x40, s25, s16, $0xb8;
	[tilespmem:$0x1DCB0] =	vst v63  }
0x12f: {  	s24 =	sadd.s32 $0x50, s25;
	s26 =	sadd.s32 $0x2080, s15  }
0x130: {  	[tilespmem:s26], [sflag:$0x1] =	stream.indirect.gather [hbm4b:s1+s16], $0x40, s24, s16, $0xb8;
	[tilespmem:$0x1DCB0] =	vst v63  }
0x131: {  	s28 =	sadd.s32 $0xA0, s25;
	s29 =	sadd.s32 $0x3480, s15  }
0x132: {  	[tilespmem:s29], [sflag:$0x1] =	stream.indirect.gather [hbm4b:s1+s16], $0x40, s28, s16, $0xb8;
	[tilespmem:$0x1DCB0] =	vst v63  }
.Ltmp4:
0x133: {  	_ = 	snop;
	(pc) =	sbr.rel .LBB2_6-.Ltmp4, $4  }
0x134: {  	s26 =	sadd.s32 $0xF0, s25;
	s28 =	sadd.s32 $0x4880, s15  }
0x135: {  	[tilespmem:s28], [sflag:$0x1] =	stream.indirect.gather [hbm4b:s1+s16], $0x40, s26, s16, $0xb8;
	[tilespmem:$0x1DCB0] =	vst v63  }
0x136: {  	s29 =	sadd.s32 $0x140, s25;
	s15 =	sadd.s32 $0x5C80, s15  }
0x137: {  	[tilespmem:s15], [sflag:$0x1] =	stream.indirect.gather [hbm4b:s1+s16], $0x40, s29, s16, $0xb8;
	[tilespmem:$0x1DCB0] =	vst v63  }
.LBB2_7:
0x138: {  	_ =	swait.ge [sflag:s18], $0x6400  }
0x139: {  	[sflag:s18] =	ssyncset.done $0x0  }
0x13a: {  	[sflag:s18] =	ssyncadd.s32 $0xFFFF9C00  }
0x13b: {  	_ =	swait.ge [sflag:s13], $0x190  }
0x13c: {  	[sflag:s13] =	ssyncset.done $0x0  }
0x13d: {  	[sflag:s13] =	ssyncadd.s32 $0xFFFFFE70  }
0x13e: {  	[bflag:$0x0] =	sbarrier.arrive $0xFFFF  }
0x13f: {  	[tilespmem:s10], [sflag:$0x1] =	stream.linear.gather [spmem:s9], $0x1400, $0x38;
	[tilespmem:$0x1DCB0] =	vst v63  }
0x140: {  	s23 =	simm.s32 $0x0  }
0x141: {  	[tilespmem:s11], [sflag:$0x1] =	stream.linear.gather [spmem:s0], $0x50, $0x38;
	[tilespmem:$0x1DCB0] =	vst v63  }
.LBB2_8:
0x142: {  	_ =	swait.ge [sflag:s12], $0x1400  }
0x143: {  	p1 =	seq.s32 s23, $0x0;
	[sflag:s12] =	ssyncset.done $0x0  }
0x144: {  	p2 =	seq.s32 @!p1 s23, $0x7;
	[sflag:s12] =	ssyncadd.s32 $0xFFFFEC00  }
0x145: {  	p2 =	por p1, !p2;
	_ =	swait.ge [sflag:s12], $0x50  }
.Ltmp5:
0x146: {  	[sflag:s12] =	ssyncset.done $0x0;
	(pc) =	sbr.rel @!p2 .LBB2_10-.Ltmp5, $4  }
0x147: {  	s15 =	simm.s32 @!p1 $0x2;
	[sflag:s12] =	ssyncadd.s32 $0xFFFFFFB0  }
0x148: {  	_ =	swait.ge @!p1 [sflag:s15], $0x1400  }
0x149: {  	[sflag:s15] =	ssyncset.done @!p1 $0x0  }
0x14a: {  	s25 =	sand.u32 $0x1, s23;
	s20 =	simm.s32 @!p1 $0x8;
	[sflag:s15] =	ssyncadd.s32 @!p1 $0xFFFFEC00  }
0x14b: {  	s20 =	sadd.s32 @!p1 $0x1, s23  }
0x14c: {  	s20 =	simm.s32 @p1 $0x1  }
0x14d: {  	s15 =	smul.u32 $0x50, s20  }
0x14e: {  	s24 =	sxor.u32 $0x1, s25  }
0x14f: {  	s26 =	smul.u32 $0x19000, s24;
	s15 =	sadd.s32 s6, s15  }
0x150: {  	s24 =	smul.u32 $0x140, s24;
	s28 =	sshll.u32 s15, $0x6  }
0x151: {  	s26 =	sshrl.u32 s26, $0x2;
	s28 =	sand.u32 $0x3FFFFFC0, s28  }
0x152: {  	s24 =	sshrl.u32 s24, $0x2;
	s26 =	sadd.s32 $0xC80, s26;
	s28 =	sadd.s32 s28, s2  }
0x153: {  	[tilespmem:s26], [sflag:$0x1] =	stream.linear.gather [spmem:s28], $0x1400, $0x38;
	[tilespmem:$0x1DCB0] =	vst v63  }
0x154: {  	s24 =	sadd.s32 $0x138D0, s24;
	s15 =	sadd.s32 s15, s3  }
0x155: {  	[tilespmem:s24], [sflag:$0x1] =	stream.linear.gather [spmem:s15], $0x50, $0x38;
	[tilespmem:$0x1DCB0] =	vst v63  }
.LBB2_10:
0x156: {  	s15 =	smul.u32 $0x140, s25;
	_ =	sdelay $0x1  }
0x157: {  	s15 =	sshrl.u32 s15, $0x2  }
0x158: {  	v3 =	vld [tilespmem:s15+$0x138D0];
	_ =	sdelay $0x4  }
0x159: {  	v3 =	vmax.f32 v3, $1.000000000e+00  }
0x15a: {  	(erf) = vrcp.f32 v3;
	_ =	sdelay $0x6  }
0x15b: {  	s24 =	smul.u32 $0x180, s25;
	_ =	sdelay $0x1  }
0x15c: {  	s26 =	sshrl.u32 s24, $0x2;
	v3 =	vpop (erf)  }
0x15d: {  	[tilespmem:s26+$0x13970] =	vst v3  }
0x15e: {  	v3 =	vld [tilespmem:s15+$0x138E0];
	_ =	sdelay $0x4  }
0x15f: {  	v3 =	vmax.f32 v3, $1.000000000e+00  }
0x160: {  	(erf) = vrcp.f32 v3;
	_ =	sdelay $0x8  }
0x161: {  	v3 =	vpop (erf)  }
0x162: {  	[tilespmem:s26+$0x13980] =	vst v3  }
0x163: {  	v3 =	vld [tilespmem:s15+$0x138F0];
	_ =	sdelay $0x4  }
0x164: {  	v3 =	vmax.f32 v3, $1.000000000e+00  }
0x165: {  	(erf) = vrcp.f32 v3;
	_ =	sdelay $0x8  }
0x166: {  	v3 =	vpop (erf)  }
0x167: {  	[tilespmem:s26+$0x13990] =	vst v3  }
0x168: {  	v3 =	vld [tilespmem:s15+$0x13900];
	_ =	sdelay $0x4  }
0x169: {  	v3 =	vmax.f32 v3, $1.000000000e+00  }
0x16a: {  	(erf) = vrcp.f32 v3;
	_ =	sdelay $0x8  }
0x16b: {  	v3 =	vpop (erf)  }
0x16c: {  	[tilespmem:s26+$0x139A0] =	vst v3  }
0x16d: {  	v3 =	vld [tilespmem:s15+$0x13910];
	_ =	sdelay $0x4  }
0x16e: {  	v3 =	vmax.f32 v3, $1.000000000e+00  }
0x16f: {  	(erf) = vrcp.f32 v3;
	_ =	sdelay $0x5  }
0x170: {  	s24 =	smul.u32 $0x50, s23;
	_ =	sdelay $0x1  }
0x171: {  	s23 =	sadd.s32 s6, s24  }
0x172: {  	s28 =	smul.u32 $0x19000, s25;
	s25 =	simm.s32 @!p0 $0x5;
	s15 =	sshrl.u32 @!p0 s23, $0x3;
	v3 =	vpop (erf)  }
0x173: {  	s24 =	sadd.s32 $0x13970, s26;
	s15 =	sadd.s32 @!p0 s8, s15;
	[tilespmem:s26+$0x139B0] =	vst v3;
	s26 =	simm.s32 @!p0 $0x0  }
0x174: {  	[hbm4b:s15+s26] =	stream.linear.scatter @!p0 [tilespmem:s24], [sflag:$0x5], $0x50, $0x38;
	[tilespmem:$0x1DCB0] =	vst v63  }
0x175: {  	_ =	swait.ge @!p0 [sflag:s25], $0x50  }
0x176: {  	s15 =	sshrl.u32 s28, $0x2;
	[sflag:s25] =	ssyncset.done @!p0 $0x0  }
0x177: {  	s28 =	simm.s32 $0x0;
	s26 =	sadd.s32 $0xCA0, s15;
	[sflag:s25] =	ssyncadd.s32 @!p0 $0xFFFFFFB0  }
0x178: {  	s29 =	sand.u32 $0x78, s28;
	v3 =	vld [tilespmem:s26+$0xFFFFFFF0]  }
0x179: {  	s28 =	sand.u32 $0x7, s28;
	s25 =	sadd.s32 s29, s24;
	v5 =	vld [tilespmem:s26+$0x10]  }
0x17a: {  	s25 =	sadd.s32 s28, s25;
	v4 =	vld [tilespmem:s26+$0xFFFFFFE0]  }
0x17b: {  	v7 =	vld.msk [tilespmem:s25+$0x0 ss:$0x0], $0xffff  }
0x17c: {  	v8 =	vld [tilespmem:s26+$0x0];
	_ =	sdelay $0x3  }
0x17d: {  	v4 =	vmul.f32 v7, v4;
	v6 =	vmul.f32 v5, v7  }
0x17e: {  	s31 =	simm.s32 $0x1;
	s30 =	sadd.s32 $0xC80, s15;
	s25 =	smov.u32 s26;
	v5 =	vmul.f32 v3, v7;
	v3 =	vmul.f32 v8, v7  }
.LBB2_11:
0x17f: {  	p1 =	sne.s32 s31, $0x4F  }
0x180: {  	[tilespmem:s26+$0x10] =	vst v6;
	s25 =	sadd.s32 $0x40, s25;
	s15 =	smov.u32 s31;
	s31 =	sadd.s32 $0x1, s31  }
0x181: {  	s28 =	sand.u32 $0x78, s15;
	[tilespmem:s26+$0xFFFFFFE0] =	vst v4  }
0x182: {  	s15 =	sand.u32 $0x7, s15;
	s28 =	sadd.s32 s28, s24;
	v7 =	vld [tilespmem:s25+$0xFFFFFFF0];
	[tilespmem:s26+$0xFFFFFFF0] =	vst v5  }
0x183: {  	s15 =	sadd.s32 s15, s28;
	v5 =	vld [tilespmem:s25+$0x10];
	[tilespmem:s26+$0x0] =	vst v3;
	s26 =	smov.u32 s25  }
0x184: {  	v3 =	vld.msk [tilespmem:s15+$0x0 ss:$0x0], $0xffff  }
0x185: {  	v4 =	vld [tilespmem:s25+$0xFFFFFFE0]  }
0x186: {  	v8 =	vld [tilespmem:s25+$0x0]  }
.Ltmp6:
0x187: {  	(pc) =	sbr.rel @p1 .LBB2_11-.Ltmp6, $3  }
0x188: {  	_ =	sdelay $0x1  }
0x189: {  	v6 =	vmul.f32 v5, v3;
	v4 =	vmul.f32 v3, v4  }
0x18a: {  	v5 =	vmul.f32 v7, v3;
	v3 =	vmul.f32 v8, v3  }
0x18b: {  	p1 =	slt.u32 s20, $0x8  }
.Ltmp7:
0x18c: {  	[tilespmem:s26+$0x10] =	vst v6;
	s15 =	sshll.u32 s23, $0x6;
	(pc) =	sbr.rel @p1 .LBB2_8-.Ltmp7, $4  }
0x18d: {  	[tilespmem:s26+$0xFFFFFFE0] =	vst v4;
	s15 =	sadd.s32 s4, s15  }
0x18e: {  	[tilespmem:s26+$0xFFFFFFF0] =	vst v5;
	s15 =	sshrl.u32 s15, $0x3  }
0x18f: {  	s23 =	smov.u32 s20;
	[tilespmem:s26+$0x0] =	vst v3;
	s15 =	sadd.s32 s7, s15  }
0x190: {  	[hbm4b:s15+s5] =	stream.linear.scatter [tilespmem:s30], [sflag:$0x2], $0x1400, $0x38;
	[tilespmem:$0x1DCB0] =	vst v63  }
0x191: {  	_ =	swait.ge [sflag:s18], $0x1400  }
0x192: {  	s19 =	sadd.s32 $0x1, s19;
	s15 =	rddreg [dreg:$0x17]  }
0x193: {  	p1 =	sne.s32 s19, s15  }
.Ltmp8:
0x194: {  	_ = 	snop;
	(pc) =	sbr.rel @p1 .LBB2_1-.Ltmp8, $3  }
0x195: {  	_ =	sdelay $0x1  }
0x196: {  	[sflag:s18] =	ssyncset.done $0x0  }
0x197: {  	[sflag:s18] =	ssyncadd.s32 $0xFFFFEC00  }
0x198: {  	_ =	sfence.sel $0x180000  }
0x199: {  	[bflag:$0x0] =	sbarrier.arrive $0xFFFF  }
0x19a: {  	_ =	strace $0x90000047  }
0x19b: {  	s0 =	stileid.u32;
	[bflag:$0x2] =	sbarrier.arrive $0xFFFF  }
0x19c: {  	p0 =	sne.s32 s0, $0x0;
	s0 =	rddreg [dreg:$0x4]  }
0x19d: {  	s0 =	sadd.s32 @!p0 $0x100000, s0  }
0x19e: {  	[sflag:s0] =	ssyncadd.tile.s32 @!p0 $0x1;
	_ =	shalt  }
.Lfunc_end2:
_tile_overlayer_lowered:
.L_overlay_start_2:
0x19f: {  	(tag) =	ssettag $0x2  }
0x1a0: {  	s0 =	rddreg [dreg:$0x0];
	s2 =	stileid.u32  }
0x1a1: {  	s1 =	rddreg [dreg:$0x1];
	p0 =	sne.s32 s2, $0x0  }
0x1a2: {  	s3 =	rddreg [dreg:$0x2];
	[bflag:$0x3] =	sbarrier.arrive $0xFFFF;
	s2 =	simm.s32 @!p0 $0x1C05  }
0x1a3: {  	[timem:s3], [sflag:s2] =	dma.local @!p0 [hbm:s0], s1  }
0x1a4: {  	s0 =	simm.s32 @!p0 $0x5  }
0x1a5: {  	_ =	swait.ge @!p0 [sflag:s0], s1  }
0x1a6: {  	s1 =	ssub.s32 @!p0 $0x0, s1;
	[sflag:s0] =	ssyncset.done @!p0 $0x0  }
0x1a7: {  	[sflag:s0] =	ssyncadd.s32 @!p0 s1  }
0x1a8: {  	[bflag:$0x3] =	sbarrier.arrive $0xFFFF  }
0x1a9: {  	_ =	shalt  }

// kernel: kernel.9.cloned.1.call-start
scs
__scs_entry_jumppad:
0x0: {  	(pc) =	sbr.rel $0x88, $3  }
0x1: {  	(tag) =	ssettag $0x0;
	lr =	simm.s32 $0x1  }
0x2: {  	[smem:$0x3F91] =	sst lr;
	_ =	strace $0xD0000000  }
0x3: {  	_ = 	snop  }
0x4: {  	_ = 	snop  }
0x5: {  	_ = 	snop  }
0x6: {  	_ = 	snop  }
0x7: {  	_ = 	snop  }
__scs_overlays_trampoline_lowered:
0x8: {  	[smem:$0x3FA0] =	sst s0  }
0x9: {  	[smem:$0x3FA1] =	sst s1  }
0xa: {  	[smem:$0x3FA2] =	sst s2  }
0xb: {  	[smem:$0x3FA3] =	sst s3  }
0xc: {  	[smem:$0x3FA4] =	sst s4  }
0xd: {  	[smem:$0x3FA5] =	sst s5  }
0xe: {  	[smem:$0x3FA6] =	sst s6  }
0xf: {  	[smem:$0x3FA7] =	sst s7  }
0x10: {  	[smem:$0x3FA8] =	sst s8  }
0x11: {  	[smem:$0x3FA9] =	sst s9;
	s0 =	simm.s32 @!p0 $0x0  }
0x12: {  	s1 =	sld [smem:$0x3F8F];
	s0 =	simm.s32 @p0 $0x1  }
0x13: {  	[smem:$0x3FAA] =	sst s0;
	s0 =	simm.s32 @!p1 $0x0  }
0x14: {  	s2 =	sld [smem:$0x3F8E];
	s0 =	simm.s32 @p1 $0x1  }
0x15: {  	[smem:$0x3FAB] =	sst s0;
	s0 =	simm.s32 @!p2 $0x0  }
0x16: {  	s3 =	sld [smem:$0x3FDB];
	s0 =	simm.s32 @p2 $0x1  }
0x17: {  	s4 =	simm.s32 $0x1BF5;
	[smem:$0x3FAD] =	sst s0  }
0x18: {  	s0 =	sld [smem:$0x3F90];
	_ =	swait.ge [sflag:s4], $0x0  }
0x19: {  	s7 =	sld [smem:$0x3F91]  }
0x1a: {  	s8 =	sadd.s32 $0xFFFFE003, lr  }
0x1b: {  	s9 =	sadd.s32 $0xFFFFFEF7, lr;
	s5 =	simm.s32 $0xFFFFFFFF;
	p2 =	slt.u32 s8, $0xFFFFF086  }
0x1c: {  	p1 =	slt.u32 s9, $0xF7A;
	s5 =	simm.s32 @!p2 $0x0  }
0x1d: {  	s5 =	simm.s32 @p1 $0x1;
	p0 =	seq.s32 s7, s2  }
0x1e: {  	s7 =	smul.u32 @!p0 $0xF7A, s2;
	p2 =	seq.s32 @!p0 s5, $0x0  }
0x1f: {  	s9 =	smul.u32 $0xF7A, s1;
	s8 =	simm.s32 @!p0 $0x1BF5;
	p2 =	por !p2, p0  }
0x20: {  	[sflag:s8] =	ssyncset.s32 @!p0 $0xFFFFF086;
	s6 =	sadd.s32 @!p0 s3, s7;
	s7 =	simm.s32 @!p0 $0x108  }
0x21: {  	s3 =	sadd.s32 s3, s9;
	s6 =	sadd.s32 @!p0 $0x88, s6;
	s7 =	simm.s32 @p2 $0x1082  }
0x22: {  	[simem:s7], [sflag:s8] =	dma.local @!p0 [hbm:s6], $0xF7A  }
0x23: {  	s9 =	sor.u32 $0xD0000000, s2;
	s6 =	simm.s32 $0x108;
	_ =	swait.ge @!p0 [sflag:s8], $0x0  }
0x24: {  	s3 =	sadd.s32 $0x88, s3;
	s6 =	simm.s32 @!p1 $0x1082;
	[sflag:s4] =	ssyncset.s32 $0xFFFFF086  }
0x25: {  	[simem:s6], [sflag:s4] =	dma.local [hbm:s3], $0xF7A  }
0x26: {  	[smem:$0x3F91] =	sst s1;
	(tag) =	ssettag s2;
	_ =	strace s9  }
0x27: {  	s1 =	sld [smem:$0x3FA1]  }
0x28: {  	s2 =	sld [smem:$0x3FA2]  }
0x29: {  	s4 =	sld [smem:$0x3FA4]  }
0x2a: {  	p0 =	seq.s32 s5, $0x0;
	s5 =	sld [smem:$0x3FA5]  }
0x2b: {  	s6 =	sld [smem:$0x3FA6]  }
0x2c: {  	s7 =	sld [smem:$0x3FA7]  }
0x2d: {  	s3 =	simm.s32 $0x108;
	s8 =	sld [smem:$0x3FA8]  }
0x2e: {  	s3 =	simm.s32 @!p0 $0x1082;
	s9 =	sld [smem:$0x3FA9]  }
0x2f: {  	lr =	sadd.s32 s0, s3;
	s0 =	sld [smem:$0x3FA0]  }
0x30: {  	s3 =	sld [smem:$0x3FA3]  }
0x31: {  	[smem:$0x3FAC] =	sst s10  }
0x32: {  	s10 =	sld [smem:$0x3FAA];
	_ =	sdelay $0x3  }
0x33: {  	p0 =	seq.s32 s10, $0x1;
	s10 =	sld [smem:$0x3FAC];
	_ =	sdelay $0x3  }
0x34: {  	[smem:$0x3FAC] =	sst s10  }
0x35: {  	s10 =	sld [smem:$0x3FAB];
	_ =	sdelay $0x3  }
0x36: {  	p1 =	seq.s32 s10, $0x1;
	s10 =	sld [smem:$0x3FAC];
	_ =	sdelay $0x3  }
0x37: {  	[smem:$0x3FAC] =	sst s10  }
0x38: {  	s10 =	sld [smem:$0x3FAD]  }
0x39: {  	_ = 	snop;
	(pc) =	sbr.ind lr, $3  }
0x3a: {  	_ = 	snop  }
0x3b: {  	_ = 	snop  }
0x3c: {  	p2 =	seq.s32 s10, $0x1;
	s10 =	sld [smem:$0x3FAC]  }
0x3d: {  	_ =	shalt  }
0x3e: {  	_ =	shalt  }
0x3f: {  	_ =	shalt  }
0x40: {  	_ =	shalt  }
0x41: {  	_ =	shalt  }
0x42: {  	_ =	shalt  }
0x43: {  	_ =	shalt  }
0x44: {  	_ =	shalt  }
0x45: {  	_ =	shalt  }
0x46: {  	_ =	shalt  }
0x47: {  	_ =	shalt  }
0x48: {  	_ =	shalt  }
0x49: {  	_ =	shalt  }
0x4a: {  	_ =	shalt  }
0x4b: {  	_ =	shalt  }
0x4c: {  	_ =	shalt  }
0x4d: {  	_ =	shalt  }
0x4e: {  	_ =	shalt  }
0x4f: {  	_ =	shalt  }
0x50: {  	_ =	shalt  }
0x51: {  	_ =	shalt  }
0x52: {  	_ =	shalt  }
0x53: {  	_ =	shalt  }
0x54: {  	_ =	shalt  }
0x55: {  	_ =	shalt  }
0x56: {  	_ =	shalt  }
0x57: {  	_ =	shalt  }
0x58: {  	_ =	shalt  }
0x59: {  	_ =	shalt  }
0x5a: {  	_ =	shalt  }
0x5b: {  	_ =	shalt  }
0x5c: {  	_ =	shalt  }
0x5d: {  	_ =	shalt  }
0x5e: {  	_ =	shalt  }
0x5f: {  	_ =	shalt  }
0x60: {  	_ =	shalt  }
0x61: {  	_ =	shalt  }
0x62: {  	_ =	shalt  }
0x63: {  	_ =	shalt  }
0x64: {  	_ =	shalt  }
0x65: {  	_ =	shalt  }
0x66: {  	_ =	shalt  }
0x67: {  	_ =	shalt  }
0x68: {  	_ =	shalt  }
0x69: {  	_ =	shalt  }
0x6a: {  	_ =	shalt  }
0x6b: {  	_ =	shalt  }
0x6c: {  	_ =	shalt  }
0x6d: {  	_ =	shalt  }
0x6e: {  	_ =	shalt  }
0x6f: {  	_ =	shalt  }
0x70: {  	_ =	shalt  }
0x71: {  	_ =	shalt  }
0x72: {  	_ =	shalt  }
0x73: {  	_ =	shalt  }
0x74: {  	_ =	shalt  }
0x75: {  	_ =	shalt  }
0x76: {  	_ =	shalt  }
0x77: {  	_ =	shalt  }
0x78: {  	_ =	shalt  }
0x79: {  	_ =	shalt  }
0x7a: {  	_ =	shalt  }
0x7b: {  	_ =	shalt  }
0x7c: {  	_ =	shalt  }
0x7d: {  	_ =	shalt  }
0x7e: {  	_ =	shalt  }
0x7f: {  	_ =	shalt  }
0x80: {  	_ =	shalt  }
0x81: {  	_ =	shalt  }
0x82: {  	_ =	shalt  }
0x83: {  	_ =	shalt  }
0x84: {  	_ =	shalt  }
0x85: {  	_ =	shalt  }
0x86: {  	_ =	shalt  }
0x87: {  	_ =	shalt  }
.Lfunc_end0:
.L_simem_size_0:
called_computation.1_lowered:
.L_overlay_start_0:
0x88: {  	s2 =	sld [smem:$0x3FD9]  }
0x89: {  	s3 =	sld [smem:$0x3FFE];
	_ =	sdelay $0x1  }
0x8a: {  	s1 =	srdreg.scid  }
0x8b: {  	s0 =	sand.u32 $0x1, s1  }
0x8c: {  	s16 =	sshll.u32 s0, $0xA;
	s2 =	sadd.s32 s3, s2  }
0x8d: {  	s2 =	sadd.s32 s2, s16  }
0x8e: {  	[smem:$0x3FB8] =	sst s2  }
0x8f: {  	_ = 	snop  }
0x90: {  	(tm) =	ssettm $0x1  }
0x91: {  	s17 =	sld [smem:$0x3FFB];
	_ =	sdelay $0x3  }
0x92: {  	_ =	strace s17  }
0x93: {  	s2 =	sld [smem:$0x3FFC];
	_ =	sdelay $0x3  }
0x94: {  	_ =	strace s2  }
0x95: {  	s2 =	sld [smem:$0x3FFD];
	_ =	sdelay $0x3  }
0x96: {  	_ =	strace s2  }
0x97: {  	_ =	strace $0x8FFFFFFF  }
0x98: {  	s18 =	sld [smem:$0x3FDB];
	_ =	sdelay $0x1  }
0x99: {  	s19 =	simm.s32 $_scs_section_size  }
0x9a: {  	s4 =	simm.s32 $_size__tile_overlayer_lowered;
	s5 =	simm.s32 $_tile_overlayer_lowered  }
0x9b: {  	s22 =	simm.s32 $0x1BFF;
	s21 =	sshll.u32 s5, $0x1;
	s2 =	sadd.s32 s19, s18  }
0x9c: {  	s6 =	simm.s32 $0x0;
	s20 =	sshll.u32 s4, $0x1;
	s4 =	sadd.s32 s21, s2  }
0x9d: {  	[timem:s6], [sflag:s22] =	dma.local [hbm:s4], s20  }
0x9e: {  	_ =	swait.ge [sflag:s22], s20  }
0x9f: {  	s3 =	ssub.s32 $0x0, s20;
	[sflag:s22] =	ssyncset.done $0x0  }
0xa0: {  	[sflag:s22] =	ssyncadd.s32 s3;
	_ =	sdelay $0x1  }
0xa1: {  	s23 =	simm.s32 $0x1B8B  }
0xa2: {  	_ =	swait.ge [sflag:s23], $0x1  }
0xa3: {  	[sflag:s23] =	ssyncset.done $0x0  }
0xa4: {  	s25 =	simm.s32 $0x1B8E;
	s24 =	sld [smem:$0x3FFE];
	[sflag:s23] =	ssyncadd.s32 $0xFFFFFFFF  }
0xa5: {  	s26 =	simm.s32 $execute0_lowered;
	[smem:$0x3FD2] =	sst s25  }
0xa6: {  	s4 =	sshll.u32 s26, $0x1;
	_ =	strace $0x80000049;
	[dreg:$0x1] =	wrdreg $0xFFFFFFFF  }
0xa7: {  	s28 =	simm.s32 $_size_execute0_lowered;
	s2 =	sadd.s32 s2, s4;
	[dreg:$0x0] =	wrdreg $0x0  }
0xa8: {  	s4 =	sshll.u32 s28, $0x1;
	[dreg:$0x2] =	wrdreg s2  }
0xa9: {  	[dreg:$0x3] =	wrdreg s4  }
0xaa: {  	[dreg:$0x4] =	wrdreg $0xC0  }
0xab: {  	_ =	task [dreg:s6], $0x5FFFF  }
0xac: {  	[dreg:$0x1] =	wrdreg $0xFFFFFFFF  }
0xad: {  	[dreg:$0x0] =	wrdreg $0x60  }
0xae: {  	[dreg:$0x2] =	wrdreg s24  }
0xaf: {  	[dreg:$0x3] =	wrdreg $0x13A300  }
0xb0: {  	[dreg:$0x4] =	wrdreg $0x9  }
0xb1: {  	_ =	task.clear_ibuf [dreg:s6], $0x5FFFF;
	_ =	strace $0x90000049  }
0xb2: {  	s29 =	simm.s32 $0x9;
	_ =	strace $0x8000004B  }
0xb3: {  	_ =	swait.ge [sflag:s29], $0x1  }
0xb4: {  	[sflag:s29] =	ssyncadd.s32 $0xFFFFFFFF  }
0xb5: {  	_ =	strace $0x9000004B  }
0xb6: {  	_ =	sfence  }
0xb7: {  	s30 =	sld [smem:$0x0];
	_ =	sdelay $0x2  }
0xb8: {  	s31 =	sshll.u32 s1, $0xD;
	s1 =	sshrl.u32 s1, $0x2  }
0xb9: {  	s3 =	sand.u32 $0x4000, s31;
	s1 =	sadd.s32 s1, s30  }
0xba: {  	s0 =	sor.u32 s3, s0;
	s1 =	sshll.u32 s1, $0x11  }
0xbb: {  	s0 =	sor.u32 s1, s0  }
0xbc: {  	s0 =	sadd.s32 $0x8F2B, s0  }
0xbd: {  	[sflag:s0] =	ssyncadd.remote.s32 $0x1  }
0xbe: {  	_ =	sfence.sel $0xFFFF  }
0xbf: {  	[dreg:$0x0] =	wrdreg $0xFFFFFFFF;
	(pc) =	sbr.abs _section_cstart, $3  }
0xc0: {  	[dreg:$0x1] =	wrdreg $0xFFFFFFFF  }
0xc1: {  	_ =	task.clear_ibuf [dreg:s6], $0x2FFFF;
	_ =	strace $0x9FFFFFFF  }
0xc2: {  	(tm) =	ssettm $0x7FFFFFFF  }
0xc3: {  	_ =	shalt  }
tec
execute0_lowered:
.L_overlay_start_1:
0x0: {  	(tag) =	ssettag $0x1  }
0x1: {  	s0 =	rddreg [dreg:$0x0]  }
0x2: {  	s1 =	rddreg [dreg:$0x1]  }
0x3: {  	s2 =	simm.s32 $0x0;
	s5 =	srdreg.scid;
	s12 =	stileid.u32  }
0x4: {  	s29 =	simm.s32 $0x3;
	s30 =	simm.s32 $0x190;
	s8 =	smul.u32 $0x28000, s12  }
0x5: {  	s28 =	simm.s32 $0x2;
	[smem:$0x7FF] =	sst s2;
	s4 =	sadd.s32 $0x16200, s0  }
0x6: {  	s3 =	sadd.s32 $0xC400, s0;
	s9 =	sadd.s32 $0x2600, s0;
	s8 =	sshrl.u32 s8, $0x2  }
0x7: {  	s11 =	sand.u32 $0x1, s5;
	s5 =	sadd.s32 $0x3E200, s0;
	s8 =	sadd.s32 s8, s1  }
0x8: {  	s6 =	sadd.s32 $0x3E800, s0;
	s7 =	smul.u32 $0x280, s12;
	s13 =	sadd.s32 $0x1400, s8  }
0x9: {  	_ =	strace $0x8000004A;
	s19 =	sadd.s32 $0x2800, s8;
	[dreg:$0x3] =	wrdreg s13  }
0xa: {  	s18 =	smul.u32 $0x4E20, s12;
	s20 =	sadd.s32 $0x3C00, s8;
	[dreg:$0x4] =	wrdreg s19  }
0xb: {  	s17 =	ssub.s32 $0x2, s11;
	s21 =	sadd.s32 $0x5000, s8;
	[dreg:$0x5] =	wrdreg s20  }
0xc: {  	s10 =	sshrl.u32 s17, $0x1;
	s22 =	sadd.s32 $0x6400, s8;
	[dreg:$0x6] =	wrdreg s21  }
0xd: {  	s0 =	ssub.s32 s17, s10;
	s23 =	sadd.s32 $0x7800, s8;
	[dreg:$0x7] =	wrdreg s22  }
0xe: {  	s10 =	sshrl.u32 s18, $0x3;
	s24 =	sadd.s32 $0x8C00, s8;
	[dreg:$0x8] =	wrdreg s23  }
0xf: {  	s12 =	smul.u32 $0x9C4, s12;
	s25 =	sadd.s32 s3, s10;
	[dreg:$0x9] =	wrdreg s24  }
0x10: {  	s26 =	sadd.s32 s9, s10;
	s10 =	sadd.s32 $0x32, s10;
	[dreg:$0xa] =	wrdreg s25  }
0x11: {  	s31 =	sshrl.u32 s7, $0x3;
	[dreg:$0xb] =	wrdreg s26;
	s18 =	sadd.s32 s3, s10  }
0x12: {  	s19 =	sadd.s32 s9, s10;
	s20 =	sadd.s32 s5, s31;
	s9 =	sadd.s32 s12, s9  }
0x13: {  	s3 =	sadd.s32 s12, s3;
	s21 =	smul.u32 $0xA0000, s11;
	s22 =	smax.u32 s0, $0x1  }
0x14: {  	s25 =	simm.s32 $0xC80;
	s26 =	simm.s32 $0x1;
	s0 =	simm.s32 $0x50  }
0x15: {  	v1 =	vimm.f32 $0.0e+00;
	v2 =	vimm.f32 $1.000000000e+00;
	v0 =	vmov s11;
	s10 =	sadd.s32 $0x64, s9;
	s9 =	sadd.s32 $0x64, s3;
	s3 =	simm.s32 $0x0  }
.LBB2_1:
0x16: {  	s12 =	simm.s32 $0x100;
	s11 =	simm.s32 $0x0  }
.LBB2_2:
0x17: {  	p0 =	sne.s32 s12, $0x4F00;
	[tilespmem:s11+$0xCB0] =	vst v1;
	s13 =	smov.u32 s12;
	s12 =	sadd.s32 $0x100, s12  }
.Ltmp0:
0x18: {  	[tilespmem:s11+$0xCA0] =	vst v1;
	(pc) =	sbr.rel @p0 .LBB2_2-.Ltmp0, $3  }
0x19: {  	[tilespmem:s11+$0xC80] =	vst v1  }
0x1a: {  	[tilespmem:s11+$0xC90] =	vst v1;
	_ =	sdelay $0x1  }
0x1b: {  	s11 =	sshra.s32 s13, $0x2  }
0x1c: {  	[tilespmem:s11+$0xCB0] =	vst v1  }
0x1d: {  	[tilespmem:s11+$0xCA0] =	vst v1  }
0x1e: {  	[tilespmem:s11+$0xC80] =	vst v1  }
0x1f: {  	[tilespmem:s11+$0xC90] =	vst v1  }
0x20: {  	[tilespmem:$0x138D0] =	vst v1  }
0x21: {  	[tilespmem:$0x13880] =	vst v2  }
0x22: {  	[tilespmem:$0x138E0] =	vst v1  }
0x23: {  	[tilespmem:$0x13890] =	vst v2  }
0x24: {  	[tilespmem:$0x138F0] =	vst v1  }
0x25: {  	[tilespmem:$0x138A0] =	vst v2  }
0x26: {  	[tilespmem:$0x13900] =	vst v1  }
0x27: {  	[tilespmem:$0x138B0] =	vst v2  }
0x28: {  	[tilespmem:$0x13910] =	vst v1  }
0x29: {  	[tilespmem:$0x138C0] =	vst v2  }
0x2a: {  	[spmem:s8] =	stream.linear.scatter [tilespmem:s25], [sflag:$0x1], $0x1400, $0x38;
	[tilespmem:$0x1DA30] =	vst v63  }
0x2b: {  	s23 =	rddreg [dreg:$0x3]  }
0x2c: {  	[spmem:s23] =	stream.linear.scatter [tilespmem:s25], [sflag:$0x1], $0x1400, $0x38;
	[tilespmem:$0x1DA30] =	vst v63  }
0x2d: {  	s24 =	rddreg [dreg:$0x4]  }
0x2e: {  	[spmem:s24] =	stream.linear.scatter [tilespmem:s25], [sflag:$0x1], $0x1400, $0x38;
	[tilespmem:$0x1DA30] =	vst v63  }
0x2f: {  	s12 =	rddreg [dreg:$0x5]  }
0x30: {  	[spmem:s12] =	stream.linear.scatter [tilespmem:s25], [sflag:$0x1], $0x1400, $0x38;
	[tilespmem:$0x1DA30] =	vst v63  }
0x31: {  	s13 =	rddreg [dreg:$0x6]  }
0x32: {  	[spmem:s13] =	stream.linear.scatter [tilespmem:s25], [sflag:$0x1], $0x1400, $0x38;
	[tilespmem:$0x1DA30] =	vst v63  }
0x33: {  	s14 =	rddreg [dreg:$0x7]  }
0x34: {  	[spmem:s14] =	stream.linear.scatter [tilespmem:s25], [sflag:$0x1], $0x1400, $0x38;
	[tilespmem:$0x1DA30] =	vst v63  }
0x35: {  	s15 =	rddreg [dreg:$0x8]  }
0x36: {  	[spmem:s15] =	stream.linear.scatter [tilespmem:s25], [sflag:$0x1], $0x1400, $0x38;
	[tilespmem:$0x1DA30] =	vst v63  }
0x37: {  	s16 =	rddreg [dreg:$0x9]  }
0x38: {  	[spmem:s16] =	stream.linear.scatter [tilespmem:s25], [sflag:$0x1], $0x1400, $0x38;
	[tilespmem:$0x1DA30] =	vst v63  }
0x39: {  	_ =	swait.ge [sflag:s26], $0x6400  }
0x3a: {  	[sflag:s26] =	ssyncset.done $0x0  }
0x3b: {  	[sflag:s26] =	ssyncadd.s32 $0xFFFF9C00  }
0x3c: {  	_ =	swait.ge [sflag:s26], $0x3C00  }
0x3d: {  	[sflag:s26] =	ssyncset.done $0x0  }
0x3e: {  	[sflag:s26] =	ssyncadd.s32 $0xFFFFC400  }
0x3f: {  	[bflag:$0x0] =	sbarrier.arrive $0xFFFF  }
0x40: {  	s31 =	simm.s32 $0x0;
	s17 =	rddreg [dreg:$0xa]  }
0x41: {  	[tilespmem:s31], [sflag:$0x3] =	stream.linear.gather [hbm4b:s17+s31], $0x190, $0x38;
	[tilespmem:$0x1DA30] =	vst v63  }
0x42: {  	s12 =	simm.s32 $0x640;
	s23 =	rddreg [dreg:$0xb]  }
0x43: {  	[tilespmem:s12], [sflag:$0x3] =	stream.linear.gather [hbm4b:s23+s31], $0x190, $0x38;
	[tilespmem:$0x1DA30] =	vst v63  }
0x44: {  	_ =	swait.ge [sflag:s29], $0x190  }
0x45: {  	[sflag:s29] =	ssyncset.done $0x0  }
0x46: {  	[sflag:s29] =	ssyncadd.s32 $0xFFFFFE70  }
0x47: {  	_ =	swait.ge [sflag:s29], $0x190  }
0x48: {  	[sflag:s29] =	ssyncset.done $0x0  }
0x49: {  	[sflag:s29] =	ssyncadd.s32 $0xFFFFFE70  }
0x4a: {  	v3 =	vld [tilespmem:$0x0]  }
0x4b: {  	v4 =	vld [tilespmem:$0x10]  }
0x4c: {  	v5 =	vld [tilespmem:$0x20]  }
0x4d: {  	v6 =	vld [tilespmem:$0x30]  }
0x4e: {  	v7 =	vld [tilespmem:$0x40]  }
0x4f: {  	v8 =	vld [tilespmem:$0x50];
	v3 =	vshll.u32 v3, $0x1  }
0x50: {  	v9 =	vld [tilespmem:$0x60];
	v4 =	vshll.u32 v4, $0x1;
	v3 =	vor.u32 v0, v3  }
0x51: {  	v31 =	vld [tilespmem:$0x70];
	v30 =	vshll.u32 v5, $0x1;
	[tilespmem:$0x0] =	vst v3;
	v3 =	vor.u32 v0, v4  }
0x52: {  	v33 =	vld [tilespmem:$0x80];
	v32 =	vshll.u32 v6, $0x1;
	[tilespmem:$0x10] =	vst v3;
	v3 =	vor.u32 v0, v30  }
0x53: {  	v35 =	vld [tilespmem:$0x90];
	v34 =	vshll.u32 v7, $0x1;
	[tilespmem:$0x20] =	vst v3;
	v3 =	vor.u32 v0, v32  }
0x54: {  	v37 =	vld [tilespmem:$0xA0];
	v36 =	vshll.u32 v8, $0x1;
	[tilespmem:$0x30] =	vst v3;
	v3 =	vor.u32 v0, v34  }
0x55: {  	v39 =	vld [tilespmem:$0xB0];
	v38 =	vshll.u32 v9, $0x1;
	[tilespmem:$0x40] =	vst v3;
	v3 =	vor.u32 v0, v36  }
0x56: {  	v41 =	vld [tilespmem:$0xC0];
	v40 =	vshll.u32 v31, $0x1;
	[tilespmem:$0x50] =	vst v3;
	v3 =	vor.u32 v0, v38  }
0x57: {  	v43 =	vld [tilespmem:$0xD0];
	v42 =	vshll.u32 v33, $0x1;
	[tilespmem:$0x60] =	vst v3;
	v3 =	vor.u32 v0, v40  }
0x58: {  	v45 =	vld [tilespmem:$0xE0];
	v44 =	vshll.u32 v35, $0x1;
	[tilespmem:$0x70] =	vst v3;
	v3 =	vor.u32 v0, v42  }
0x59: {  	v47 =	vld [tilespmem:$0xF0];
	v46 =	vshll.u32 v37, $0x1;
	[tilespmem:$0x80] =	vst v3;
	v3 =	vor.u32 v0, v44  }
0x5a: {  	v49 =	vld [tilespmem:$0x100];
	v48 =	vshll.u32 v39, $0x1;
	[tilespmem:$0x90] =	vst v3;
	v3 =	vor.u32 v0, v46  }
0x5b: {  	v51 =	vld [tilespmem:$0x110];
	v50 =	vshll.u32 v41, $0x1;
	[tilespmem:$0xA0] =	vst v3;
	v3 =	vor.u32 v0, v48  }
0x5c: {  	v53 =	vld [tilespmem:$0x120];
	v52 =	vshll.u32 v43, $0x1;
	[tilespmem:$0xB0] =	vst v3;
	v3 =	vor.u32 v0, v50  }
0x5d: {  	v55 =	vld [tilespmem:$0x130];
	v54 =	vshll.u32 v45, $0x1;
	[tilespmem:$0xC0] =	vst v3;
	v3 =	vor.u32 v0, v52  }
0x5e: {  	v57 =	vld [tilespmem:$0x140];
	v56 =	vshll.u32 v47, $0x1;
	[tilespmem:$0xD0] =	vst v3;
	v3 =	vor.u32 v0, v54  }
0x5f: {  	v59 =	vld [tilespmem:$0x150];
	v58 =	vshll.u32 v49, $0x1;
	[tilespmem:$0xE0] =	vst v3;
	v3 =	vor.u32 v0, v56  }
0x60: {  	v61 =	vld [tilespmem:$0x160];
	v60 =	vshll.u32 v51, $0x1;
	[tilespmem:$0xF0] =	vst v3;
	v3 =	vor.u32 v0, v58  }
0x61: {  	v63 =	vld [tilespmem:$0x170];
	v62 =	vshll.u32 v53, $0x1;
	[tilespmem:$0x100] =	vst v3;
	v3 =	vor.u32 v0, v60  }
0x62: {  	v11 =	vld [tilespmem:$0x180];
	v10 =	vshll.u32 v55, $0x1;
	[tilespmem:$0x110] =	vst v3;
	v3 =	vor.u32 v0, v62  }
0x63: {  	v12 =	vshll.u32 v57, $0x1;
	[tilespmem:$0x120] =	vst v3;
	v3 =	vor.u32 v0, v10  }
0x64: {  	v13 =	vshll.u32 v59, $0x1;
	[tilespmem:$0x130] =	vst v3;
	v3 =	vor.u32 v0, v12  }
0x65: {  	v14 =	vshll.u32 v61, $0x1;
	[tilespmem:$0x140] =	vst v3;
	v3 =	vor.u32 v0, v13  }
0x66: {  	v15 =	vshll.u32 v63, $0x1;
	[tilespmem:$0x150] =	vst v3;
	v3 =	vor.u32 v0, v14  }
0x67: {  	v16 =	vshll.u32 v11, $0x1;
	[tilespmem:$0x160] =	vst v3;
	v3 =	vor.u32 v0, v15  }
0x68: {  	[tilespmem:$0x170] =	vst v3;
	v3 =	vor.u32 v0, v16  }
0x69: {  	[tilespmem:$0x180] =	vst v3  }
0x6a: {  	[tilespmem:s30], [sflag:$0x3] =	stream.linear.gather [hbm4b:s18+s31], $0x190, $0x38;
	[tilespmem:$0x1DA30] =	vst v63  }
0x6b: {  	s24 =	simm.s32 $0x7D0  }
0x6c: {  	[tilespmem:s24], [sflag:$0x3] =	stream.linear.gather [hbm4b:s19+s31], $0x190, $0x38;
	[tilespmem:$0x1DA30] =	vst v63  }
0x6d: {  	_ = 	snop  }
0x6e: {  	[tilespmem:s25], [sflag:$0x1] =	stream.indirect.gather [hbm4b:s4+s0], $0x40, s31, s0, $0xb8;
	[tilespmem:$0x1DA30] =	vst v63  }
0x6f: {  	s12 =	simm.s32 $0x2080  }
0x70: {  	[tilespmem:s12], [sflag:$0x1] =	stream.indirect.gather [hbm4b:s4+s0], $0x40, s0, s0, $0xb8;
	[tilespmem:$0x1DA30] =	vst v63  }
0x71: {  	s13 =	simm.s32 $0xA0;
	s14 =	simm.s32 $0x3480  }
0x72: {  	[tilespmem:s14], [sflag:$0x1] =	stream.indirect.gather [hbm4b:s4+s0], $0x40, s13, s0, $0xb8;
	[tilespmem:$0x1DA30] =	vst v63  }
0x73: {  	s15 =	simm.s32 $0xF0;
	s16 =	simm.s32 $0x4880  }
0x74: {  	[tilespmem:s16], [sflag:$0x1] =	stream.indirect.gather [hbm4b:s4+s0], $0x40, s15, s0, $0xb8;
	[tilespmem:$0x1DA30] =	vst v63  }
0x75: {  	s17 =	simm.s32 $0x140;
	s23 =	simm.s32 $0x5C80  }
0x76: {  	[tilespmem:s23], [sflag:$0x1] =	stream.indirect.gather [hbm4b:s4+s0], $0x40, s17, s0, $0xb8;
	[tilespmem:$0x1DA30] =	vst v63  }
0x77: {  	_ =	swait.ge [sflag:s29], $0x190  }
0x78: {  	[sflag:s29] =	ssyncset.done $0x0  }
0x79: {  	[sflag:s29] =	ssyncadd.s32 $0xFFFFFE70  }
0x7a: {  	_ =	swait.ge [sflag:s29], $0x190  }
0x7b: {  	[sflag:s29] =	ssyncset.done $0x0  }
0x7c: {  	[sflag:s29] =	ssyncadd.s32 $0xFFFFFE70  }
0x7d: {  	v3 =	vld [tilespmem:$0x190]  }
0x7e: {  	v17 =	vld [tilespmem:$0x1A0]  }
0x7f: {  	v18 =	vld [tilespmem:$0x1B0]  }
0x80: {  	v19 =	vld [tilespmem:$0x1C0]  }
0x81: {  	v20 =	vld [tilespmem:$0x1D0]  }
0x82: {  	v21 =	vld [tilespmem:$0x1E0];
	v3 =	vshll.u32 v3, $0x1  }
0x83: {  	v22 =	vld [tilespmem:$0x1F0];
	v4 =	vshll.u32 v17, $0x1;
	v3 =	vor.u32 v0, v3  }
0x84: {  	v24 =	vld [tilespmem:$0x200];
	v23 =	vshll.u32 v18, $0x1;
	[tilespmem:$0x190] =	vst v3;
	v3 =	vor.u32 v0, v4  }
0x85: {  	v26 =	vld [tilespmem:$0x210];
	v25 =	vshll.u32 v19, $0x1;
	[tilespmem:$0x1A0] =	vst v3;
	v3 =	vor.u32 v0, v23  }
0x86: {  	v28 =	vld [tilespmem:$0x220];
	v27 =	vshll.u32 v20, $0x1;
	[tilespmem:$0x1B0] =	vst v3;
	v3 =	vor.u32 v0, v25  }
0x87: {  	v30 =	vld [tilespmem:$0x230];
	v29 =	vshll.u32 v21, $0x1;
	[tilespmem:$0x1C0] =	vst v3;
	v3 =	vor.u32 v0, v27  }
0x88: {  	v32 =	vld [tilespmem:$0x240];
	v31 =	vshll.u32 v22, $0x1;
	[tilespmem:$0x1D0] =	vst v3;
	v3 =	vor.u32 v0, v29  }
0x89: {  	v34 =	vld [tilespmem:$0x250];
	v33 =	vshll.u32 v24, $0x1;
	[tilespmem:$0x1E0] =	vst v3;
	v3 =	vor.u32 v0, v31  }
0x8a: {  	v36 =	vld [tilespmem:$0x260];
	v35 =	vshll.u32 v26, $0x1;
	[tilespmem:$0x1F0] =	vst v3;
	v3 =	vor.u32 v0, v33  }
0x8b: {  	v38 =	vld [tilespmem:$0x270];
	v37 =	vshll.u32 v28, $0x1;
	[tilespmem:$0x200] =	vst v3;
	v3 =	vor.u32 v0, v35  }
0x8c: {  	v40 =	vld [tilespmem:$0x280];
	v39 =	vshll.u32 v30, $0x1;
	[tilespmem:$0x210] =	vst v3;
	v3 =	vor.u32 v0, v37  }
0x8d: {  	v42 =	vld [tilespmem:$0x290];
	v41 =	vshll.u32 v32, $0x1;
	[tilespmem:$0x220] =	vst v3;
	v3 =	vor.u32 v0, v39  }
0x8e: {  	v44 =	vld [tilespmem:$0x2A0];
	v43 =	vshll.u32 v34, $0x1;
	[tilespmem:$0x230] =	vst v3;
	v3 =	vor.u32 v0, v41  }
0x8f: {  	v46 =	vld [tilespmem:$0x2B0];
	v45 =	vshll.u32 v36, $0x1;
	[tilespmem:$0x240] =	vst v3;
	v3 =	vor.u32 v0, v43  }
0x90: {  	v48 =	vld [tilespmem:$0x2C0];
	v47 =	vshll.u32 v38, $0x1;
	[tilespmem:$0x250] =	vst v3;
	v3 =	vor.u32 v0, v45  }
0x91: {  	v50 =	vld [tilespmem:$0x2D0];
	v49 =	vshll.u32 v40, $0x1;
	[tilespmem:$0x260] =	vst v3;
	v3 =	vor.u32 v0, v47  }
0x92: {  	v52 =	vld [tilespmem:$0x2E0];
	v51 =	vshll.u32 v42, $0x1;
	[tilespmem:$0x270] =	vst v3;
	v3 =	vor.u32 v0, v49  }
0x93: {  	v54 =	vld [tilespmem:$0x2F0];
	v53 =	vshll.u32 v44, $0x1;
	[tilespmem:$0x280] =	vst v3;
	v3 =	vor.u32 v0, v51  }
0x94: {  	v56 =	vld [tilespmem:$0x300];
	v55 =	vshll.u32 v46, $0x1;
	[tilespmem:$0x290] =	vst v3;
	v3 =	vor.u32 v0, v53  }
0x95: {  	v58 =	vld [tilespmem:$0x310];
	v57 =	vshll.u32 v48, $0x1;
	[tilespmem:$0x2A0] =	vst v3;
	v3 =	vor.u32 v0, v55  }
0x96: {  	v59 =	vshll.u32 v50, $0x1;
	[tilespmem:$0x2B0] =	vst v3;
	v3 =	vor.u32 v0, v57  }
0x97: {  	v60 =	vshll.u32 v52, $0x1;
	[tilespmem:$0x2C0] =	vst v3;
	v3 =	vor.u32 v0, v59  }
0x98: {  	v61 =	vshll.u32 v54, $0x1;
	[tilespmem:$0x2D0] =	vst v3;
	v3 =	vor.u32 v0, v60  }
0x99: {  	v62 =	vshll.u32 v56, $0x1;
	[tilespmem:$0x2E0] =	vst v3;
	v3 =	vor.u32 v0, v61  }
0x9a: {  	v63 =	vshll.u32 v58, $0x1;
	[tilespmem:$0x2F0] =	vst v3;
	v3 =	vor.u32 v0, v62  }
0x9b: {  	[tilespmem:$0x300] =	vst v3;
	v3 =	vor.u32 v0, v63  }
0x9c: {  	s24 =	simm.s32 $0x7080;
	[tilespmem:$0x310] =	vst v3  }
0x9d: {  	[tilespmem:s24], [sflag:$0x1] =	stream.indirect.gather [hbm4b:s4+s0], $0x40, s30, s0, $0xb8;
	[tilespmem:$0x1DA30] =	vst v63  }
0x9e: {  	s12 =	simm.s32 $0x1E0;
	s13 =	simm.s32 $0x8480  }
0x9f: {  	[tilespmem:s13], [sflag:$0x1] =	stream.indirect.gather [hbm4b:s4+s0], $0x40, s12, s0, $0xb8;
	[tilespmem:$0x1DA30] =	vst v63  }
0xa0: {  	s14 =	simm.s32 $0x230;
	s15 =	simm.s32 $0x9880  }
0xa1: {  	[tilespmem:s15], [sflag:$0x1] =	stream.indirect.gather [hbm4b:s4+s0], $0x40, s14, s0, $0xb8;
	[tilespmem:$0x1DA30] =	vst v63  }
.Ltmp1:
0xa2: {  	s16 =	simm.s32 $0x280;
	s17 =	simm.s32 $0xAC80;
	(pc) =	sbr.rel .LBB2_4-.Ltmp1, $4  }
0xa3: {  	[tilespmem:s17], [sflag:$0x1] =	stream.indirect.gather [hbm4b:s4+s0], $0x40, s16, s0, $0xb8;
	[tilespmem:$0x1DA30] =	vst v63  }
0xa4: {  	s23 =	simm.s32 $0x2D0;
	s24 =	simm.s32 $0xC080  }
0xa5: {  	[tilespmem:s24], [sflag:$0x1] =	stream.indirect.gather [hbm4b:s4+s0], $0x40, s23, s0, $0xb8;
	[tilespmem:$0x1DA30] =	vst v63  }
0xa6: {  	s24 =	smov.u32 s9;
	s23 =	smov.u32 s10  }
.LBB2_6:
0xa7: {  	s31 =	sadd.s32 $0x1, s31  }
0xa8: {  	p0 =	sne.s32 s31, $0x32  }
.Ltmp2:
0xa9: {  	_ = 	snop;
	(pc) =	sbr.rel @!p0 .LBB2_7-.Ltmp2, $2  }
0xaa: {  	_ =	sdelay $0x2  }
0xab: {  	s23 =	sadd.s32 $0x32, s23;
	s24 =	sadd.s32 $0x32, s24  }
.LBB2_4:
0xac: {  	s12 =	smul.u32 $0xAB, s31;
	_ =	sdelay $0x1  }
0xad: {  	s11 =	sshrl.u32 s12, $0x9  }
0xae: {  	s13 =	sand.u32 $0x7F, s11;
	s11 =	sadd.s32 $0x2, s31  }
0xaf: {  	p0 =	sgt.u32 s31, $0x2F;
	s14 =	smul.u32 $0x3, s13;
	s13 =	sand.u32 $0x3, s11  }
0xb0: {  	s15 =	smul.u32 @!p0 $0x190, s13  }
0xb1: {  	s16 =	simm.s32 @!p0 $0x0;
	s14 =	ssub.s32 s31, s14  }
0xb2: {  	[tilespmem:s15], [sflag:$0x3] =	stream.linear.gather @!p0 [hbm4b:s24+s16], $0x190, $0x38;
	[tilespmem:$0x1DA30] =	vst v63  }
0xb3: {  	s14 =	sand.u32 $0xFF, s14  }
0xb4: {  	s17 =	sand.u32 $0x3, s31;
	s15 =	sadd.s32 @!p0 $0x640, s15;
	s14 =	smul.u32 $0x19000, s14  }
0xb5: {  	[tilespmem:s15], [sflag:$0x3] =	stream.linear.gather @!p0 [hbm4b:s23+s16], $0x190, $0x38;
	[tilespmem:$0x1DA30] =	vst v63  }
0xb6: {  	s15 =	smul.u32 $0x640, s17  }
0xb7: {  	_ =	swait.ge [sflag:s26], $0x6400  }
0xb8: {  	s14 =	sshrl.u32 s14, $0x2;
	[sflag:s26] =	ssyncset.done $0x0;
	s15 =	sshrl.u32 s15, $0x2  }
0xb9: {  	s16 =	sadd.s32 $0xC80, s14;
	[sflag:s26] =	ssyncadd.s32 $0xFFFF9C00;
	s17 =	sadd.s32 $0x640, s15  }
0xba: {  	[spmem:s1] =	stream.indirect.scatter.add.f32 [tilespmem:s16], [sflag:$0x2], $0x40, s17, s0, $0xb8;
	[tilespmem:$0x1DA30] =	vst v63  }
0xbb: {  	s16 =	sadd.s32 $0x2080, s14;
	s17 =	sadd.s32 $0x690, s15  }
0xbc: {  	[spmem:s1] =	stream.indirect.scatter.add.f32 [tilespmem:s16], [sflag:$0x2], $0x40, s17, s0, $0xb8;
	[tilespmem:$0x1DA30] =	vst v63  }
0xbd: {  	p0 =	seq.s32 s31, $0x0;
	s16 =	sadd.s32 $0x3480, s14;
	s17 =	sadd.s32 $0x6E0, s15  }
0xbe: {  	[spmem:s1] =	stream.indirect.scatter.add.f32 [tilespmem:s16], [sflag:$0x2], $0x40, s17, s0, $0xb8;
	[tilespmem:$0x1DA30] =	vst v63  }
0xbf: {  	p1 =	sgt.u32 @!p0 s31, $0x2F;
	s16 =	sadd.s32 $0x4880, s14;
	s17 =	sadd.s32 $0x730, s15  }
0xc0: {  	[spmem:s1] =	stream.indirect.scatter.add.f32 [tilespmem:s16], [sflag:$0x2], $0x40, s17, s0, $0xb8;
	[tilespmem:$0x1DA30] =	vst v63  }
0xc1: {  	p1 =	por p0, !p1;
	s14 =	sadd.s32 $0x5C80, s14;
	s15 =	sadd.s32 $0x780, s15  }
0xc2: {  	[spmem:s1] =	stream.indirect.scatter.add.f32 [tilespmem:s14], [sflag:$0x2], $0x40, s15, s0, $0xb8;
	[tilespmem:$0x1DA30] =	vst v63  }
.Ltmp3:
0xc3: {  	_ = 	snop;
	(pc) =	sbr.rel @!p1 .LBB2_6-.Ltmp3, $4  }
0xc4: {  	s14 =	simm.s32 @!p0 $0x2  }
0xc5: {  	_ =	swait.ge @!p0 [sflag:s14], $0x6400  }
0xc6: {  	[sflag:s14] =	ssyncset.done @!p0 $0x0  }
0xc7: {  	[sflag:s14] =	ssyncadd.s32 @!p0 $0xFFFF9C00  }
0xc8: {  	_ =	swait.ge [sflag:s29], $0x190  }
0xc9: {  	[sflag:s29] =	ssyncset.done $0x0  }
0xca: {  	[sflag:s29] =	ssyncadd.s32 $0xFFFFFE70  }
0xcb: {  	s13 =	smul.u32 $0x640, s13;
	_ =	swait.ge [sflag:s29], $0x190  }
0xcc: {  	[sflag:s29] =	ssyncset.done $0x0  }
0xcd: {  	s13 =	sshrl.u32 s13, $0x2;
	[sflag:s29] =	ssyncadd.s32 $0xFFFFFE70  }
0xce: {  	v3 =	vld [tilespmem:s13+$0x0]  }
0xcf: {  	v4 =	vld [tilespmem:s13+$0x10]  }
0xd0: {  	v5 =	vld [tilespmem:s13+$0x20]  }
0xd1: {  	v6 =	vld [tilespmem:s13+$0x30]  }
0xd2: {  	v7 =	vld [tilespmem:s13+$0x40]  }
0xd3: {  	v8 =	vld [tilespmem:s13+$0x50];
	v3 =	vshll.u32 v3, $0x1  }
0xd4: {  	v9 =	vld [tilespmem:s13+$0x60];
	v4 =	vshll.u32 v4, $0x1;
	v3 =	vor.u32 v0, v3  }
0xd5: {  	v24 =	vld [tilespmem:s13+$0x70];
	v23 =	vshll.u32 v5, $0x1;
	[tilespmem:s13+$0x0] =	vst v3;
	v3 =	vor.u32 v0, v4  }
0xd6: {  	v26 =	vld [tilespmem:s13+$0x80];
	v25 =	vshll.u32 v6, $0x1;
	[tilespmem:s13+$0x10] =	vst v3;
	v3 =	vor.u32 v0, v23  }
0xd7: {  	v28 =	vld [tilespmem:s13+$0x90];
	v27 =	vshll.u32 v7, $0x1;
	[tilespmem:s13+$0x20] =	vst v3;
	v3 =	vor.u32 v0, v25  }
0xd8: {  	v30 =	vld [tilespmem:s13+$0xA0];
	v29 =	vshll.u32 v8, $0x1;
	[tilespmem:s13+$0x30] =	vst v3;
	v3 =	vor.u32 v0, v27  }
0xd9: {  	v32 =	vld [tilespmem:s13+$0xB0];
	v31 =	vshll.u32 v9, $0x1;
	[tilespmem:s13+$0x40] =	vst v3;
	v3 =	vor.u32 v0, v29  }
0xda: {  	v34 =	vld [tilespmem:s13+$0xC0];
	v33 =	vshll.u32 v24, $0x1;
	[tilespmem:s13+$0x50] =	vst v3;
	v3 =	vor.u32 v0, v31  }
0xdb: {  	v36 =	vld [tilespmem:s13+$0xD0];
	v35 =	vshll.u32 v26, $0x1;
	[tilespmem:s13+$0x60] =	vst v3;
	v3 =	vor.u32 v0, v33  }
0xdc: {  	v38 =	vld [tilespmem:s13+$0xE0];
	v37 =	vshll.u32 v28, $0x1;
	[tilespmem:s13+$0x70] =	vst v3;
	v3 =	vor.u32 v0, v35  }
0xdd: {  	v40 =	vld [tilespmem:s13+$0xF0];
	v39 =	vshll.u32 v30, $0x1;
	[tilespmem:s13+$0x80] =	vst v3;
	v3 =	vor.u32 v0, v37  }
0xde: {  	v42 =	vld [tilespmem:s13+$0x100];
	v41 =	vshll.u32 v32, $0x1;
	[tilespmem:s13+$0x90] =	vst v3;
	v3 =	vor.u32 v0, v39  }
0xdf: {  	v44 =	vld [tilespmem:s13+$0x110];
	v43 =	vshll.u32 v34, $0x1;
	[tilespmem:s13+$0xA0] =	vst v3;
	v3 =	vor.u32 v0, v41  }
0xe0: {  	v46 =	vld [tilespmem:s13+$0x120];
	v45 =	vshll.u32 v36, $0x1;
	[tilespmem:s13+$0xB0] =	vst v3;
	v3 =	vor.u32 v0, v43  }
0xe1: {  	v48 =	vld [tilespmem:s13+$0x130];
	v47 =	vshll.u32 v38, $0x1;
	[tilespmem:s13+$0xC0] =	vst v3;
	v3 =	vor.u32 v0, v45  }
0xe2: {  	v50 =	vld [tilespmem:s13+$0x140];
	v49 =	vshll.u32 v40, $0x1;
	[tilespmem:s13+$0xD0] =	vst v3;
	v3 =	vor.u32 v0, v47  }
0xe3: {  	s12 =	sadd.s32 $0x156, s12;
	v52 =	vld [tilespmem:s13+$0x150];
	v51 =	vshll.u32 v42, $0x1;
	[tilespmem:s13+$0xE0] =	vst v3;
	v3 =	vor.u32 v0, v49  }
0xe4: {  	s12 =	sshrl.u32 s12, $0x9;
	v54 =	vld [tilespmem:s13+$0x160];
	v53 =	vshll.u32 v44, $0x1;
	[tilespmem:s13+$0xF0] =	vst v3;
	v3 =	vor.u32 v0, v51  }
0xe5: {  	s12 =	sand.u32 $0x7F, s12;
	v56 =	vld [tilespmem:s13+$0x170];
	v55 =	vshll.u32 v46, $0x1;
	[tilespmem:s13+$0x100] =	vst v3;
	v3 =	vor.u32 v0, v53  }
0xe6: {  	s12 =	smul.u32 $0x3, s12;
	v58 =	vld [tilespmem:s13+$0x180];
	v57 =	vshll.u32 v48, $0x1;
	[tilespmem:s13+$0x110] =	vst v3;
	v3 =	vor.u32 v0, v55  }
0xe7: {  	v59 =	vshll.u32 v50, $0x1;
	[tilespmem:s13+$0x120] =	vst v3;
	v3 =	vor.u32 v0, v57  }
0xe8: {  	s11 =	ssub.s32 s11, s12;
	v60 =	vshll.u32 v52, $0x1;
	[tilespmem:s13+$0x130] =	vst v3;
	v3 =	vor.u32 v0, v59  }
0xe9: {  	s11 =	sand.u32 $0xFF, s11;
	v61 =	vshll.u32 v54, $0x1;
	[tilespmem:s13+$0x140] =	vst v3;
	v3 =	vor.u32 v0, v60  }
0xea: {  	s11 =	smul.u32 $0x19000, s11;
	v62 =	vshll.u32 v56, $0x1;
	[tilespmem:s13+$0x150] =	vst v3;
	v3 =	vor.u32 v0, v61  }
0xeb: {  	v63 =	vshll.u32 v58, $0x1;
	[tilespmem:s13+$0x160] =	vst v3;
	v3 =	vor.u32 v0, v62  }
0xec: {  	s11 =	sshrl.u32 s11, $0x2;
	[tilespmem:s13+$0x170] =	vst v3;
	v3 =	vor.u32 v0, v63  }
0xed: {  	s14 =	sadd.s32 $0xC80, s11;
	[tilespmem:s13+$0x180] =	vst v3  }
0xee: {  	[tilespmem:s14], [sflag:$0x1] =	stream.indirect.gather [hbm4b:s4+s0], $0x40, s13, s0, $0xb8;
	[tilespmem:$0x1DA30] =	vst v63  }
0xef: {  	s15 =	sadd.s32 $0x50, s13;
	s14 =	sadd.s32 $0x2080, s11  }
0xf0: {  	[tilespmem:s14], [sflag:$0x1] =	stream.indirect.gather [hbm4b:s4+s0], $0x40, s15, s0, $0xb8;
	[tilespmem:$0x1DA30] =	vst v63  }
0xf1: {  	s16 =	sadd.s32 $0xA0, s13;
	s17 =	sadd.s32 $0x3480, s11  }
0xf2: {  	[tilespmem:s17], [sflag:$0x1] =	stream.indirect.gather [hbm4b:s4+s0], $0x40, s16, s0, $0xb8;
	[tilespmem:$0x1DA30] =	vst v63  }
.Ltmp4:
0xf3: {  	_ = 	snop;
	(pc) =	sbr.rel .LBB2_6-.Ltmp4, $4  }
0xf4: {  	s15 =	sadd.s32 $0xF0, s13;
	s16 =	sadd.s32 $0x4880, s11  }
0xf5: {  	[tilespmem:s16], [sflag:$0x1] =	stream.indirect.gather [hbm4b:s4+s0], $0x40, s15, s0, $0xb8;
	[tilespmem:$0x1DA30] =	vst v63  }
0xf6: {  	s17 =	sadd.s32 $0x140, s13;
	s11 =	sadd.s32 $0x5C80, s11  }
0xf7: {  	[tilespmem:s11], [sflag:$0x1] =	stream.indirect.gather [hbm4b:s4+s0], $0x40, s17, s0, $0xb8;
	[tilespmem:$0x1DA30] =	vst v63  }
.LBB2_7:
0xf8: {  	_ =	swait.ge [sflag:s28], $0x6400  }
0xf9: {  	[sflag:s28] =	ssyncset.done $0x0  }
0xfa: {  	[sflag:s28] =	ssyncadd.s32 $0xFFFF9C00  }
0xfb: {  	[bflag:$0x0] =	sbarrier.arrive $0xFFFF  }
0xfc: {  	[tilespmem:s25], [sflag:$0x1] =	stream.linear.gather [spmem:s8], $0x1400, $0x38;
	[tilespmem:$0x1DA30] =	vst v63  }
0xfd: {  	s13 =	simm.s32 $0x0;
	s11 =	simm.s32 $0x13970  }
0xfe: {  	[tilespmem:s11], [sflag:$0x3] =	stream.linear.gather [hbm4b:s20+s13], $0x50, $0x38;
	[tilespmem:$0x1DA30] =	vst v63  }
.LBB2_8:
0xff: {  	_ =	swait.ge [sflag:s26], $0x1400  }
0x100: {  	p0 =	seq.s32 s13, $0x0;
	[sflag:s26] =	ssyncset.done $0x0  }
0x101: {  	p1 =	seq.s32 @!p0 s13, $0x7;
	[sflag:s26] =	ssyncadd.s32 $0xFFFFEC00  }
0x102: {  	p1 =	por p0, !p1;
	_ =	swait.ge [sflag:s29], $0x50  }
.Ltmp5:
0x103: {  	[sflag:s29] =	ssyncset.done $0x0;
	(pc) =	sbr.rel @!p1 .LBB2_10-.Ltmp5, $4  }
0x104: {  	s11 =	simm.s32 @!p0 $0x2;
	[sflag:s29] =	ssyncadd.s32 $0xFFFFFFB0  }
0x105: {  	_ =	swait.ge @!p0 [sflag:s11], $0x1400  }
0x106: {  	[sflag:s11] =	ssyncset.done @!p0 $0x0  }
0x107: {  	s12 =	sand.u32 $0x1, s13;
	[sflag:s11] =	ssyncadd.s32 @!p0 $0xFFFFEC00;
	s11 =	simm.s32 @!p0 $0x8  }
0x108: {  	s11 =	sadd.s32 @!p0 $0x1, s13  }
0x109: {  	s11 =	simm.s32 @p0 $0x1  }
0x10a: {  	s15 =	sxor.u32 $0x1, s12;
	s14 =	smul.u32 $0x50, s11  }
0x10b: {  	s16 =	smul.u32 $0x19000, s15  }
0x10c: {  	s15 =	smul.u32 $0x180, s15;
	s14 =	sadd.s32 s7, s14  }
0x10d: {  	s17 =	sshll.u32 s14, $0x6  }
0x10e: {  	s16 =	sshrl.u32 s16, $0x2;
	s15 =	sshrl.u32 s15, $0x2;
	s17 =	sand.u32 $0x3FFFFFC0, s17  }
0x10f: {  	s16 =	sadd.s32 $0xC80, s16;
	s14 =	sshrl.u32 s14, $0x3;
	s17 =	sadd.s32 s17, s1  }
0x110: {  	[tilespmem:s16], [sflag:$0x1] =	stream.linear.gather [spmem:s17], $0x1400, $0x38;
	[tilespmem:$0x1DA30] =	vst v63  }
0x111: {  	s15 =	sadd.s32 $0x13970, s15;
	s14 =	sadd.s32 s5, s14  }
0x112: {  	[tilespmem:s15], [sflag:$0x3] =	stream.linear.gather [hbm4b:s14+s2], $0x50, $0x38;
	[tilespmem:$0x1DA30] =	vst v63  }
.LBB2_10:
0x113: {  	s14 =	smul.u32 $0x19000, s12  }
0x114: {  	s16 =	smul.u32 $0x180, s12  }
0x115: {  	s15 =	sshrl.u32 s14, $0x2  }
0x116: {  	s12 =	sshrl.u32 s16, $0x2;
	s16 =	simm.s32 $0x0;
	s14 =	sadd.s32 $0xCA0, s15  }
0x117: {  	s23 =	sadd.s32 $0x13970, s12;
	s17 =	sand.u32 $0x78, s16;
	v3 =	vld [tilespmem:s14+$0xFFFFFFF0]  }
0x118: {  	s16 =	sand.u32 $0x7, s16;
	s12 =	sadd.s32 s17, s23;
	v5 =	vld [tilespmem:s14+$0x10]  }
0x119: {  	v4 =	vld [tilespmem:s14+$0xFFFFFFE0];
	s12 =	sadd.s32 s16, s12  }
0x11a: {  	v7 =	vld.msk [tilespmem:s12+$0x0 ss:$0x0], $0xffff  }
0x11b: {  	v8 =	vld [tilespmem:s14+$0x0];
	_ =	sdelay $0x2  }
0x11c: {  	s24 =	smul.u32 $0x50, s13  }
0x11d: {  	s31 =	simm.s32 $0x1;
	v4 =	vmul.f32 v7, v4;
	v6 =	vmul.f32 v5, v7  }
0x11e: {  	s24 =	sadd.s32 s7, s24;
	s13 =	sadd.s32 $0xC80, s15;
	s12 =	smov.u32 s14;
	v5 =	vmul.f32 v3, v7;
	v3 =	vmul.f32 v8, v7  }
.LBB2_11:
0x11f: {  	p0 =	sne.s32 s31, $0x4F  }
0x120: {  	[tilespmem:s14+$0x10] =	vst v6;
	s12 =	sadd.s32 $0x40, s12;
	s15 =	smov.u32 s31;
	s31 =	sadd.s32 $0x1, s31  }
0x121: {  	s16 =	sand.u32 $0x78, s15;
	[tilespmem:s14+$0xFFFFFFE0] =	vst v4  }
0x122: {  	s15 =	sand.u32 $0x7, s15;
	s16 =	sadd.s32 s16, s23;
	v7 =	vld [tilespmem:s12+$0xFFFFFFF0];
	[tilespmem:s14+$0xFFFFFFF0] =	vst v5  }
0x123: {  	s15 =	sadd.s32 s15, s16;
	v5 =	vld [tilespmem:s12+$0x10];
	[tilespmem:s14+$0x0] =	vst v3;
	s14 =	smov.u32 s12  }
0x124: {  	v3 =	vld.msk [tilespmem:s15+$0x0 ss:$0x0], $0xffff  }
0x125: {  	v4 =	vld [tilespmem:s12+$0xFFFFFFE0]  }
0x126: {  	v8 =	vld [tilespmem:s12+$0x0]  }
.Ltmp6:
0x127: {  	(pc) =	sbr.rel @p0 .LBB2_11-.Ltmp6, $3  }
0x128: {  	_ =	sdelay $0x1  }
0x129: {  	v6 =	vmul.f32 v5, v3;
	v4 =	vmul.f32 v3, v4  }
0x12a: {  	v5 =	vmul.f32 v7, v3;
	v3 =	vmul.f32 v8, v3  }
0x12b: {  	[tilespmem:s14+$0x10] =	vst v6;
	s12 =	sshll.u32 s24, $0x6;
	p0 =	slt.u32 s11, $0x8  }
.Ltmp7:
0x12c: {  	[tilespmem:s14+$0xFFFFFFE0] =	vst v4;
	s12 =	sadd.s32 s21, s12;
	(pc) =	sbr.rel @p0 .LBB2_8-.Ltmp7, $4  }
0x12d: {  	[tilespmem:s14+$0xFFFFFFF0] =	vst v5;
	s12 =	sshrl.u32 s12, $0x3  }
0x12e: {  	[tilespmem:s14+$0x0] =	vst v3;
	s12 =	sadd.s32 s6, s12  }
0x12f: {  	[hbm4b:s12+s2] =	stream.linear.scatter [tilespmem:s13], [sflag:$0x2], $0x1400, $0x38;
	[tilespmem:$0x1DA30] =	vst v63  }
0x130: {  	s13 =	smov.u32 s11  }
0x131: {  	s3 =	sadd.s32 $0x1, s3  }
0x132: {  	p0 =	sne.s32 s3, s22  }
.Ltmp8:
0x133: {  	_ = 	snop;
	(pc) =	sbr.rel @p0 .LBB2_1-.Ltmp8, $4  }
0x134: {  	_ = 	snop  }
0x135: {  	_ =	swait.ge [sflag:s28], $0x1400  }
0x136: {  	[sflag:s28] =	ssyncset.done $0x0  }
0x137: {  	[sflag:s28] =	ssyncadd.s32 $0xFFFFEC00  }
0x138: {  	_ =	sfence.sel $0x180000  }
0x139: {  	[bflag:$0x0] =	sbarrier.arrive $0xFFFF  }
0x13a: {  	_ =	strace $0x9000004A  }
0x13b: {  	s0 =	stileid.u32;
	[bflag:$0x2] =	sbarrier.arrive $0xFFFF  }
0x13c: {  	p0 =	sne.s32 s0, $0x0;
	s0 =	rddreg [dreg:$0x2]  }
0x13d: {  	s0 =	sadd.s32 @!p0 $0x100000, s0  }
0x13e: {  	[sflag:s0] =	ssyncadd.tile.s32 @!p0 $0x1;
	_ =	shalt  }
.Lfunc_end2:
_tile_overlayer_lowered:
.L_overlay_start_2:
0x13f: {  	(tag) =	ssettag $0x2  }
0x140: {  	s0 =	rddreg [dreg:$0x0];
	s2 =	stileid.u32  }
0x141: {  	s1 =	rddreg [dreg:$0x1];
	p0 =	sne.s32 s2, $0x0  }
0x142: {  	s3 =	rddreg [dreg:$0x2];
	[bflag:$0x3] =	sbarrier.arrive $0xFFFF;
	s2 =	simm.s32 @!p0 $0x1C04  }
0x143: {  	[timem:s3], [sflag:s2] =	dma.local @!p0 [hbm:s0], s1  }
0x144: {  	s0 =	simm.s32 @!p0 $0x4  }
0x145: {  	_ =	swait.ge @!p0 [sflag:s0], s1  }
0x146: {  	s1 =	ssub.s32 @!p0 $0x0, s1;
	[sflag:s0] =	ssyncset.done @!p0 $0x0  }
0x147: {  	[sflag:s0] =	ssyncadd.s32 @!p0 s1  }
0x148: {  	[bflag:$0x3] =	sbarrier.arrive $0xFFFF  }
0x149: {  	_ =	shalt  }

</sc_bundles>
